<compile_context>
chip_gen: v7x
topology: tpu7x:2x2x1
jax: 0.10.2.dev20260603
libtpu: 0.0.44.dev20260713+nightly
codegen_flags: <defaults>
</compile_context>

<pallas_src>
import functools

import jax
import jax.numpy as jnp
from jax import lax
from jax.experimental import pallas as pl
from jax.experimental.pallas import tpu as pltpu
from jax.experimental.pallas import tpu_sc as plsc

N_NODES = 10000
NUM_EDGES = 320000
NUM_GRAPHS = 64
NCORE = 2
NSUB = 16
NW = NCORE * NSUB
CHUNK = 128
N_CHUNKS = 2560
NBUF = 4
CAP = N_CHUNKS * CHUNK
N_PAD = 10112
ROWS_PER_TILE = N_PAD // NSUB
BLK = 2000


def _mesh():
    return plsc.VectorSubcoreMesh(core_axis_name="c", subcore_axis_name="s")


def _stage_rows(u_hbm, u_sh, s):
    r0 = pl.multiple_of(s * ROWS_PER_TILE, 8)
    nfull = N_NODES // ROWS_PER_TILE
    rem = N_NODES - nfull * ROWS_PER_TILE

    @pl.when(s < nfull)
    def _():
        pltpu.sync_copy(u_hbm.at[pl.ds(r0, ROWS_PER_TILE)],
                        u_sh.at[pl.ds(r0, ROWS_PER_TILE)])

    @pl.when(s == nfull)
    def _():
        rr = pl.multiple_of(nfull * ROWS_PER_TILE, 8)
        pltpu.sync_copy(u_hbm.at[pl.ds(rr, rem)], u_sh.at[pl.ds(rr, rem)])


def _gather_scatter_loop(u_src, acc_sh, src_v, dst_v, rows_v, gsem, ssem,
                         k_tile):
    nstep = k_tile // (2 * NBUF)

    def fire_gather(slot, j):
        pltpu.async_copy(u_src.at[src_v.at[j]], rows_v.at[slot], gsem[slot])

    def wait_gather(slot, j):
        pltpu.make_async_copy(u_src.at[src_v.at[j]], rows_v.at[slot],
                              gsem[slot]).wait()

    for b in range(2 * NBUF):
        fire_gather(b, b)

    def body(t, carry):
        j0 = 2 * NBUF * t
        for half in range(2):
            off = half * NBUF
            for b in range(NBUF):
                wait_gather(off + b, j0 + off + b)
            scps = [
                pltpu.async_copy(rows_v.at[off + b],
                                 acc_sh.at[dst_v.at[j0 + off + b]],
                                 ssem[off + b], add=True)
                for b in range(NBUF)
            ]
            for d_ in scps:
                d_.wait()

            @pl.when(t < nstep - 1)
            def _():
                for b in range(NBUF):
                    fire_gather(off + b, j0 + 2 * NBUF + off + b)

        return carry

    lax.fori_loop(0, nstep, body, 0)


def _deg_call(ei_p, ones_rows, zeros16):
    k_tile = N_CHUNKS // NW

    @functools.partial(
        pl.kernel,
        mesh=_mesh(),
        out_type=jax.ShapeDtypeStruct((NCORE, N_PAD, 16), jnp.float32),
        scratch_types=[
            pltpu.VMEM((k_tile, CHUNK), jnp.int32),
            pltpu.VMEM((CHUNK, 16), jnp.float32),
            pltpu.VMEM_SHARED((N_PAD, 16), jnp.float32),
            pltpu.SemaphoreType.DMA,
        ],
        compiler_params=pltpu.CompilerParams(use_tc_tiling_on_sc=False),
    )
    def deg_k(ei_hbm, ones_hbm, zeros_hbm, out_hbm, idx_v, ones_v, bins_sh,
              sem):
        c = lax.axis_index("c")
        s = lax.axis_index("s")
        wid = c * NSUB + s
        r0 = pl.multiple_of(s * ROWS_PER_TILE, 8)
        pltpu.sync_copy(zeros_hbm.at[pl.ds(r0, ROWS_PER_TILE)],
                        bins_sh.at[pl.ds(r0, ROWS_PER_TILE)])
        pltpu.sync_copy(ones_hbm, ones_v)
        pltpu.sync_copy(ei_hbm.at[1, pl.ds(wid * k_tile, k_tile)], idx_v)
        plsc.subcore_barrier()

        def body(t, carry):
            for b in range(8):
                pltpu.async_copy(ones_v, bins_sh.at[idx_v.at[t * 8 + b]],
                                 sem, add=True)

            @pl.when(t > 0)
            def _():
                for b in range(8):
                    pltpu.make_async_copy(
                        ones_v, bins_sh.at[idx_v.at[b]], sem).wait()

            return carry

        lax.fori_loop(0, k_tile // 8, body, 0)
        for b in range(8):
            pltpu.make_async_copy(ones_v, bins_sh.at[idx_v.at[b]], sem).wait()
        plsc.subcore_barrier()
        pltpu.sync_copy(bins_sh.at[pl.ds(r0, ROWS_PER_TILE)],
                        out_hbm.at[c, pl.ds(r0, ROWS_PER_TILE)])

    return deg_k(ei_p, ones_rows, zeros16)


def _prop1_call(ua, ub, ei_p):
    k_tile = N_CHUNKS // NSUB

    @functools.partial(
        pl.kernel,
        mesh=_mesh(),
        out_type=jax.ShapeDtypeStruct((NCORE, N_PAD, 32), jnp.float32),
        scratch_types=[
            pltpu.VMEM((k_tile, CHUNK), jnp.int32),
            pltpu.VMEM((k_tile, CHUNK), jnp.int32),
            pltpu.VMEM((2 * NBUF, CHUNK, 32), jnp.float32),
            pltpu.VMEM_SHARED((N_PAD, 32), jnp.float32),
            pltpu.VMEM_SHARED((N_PAD, 32), jnp.float32),
        ] + [pltpu.SemaphoreType.DMA] * (4 * NBUF),
        compiler_params=pltpu.CompilerParams(use_tc_tiling_on_sc=False),
    )
    def prop1_k(ua_hbm, ub_hbm, ei_hbm, out_hbm,
                src_v, dst_v, rows_v, acc_sh, u_sh, *sems):
        gsem = sems[:2 * NBUF]
        ssem = sems[2 * NBUF:]
        c = lax.axis_index("c")
        s = lax.axis_index("s")
        r0 = pl.multiple_of(s * ROWS_PER_TILE, 8)
        pltpu.sync_copy(ei_hbm.at[0, pl.ds(s * k_tile, k_tile)], src_v)
        pltpu.sync_copy(ei_hbm.at[1, pl.ds(s * k_tile, k_tile)], dst_v)

        @pl.when(c == 0)
        def _():
            _stage_rows(ua_hbm, u_sh, s)
            _stage_rows(ua_hbm, acc_sh, s)

        @pl.when(c == 1)
        def _():
            _stage_rows(ub_hbm, u_sh, s)
            _stage_rows(ub_hbm, acc_sh, s)

        plsc.subcore_barrier()
        _gather_scatter_loop(u_sh, acc_sh, src_v, dst_v, rows_v, gsem, ssem,
                             k_tile)
        plsc.subcore_barrier()
        pltpu.sync_copy(acc_sh.at[pl.ds(r0, ROWS_PER_TILE)],
                        out_hbm.at[c, pl.ds(r0, ROWS_PER_TILE)])

    return prop1_k(ua, ub, ei_p)


def _prop2_call(u, ei_p, zeros):
    k_tile = N_CHUNKS // NW

    @functools.partial(
        pl.kernel,
        mesh=_mesh(),
        out_type=jax.ShapeDtypeStruct((NCORE, N_PAD, 32), jnp.float32),
        scratch_types=[
            pltpu.VMEM((k_tile, CHUNK), jnp.int32),
            pltpu.VMEM((k_tile, CHUNK), jnp.int32),
            pltpu.VMEM((2 * NBUF, CHUNK, 32), jnp.float32),
            pltpu.VMEM_SHARED((N_PAD, 32), jnp.float32),
            pltpu.VMEM_SHARED((N_PAD, 32), jnp.float32),
        ] + [pltpu.SemaphoreType.DMA] * (4 * NBUF),
        compiler_params=pltpu.CompilerParams(use_tc_tiling_on_sc=False),
    )
    def prop2_k(u_hbm, ei_hbm, zeros_hbm, out_hbm,
                src_v, dst_v, rows_v, acc_sh, u_sh, *sems):
        gsem = sems[:2 * NBUF]
        ssem = sems[2 * NBUF:]
        c = lax.axis_index("c")
        s = lax.axis_index("s")
        wid = c * NSUB + s
        r0 = pl.multiple_of(s * ROWS_PER_TILE, 8)
        pltpu.sync_copy(ei_hbm.at[0, pl.ds(wid * k_tile, k_tile)], src_v)
        pltpu.sync_copy(ei_hbm.at[1, pl.ds(wid * k_tile, k_tile)], dst_v)
        _stage_rows(u_hbm, u_sh, s)

        @pl.when(c == 0)
        def _():
            _stage_rows(u_hbm, acc_sh, s)

        @pl.when(c == 1)
        def _():
            pltpu.sync_copy(zeros_hbm.at[pl.ds(r0, ROWS_PER_TILE)],
                            acc_sh.at[pl.ds(r0, ROWS_PER_TILE)])

        plsc.subcore_barrier()
        _gather_scatter_loop(u_sh, acc_sh, src_v, dst_v, rows_v, gsem, ssem,
                             k_tile)
        plsc.subcore_barrier()
        pltpu.sync_copy(acc_sh.at[pl.ds(r0, ROWS_PER_TILE)],
                        out_hbm.at[c, pl.ds(r0, ROWS_PER_TILE)])

    return prop2_k(u, ei_p, zeros)


def _tc1m_call(x, W1):
    def body(x_ref, w_ref, h_ref):
        h_ref[...] = jnp.dot(x_ref[...], w_ref[...],
                             preferred_element_type=jnp.float32)

    return pl.pallas_call(
        body,
        grid=(N_NODES // BLK,),
        in_specs=[
            pl.BlockSpec((BLK, 128), lambda i: (i, 0)),
            pl.BlockSpec((128, 64), lambda i: (0, 0)),
        ],
        out_specs=pl.BlockSpec((BLK, 64), lambda i: (i, 0)),
        out_shape=jax.ShapeDtypeStruct((N_NODES, 64), jnp.float32),
    )(x, W1)


def _tc1s_call(bins, h):
    rows = BLK * 16 // 128
    all_rows = N_PAD * 16 // 128

    def body(bins_ref, h_ref, ua_ref, ub_ref, dis_ref):
        i = pl.program_id(0)
        br = (bins_ref[0, pl.ds(i * rows, rows), :]
              + bins_ref[1, pl.ds(i * rows, rows), :])
        deg = br.reshape(rows, 8, 16)[:, :, 0].reshape(BLK, 1) + 1.0
        dis = lax.rsqrt(deg)
        u = h_ref[...] * dis
        ua_ref[...] = u[:, :32]
        ub_ref[...] = u[:, 32:]
        dis_ref[...] = dis

    return pl.pallas_call(
        body,
        grid=(N_NODES // BLK,),
        in_specs=[
            pl.BlockSpec((NCORE, all_rows, 128), lambda i: (0, 0, 0)),
            pl.BlockSpec((BLK, 64), lambda i: (i, 0)),
        ],
        out_specs=[
            pl.BlockSpec((BLK, 32), lambda i: (i, 0)),
            pl.BlockSpec((BLK, 32), lambda i: (i, 0)),
            pl.BlockSpec((BLK, 1), lambda i: (i, 0)),
        ],
        out_shape=[
            jax.ShapeDtypeStruct((N_NODES, 32), jnp.float32),
            jax.ShapeDtypeStruct((N_NODES, 32), jnp.float32),
            jax.ShapeDtypeStruct((N_NODES, 1), jnp.float32),
        ],
    )(bins, h)


def _tc2_call(p1, dis, b1, W2):
    def body(p_ref, dis_ref, b1_ref, w2_ref, u2_ref):
        pa = p_ref[0]
        pb = p_ref[1]
        dis = dis_ref[...]
        oa = jnp.maximum(pa * dis + b1_ref[:, :32], 0.0)
        ob = jnp.maximum(pb * dis + b1_ref[:, 32:], 0.0)
        u2 = (jnp.dot(oa, w2_ref[0], preferred_element_type=jnp.float32)
              + jnp.dot(ob, w2_ref[1], preferred_element_type=jnp.float32))
        u2_ref[...] = u2 * dis

    return pl.pallas_call(
        body,
        grid=(N_NODES // BLK,),
        in_specs=[
            pl.BlockSpec((NCORE, BLK, 32), lambda i: (0, i, 0)),
            pl.BlockSpec((BLK, 1), lambda i: (i, 0)),
            pl.BlockSpec((1, 64), lambda i: (0, 0)),
            pl.BlockSpec((2, 32, 32), lambda i: (0, 0, 0)),
        ],
        out_specs=pl.BlockSpec((BLK, 32), lambda i: (i, 0)),
        out_shape=jax.ShapeDtypeStruct((N_NODES, 32), jnp.float32),
    )(p1, dis, b1, W2.reshape(2, 32, 32))


def _tc3_call(p, dis, b2, batch_r):
    def body(p_ref, dis_ref, b2_ref, bt_ref, out_ref):
        i = pl.program_id(0)
        h2 = (p_ref[0] + p_ref[1]) * dis_ref[...] + b2_ref[...]
        bt = bt_ref[0]
        oh = (lax.broadcasted_iota(jnp.int32, (NUM_GRAPHS, BLK), 0)
              == bt).astype(jnp.float32)
        acc = jnp.dot(oh, h2, preferred_element_type=jnp.float32)

        @pl.when(i == 0)
        def _():
            out_ref[...] = acc

        @pl.when(i != 0)
        def _():
            out_ref[...] += acc

    return pl.pallas_call(
        body,
        grid=(N_NODES // BLK,),
        in_specs=[
            pl.BlockSpec((NCORE, BLK, 32), lambda i: (0, i, 0)),
            pl.BlockSpec((BLK, 1), lambda i: (i, 0)),
            pl.BlockSpec((1, 32), lambda i: (0, 0)),
            pl.BlockSpec((1, 1, BLK), lambda i: (i, 0, 0)),
        ],
        out_specs=pl.BlockSpec((NUM_GRAPHS, 32), lambda i: (0, 0)),
        out_shape=jax.ShapeDtypeStruct((NUM_GRAPHS, 32), jnp.float32),
    )(p, dis, b2, batch_r)


def kernel(x, edge_index, batch, W1, b1, W2, b2):
    pad = CAP - NUM_EDGES
    pad_src = jnp.arange(pad, dtype=jnp.int32) % N_NODES
    pad_dst = N_NODES + (jnp.arange(pad, dtype=jnp.int32) % (N_PAD - N_NODES))
    ei_p = jnp.concatenate(
        [edge_index.astype(jnp.int32), jnp.stack([pad_src, pad_dst])],
        axis=1).reshape(2, N_CHUNKS, CHUNK)
    ones_rows = jnp.ones((CHUNK, 16), jnp.float32)
    z16 = jnp.zeros((N_PAD, 16), jnp.float32)
    z32 = jnp.zeros((N_PAD, 32), jnp.float32)

    h = _tc1m_call(x, W1)
    bins = _deg_call(ei_p, ones_rows, z16)
    u1a, u1b, dis = _tc1s_call(bins.reshape(NCORE, N_PAD * 16 // 128, 128), h)
    p1 = _prop1_call(u1a, u1b, ei_p)
    u2 = _tc2_call(p1, dis, b1.reshape(1, 64), W2)
    p2 = _prop2_call(u2, ei_p, z32)
    out = _tc3_call(p2, dis, b2.reshape(1, 32),
                    batch.astype(jnp.int32).reshape(N_NODES // BLK, 1, BLK))
    return out

# --- scband reference (transcript-rebuilt; emitter-appended) ---
"""Pipeline reference for scband-gcn-11501922419253 (READ-ONLY COPY).

The authoritative reference and input builder live on the scoring server;
editing this copy changes nothing except your own understanding.
"""

import jax, jax.numpy as jnp
import numpy as np

N = 10000
E = 320000
NUM_GRAPHS = 64
ARCH = [128, 64, 32]


def setup_inputs(seed: int = 0) -> dict:
    key = jax.random.key(seed)
    k1, k2, k3, k4, k5 = jax.random.split(key, 5)
    x = jax.random.normal(k1, (N, ARCH[0]), dtype=jnp.float32)
    edge_index = jax.random.randint(k2, (2, E), 0, N)
    batch = jnp.sort(jax.random.randint(k3, (N,), 0, NUM_GRAPHS))
    # GCNConv parameters (glorot-ish init, bias zeros) per arch [128, 64, 32]
    W1 = jax.random.normal(k4, (ARCH[0], ARCH[1]), dtype=jnp.float32) * (1.0 / np.sqrt(ARCH[0]))
    b1 = jnp.zeros((ARCH[1],), dtype=jnp.float32)
    W2 = jax.random.normal(k5, (ARCH[1], ARCH[2]), dtype=jnp.float32) * (1.0 / np.sqrt(ARCH[1]))
    b2 = jnp.zeros((ARCH[2],), dtype=jnp.float32)
    return {"x": x, "edge_index": edge_index, "batch": batch,
            "W1": W1, "b1": b1, "W2": W2, "b2": b2}


def _gcn_conv(x, src, dst, W, b, n_nodes):
    # PyG GCNConv: x' = D^{-1/2} (A + I) D^{-1/2} X W + b  (self-loops already in src/dst)
    h = x @ W
    ones = jnp.ones(src.shape[0], dtype=h.dtype)
    deg = jax.ops.segment_sum(ones, dst, num_segments=n_nodes)
    deg_inv_sqrt = jnp.where(deg > 0, jax.lax.rsqrt(jnp.maximum(deg, 1e-12)), 0.0)
    norm = deg_inv_sqrt[src] * deg_inv_sqrt[dst]
    msgs = h[src] * norm[:, None]                      # gather (SparseCore)
    out = jax.ops.segment_sum(msgs, dst, num_segments=n_nodes)  # scatter-add
    return out + b


def reference(x, edge_index, batch, W1, b1, W2, b2):
    n_nodes = x.shape[0]
    loops = jnp.arange(n_nodes, dtype=edge_index.dtype)
    src = jnp.concatenate([edge_index[0], loops])
    dst = jnp.concatenate([edge_index[1], loops])
    h = _gcn_conv(x, src, dst, W1, b1, n_nodes)
    h = jax.nn.relu(h)
    h = _gcn_conv(h, src, dst, W2, b2, n_nodes)
    # global_add_pool over batch assignment vector
    return jax.ops.segment_sum(h, batch, num_segments=NUM_GRAPHS)

if __name__ == "__main__":
    import jax
    _d = setup_inputs()
    print(jax.jit(kernel)(*tuple(_d.values())))

</pallas_src>

<mosaic_0001>
#map = affine_map<(d0, d1) -> (0, 0)>
#map1 = affine_map<(d0, d1) -> (0, 0, 0)>
module attributes {stable_mosaic.version = 14 : i64} {
  func.func @prop2_k(%arg0: i32, %arg1: i32, %arg2: memref<10000x32xf32, #tpu.memory_space<hbm>>, %arg3: memref<2x2560x128xi32, #tpu.memory_space<hbm>>, %arg4: memref<10112x32xf32, #tpu.memory_space<hbm>>, %arg5: memref<2x10112x32xf32, #tpu.memory_space<hbm>>, %arg6: memref<80x128xi32, #tpu.memory_space<vmem>>, %arg7: memref<80x128xi32, #tpu.memory_space<vmem>>, %arg8: memref<8x128x32xf32, #tpu.memory_space<vmem>>, %arg9: memref<10112x32xf32, #tpu.memory_space<vmem_shared>>, %arg10: memref<10112x32xf32, #tpu.memory_space<vmem_shared>>, %arg11: memref<!tpu.dma_semaphore, #tpu.memory_space<semaphore_mem>>, %arg12: memref<!tpu.dma_semaphore, #tpu.memory_space<semaphore_mem>>, %arg13: memref<!tpu.dma_semaphore, #tpu.memory_space<semaphore_mem>>, %arg14: memref<!tpu.dma_semaphore, #tpu.memory_space<semaphore_mem>>, %arg15: memref<!tpu.dma_semaphore, #tpu.memory_space<semaphore_mem>>, %arg16: memref<!tpu.dma_semaphore, #tpu.memory_space<semaphore_mem>>, %arg17: memref<!tpu.dma_semaphore, #tpu.memory_space<semaphore_mem>>, %arg18: memref<!tpu.dma_semaphore, #tpu.memory_space<semaphore_mem>>, %arg19: memref<!tpu.dma_semaphore, #tpu.memory_space<semaphore_mem>>, %arg20: memref<!tpu.dma_semaphore, #tpu.memory_space<semaphore_mem>>, %arg21: memref<!tpu.dma_semaphore, #tpu.memory_space<semaphore_mem>>, %arg22: memref<!tpu.dma_semaphore, #tpu.memory_space<semaphore_mem>>, %arg23: memref<!tpu.dma_semaphore, #tpu.memory_space<semaphore_mem>>, %arg24: memref<!tpu.dma_semaphore, #tpu.memory_space<semaphore_mem>>, %arg25: memref<!tpu.dma_semaphore, #tpu.memory_space<semaphore_mem>>, %arg26: memref<!tpu.dma_semaphore, #tpu.memory_space<semaphore_mem>>) attributes {dimension_semantics = [#tpu.dimension_semantics<core_parallel>, #tpu.dimension_semantics<subcore_parallel>], iteration_bounds = array<i64: 2, 16>, scalar_prefetch = 0 : i64, scratch_operands = 21 : i64, tpu.core_type = #tpu.core_type<sc_vector_subcore>, window_params = [{transform_indices = #map}, {transform_indices = #map1}, {transform_indices = #map}, {transform_indices = #map1}]} {
    %mul3A = arith.constant 16 : i32
    %mul3A_0 = arith.muli %arg0, %mul3A : i32
    %add3A = arith.addi %mul3A_0, %arg1 : i32
    %mul3A_1 = arith.constant 632 : i32
    %mul3A_2 = arith.muli %arg1, %mul3A_1 : i32
    %multiple_of3A = tpu.assume_multiple %mul3A_2, 8 : i32
    %mul3A_3 = arith.constant 80 : i32
    %mul3A_4 = arith.muli %add3A, %mul3A_3 : i32
    %run_scoped3A = arith.constant 0 : i32
    "tpu.region"() ({
      %run_scoped3A_128 = tpu.sem_alloc : memref<!tpu.dma_semaphore, #tpu.memory_space<semaphore_mem>>
      %dma_start3A_129 = arith.constant 0 : i32
      %dma_start3A_130 = tpu.memref_slice %arg3[%run_scoped3A, %mul3A_4, %dma_start3A_129] : memref<2x2560x128xi32, #tpu.memory_space<hbm>> -> memref<1x80x128xi32, #tpu.memory_space<hbm>>
      %dma_start3A_131 = tpu.memref_squeeze %dma_start3A_130 : memref<1x80x128xi32, #tpu.memory_space<hbm>> -> memref<80x128xi32, #tpu.memory_space<hbm>>
      %dma_start3A_132 = arith.constant 0 : i32
      %dma_start3A_133 = tpu.memref_slice %arg3[%run_scoped3A, %mul3A_4, %dma_start3A_132] : memref<2x2560x128xi32, #tpu.memory_space<hbm>> -> memref<1x80x128xi32, #tpu.memory_space<hbm>>
      %dma_start3A_134 = tpu.memref_squeeze %dma_start3A_133 : memref<1x80x128xi32, #tpu.memory_space<hbm>> -> memref<80x128xi32, #tpu.memory_space<hbm>>
      tpu.enqueue_dma source(%dma_start3A_134 : memref<80x128xi32, #tpu.memory_space<hbm>>) target(%arg6 : memref<80x128xi32, #tpu.memory_space<vmem>>) target_semaphore(%run_scoped3A_128 : memref<!tpu.dma_semaphore, #tpu.memory_space<semaphore_mem>>)
      %dma_wait3A = arith.constant 0 : i32
      %dma_wait3A_135 = tpu.memref_slice %arg3[%run_scoped3A, %mul3A_4, %dma_wait3A] : memref<2x2560x128xi32, #tpu.memory_space<hbm>> -> memref<1x80x128xi32, #tpu.memory_space<hbm>>
      %dma_wait3A_136 = tpu.memref_squeeze %dma_wait3A_135 : memref<1x80x128xi32, #tpu.memory_space<hbm>> -> memref<80x128xi32, #tpu.memory_space<hbm>>
      %dma_wait3A_137 = arith.constant 0 : i32
      %dma_wait3A_138 = tpu.memref_slice %arg3[%run_scoped3A, %mul3A_4, %dma_wait3A_137] : memref<2x2560x128xi32, #tpu.memory_space<hbm>> -> memref<1x80x128xi32, #tpu.memory_space<hbm>>
      %dma_wait3A_139 = tpu.memref_squeeze %dma_wait3A_138 : memref<1x80x128xi32, #tpu.memory_space<hbm>> -> memref<80x128xi32, #tpu.memory_space<hbm>>
      tpu.wait_dma2 semaphore(%run_scoped3A_128 : memref<!tpu.dma_semaphore, #tpu.memory_space<semaphore_mem>>) src(%dma_wait3A_139 : memref<80x128xi32, #tpu.memory_space<hbm>>) dst(%arg6 : memref<80x128xi32, #tpu.memory_space<vmem>>)
      tpu.yield
    }) : () -> ()
    %mul3A_5 = arith.constant 80 : i32
    %mul3A_6 = arith.muli %add3A, %mul3A_5 : i32
    %run_scoped3A_7 = arith.constant 1 : i32
    "tpu.region"() ({
      %run_scoped3A_128 = tpu.sem_alloc : memref<!tpu.dma_semaphore, #tpu.memory_space<semaphore_mem>>
      %dma_start3A_129 = arith.constant 0 : i32
      %dma_start3A_130 = tpu.memref_slice %arg3[%run_scoped3A_7, %mul3A_6, %dma_start3A_129] : memref<2x2560x128xi32, #tpu.memory_space<hbm>> -> memref<1x80x128xi32, #tpu.memory_space<hbm>>
      %dma_start3A_131 = tpu.memref_squeeze %dma_start3A_130 : memref<1x80x128xi32, #tpu.memory_space<hbm>> -> memref<80x128xi32, #tpu.memory_space<hbm>>
      %dma_start3A_132 = arith.constant 0 : i32
      %dma_start3A_133 = tpu.memref_slice %arg3[%run_scoped3A_7, %mul3A_6, %dma_start3A_132] : memref<2x2560x128xi32, #tpu.memory_space<hbm>> -> memref<1x80x128xi32, #tpu.memory_space<hbm>>
      %dma_start3A_134 = tpu.memref_squeeze %dma_start3A_133 : memref<1x80x128xi32, #tpu.memory_space<hbm>> -> memref<80x128xi32, #tpu.memory_space<hbm>>
      tpu.enqueue_dma source(%dma_start3A_134 : memref<80x128xi32, #tpu.memory_space<hbm>>) target(%arg7 : memref<80x128xi32, #tpu.memory_space<vmem>>) target_semaphore(%run_scoped3A_128 : memref<!tpu.dma_semaphore, #tpu.memory_space<semaphore_mem>>)
      %dma_wait3A = arith.constant 0 : i32
      %dma_wait3A_135 = tpu.memref_slice %arg3[%run_scoped3A_7, %mul3A_6, %dma_wait3A] : memref<2x2560x128xi32, #tpu.memory_space<hbm>> -> memref<1x80x128xi32, #tpu.memory_space<hbm>>
      %dma_wait3A_136 = tpu.memref_squeeze %dma_wait3A_135 : memref<1x80x128xi32, #tpu.memory_space<hbm>> -> memref<80x128xi32, #tpu.memory_space<hbm>>
      %dma_wait3A_137 = arith.constant 0 : i32
      %dma_wait3A_138 = tpu.memref_slice %arg3[%run_scoped3A_7, %mul3A_6, %dma_wait3A_137] : memref<2x2560x128xi32, #tpu.memory_space<hbm>> -> memref<1x80x128xi32, #tpu.memory_space<hbm>>
      %dma_wait3A_139 = tpu.memref_squeeze %dma_wait3A_138 : memref<1x80x128xi32, #tpu.memory_space<hbm>> -> memref<80x128xi32, #tpu.memory_space<hbm>>
      tpu.wait_dma2 semaphore(%run_scoped3A_128 : memref<!tpu.dma_semaphore, #tpu.memory_space<semaphore_mem>>) src(%dma_wait3A_139 : memref<80x128xi32, #tpu.memory_space<hbm>>) dst(%arg7 : memref<80x128xi32, #tpu.memory_space<vmem>>)
      tpu.yield
    }) : () -> ()
    %mul3A_8 = arith.constant 632 : i32
    %mul3A_9 = arith.muli %arg1, %mul3A_8 : i32
    %multiple_of3A_10 = tpu.assume_multiple %mul3A_9, 8 : i32
    %lt3A = arith.constant 15 : i32
    %lt3A_11 = arith.cmpi slt, %arg1, %lt3A : i32
    %convert_element_type3A = arith.extui %lt3A_11 : i1 to i32
    %cond3A = arith.constant 0 : i32
    %cond3A_12 = arith.cmpi ne, %convert_element_type3A, %cond3A : i32
    scf.if %cond3A_12 {
      "tpu.region"() ({
        %run_scoped3A_128 = tpu.sem_alloc : memref<!tpu.dma_semaphore, #tpu.memory_space<semaphore_mem>>
        %dma_start3A_129 = arith.constant 0 : i32
        %dma_start3A_130 = tpu.memref_slice %arg10[%multiple_of3A_10, %dma_start3A_129] : memref<10112x32xf32, #tpu.memory_space<vmem_shared>> -> memref<632x32xf32, #tpu.memory_space<vmem_shared>>
        %dma_start3A_131 = arith.constant 0 : i32
        %dma_start3A_132 = tpu.memref_slice %arg2[%multiple_of3A_10, %dma_start3A_131] : memref<10000x32xf32, #tpu.memory_space<hbm>> -> memref<632x32xf32, #tpu.memory_space<hbm>>
        tpu.enqueue_dma source(%dma_start3A_132 : memref<632x32xf32, #tpu.memory_space<hbm>>) target(%dma_start3A_130 : memref<632x32xf32, #tpu.memory_space<vmem_shared>>) target_semaphore(%run_scoped3A_128 : memref<!tpu.dma_semaphore, #tpu.memory_space<semaphore_mem>>)
        %dma_wait3A = arith.constant 0 : i32
        %dma_wait3A_133 = tpu.memref_slice %arg10[%multiple_of3A_10, %dma_wait3A] : memref<10112x32xf32, #tpu.memory_space<vmem_shared>> -> memref<632x32xf32, #tpu.memory_space<vmem_shared>>
        %dma_wait3A_134 = arith.constant 0 : i32
        %dma_wait3A_135 = tpu.memref_slice %arg2[%multiple_of3A_10, %dma_wait3A_134] : memref<10000x32xf32, #tpu.memory_space<hbm>> -> memref<632x32xf32, #tpu.memory_space<hbm>>
        tpu.wait_dma2 semaphore(%run_scoped3A_128 : memref<!tpu.dma_semaphore, #tpu.memory_space<semaphore_mem>>) src(%dma_wait3A_135 : memref<632x32xf32, #tpu.memory_space<hbm>>) dst(%dma_wait3A_133 : memref<632x32xf32, #tpu.memory_space<vmem_shared>>)
        tpu.yield
      }) : () -> ()
    } else {
    }
    %eq3A = arith.constant 15 : i32
    %eq3A_13 = arith.cmpi eq, %arg1, %eq3A : i32
    %convert_element_type3A_14 = arith.extui %eq3A_13 : i1 to i32
    %cond3A_15 = arith.constant 0 : i32
    %cond3A_16 = arith.cmpi ne, %convert_element_type3A_14, %cond3A_15 : i32
    scf.if %cond3A_16 {
      %multiple_of3A_128 = arith.constant 9480 : i32
      %multiple_of3A_129 = tpu.assume_multiple %multiple_of3A_128, 8 : i32
      "tpu.region"() ({
        %run_scoped3A_130 = tpu.sem_alloc : memref<!tpu.dma_semaphore, #tpu.memory_space<semaphore_mem>>
        %dma_start3A_131 = arith.constant 0 : i32
        %dma_start3A_132 = tpu.memref_slice %arg10[%multiple_of3A_129, %dma_start3A_131] : memref<10112x32xf32, #tpu.memory_space<vmem_shared>> -> memref<520x32xf32, #tpu.memory_space<vmem_shared>>
        %dma_start3A_133 = arith.constant 0 : i32
        %dma_start3A_134 = tpu.memref_slice %arg2[%multiple_of3A_129, %dma_start3A_133] : memref<10000x32xf32, #tpu.memory_space<hbm>> -> memref<520x32xf32, #tpu.memory_space<hbm>>
        tpu.enqueue_dma source(%dma_start3A_134 : memref<520x32xf32, #tpu.memory_space<hbm>>) target(%dma_start3A_132 : memref<520x32xf32, #tpu.memory_space<vmem_shared>>) target_semaphore(%run_scoped3A_130 : memref<!tpu.dma_semaphore, #tpu.memory_space<semaphore_mem>>)
        %dma_wait3A = arith.constant 0 : i32
        %dma_wait3A_135 = tpu.memref_slice %arg10[%multiple_of3A_129, %dma_wait3A] : memref<10112x32xf32, #tpu.memory_space<vmem_shared>> -> memref<520x32xf32, #tpu.memory_space<vmem_shared>>
        %dma_wait3A_136 = arith.constant 0 : i32
        %dma_wait3A_137 = tpu.memref_slice %arg2[%multiple_of3A_129, %dma_wait3A_136] : memref<10000x32xf32, #tpu.memory_space<hbm>> -> memref<520x32xf32, #tpu.memory_space<hbm>>
        tpu.wait_dma2 semaphore(%run_scoped3A_130 : memref<!tpu.dma_semaphore, #tpu.memory_space<semaphore_mem>>) src(%dma_wait3A_137 : memref<520x32xf32, #tpu.memory_space<hbm>>) dst(%dma_wait3A_135 : memref<520x32xf32, #tpu.memory_space<vmem_shared>>)
        tpu.yield
      }) : () -> ()
    } else {
    }
    %eq3A_17 = arith.constant 0 : i32
    %eq3A_18 = arith.cmpi eq, %arg0, %eq3A_17 : i32
    %convert_element_type3A_19 = arith.extui %eq3A_18 : i1 to i32
    %cond3A_20 = arith.constant 0 : i32
    %cond3A_21 = arith.cmpi ne, %convert_element_type3A_19, %cond3A_20 : i32
    scf.if %cond3A_21 {
      %mul3A_128 = arith.constant 632 : i32
      %mul3A_129 = arith.muli %arg1, %mul3A_128 : i32
      %multiple_of3A_130 = tpu.assume_multiple %mul3A_129, 8 : i32
      %lt3A_131 = arith.constant 15 : i32
      %lt3A_132 = arith.cmpi slt, %arg1, %lt3A_131 : i32
      %convert_element_type3A_133 = arith.extui %lt3A_132 : i1 to i32
      %cond3A_134 = arith.constant 0 : i32
      %cond3A_135 = arith.cmpi ne, %convert_element_type3A_133, %cond3A_134 : i32
      scf.if %cond3A_135 {
        "tpu.region"() ({
          %run_scoped3A_141 = tpu.sem_alloc : memref<!tpu.dma_semaphore, #tpu.memory_space<semaphore_mem>>
          %dma_start3A_142 = arith.constant 0 : i32
          %dma_start3A_143 = tpu.memref_slice %arg9[%multiple_of3A_130, %dma_start3A_142] : memref<10112x32xf32, #tpu.memory_space<vmem_shared>> -> memref<632x32xf32, #tpu.memory_space<vmem_shared>>
          %dma_start3A_144 = arith.constant 0 : i32
          %dma_start3A_145 = tpu.memref_slice %arg2[%multiple_of3A_130, %dma_start3A_144] : memref<10000x32xf32, #tpu.memory_space<hbm>> -> memref<632x32xf32, #tpu.memory_space<hbm>>
          tpu.enqueue_dma source(%dma_start3A_145 : memref<632x32xf32, #tpu.memory_space<hbm>>) target(%dma_start3A_143 : memref<632x32xf32, #tpu.memory_space<vmem_shared>>) target_semaphore(%run_scoped3A_141 : memref<!tpu.dma_semaphore, #tpu.memory_space<semaphore_mem>>)
          %dma_wait3A = arith.constant 0 : i32
          %dma_wait3A_146 = tpu.memref_slice %arg9[%multiple_of3A_130, %dma_wait3A] : memref<10112x32xf32, #tpu.memory_space<vmem_shared>> -> memref<632x32xf32, #tpu.memory_space<vmem_shared>>
          %dma_wait3A_147 = arith.constant 0 : i32
          %dma_wait3A_148 = tpu.memref_slice %arg2[%multiple_of3A_130, %dma_wait3A_147] : memref<10000x32xf32, #tpu.memory_space<hbm>> -> memref<632x32xf32, #tpu.memory_space<hbm>>
          tpu.wait_dma2 semaphore(%run_scoped3A_141 : memref<!tpu.dma_semaphore, #tpu.memory_space<semaphore_mem>>) src(%dma_wait3A_148 : memref<632x32xf32, #tpu.memory_space<hbm>>) dst(%dma_wait3A_146 : memref<632x32xf32, #tpu.memory_space<vmem_shared>>)
          tpu.yield
        }) : () -> ()
      } else {
      }
      %eq3A_136 = arith.constant 15 : i32
      %eq3A_137 = arith.cmpi eq, %arg1, %eq3A_136 : i32
      %convert_element_type3A_138 = arith.extui %eq3A_137 : i1 to i32
      %cond3A_139 = arith.constant 0 : i32
      %cond3A_140 = arith.cmpi ne, %convert_element_type3A_138, %cond3A_139 : i32
      scf.if %cond3A_140 {
        %multiple_of3A_141 = arith.constant 9480 : i32
        %multiple_of3A_142 = tpu.assume_multiple %multiple_of3A_141, 8 : i32
        "tpu.region"() ({
          %run_scoped3A_143 = tpu.sem_alloc : memref<!tpu.dma_semaphore, #tpu.memory_space<semaphore_mem>>
          %dma_start3A_144 = arith.constant 0 : i32
          %dma_start3A_145 = tpu.memref_slice %arg9[%multiple_of3A_142, %dma_start3A_144] : memref<10112x32xf32, #tpu.memory_space<vmem_shared>> -> memref<520x32xf32, #tpu.memory_space<vmem_shared>>
          %dma_start3A_146 = arith.constant 0 : i32
          %dma_start3A_147 = tpu.memref_slice %arg2[%multiple_of3A_142, %dma_start3A_146] : memref<10000x32xf32, #tpu.memory_space<hbm>> -> memref<520x32xf32, #tpu.memory_space<hbm>>
          tpu.enqueue_dma source(%dma_start3A_147 : memref<520x32xf32, #tpu.memory_space<hbm>>) target(%dma_start3A_145 : memref<520x32xf32, #tpu.memory_space<vmem_shared>>) target_semaphore(%run_scoped3A_143 : memref<!tpu.dma_semaphore, #tpu.memory_space<semaphore_mem>>)
          %dma_wait3A = arith.constant 0 : i32
          %dma_wait3A_148 = tpu.memref_slice %arg9[%multiple_of3A_142, %dma_wait3A] : memref<10112x32xf32, #tpu.memory_space<vmem_shared>> -> memref<520x32xf32, #tpu.memory_space<vmem_shared>>
          %dma_wait3A_149 = arith.constant 0 : i32
          %dma_wait3A_150 = tpu.memref_slice %arg2[%multiple_of3A_142, %dma_wait3A_149] : memref<10000x32xf32, #tpu.memory_space<hbm>> -> memref<520x32xf32, #tpu.memory_space<hbm>>
          tpu.wait_dma2 semaphore(%run_scoped3A_143 : memref<!tpu.dma_semaphore, #tpu.memory_space<semaphore_mem>>) src(%dma_wait3A_150 : memref<520x32xf32, #tpu.memory_space<hbm>>) dst(%dma_wait3A_148 : memref<520x32xf32, #tpu.memory_space<vmem_shared>>)
          tpu.yield
        }) : () -> ()
      } else {
      }
    } else {
    }
    %eq3A_22 = arith.constant 1 : i32
    %eq3A_23 = arith.cmpi eq, %arg0, %eq3A_22 : i32
    %convert_element_type3A_24 = arith.extui %eq3A_23 : i1 to i32
    %cond3A_25 = arith.constant 0 : i32
    %cond3A_26 = arith.cmpi ne, %convert_element_type3A_24, %cond3A_25 : i32
    scf.if %cond3A_26 {
      "tpu.region"() ({
        %run_scoped3A_128 = tpu.sem_alloc : memref<!tpu.dma_semaphore, #tpu.memory_space<semaphore_mem>>
        %dma_start3A_129 = arith.constant 0 : i32
        %dma_start3A_130 = tpu.memref_slice %arg9[%multiple_of3A, %dma_start3A_129] : memref<10112x32xf32, #tpu.memory_space<vmem_shared>> -> memref<632x32xf32, #tpu.memory_space<vmem_shared>>
        %dma_start3A_131 = arith.constant 0 : i32
        %dma_start3A_132 = tpu.memref_slice %arg4[%multiple_of3A, %dma_start3A_131] : memref<10112x32xf32, #tpu.memory_space<hbm>> -> memref<632x32xf32, #tpu.memory_space<hbm>>
        tpu.enqueue_dma source(%dma_start3A_132 : memref<632x32xf32, #tpu.memory_space<hbm>>) target(%dma_start3A_130 : memref<632x32xf32, #tpu.memory_space<vmem_shared>>) target_semaphore(%run_scoped3A_128 : memref<!tpu.dma_semaphore, #tpu.memory_space<semaphore_mem>>)
        %dma_wait3A = arith.constant 0 : i32
        %dma_wait3A_133 = tpu.memref_slice %arg9[%multiple_of3A, %dma_wait3A] : memref<10112x32xf32, #tpu.memory_space<vmem_shared>> -> memref<632x32xf32, #tpu.memory_space<vmem_shared>>
        %dma_wait3A_134 = arith.constant 0 : i32
        %dma_wait3A_135 = tpu.memref_slice %arg4[%multiple_of3A, %dma_wait3A_134] : memref<10112x32xf32, #tpu.memory_space<hbm>> -> memref<632x32xf32, #tpu.memory_space<hbm>>
        tpu.wait_dma2 semaphore(%run_scoped3A_128 : memref<!tpu.dma_semaphore, #tpu.memory_space<semaphore_mem>>) src(%dma_wait3A_135 : memref<632x32xf32, #tpu.memory_space<hbm>>) dst(%dma_wait3A_133 : memref<632x32xf32, #tpu.memory_space<vmem_shared>>)
        tpu.yield
      }) : () -> ()
    } else {
    }
    %barrier3A = arith.constant 0 : index
    tpu.barrier barrier_id(%barrier3A)
    %dma_start3A = arith.constant 0 : i32
    %dma_start3A_27 = arith.constant 0 : i32
    %dma_start3A_28 = arith.constant 0 : i32
    %dma_start3A_29 = arith.constant 0 : i32
    %dma_start3A_30 = tpu.memref_slice %arg8[%dma_start3A_27, %dma_start3A_28, %dma_start3A_29] : memref<8x128x32xf32, #tpu.memory_space<vmem>> -> memref<1x128x32xf32, #tpu.memory_space<vmem>>
    %dma_start3A_31 = tpu.memref_squeeze %dma_start3A_30 : memref<1x128x32xf32, #tpu.memory_space<vmem>> -> memref<128x32xf32, #tpu.memory_space<vmem>>
    %dma_start3A_32 = arith.constant 0 : i32
    %dma_start3A_33 = tpu.memref_slice %arg6[%dma_start3A, %dma_start3A_32] : memref<80x128xi32, #tpu.memory_space<vmem>> -> memref<1x128xi32, #tpu.memory_space<vmem>>
    %dma_start3A_34 = tpu.memref_squeeze %dma_start3A_33 : memref<1x128xi32, #tpu.memory_space<vmem>> -> memref<128xi32, #tpu.memory_space<vmem>>
    %dma_start3A_35 = arith.constant 0 : i32
    %dma_start3A_36 = arith.constant 0 : i32
    %dma_start3A_37 = tpu.memref_slice %arg10[%dma_start3A_35, %dma_start3A_36] : memref<10112x32xf32, #tpu.memory_space<vmem_shared>> -> memref<10112x32xf32, #tpu.memory_space<vmem_shared>>
    tpu.enqueue_indirect_dma source(%dma_start3A_37 : memref<10112x32xf32, #tpu.memory_space<vmem_shared>>) target(%dma_start3A_31 : memref<128x32xf32, #tpu.memory_space<vmem>>) offsets(%dma_start3A_34 : memref<128xi32, #tpu.memory_space<vmem>>) semaphore(%arg11 : memref<!tpu.dma_semaphore, #tpu.memory_space<semaphore_mem>>)
    %dma_start3A_38 = arith.constant 1 : i32
    %dma_start3A_39 = arith.constant 1 : i32
    %dma_start3A_40 = arith.constant 0 : i32
    %dma_start3A_41 = arith.constant 0 : i32
    %dma_start3A_42 = tpu.memref_slice %arg8[%dma_start3A_39, %dma_start3A_40, %dma_start3A_41] : memref<8x128x32xf32, #tpu.memory_space<vmem>> -> memref<1x128x32xf32, #tpu.memory_space<vmem>>
    %dma_start3A_43 = tpu.memref_squeeze %dma_start3A_42 : memref<1x128x32xf32, #tpu.memory_space<vmem>> -> memref<128x32xf32, #tpu.memory_space<vmem>>
    %dma_start3A_44 = arith.constant 0 : i32
    %dma_start3A_45 = tpu.memref_slice %arg6[%dma_start3A_38, %dma_start3A_44] : memref<80x128xi32, #tpu.memory_space<vmem>> -> memref<1x128xi32, #tpu.memory_space<vmem>>
    %dma_start3A_46 = tpu.memref_squeeze %dma_start3A_45 : memref<1x128xi32, #tpu.memory_space<vmem>> -> memref<128xi32, #tpu.memory_space<vmem>>
    %dma_start3A_47 = arith.constant 0 : i32
    %dma_start3A_48 = arith.constant 0 : i32
    %dma_start3A_49 = tpu.memref_slice %arg10[%dma_start3A_47, %dma_start3A_48] : memref<10112x32xf32, #tpu.memory_space<vmem_shared>> -> memref<10112x32xf32, #tpu.memory_space<vmem_shared>>
    tpu.enqueue_indirect_dma source(%dma_start3A_49 : memref<10112x32xf32, #tpu.memory_space<vmem_shared>>) target(%dma_start3A_43 : memref<128x32xf32, #tpu.memory_space<vmem>>) offsets(%dma_start3A_46 : memref<128xi32, #tpu.memory_space<vmem>>) semaphore(%arg12 : memref<!tpu.dma_semaphore, #tpu.memory_space<semaphore_mem>>)
    %dma_start3A_50 = arith.constant 2 : i32
    %dma_start3A_51 = arith.constant 2 : i32
    %dma_start3A_52 = arith.constant 0 : i32
    %dma_start3A_53 = arith.constant 0 : i32
    %dma_start3A_54 = tpu.memref_slice %arg8[%dma_start3A_51, %dma_start3A_52, %dma_start3A_53] : memref<8x128x32xf32, #tpu.memory_space<vmem>> -> memref<1x128x32xf32, #tpu.memory_space<vmem>>
    %dma_start3A_55 = tpu.memref_squeeze %dma_start3A_54 : memref<1x128x32xf32, #tpu.memory_space<vmem>> -> memref<128x32xf32, #tpu.memory_space<vmem>>
    %dma_start3A_56 = arith.constant 0 : i32
    %dma_start3A_57 = tpu.memref_slice %arg6[%dma_start3A_50, %dma_start3A_56] : memref<80x128xi32, #tpu.memory_space<vmem>> -> memref<1x128xi32, #tpu.memory_space<vmem>>
    %dma_start3A_58 = tpu.memref_squeeze %dma_start3A_57 : memref<1x128xi32, #tpu.memory_space<vmem>> -> memref<128xi32, #tpu.memory_space<vmem>>
    %dma_start3A_59 = arith.constant 0 : i32
    %dma_start3A_60 = arith.constant 0 : i32
    %dma_start3A_61 = tpu.memref_slice %arg10[%dma_start3A_59, %dma_start3A_60] : memref<10112x32xf32, #tpu.memory_space<vmem_shared>> -> memref<10112x32xf32, #tpu.memory_space<vmem_shared>>
    tpu.enqueue_indirect_dma source(%dma_start3A_61 : memref<10112x32xf32, #tpu.memory_space<vmem_shared>>) target(%dma_start3A_55 : memref<128x32xf32, #tpu.memory_space<vmem>>) offsets(%dma_start3A_58 : memref<128xi32, #tpu.memory_space<vmem>>) semaphore(%arg13 : memref<!tpu.dma_semaphore, #tpu.memory_space<semaphore_mem>>)
    %dma_start3A_62 = arith.constant 3 : i32
    %dma_start3A_63 = arith.constant 3 : i32
    %dma_start3A_64 = arith.constant 0 : i32
    %dma_start3A_65 = arith.constant 0 : i32
    %dma_start3A_66 = tpu.memref_slice %arg8[%dma_start3A_63, %dma_start3A_64, %dma_start3A_65] : memref<8x128x32xf32, #tpu.memory_space<vmem>> -> memref<1x128x32xf32, #tpu.memory_space<vmem>>
    %dma_start3A_67 = tpu.memref_squeeze %dma_start3A_66 : memref<1x128x32xf32, #tpu.memory_space<vmem>> -> memref<128x32xf32, #tpu.memory_space<vmem>>
    %dma_start3A_68 = arith.constant 0 : i32
    %dma_start3A_69 = tpu.memref_slice %arg6[%dma_start3A_62, %dma_start3A_68] : memref<80x128xi32, #tpu.memory_space<vmem>> -> memref<1x128xi32, #tpu.memory_space<vmem>>
    %dma_start3A_70 = tpu.memref_squeeze %dma_start3A_69 : memref<1x128xi32, #tpu.memory_space<vmem>> -> memref<128xi32, #tpu.memory_space<vmem>>
    %dma_start3A_71 = arith.constant 0 : i32
    %dma_start3A_72 = arith.constant 0 : i32
    %dma_start3A_73 = tpu.memref_slice %arg10[%dma_start3A_71, %dma_start3A_72] : memref<10112x32xf32, #tpu.memory_space<vmem_shared>> -> memref<10112x32xf32, #tpu.memory_space<vmem_shared>>
    tpu.enqueue_indirect_dma source(%dma_start3A_73 : memref<10112x32xf32, #tpu.memory_space<vmem_shared>>) target(%dma_start3A_67 : memref<128x32xf32, #tpu.memory_space<vmem>>) offsets(%dma_start3A_70 : memref<128xi32, #tpu.memory_space<vmem>>) semaphore(%arg14 : memref<!tpu.dma_semaphore, #tpu.memory_space<semaphore_mem>>)
    %dma_start3A_74 = arith.constant 4 : i32
    %dma_start3A_75 = arith.constant 4 : i32
    %dma_start3A_76 = arith.constant 0 : i32
    %dma_start3A_77 = arith.constant 0 : i32
    %dma_start3A_78 = tpu.memref_slice %arg8[%dma_start3A_75, %dma_start3A_76, %dma_start3A_77] : memref<8x128x32xf32, #tpu.memory_space<vmem>> -> memref<1x128x32xf32, #tpu.memory_space<vmem>>
    %dma_start3A_79 = tpu.memref_squeeze %dma_start3A_78 : memref<1x128x32xf32, #tpu.memory_space<vmem>> -> memref<128x32xf32, #tpu.memory_space<vmem>>
    %dma_start3A_80 = arith.constant 0 : i32
    %dma_start3A_81 = tpu.memref_slice %arg6[%dma_start3A_74, %dma_start3A_80] : memref<80x128xi32, #tpu.memory_space<vmem>> -> memref<1x128xi32, #tpu.memory_space<vmem>>
    %dma_start3A_82 = tpu.memref_squeeze %dma_start3A_81 : memref<1x128xi32, #tpu.memory_space<vmem>> -> memref<128xi32, #tpu.memory_space<vmem>>
    %dma_start3A_83 = arith.constant 0 : i32
    %dma_start3A_84 = arith.constant 0 : i32
    %dma_start3A_85 = tpu.memref_slice %arg10[%dma_start3A_83, %dma_start3A_84] : memref<10112x32xf32, #tpu.memory_space<vmem_shared>> -> memref<10112x32xf32, #tpu.memory_space<vmem_shared>>
    tpu.enqueue_indirect_dma source(%dma_start3A_85 : memref<10112x32xf32, #tpu.memory_space<vmem_shared>>) target(%dma_start3A_79 : memref<128x32xf32, #tpu.memory_space<vmem>>) offsets(%dma_start3A_82 : memref<128xi32, #tpu.memory_space<vmem>>) semaphore(%arg15 : memref<!tpu.dma_semaphore, #tpu.memory_space<semaphore_mem>>)
    %dma_start3A_86 = arith.constant 5 : i32
    %dma_start3A_87 = arith.constant 5 : i32
    %dma_start3A_88 = arith.constant 0 : i32
    %dma_start3A_89 = arith.constant 0 : i32
    %dma_start3A_90 = tpu.memref_slice %arg8[%dma_start3A_87, %dma_start3A_88, %dma_start3A_89] : memref<8x128x32xf32, #tpu.memory_space<vmem>> -> memref<1x128x32xf32, #tpu.memory_space<vmem>>
    %dma_start3A_91 = tpu.memref_squeeze %dma_start3A_90 : memref<1x128x32xf32, #tpu.memory_space<vmem>> -> memref<128x32xf32, #tpu.memory_space<vmem>>
    %dma_start3A_92 = arith.constant 0 : i32
    %dma_start3A_93 = tpu.memref_slice %arg6[%dma_start3A_86, %dma_start3A_92] : memref<80x128xi32, #tpu.memory_space<vmem>> -> memref<1x128xi32, #tpu.memory_space<vmem>>
    %dma_start3A_94 = tpu.memref_squeeze %dma_start3A_93 : memref<1x128xi32, #tpu.memory_space<vmem>> -> memref<128xi32, #tpu.memory_space<vmem>>
    %dma_start3A_95 = arith.constant 0 : i32
    %dma_start3A_96 = arith.constant 0 : i32
    %dma_start3A_97 = tpu.memref_slice %arg10[%dma_start3A_95, %dma_start3A_96] : memref<10112x32xf32, #tpu.memory_space<vmem_shared>> -> memref<10112x32xf32, #tpu.memory_space<vmem_shared>>
    tpu.enqueue_indirect_dma source(%dma_start3A_97 : memref<10112x32xf32, #tpu.memory_space<vmem_shared>>) target(%dma_start3A_91 : memref<128x32xf32, #tpu.memory_space<vmem>>) offsets(%dma_start3A_94 : memref<128xi32, #tpu.memory_space<vmem>>) semaphore(%arg16 : memref<!tpu.dma_semaphore, #tpu.memory_space<semaphore_mem>>)
    %dma_start3A_98 = arith.constant 6 : i32
    %dma_start3A_99 = arith.constant 6 : i32
    %dma_start3A_100 = arith.constant 0 : i32
    %dma_start3A_101 = arith.constant 0 : i32
    %dma_start3A_102 = tpu.memref_slice %arg8[%dma_start3A_99, %dma_start3A_100, %dma_start3A_101] : memref<8x128x32xf32, #tpu.memory_space<vmem>> -> memref<1x128x32xf32, #tpu.memory_space<vmem>>
    %dma_start3A_103 = tpu.memref_squeeze %dma_start3A_102 : memref<1x128x32xf32, #tpu.memory_space<vmem>> -> memref<128x32xf32, #tpu.memory_space<vmem>>
    %dma_start3A_104 = arith.constant 0 : i32
    %dma_start3A_105 = tpu.memref_slice %arg6[%dma_start3A_98, %dma_start3A_104] : memref<80x128xi32, #tpu.memory_space<vmem>> -> memref<1x128xi32, #tpu.memory_space<vmem>>
    %dma_start3A_106 = tpu.memref_squeeze %dma_start3A_105 : memref<1x128xi32, #tpu.memory_space<vmem>> -> memref<128xi32, #tpu.memory_space<vmem>>
    %dma_start3A_107 = arith.constant 0 : i32
    %dma_start3A_108 = arith.constant 0 : i32
    %dma_start3A_109 = tpu.memref_slice %arg10[%dma_start3A_107, %dma_start3A_108] : memref<10112x32xf32, #tpu.memory_space<vmem_shared>> -> memref<10112x32xf32, #tpu.memory_space<vmem_shared>>
    tpu.enqueue_indirect_dma source(%dma_start3A_109 : memref<10112x32xf32, #tpu.memory_space<vmem_shared>>) target(%dma_start3A_103 : memref<128x32xf32, #tpu.memory_space<vmem>>) offsets(%dma_start3A_106 : memref<128xi32, #tpu.memory_space<vmem>>) semaphore(%arg17 : memref<!tpu.dma_semaphore, #tpu.memory_space<semaphore_mem>>)
    %dma_start3A_110 = arith.constant 7 : i32
    %dma_start3A_111 = arith.constant 7 : i32
    %dma_start3A_112 = arith.constant 0 : i32
    %dma_start3A_113 = arith.constant 0 : i32
    %dma_start3A_114 = tpu.memref_slice %arg8[%dma_start3A_111, %dma_start3A_112, %dma_start3A_113] : memref<8x128x32xf32, #tpu.memory_space<vmem>> -> memref<1x128x32xf32, #tpu.memory_space<vmem>>
    %dma_start3A_115 = tpu.memref_squeeze %dma_start3A_114 : memref<1x128x32xf32, #tpu.memory_space<vmem>> -> memref<128x32xf32, #tpu.memory_space<vmem>>
    %dma_start3A_116 = arith.constant 0 : i32
    %dma_start3A_117 = tpu.memref_slice %arg6[%dma_start3A_110, %dma_start3A_116] : memref<80x128xi32, #tpu.memory_space<vmem>> -> memref<1x128xi32, #tpu.memory_space<vmem>>
    %dma_start3A_118 = tpu.memref_squeeze %dma_start3A_117 : memref<1x128xi32, #tpu.memory_space<vmem>> -> memref<128xi32, #tpu.memory_space<vmem>>
    %dma_start3A_119 = arith.constant 0 : i32
    %dma_start3A_120 = arith.constant 0 : i32
    %dma_start3A_121 = tpu.memref_slice %arg10[%dma_start3A_119, %dma_start3A_120] : memref<10112x32xf32, #tpu.memory_space<vmem_shared>> -> memref<10112x32xf32, #tpu.memory_space<vmem_shared>>
    tpu.enqueue_indirect_dma source(%dma_start3A_121 : memref<10112x32xf32, #tpu.memory_space<vmem_shared>>) target(%dma_start3A_115 : memref<128x32xf32, #tpu.memory_space<vmem>>) offsets(%dma_start3A_118 : memref<128xi32, #tpu.memory_space<vmem>>) semaphore(%arg18 : memref<!tpu.dma_semaphore, #tpu.memory_space<semaphore_mem>>)
    %scan3A = arith.constant 0 : i32
    %scan3A_122 = arith.constant 0 : i32
    %scan3A_123 = arith.constant 10 : i32
    %scan3A_124 = arith.addi %scan3A_122, %scan3A_123 : i32
    %scan3A_125 = arith.constant 1 : i32
    scf.for %scan3A_128 = %scan3A_122 to %scan3A_124 step %scan3A_125  : i32 {
      %mul3A_129 = arith.constant 8 : i32
      %mul3A_130 = arith.muli %mul3A_129, %scan3A_128 : i32
      %add3A_131 = arith.constant 0 : i32
      %add3A_132 = arith.addi %mul3A_130, %add3A_131 : i32
      %add3A_133 = arith.constant 0 : i32
      %add3A_134 = arith.addi %add3A_132, %add3A_133 : i32
      %dma_wait3A = arith.constant 0 : i32
      %dma_wait3A_135 = arith.constant 0 : i32
      %dma_wait3A_136 = arith.constant 0 : i32
      %dma_wait3A_137 = tpu.memref_slice %arg8[%dma_wait3A, %dma_wait3A_135, %dma_wait3A_136] : memref<8x128x32xf32, #tpu.memory_space<vmem>> -> memref<1x128x32xf32, #tpu.memory_space<vmem>>
      %dma_wait3A_138 = tpu.memref_squeeze %dma_wait3A_137 : memref<1x128x32xf32, #tpu.memory_space<vmem>> -> memref<128x32xf32, #tpu.memory_space<vmem>>
      %dma_wait3A_139 = arith.constant 0 : i32
      %dma_wait3A_140 = tpu.memref_slice %arg6[%add3A_134, %dma_wait3A_139] : memref<80x128xi32, #tpu.memory_space<vmem>> -> memref<1x128xi32, #tpu.memory_space<vmem>>
      %dma_wait3A_141 = tpu.memref_squeeze %dma_wait3A_140 : memref<1x128xi32, #tpu.memory_space<vmem>> -> memref<128xi32, #tpu.memory_space<vmem>>
      %dma_wait3A_142 = arith.constant 0 : i32
      %dma_wait3A_143 = arith.constant 0 : i32
      %dma_wait3A_144 = tpu.memref_slice %arg10[%dma_wait3A_142, %dma_wait3A_143] : memref<10112x32xf32, #tpu.memory_space<vmem_shared>> -> memref<10112x32xf32, #tpu.memory_space<vmem_shared>>
      tpu.wait_indirect_dma semaphore(%arg11 : memref<!tpu.dma_semaphore, #tpu.memory_space<semaphore_mem>>) src(%dma_wait3A_144 : memref<10112x32xf32, #tpu.memory_space<vmem_shared>>) dst(%dma_wait3A_138 : memref<128x32xf32, #tpu.memory_space<vmem>>)
      %add3A_145 = arith.constant 0 : i32
      %add3A_146 = arith.addi %mul3A_130, %add3A_145 : i32
      %add3A_147 = arith.constant 1 : i32
      %add3A_148 = arith.addi %add3A_146, %add3A_147 : i32
      %dma_wait3A_149 = arith.constant 1 : i32
      %dma_wait3A_150 = arith.constant 0 : i32
      %dma_wait3A_151 = arith.constant 0 : i32
      %dma_wait3A_152 = tpu.memref_slice %arg8[%dma_wait3A_149, %dma_wait3A_150, %dma_wait3A_151] : memref<8x128x32xf32, #tpu.memory_space<vmem>> -> memref<1x128x32xf32, #tpu.memory_space<vmem>>
      %dma_wait3A_153 = tpu.memref_squeeze %dma_wait3A_152 : memref<1x128x32xf32, #tpu.memory_space<vmem>> -> memref<128x32xf32, #tpu.memory_space<vmem>>
      %dma_wait3A_154 = arith.constant 0 : i32
      %dma_wait3A_155 = tpu.memref_slice %arg6[%add3A_148, %dma_wait3A_154] : memref<80x128xi32, #tpu.memory_space<vmem>> -> memref<1x128xi32, #tpu.memory_space<vmem>>
      %dma_wait3A_156 = tpu.memref_squeeze %dma_wait3A_155 : memref<1x128xi32, #tpu.memory_space<vmem>> -> memref<128xi32, #tpu.memory_space<vmem>>
      %dma_wait3A_157 = arith.constant 0 : i32
      %dma_wait3A_158 = arith.constant 0 : i32
      %dma_wait3A_159 = tpu.memref_slice %arg10[%dma_wait3A_157, %dma_wait3A_158] : memref<10112x32xf32, #tpu.memory_space<vmem_shared>> -> memref<10112x32xf32, #tpu.memory_space<vmem_shared>>
      tpu.wait_indirect_dma semaphore(%arg12 : memref<!tpu.dma_semaphore, #tpu.memory_space<semaphore_mem>>) src(%dma_wait3A_159 : memref<10112x32xf32, #tpu.memory_space<vmem_shared>>) dst(%dma_wait3A_153 : memref<128x32xf32, #tpu.memory_space<vmem>>)
      %add3A_160 = arith.constant 0 : i32
      %add3A_161 = arith.addi %mul3A_130, %add3A_160 : i32
      %add3A_162 = arith.constant 2 : i32
      %add3A_163 = arith.addi %add3A_161, %add3A_162 : i32
      %dma_wait3A_164 = arith.constant 2 : i32
      %dma_wait3A_165 = arith.constant 0 : i32
      %dma_wait3A_166 = arith.constant 0 : i32
      %dma_wait3A_167 = tpu.memref_slice %arg8[%dma_wait3A_164, %dma_wait3A_165, %dma_wait3A_166] : memref<8x128x32xf32, #tpu.memory_space<vmem>> -> memref<1x128x32xf32, #tpu.memory_space<vmem>>
      %dma_wait3A_168 = tpu.memref_squeeze %dma_wait3A_167 : memref<1x128x32xf32, #tpu.memory_space<vmem>> -> memref<128x32xf32, #tpu.memory_space<vmem>>
      %dma_wait3A_169 = arith.constant 0 : i32
      %dma_wait3A_170 = tpu.memref_slice %arg6[%add3A_163, %dma_wait3A_169] : memref<80x128xi32, #tpu.memory_space<vmem>> -> memref<1x128xi32, #tpu.memory_space<vmem>>
      %dma_wait3A_171 = tpu.memref_squeeze %dma_wait3A_170 : memref<1x128xi32, #tpu.memory_space<vmem>> -> memref<128xi32, #tpu.memory_space<vmem>>
      %dma_wait3A_172 = arith.constant 0 : i32
      %dma_wait3A_173 = arith.constant 0 : i32
      %dma_wait3A_174 = tpu.memref_slice %arg10[%dma_wait3A_172, %dma_wait3A_173] : memref<10112x32xf32, #tpu.memory_space<vmem_shared>> -> memref<10112x32xf32, #tpu.memory_space<vmem_shared>>
      tpu.wait_indirect_dma semaphore(%arg13 : memref<!tpu.dma_semaphore, #tpu.memory_space<semaphore_mem>>) src(%dma_wait3A_174 : memref<10112x32xf32, #tpu.memory_space<vmem_shared>>) dst(%dma_wait3A_168 : memref<128x32xf32, #tpu.memory_space<vmem>>)
      %add3A_175 = arith.constant 0 : i32
      %add3A_176 = arith.addi %mul3A_130, %add3A_175 : i32
      %add3A_177 = arith.constant 3 : i32
      %add3A_178 = arith.addi %add3A_176, %add3A_177 : i32
      %dma_wait3A_179 = arith.constant 3 : i32
      %dma_wait3A_180 = arith.constant 0 : i32
      %dma_wait3A_181 = arith.constant 0 : i32
      %dma_wait3A_182 = tpu.memref_slice %arg8[%dma_wait3A_179, %dma_wait3A_180, %dma_wait3A_181] : memref<8x128x32xf32, #tpu.memory_space<vmem>> -> memref<1x128x32xf32, #tpu.memory_space<vmem>>
      %dma_wait3A_183 = tpu.memref_squeeze %dma_wait3A_182 : memref<1x128x32xf32, #tpu.memory_space<vmem>> -> memref<128x32xf32, #tpu.memory_space<vmem>>
      %dma_wait3A_184 = arith.constant 0 : i32
      %dma_wait3A_185 = tpu.memref_slice %arg6[%add3A_178, %dma_wait3A_184] : memref<80x128xi32, #tpu.memory_space<vmem>> -> memref<1x128xi32, #tpu.memory_space<vmem>>
      %dma_wait3A_186 = tpu.memref_squeeze %dma_wait3A_185 : memref<1x128xi32, #tpu.memory_space<vmem>> -> memref<128xi32, #tpu.memory_space<vmem>>
      %dma_wait3A_187 = arith.constant 0 : i32
      %dma_wait3A_188 = arith.constant 0 : i32
      %dma_wait3A_189 = tpu.memref_slice %arg10[%dma_wait3A_187, %dma_wait3A_188] : memref<10112x32xf32, #tpu.memory_space<vmem_shared>> -> memref<10112x32xf32, #tpu.memory_space<vmem_shared>>
      tpu.wait_indirect_dma semaphore(%arg14 : memref<!tpu.dma_semaphore, #tpu.memory_space<semaphore_mem>>) src(%dma_wait3A_189 : memref<10112x32xf32, #tpu.memory_space<vmem_shared>>) dst(%dma_wait3A_183 : memref<128x32xf32, #tpu.memory_space<vmem>>)
      %add3A_190 = arith.constant 0 : i32
      %add3A_191 = arith.addi %mul3A_130, %add3A_190 : i32
      %add3A_192 = arith.constant 0 : i32
      %add3A_193 = arith.addi %add3A_191, %add3A_192 : i32
      %dma_start3A_194 = arith.constant 0 : i32
      %dma_start3A_195 = arith.constant 0 : i32
      %dma_start3A_196 = arith.constant 0 : i32
      %dma_start3A_197 = tpu.memref_slice %arg8[%dma_start3A_194, %dma_start3A_195, %dma_start3A_196] : memref<8x128x32xf32, #tpu.memory_space<vmem>> -> memref<1x128x32xf32, #tpu.memory_space<vmem>>
      %dma_start3A_198 = tpu.memref_squeeze %dma_start3A_197 : memref<1x128x32xf32, #tpu.memory_space<vmem>> -> memref<128x32xf32, #tpu.memory_space<vmem>>
      %dma_start3A_199 = arith.constant 0 : i32
      %dma_start3A_200 = tpu.memref_slice %arg7[%add3A_193, %dma_start3A_199] : memref<80x128xi32, #tpu.memory_space<vmem>> -> memref<1x128xi32, #tpu.memory_space<vmem>>
      %dma_start3A_201 = tpu.memref_squeeze %dma_start3A_200 : memref<1x128xi32, #tpu.memory_space<vmem>> -> memref<128xi32, #tpu.memory_space<vmem>>
      %dma_start3A_202 = arith.constant 0 : i32
      %dma_start3A_203 = arith.constant 0 : i32
      %dma_start3A_204 = tpu.memref_slice %arg9[%dma_start3A_202, %dma_start3A_203] : memref<10112x32xf32, #tpu.memory_space<vmem_shared>> -> memref<10112x32xf32, #tpu.memory_space<vmem_shared>>
      tpu.enqueue_indirect_dma source(%dma_start3A_198 : memref<128x32xf32, #tpu.memory_space<vmem>>) target(%dma_start3A_204 : memref<10112x32xf32, #tpu.memory_space<vmem_shared>>) offsets(%dma_start3A_201 : memref<128xi32, #tpu.memory_space<vmem>>) semaphore(%arg19 : memref<!tpu.dma_semaphore, #tpu.memory_space<semaphore_mem>>) {add = true}
      %add3A_205 = arith.constant 0 : i32
      %add3A_206 = arith.addi %mul3A_130, %add3A_205 : i32
      %add3A_207 = arith.constant 1 : i32
      %add3A_208 = arith.addi %add3A_206, %add3A_207 : i32
      %dma_start3A_209 = arith.constant 1 : i32
      %dma_start3A_210 = arith.constant 0 : i32
      %dma_start3A_211 = arith.constant 0 : i32
      %dma_start3A_212 = tpu.memref_slice %arg8[%dma_start3A_209, %dma_start3A_210, %dma_start3A_211] : memref<8x128x32xf32, #tpu.memory_space<vmem>> -> memref<1x128x32xf32, #tpu.memory_space<vmem>>
      %dma_start3A_213 = tpu.memref_squeeze %dma_start3A_212 : memref<1x128x32xf32, #tpu.memory_space<vmem>> -> memref<128x32xf32, #tpu.memory_space<vmem>>
      %dma_start3A_214 = arith.constant 0 : i32
      %dma_start3A_215 = tpu.memref_slice %arg7[%add3A_208, %dma_start3A_214] : memref<80x128xi32, #tpu.memory_space<vmem>> -> memref<1x128xi32, #tpu.memory_space<vmem>>
      %dma_start3A_216 = tpu.memref_squeeze %dma_start3A_215 : memref<1x128xi32, #tpu.memory_space<vmem>> -> memref<128xi32, #tpu.memory_space<vmem>>
      %dma_start3A_217 = arith.constant 0 : i32
      %dma_start3A_218 = arith.constant 0 : i32
      %dma_start3A_219 = tpu.memref_slice %arg9[%dma_start3A_217, %dma_start3A_218] : memref<10112x32xf32, #tpu.memory_space<vmem_shared>> -> memref<10112x32xf32, #tpu.memory_space<vmem_shared>>
      tpu.enqueue_indirect_dma source(%dma_start3A_213 : memref<128x32xf32, #tpu.memory_space<vmem>>) target(%dma_start3A_219 : memref<10112x32xf32, #tpu.memory_space<vmem_shared>>) offsets(%dma_start3A_216 : memref<128xi32, #tpu.memory_space<vmem>>) semaphore(%arg20 : memref<!tpu.dma_semaphore, #tpu.memory_space<semaphore_mem>>) {add = true}
      %add3A_220 = arith.constant 0 : i32
      %add3A_221 = arith.addi %mul3A_130, %add3A_220 : i32
      %add3A_222 = arith.constant 2 : i32
      %add3A_223 = arith.addi %add3A_221, %add3A_222 : i32
      %dma_start3A_224 = arith.constant 2 : i32
      %dma_start3A_225 = arith.constant 0 : i32
      %dma_start3A_226 = arith.constant 0 : i32
      %dma_start3A_227 = tpu.memref_slice %arg8[%dma_start3A_224, %dma_start3A_225, %dma_start3A_226] : memref<8x128x32xf32, #tpu.memory_space<vmem>> -> memref<1x128x32xf32, #tpu.memory_space<vmem>>
      %dma_start3A_228 = tpu.memref_squeeze %dma_start3A_227 : memref<1x128x32xf32, #tpu.memory_space<vmem>> -> memref<128x32xf32, #tpu.memory_space<vmem>>
      %dma_start3A_229 = arith.constant 0 : i32
      %dma_start3A_230 = tpu.memref_slice %arg7[%add3A_223, %dma_start3A_229] : memref<80x128xi32, #tpu.memory_space<vmem>> -> memref<1x128xi32, #tpu.memory_space<vmem>>
      %dma_start3A_231 = tpu.memref_squeeze %dma_start3A_230 : memref<1x128xi32, #tpu.memory_space<vmem>> -> memref<128xi32, #tpu.memory_space<vmem>>
      %dma_start3A_232 = arith.constant 0 : i32
      %dma_start3A_233 = arith.constant 0 : i32
      %dma_start3A_234 = tpu.memref_slice %arg9[%dma_start3A_232, %dma_start3A_233] : memref<10112x32xf32, #tpu.memory_space<vmem_shared>> -> memref<10112x32xf32, #tpu.memory_space<vmem_shared>>
      tpu.enqueue_indirect_dma source(%dma_start3A_228 : memref<128x32xf32, #tpu.memory_space<vmem>>) target(%dma_start3A_234 : memref<10112x32xf32, #tpu.memory_space<vmem_shared>>) offsets(%dma_start3A_231 : memref<128xi32, #tpu.memory_space<vmem>>) semaphore(%arg21 : memref<!tpu.dma_semaphore, #tpu.memory_space<semaphore_mem>>) {add = true}
      %add3A_235 = arith.constant 0 : i32
      %add3A_236 = arith.addi %mul3A_130, %add3A_235 : i32
      %add3A_237 = arith.constant 3 : i32
      %add3A_238 = arith.addi %add3A_236, %add3A_237 : i32
      %dma_start3A_239 = arith.constant 3 : i32
      %dma_start3A_240 = arith.constant 0 : i32
      %dma_start3A_241 = arith.constant 0 : i32
      %dma_start3A_242 = tpu.memref_slice %arg8[%dma_start3A_239, %dma_start3A_240, %dma_start3A_241] : memref<8x128x32xf32, #tpu.memory_space<vmem>> -> memref<1x128x32xf32, #tpu.memory_space<vmem>>
      %dma_start3A_243 = tpu.memref_squeeze %dma_start3A_242 : memref<1x128x32xf32, #tpu.memory_space<vmem>> -> memref<128x32xf32, #tpu.memory_space<vmem>>
      %dma_start3A_244 = arith.constant 0 : i32
      %dma_start3A_245 = tpu.memref_slice %arg7[%add3A_238, %dma_start3A_244] : memref<80x128xi32, #tpu.memory_space<vmem>> -> memref<1x128xi32, #tpu.memory_space<vmem>>
      %dma_start3A_246 = tpu.memref_squeeze %dma_start3A_245 : memref<1x128xi32, #tpu.memory_space<vmem>> -> memref<128xi32, #tpu.memory_space<vmem>>
      %dma_start3A_247 = arith.constant 0 : i32
      %dma_start3A_248 = arith.constant 0 : i32
      %dma_start3A_249 = tpu.memref_slice %arg9[%dma_start3A_247, %dma_start3A_248] : memref<10112x32xf32, #tpu.memory_space<vmem_shared>> -> memref<10112x32xf32, #tpu.memory_space<vmem_shared>>
      tpu.enqueue_indirect_dma source(%dma_start3A_243 : memref<128x32xf32, #tpu.memory_space<vmem>>) target(%dma_start3A_249 : memref<10112x32xf32, #tpu.memory_space<vmem_shared>>) offsets(%dma_start3A_246 : memref<128xi32, #tpu.memory_space<vmem>>) semaphore(%arg22 : memref<!tpu.dma_semaphore, #tpu.memory_space<semaphore_mem>>) {add = true}
      %dma_wait3A_250 = arith.constant 0 : i32
      %dma_wait3A_251 = arith.constant 0 : i32
      %dma_wait3A_252 = arith.constant 0 : i32
      %dma_wait3A_253 = tpu.memref_slice %arg8[%dma_wait3A_250, %dma_wait3A_251, %dma_wait3A_252] : memref<8x128x32xf32, #tpu.memory_space<vmem>> -> memref<1x128x32xf32, #tpu.memory_space<vmem>>
      %dma_wait3A_254 = tpu.memref_squeeze %dma_wait3A_253 : memref<1x128x32xf32, #tpu.memory_space<vmem>> -> memref<128x32xf32, #tpu.memory_space<vmem>>
      %dma_wait3A_255 = arith.constant 0 : i32
      %dma_wait3A_256 = tpu.memref_slice %arg7[%add3A_193, %dma_wait3A_255] : memref<80x128xi32, #tpu.memory_space<vmem>> -> memref<1x128xi32, #tpu.memory_space<vmem>>
      %dma_wait3A_257 = tpu.memref_squeeze %dma_wait3A_256 : memref<1x128xi32, #tpu.memory_space<vmem>> -> memref<128xi32, #tpu.memory_space<vmem>>
      %dma_wait3A_258 = arith.constant 0 : i32
      %dma_wait3A_259 = arith.constant 0 : i32
      %dma_wait3A_260 = tpu.memref_slice %arg9[%dma_wait3A_258, %dma_wait3A_259] : memref<10112x32xf32, #tpu.memory_space<vmem_shared>> -> memref<10112x32xf32, #tpu.memory_space<vmem_shared>>
      tpu.wait_indirect_dma semaphore(%arg19 : memref<!tpu.dma_semaphore, #tpu.memory_space<semaphore_mem>>) src(%dma_wait3A_254 : memref<128x32xf32, #tpu.memory_space<vmem>>) dst(%dma_wait3A_260 : memref<10112x32xf32, #tpu.memory_space<vmem_shared>>)
      %dma_wait3A_261 = arith.constant 1 : i32
      %dma_wait3A_262 = arith.constant 0 : i32
      %dma_wait3A_263 = arith.constant 0 : i32
      %dma_wait3A_264 = tpu.memref_slice %arg8[%dma_wait3A_261, %dma_wait3A_262, %dma_wait3A_263] : memref<8x128x32xf32, #tpu.memory_space<vmem>> -> memref<1x128x32xf32, #tpu.memory_space<vmem>>
      %dma_wait3A_265 = tpu.memref_squeeze %dma_wait3A_264 : memref<1x128x32xf32, #tpu.memory_space<vmem>> -> memref<128x32xf32, #tpu.memory_space<vmem>>
      %dma_wait3A_266 = arith.constant 0 : i32
      %dma_wait3A_267 = tpu.memref_slice %arg7[%add3A_208, %dma_wait3A_266] : memref<80x128xi32, #tpu.memory_space<vmem>> -> memref<1x128xi32, #tpu.memory_space<vmem>>
      %dma_wait3A_268 = tpu.memref_squeeze %dma_wait3A_267 : memref<1x128xi32, #tpu.memory_space<vmem>> -> memref<128xi32, #tpu.memory_space<vmem>>
      %dma_wait3A_269 = arith.constant 0 : i32
      %dma_wait3A_270 = arith.constant 0 : i32
      %dma_wait3A_271 = tpu.memref_slice %arg9[%dma_wait3A_269, %dma_wait3A_270] : memref<10112x32xf32, #tpu.memory_space<vmem_shared>> -> memref<10112x32xf32, #tpu.memory_space<vmem_shared>>
      tpu.wait_indirect_dma semaphore(%arg20 : memref<!tpu.dma_semaphore, #tpu.memory_space<semaphore_mem>>) src(%dma_wait3A_265 : memref<128x32xf32, #tpu.memory_space<vmem>>) dst(%dma_wait3A_271 : memref<10112x32xf32, #tpu.memory_space<vmem_shared>>)
      %dma_wait3A_272 = arith.constant 2 : i32
      %dma_wait3A_273 = arith.constant 0 : i32
      %dma_wait3A_274 = arith.constant 0 : i32
      %dma_wait3A_275 = tpu.memref_slice %arg8[%dma_wait3A_272, %dma_wait3A_273, %dma_wait3A_274] : memref<8x128x32xf32, #tpu.memory_space<vmem>> -> memref<1x128x32xf32, #tpu.memory_space<vmem>>
      %dma_wait3A_276 = tpu.memref_squeeze %dma_wait3A_275 : memref<1x128x32xf32, #tpu.memory_space<vmem>> -> memref<128x32xf32, #tpu.memory_space<vmem>>
      %dma_wait3A_277 = arith.constant 0 : i32
      %dma_wait3A_278 = tpu.memref_slice %arg7[%add3A_223, %dma_wait3A_277] : memref<80x128xi32, #tpu.memory_space<vmem>> -> memref<1x128xi32, #tpu.memory_space<vmem>>
      %dma_wait3A_279 = tpu.memref_squeeze %dma_wait3A_278 : memref<1x128xi32, #tpu.memory_space<vmem>> -> memref<128xi32, #tpu.memory_space<vmem>>
      %dma_wait3A_280 = arith.constant 0 : i32
      %dma_wait3A_281 = arith.constant 0 : i32
      %dma_wait3A_282 = tpu.memref_slice %arg9[%dma_wait3A_280, %dma_wait3A_281] : memref<10112x32xf32, #tpu.memory_space<vmem_shared>> -> memref<10112x32xf32, #tpu.memory_space<vmem_shared>>
      tpu.wait_indirect_dma semaphore(%arg21 : memref<!tpu.dma_semaphore, #tpu.memory_space<semaphore_mem>>) src(%dma_wait3A_276 : memref<128x32xf32, #tpu.memory_space<vmem>>) dst(%dma_wait3A_282 : memref<10112x32xf32, #tpu.memory_space<vmem_shared>>)
      %dma_wait3A_283 = arith.constant 3 : i32
      %dma_wait3A_284 = arith.constant 0 : i32
      %dma_wait3A_285 = arith.constant 0 : i32
      %dma_wait3A_286 = tpu.memref_slice %arg8[%dma_wait3A_283, %dma_wait3A_284, %dma_wait3A_285] : memref<8x128x32xf32, #tpu.memory_space<vmem>> -> memref<1x128x32xf32, #tpu.memory_space<vmem>>
      %dma_wait3A_287 = tpu.memref_squeeze %dma_wait3A_286 : memref<1x128x32xf32, #tpu.memory_space<vmem>> -> memref<128x32xf32, #tpu.memory_space<vmem>>
      %dma_wait3A_288 = arith.constant 0 : i32
      %dma_wait3A_289 = tpu.memref_slice %arg7[%add3A_238, %dma_wait3A_288] : memref<80x128xi32, #tpu.memory_space<vmem>> -> memref<1x128xi32, #tpu.memory_space<vmem>>
      %dma_wait3A_290 = tpu.memref_squeeze %dma_wait3A_289 : memref<1x128xi32, #tpu.memory_space<vmem>> -> memref<128xi32, #tpu.memory_space<vmem>>
      %dma_wait3A_291 = arith.constant 0 : i32
      %dma_wait3A_292 = arith.constant 0 : i32
      %dma_wait3A_293 = tpu.memref_slice %arg9[%dma_wait3A_291, %dma_wait3A_292] : memref<10112x32xf32, #tpu.memory_space<vmem_shared>> -> memref<10112x32xf32, #tpu.memory_space<vmem_shared>>
      tpu.wait_indirect_dma semaphore(%arg22 : memref<!tpu.dma_semaphore, #tpu.memory_space<semaphore_mem>>) src(%dma_wait3A_287 : memref<128x32xf32, #tpu.memory_space<vmem>>) dst(%dma_wait3A_293 : memref<10112x32xf32, #tpu.memory_space<vmem_shared>>)
      %lt3A_294 = arith.constant 9 : i32
      %lt3A_295 = arith.cmpi slt, %scan3A_128, %lt3A_294 : i32
      %convert_element_type3A_296 = arith.extui %lt3A_295 : i1 to i32
      %cond3A_297 = arith.constant 0 : i32
      %cond3A_298 = arith.cmpi ne, %convert_element_type3A_296, %cond3A_297 : i32
      scf.if %cond3A_298 {
        %add3A_468 = arith.constant 8 : i32
        %add3A_469 = arith.addi %mul3A_130, %add3A_468 : i32
        %add3A_470 = arith.constant 0 : i32
        %add3A_471 = arith.addi %add3A_469, %add3A_470 : i32
        %add3A_472 = arith.constant 0 : i32
        %add3A_473 = arith.addi %add3A_471, %add3A_472 : i32
        %dma_start3A_474 = arith.constant 0 : i32
        %dma_start3A_475 = arith.constant 0 : i32
        %dma_start3A_476 = arith.constant 0 : i32
        %dma_start3A_477 = tpu.memref_slice %arg8[%dma_start3A_474, %dma_start3A_475, %dma_start3A_476] : memref<8x128x32xf32, #tpu.memory_space<vmem>> -> memref<1x128x32xf32, #tpu.memory_space<vmem>>
        %dma_start3A_478 = tpu.memref_squeeze %dma_start3A_477 : memref<1x128x32xf32, #tpu.memory_space<vmem>> -> memref<128x32xf32, #tpu.memory_space<vmem>>
        %dma_start3A_479 = arith.constant 0 : i32
        %dma_start3A_480 = tpu.memref_slice %arg6[%add3A_473, %dma_start3A_479] : memref<80x128xi32, #tpu.memory_space<vmem>> -> memref<1x128xi32, #tpu.memory_space<vmem>>
        %dma_start3A_481 = tpu.memref_squeeze %dma_start3A_480 : memref<1x128xi32, #tpu.memory_space<vmem>> -> memref<128xi32, #tpu.memory_space<vmem>>
        %dma_start3A_482 = arith.constant 0 : i32
        %dma_start3A_483 = arith.constant 0 : i32
        %dma_start3A_484 = tpu.memref_slice %arg10[%dma_start3A_482, %dma_start3A_483] : memref<10112x32xf32, #tpu.memory_space<vmem_shared>> -> memref<10112x32xf32, #tpu.memory_space<vmem_shared>>
        tpu.enqueue_indirect_dma source(%dma_start3A_484 : memref<10112x32xf32, #tpu.memory_space<vmem_shared>>) target(%dma_start3A_478 : memref<128x32xf32, #tpu.memory_space<vmem>>) offsets(%dma_start3A_481 : memref<128xi32, #tpu.memory_space<vmem>>) semaphore(%arg11 : memref<!tpu.dma_semaphore, #tpu.memory_space<semaphore_mem>>)
        %add3A_485 = arith.constant 8 : i32
        %add3A_486 = arith.addi %mul3A_130, %add3A_485 : i32
        %add3A_487 = arith.constant 0 : i32
        %add3A_488 = arith.addi %add3A_486, %add3A_487 : i32
        %add3A_489 = arith.constant 1 : i32
        %add3A_490 = arith.addi %add3A_488, %add3A_489 : i32
        %dma_start3A_491 = arith.constant 1 : i32
        %dma_start3A_492 = arith.constant 0 : i32
        %dma_start3A_493 = arith.constant 0 : i32
        %dma_start3A_494 = tpu.memref_slice %arg8[%dma_start3A_491, %dma_start3A_492, %dma_start3A_493] : memref<8x128x32xf32, #tpu.memory_space<vmem>> -> memref<1x128x32xf32, #tpu.memory_space<vmem>>
        %dma_start3A_495 = tpu.memref_squeeze %dma_start3A_494 : memref<1x128x32xf32, #tpu.memory_space<vmem>> -> memref<128x32xf32, #tpu.memory_space<vmem>>
        %dma_start3A_496 = arith.constant 0 : i32
        %dma_start3A_497 = tpu.memref_slice %arg6[%add3A_490, %dma_start3A_496] : memref<80x128xi32, #tpu.memory_space<vmem>> -> memref<1x128xi32, #tpu.memory_space<vmem>>
        %dma_start3A_498 = tpu.memref_squeeze %dma_start3A_497 : memref<1x128xi32, #tpu.memory_space<vmem>> -> memref<128xi32, #tpu.memory_space<vmem>>
        %dma_start3A_499 = arith.constant 0 : i32
        %dma_start3A_500 = arith.constant 0 : i32
        %dma_start3A_501 = tpu.memref_slice %arg10[%dma_start3A_499, %dma_start3A_500] : memref<10112x32xf32, #tpu.memory_space<vmem_shared>> -> memref<10112x32xf32, #tpu.memory_space<vmem_shared>>
        tpu.enqueue_indirect_dma source(%dma_start3A_501 : memref<10112x32xf32, #tpu.memory_space<vmem_shared>>) target(%dma_start3A_495 : memref<128x32xf32, #tpu.memory_space<vmem>>) offsets(%dma_start3A_498 : memref<128xi32, #tpu.memory_space<vmem>>) semaphore(%arg12 : memref<!tpu.dma_semaphore, #tpu.memory_space<semaphore_mem>>)
        %add3A_502 = arith.constant 8 : i32
        %add3A_503 = arith.addi %mul3A_130, %add3A_502 : i32
        %add3A_504 = arith.constant 0 : i32
        %add3A_505 = arith.addi %add3A_503, %add3A_504 : i32
        %add3A_506 = arith.constant 2 : i32
        %add3A_507 = arith.addi %add3A_505, %add3A_506 : i32
        %dma_start3A_508 = arith.constant 2 : i32
        %dma_start3A_509 = arith.constant 0 : i32
        %dma_start3A_510 = arith.constant 0 : i32
        %dma_start3A_511 = tpu.memref_slice %arg8[%dma_start3A_508, %dma_start3A_509, %dma_start3A_510] : memref<8x128x32xf32, #tpu.memory_space<vmem>> -> memref<1x128x32xf32, #tpu.memory_space<vmem>>
        %dma_start3A_512 = tpu.memref_squeeze %dma_start3A_511 : memref<1x128x32xf32, #tpu.memory_space<vmem>> -> memref<128x32xf32, #tpu.memory_space<vmem>>
        %dma_start3A_513 = arith.constant 0 : i32
        %dma_start3A_514 = tpu.memref_slice %arg6[%add3A_507, %dma_start3A_513] : memref<80x128xi32, #tpu.memory_space<vmem>> -> memref<1x128xi32, #tpu.memory_space<vmem>>
        %dma_start3A_515 = tpu.memref_squeeze %dma_start3A_514 : memref<1x128xi32, #tpu.memory_space<vmem>> -> memref<128xi32, #tpu.memory_space<vmem>>
        %dma_start3A_516 = arith.constant 0 : i32
        %dma_start3A_517 = arith.constant 0 : i32
        %dma_start3A_518 = tpu.memref_slice %arg10[%dma_start3A_516, %dma_start3A_517] : memref<10112x32xf32, #tpu.memory_space<vmem_shared>> -> memref<10112x32xf32, #tpu.memory_space<vmem_shared>>
        tpu.enqueue_indirect_dma source(%dma_start3A_518 : memref<10112x32xf32, #tpu.memory_space<vmem_shared>>) target(%dma_start3A_512 : memref<128x32xf32, #tpu.memory_space<vmem>>) offsets(%dma_start3A_515 : memref<128xi32, #tpu.memory_space<vmem>>) semaphore(%arg13 : memref<!tpu.dma_semaphore, #tpu.memory_space<semaphore_mem>>)
        %add3A_519 = arith.constant 8 : i32
        %add3A_520 = arith.addi %mul3A_130, %add3A_519 : i32
        %add3A_521 = arith.constant 0 : i32
        %add3A_522 = arith.addi %add3A_520, %add3A_521 : i32
        %add3A_523 = arith.constant 3 : i32
        %add3A_524 = arith.addi %add3A_522, %add3A_523 : i32
        %dma_start3A_525 = arith.constant 3 : i32
        %dma_start3A_526 = arith.constant 0 : i32
        %dma_start3A_527 = arith.constant 0 : i32
        %dma_start3A_528 = tpu.memref_slice %arg8[%dma_start3A_525, %dma_start3A_526, %dma_start3A_527] : memref<8x128x32xf32, #tpu.memory_space<vmem>> -> memref<1x128x32xf32, #tpu.memory_space<vmem>>
        %dma_start3A_529 = tpu.memref_squeeze %dma_start3A_528 : memref<1x128x32xf32, #tpu.memory_space<vmem>> -> memref<128x32xf32, #tpu.memory_space<vmem>>
        %dma_start3A_530 = arith.constant 0 : i32
        %dma_start3A_531 = tpu.memref_slice %arg6[%add3A_524, %dma_start3A_530] : memref<80x128xi32, #tpu.memory_space<vmem>> -> memref<1x128xi32, #tpu.memory_space<vmem>>
        %dma_start3A_532 = tpu.memref_squeeze %dma_start3A_531 : memref<1x128xi32, #tpu.memory_space<vmem>> -> memref<128xi32, #tpu.memory_space<vmem>>
        %dma_start3A_533 = arith.constant 0 : i32
        %dma_start3A_534 = arith.constant 0 : i32
        %dma_start3A_535 = tpu.memref_slice %arg10[%dma_start3A_533, %dma_start3A_534] : memref<10112x32xf32, #tpu.memory_space<vmem_shared>> -> memref<10112x32xf32, #tpu.memory_space<vmem_shared>>
        tpu.enqueue_indirect_dma source(%dma_start3A_535 : memref<10112x32xf32, #tpu.memory_space<vmem_shared>>) target(%dma_start3A_529 : memref<128x32xf32, #tpu.memory_space<vmem>>) offsets(%dma_start3A_532 : memref<128xi32, #tpu.memory_space<vmem>>) semaphore(%arg14 : memref<!tpu.dma_semaphore, #tpu.memory_space<semaphore_mem>>)
      } else {
      }
      %add3A_299 = arith.constant 4 : i32
      %add3A_300 = arith.addi %mul3A_130, %add3A_299 : i32
      %add3A_301 = arith.constant 0 : i32
      %add3A_302 = arith.addi %add3A_300, %add3A_301 : i32
      %dma_wait3A_303 = arith.constant 4 : i32
      %dma_wait3A_304 = arith.constant 0 : i32
      %dma_wait3A_305 = arith.constant 0 : i32
      %dma_wait3A_306 = tpu.memref_slice %arg8[%dma_wait3A_303, %dma_wait3A_304, %dma_wait3A_305] : memref<8x128x32xf32, #tpu.memory_space<vmem>> -> memref<1x128x32xf32, #tpu.memory_space<vmem>>
      %dma_wait3A_307 = tpu.memref_squeeze %dma_wait3A_306 : memref<1x128x32xf32, #tpu.memory_space<vmem>> -> memref<128x32xf32, #tpu.memory_space<vmem>>
      %dma_wait3A_308 = arith.constant 0 : i32
      %dma_wait3A_309 = tpu.memref_slice %arg6[%add3A_302, %dma_wait3A_308] : memref<80x128xi32, #tpu.memory_space<vmem>> -> memref<1x128xi32, #tpu.memory_space<vmem>>
      %dma_wait3A_310 = tpu.memref_squeeze %dma_wait3A_309 : memref<1x128xi32, #tpu.memory_space<vmem>> -> memref<128xi32, #tpu.memory_space<vmem>>
      %dma_wait3A_311 = arith.constant 0 : i32
      %dma_wait3A_312 = arith.constant 0 : i32
      %dma_wait3A_313 = tpu.memref_slice %arg10[%dma_wait3A_311, %dma_wait3A_312] : memref<10112x32xf32, #tpu.memory_space<vmem_shared>> -> memref<10112x32xf32, #tpu.memory_space<vmem_shared>>
      tpu.wait_indirect_dma semaphore(%arg15 : memref<!tpu.dma_semaphore, #tpu.memory_space<semaphore_mem>>) src(%dma_wait3A_313 : memref<10112x32xf32, #tpu.memory_space<vmem_shared>>) dst(%dma_wait3A_307 : memref<128x32xf32, #tpu.memory_space<vmem>>)
      %add3A_314 = arith.constant 4 : i32
      %add3A_315 = arith.addi %mul3A_130, %add3A_314 : i32
      %add3A_316 = arith.constant 1 : i32
      %add3A_317 = arith.addi %add3A_315, %add3A_316 : i32
      %dma_wait3A_318 = arith.constant 5 : i32
      %dma_wait3A_319 = arith.constant 0 : i32
      %dma_wait3A_320 = arith.constant 0 : i32
      %dma_wait3A_321 = tpu.memref_slice %arg8[%dma_wait3A_318, %dma_wait3A_319, %dma_wait3A_320] : memref<8x128x32xf32, #tpu.memory_space<vmem>> -> memref<1x128x32xf32, #tpu.memory_space<vmem>>
      %dma_wait3A_322 = tpu.memref_squeeze %dma_wait3A_321 : memref<1x128x32xf32, #tpu.memory_space<vmem>> -> memref<128x32xf32, #tpu.memory_space<vmem>>
      %dma_wait3A_323 = arith.constant 0 : i32
      %dma_wait3A_324 = tpu.memref_slice %arg6[%add3A_317, %dma_wait3A_323] : memref<80x128xi32, #tpu.memory_space<vmem>> -> memref<1x128xi32, #tpu.memory_space<vmem>>
      %dma_wait3A_325 = tpu.memref_squeeze %dma_wait3A_324 : memref<1x128xi32, #tpu.memory_space<vmem>> -> memref<128xi32, #tpu.memory_space<vmem>>
      %dma_wait3A_326 = arith.constant 0 : i32
      %dma_wait3A_327 = arith.constant 0 : i32
      %dma_wait3A_328 = tpu.memref_slice %arg10[%dma_wait3A_326, %dma_wait3A_327] : memref<10112x32xf32, #tpu.memory_space<vmem_shared>> -> memref<10112x32xf32, #tpu.memory_space<vmem_shared>>
      tpu.wait_indirect_dma semaphore(%arg16 : memref<!tpu.dma_semaphore, #tpu.memory_space<semaphore_mem>>) src(%dma_wait3A_328 : memref<10112x32xf32, #tpu.memory_space<vmem_shared>>) dst(%dma_wait3A_322 : memref<128x32xf32, #tpu.memory_space<vmem>>)
      %add3A_329 = arith.constant 4 : i32
      %add3A_330 = arith.addi %mul3A_130, %add3A_329 : i32
      %add3A_331 = arith.constant 2 : i32
      %add3A_332 = arith.addi %add3A_330, %add3A_331 : i32
      %dma_wait3A_333 = arith.constant 6 : i32
      %dma_wait3A_334 = arith.constant 0 : i32
      %dma_wait3A_335 = arith.constant 0 : i32
      %dma_wait3A_336 = tpu.memref_slice %arg8[%dma_wait3A_333, %dma_wait3A_334, %dma_wait3A_335] : memref<8x128x32xf32, #tpu.memory_space<vmem>> -> memref<1x128x32xf32, #tpu.memory_space<vmem>>
      %dma_wait3A_337 = tpu.memref_squeeze %dma_wait3A_336 : memref<1x128x32xf32, #tpu.memory_space<vmem>> -> memref<128x32xf32, #tpu.memory_space<vmem>>
      %dma_wait3A_338 = arith.constant 0 : i32
      %dma_wait3A_339 = tpu.memref_slice %arg6[%add3A_332, %dma_wait3A_338] : memref<80x128xi32, #tpu.memory_space<vmem>> -> memref<1x128xi32, #tpu.memory_space<vmem>>
      %dma_wait3A_340 = tpu.memref_squeeze %dma_wait3A_339 : memref<1x128xi32, #tpu.memory_space<vmem>> -> memref<128xi32, #tpu.memory_space<vmem>>
      %dma_wait3A_341 = arith.constant 0 : i32
      %dma_wait3A_342 = arith.constant 0 : i32
      %dma_wait3A_343 = tpu.memref_slice %arg10[%dma_wait3A_341, %dma_wait3A_342] : memref<10112x32xf32, #tpu.memory_space<vmem_shared>> -> memref<10112x32xf32, #tpu.memory_space<vmem_shared>>
      tpu.wait_indirect_dma semaphore(%arg17 : memref<!tpu.dma_semaphore, #tpu.memory_space<semaphore_mem>>) src(%dma_wait3A_343 : memref<10112x32xf32, #tpu.memory_space<vmem_shared>>) dst(%dma_wait3A_337 : memref<128x32xf32, #tpu.memory_space<vmem>>)
      %add3A_344 = arith.constant 4 : i32
      %add3A_345 = arith.addi %mul3A_130, %add3A_344 : i32
      %add3A_346 = arith.constant 3 : i32
      %add3A_347 = arith.addi %add3A_345, %add3A_346 : i32
      %dma_wait3A_348 = arith.constant 7 : i32
      %dma_wait3A_349 = arith.constant 0 : i32
      %dma_wait3A_350 = arith.constant 0 : i32
      %dma_wait3A_351 = tpu.memref_slice %arg8[%dma_wait3A_348, %dma_wait3A_349, %dma_wait3A_350] : memref<8x128x32xf32, #tpu.memory_space<vmem>> -> memref<1x128x32xf32, #tpu.memory_space<vmem>>
      %dma_wait3A_352 = tpu.memref_squeeze %dma_wait3A_351 : memref<1x128x32xf32, #tpu.memory_space<vmem>> -> memref<128x32xf32, #tpu.memory_space<vmem>>
      %dma_wait3A_353 = arith.constant 0 : i32
      %dma_wait3A_354 = tpu.memref_slice %arg6[%add3A_347, %dma_wait3A_353] : memref<80x128xi32, #tpu.memory_space<vmem>> -> memref<1x128xi32, #tpu.memory_space<vmem>>
      %dma_wait3A_355 = tpu.memref_squeeze %dma_wait3A_354 : memref<1x128xi32, #tpu.memory_space<vmem>> -> memref<128xi32, #tpu.memory_space<vmem>>
      %dma_wait3A_356 = arith.constant 0 : i32
      %dma_wait3A_357 = arith.constant 0 : i32
      %dma_wait3A_358 = tpu.memref_slice %arg10[%dma_wait3A_356, %dma_wait3A_357] : memref<10112x32xf32, #tpu.memory_space<vmem_shared>> -> memref<10112x32xf32, #tpu.memory_space<vmem_shared>>
      tpu.wait_indirect_dma semaphore(%arg18 : memref<!tpu.dma_semaphore, #tpu.memory_space<semaphore_mem>>) src(%dma_wait3A_358 : memref<10112x32xf32, #tpu.memory_space<vmem_shared>>) dst(%dma_wait3A_352 : memref<128x32xf32, #tpu.memory_space<vmem>>)
      %add3A_359 = arith.constant 4 : i32
      %add3A_360 = arith.addi %mul3A_130, %add3A_359 : i32
      %add3A_361 = arith.constant 0 : i32
      %add3A_362 = arith.addi %add3A_360, %add3A_361 : i32
      %dma_start3A_363 = arith.constant 4 : i32
      %dma_start3A_364 = arith.constant 0 : i32
      %dma_start3A_365 = arith.constant 0 : i32
      %dma_start3A_366 = tpu.memref_slice %arg8[%dma_start3A_363, %dma_start3A_364, %dma_start3A_365] : memref<8x128x32xf32, #tpu.memory_space<vmem>> -> memref<1x128x32xf32, #tpu.memory_space<vmem>>
      %dma_start3A_367 = tpu.memref_squeeze %dma_start3A_366 : memref<1x128x32xf32, #tpu.memory_space<vmem>> -> memref<128x32xf32, #tpu.memory_space<vmem>>
      %dma_start3A_368 = arith.constant 0 : i32
      %dma_start3A_369 = tpu.memref_slice %arg7[%add3A_362, %dma_start3A_368] : memref<80x128xi32, #tpu.memory_space<vmem>> -> memref<1x128xi32, #tpu.memory_space<vmem>>
      %dma_start3A_370 = tpu.memref_squeeze %dma_start3A_369 : memref<1x128xi32, #tpu.memory_space<vmem>> -> memref<128xi32, #tpu.memory_space<vmem>>
      %dma_start3A_371 = arith.constant 0 : i32
      %dma_start3A_372 = arith.constant 0 : i32
      %dma_start3A_373 = tpu.memref_slice %arg9[%dma_start3A_371, %dma_start3A_372] : memref<10112x32xf32, #tpu.memory_space<vmem_shared>> -> memref<10112x32xf32, #tpu.memory_space<vmem_shared>>
      tpu.enqueue_indirect_dma source(%dma_start3A_367 : memref<128x32xf32, #tpu.memory_space<vmem>>) target(%dma_start3A_373 : memref<10112x32xf32, #tpu.memory_space<vmem_shared>>) offsets(%dma_start3A_370 : memref<128xi32, #tpu.memory_space<vmem>>) semaphore(%arg23 : memref<!tpu.dma_semaphore, #tpu.memory_space<semaphore_mem>>) {add = true}
      %add3A_374 = arith.constant 4 : i32
      %add3A_375 = arith.addi %mul3A_130, %add3A_374 : i32
      %add3A_376 = arith.constant 1 : i32
      %add3A_377 = arith.addi %add3A_375, %add3A_376 : i32
      %dma_start3A_378 = arith.constant 5 : i32
      %dma_start3A_379 = arith.constant 0 : i32
      %dma_start3A_380 = arith.constant 0 : i32
      %dma_start3A_381 = tpu.memref_slice %arg8[%dma_start3A_378, %dma_start3A_379, %dma_start3A_380] : memref<8x128x32xf32, #tpu.memory_space<vmem>> -> memref<1x128x32xf32, #tpu.memory_space<vmem>>
      %dma_start3A_382 = tpu.memref_squeeze %dma_start3A_381 : memref<1x128x32xf32, #tpu.memory_space<vmem>> -> memref<128x32xf32, #tpu.memory_space<vmem>>
      %dma_start3A_383 = arith.constant 0 : i32
      %dma_start3A_384 = tpu.memref_slice %arg7[%add3A_377, %dma_start3A_383] : memref<80x128xi32, #tpu.memory_space<vmem>> -> memref<1x128xi32, #tpu.memory_space<vmem>>
      %dma_start3A_385 = tpu.memref_squeeze %dma_start3A_384 : memref<1x128xi32, #tpu.memory_space<vmem>> -> memref<128xi32, #tpu.memory_space<vmem>>
      %dma_start3A_386 = arith.constant 0 : i32
      %dma_start3A_387 = arith.constant 0 : i32
      %dma_start3A_388 = tpu.memref_slice %arg9[%dma_start3A_386, %dma_start3A_387] : memref<10112x32xf32, #tpu.memory_space<vmem_shared>> -> memref<10112x32xf32, #tpu.memory_space<vmem_shared>>
      tpu.enqueue_indirect_dma source(%dma_start3A_382 : memref<128x32xf32, #tpu.memory_space<vmem>>) target(%dma_start3A_388 : memref<10112x32xf32, #tpu.memory_space<vmem_shared>>) offsets(%dma_start3A_385 : memref<128xi32, #tpu.memory_space<vmem>>) semaphore(%arg24 : memref<!tpu.dma_semaphore, #tpu.memory_space<semaphore_mem>>) {add = true}
      %add3A_389 = arith.constant 4 : i32
      %add3A_390 = arith.addi %mul3A_130, %add3A_389 : i32
      %add3A_391 = arith.constant 2 : i32
      %add3A_392 = arith.addi %add3A_390, %add3A_391 : i32
      %dma_start3A_393 = arith.constant 6 : i32
      %dma_start3A_394 = arith.constant 0 : i32
      %dma_start3A_395 = arith.constant 0 : i32
      %dma_start3A_396 = tpu.memref_slice %arg8[%dma_start3A_393, %dma_start3A_394, %dma_start3A_395] : memref<8x128x32xf32, #tpu.memory_space<vmem>> -> memref<1x128x32xf32, #tpu.memory_space<vmem>>
      %dma_start3A_397 = tpu.memref_squeeze %dma_start3A_396 : memref<1x128x32xf32, #tpu.memory_space<vmem>> -> memref<128x32xf32, #tpu.memory_space<vmem>>
      %dma_start3A_398 = arith.constant 0 : i32
      %dma_start3A_399 = tpu.memref_slice %arg7[%add3A_392, %dma_start3A_398] : memref<80x128xi32, #tpu.memory_space<vmem>> -> memref<1x128xi32, #tpu.memory_space<vmem>>
      %dma_start3A_400 = tpu.memref_squeeze %dma_start3A_399 : memref<1x128xi32, #tpu.memory_space<vmem>> -> memref<128xi32, #tpu.memory_space<vmem>>
      %dma_start3A_401 = arith.constant 0 : i32
      %dma_start3A_402 = arith.constant 0 : i32
      %dma_start3A_403 = tpu.memref_slice %arg9[%dma_start3A_401, %dma_start3A_402] : memref<10112x32xf32, #tpu.memory_space<vmem_shared>> -> memref<10112x32xf32, #tpu.memory_space<vmem_shared>>
      tpu.enqueue_indirect_dma source(%dma_start3A_397 : memref<128x32xf32, #tpu.memory_space<vmem>>) target(%dma_start3A_403 : memref<10112x32xf32, #tpu.memory_space<vmem_shared>>) offsets(%dma_start3A_400 : memref<128xi32, #tpu.memory_space<vmem>>) semaphore(%arg25 : memref<!tpu.dma_semaphore, #tpu.memory_space<semaphore_mem>>) {add = true}
      %add3A_404 = arith.constant 4 : i32
      %add3A_405 = arith.addi %mul3A_130, %add3A_404 : i32
      %add3A_406 = arith.constant 3 : i32
      %add3A_407 = arith.addi %add3A_405, %add3A_406 : i32
      %dma_start3A_408 = arith.constant 7 : i32
      %dma_start3A_409 = arith.constant 0 : i32
      %dma_start3A_410 = arith.constant 0 : i32
      %dma_start3A_411 = tpu.memref_slice %arg8[%dma_start3A_408, %dma_start3A_409, %dma_start3A_410] : memref<8x128x32xf32, #tpu.memory_space<vmem>> -> memref<1x128x32xf32, #tpu.memory_space<vmem>>
      %dma_start3A_412 = tpu.memref_squeeze %dma_start3A_411 : memref<1x128x32xf32, #tpu.memory_space<vmem>> -> memref<128x32xf32, #tpu.memory_space<vmem>>
      %dma_start3A_413 = arith.constant 0 : i32
      %dma_start3A_414 = tpu.memref_slice %arg7[%add3A_407, %dma_start3A_413] : memref<80x128xi32, #tpu.memory_space<vmem>> -> memref<1x128xi32, #tpu.memory_space<vmem>>
      %dma_start3A_415 = tpu.memref_squeeze %dma_start3A_414 : memref<1x128xi32, #tpu.memory_space<vmem>> -> memref<128xi32, #tpu.memory_space<vmem>>
      %dma_start3A_416 = arith.constant 0 : i32
      %dma_start3A_417 = arith.constant 0 : i32
      %dma_start3A_418 = tpu.memref_slice %arg9[%dma_start3A_416, %dma_start3A_417] : memref<10112x32xf32, #tpu.memory_space<vmem_shared>> -> memref<10112x32xf32, #tpu.memory_space<vmem_shared>>
      tpu.enqueue_indirect_dma source(%dma_start3A_412 : memref<128x32xf32, #tpu.memory_space<vmem>>) target(%dma_start3A_418 : memref<10112x32xf32, #tpu.memory_space<vmem_shared>>) offsets(%dma_start3A_415 : memref<128xi32, #tpu.memory_space<vmem>>) semaphore(%arg26 : memref<!tpu.dma_semaphore, #tpu.memory_space<semaphore_mem>>) {add = true}
      %dma_wait3A_419 = arith.constant 4 : i32
      %dma_wait3A_420 = arith.constant 0 : i32
      %dma_wait3A_421 = arith.constant 0 : i32
      %dma_wait3A_422 = tpu.memref_slice %arg8[%dma_wait3A_419, %dma_wait3A_420, %dma_wait3A_421] : memref<8x128x32xf32, #tpu.memory_space<vmem>> -> memref<1x128x32xf32, #tpu.memory_space<vmem>>
      %dma_wait3A_423 = tpu.memref_squeeze %dma_wait3A_422 : memref<1x128x32xf32, #tpu.memory_space<vmem>> -> memref<128x32xf32, #tpu.memory_space<vmem>>
      %dma_wait3A_424 = arith.constant 0 : i32
      %dma_wait3A_425 = tpu.memref_slice %arg7[%add3A_362, %dma_wait3A_424] : memref<80x128xi32, #tpu.memory_space<vmem>> -> memref<1x128xi32, #tpu.memory_space<vmem>>
      %dma_wait3A_426 = tpu.memref_squeeze %dma_wait3A_425 : memref<1x128xi32, #tpu.memory_space<vmem>> -> memref<128xi32, #tpu.memory_space<vmem>>
      %dma_wait3A_427 = arith.constant 0 : i32
      %dma_wait3A_428 = arith.constant 0 : i32
      %dma_wait3A_429 = tpu.memref_slice %arg9[%dma_wait3A_427, %dma_wait3A_428] : memref<10112x32xf32, #tpu.memory_space<vmem_shared>> -> memref<10112x32xf32, #tpu.memory_space<vmem_shared>>
      tpu.wait_indirect_dma semaphore(%arg23 : memref<!tpu.dma_semaphore, #tpu.memory_space<semaphore_mem>>) src(%dma_wait3A_423 : memref<128x32xf32, #tpu.memory_space<vmem>>) dst(%dma_wait3A_429 : memref<10112x32xf32, #tpu.memory_space<vmem_shared>>)
      %dma_wait3A_430 = arith.constant 5 : i32
      %dma_wait3A_431 = arith.constant 0 : i32
      %dma_wait3A_432 = arith.constant 0 : i32
      %dma_wait3A_433 = tpu.memref_slice %arg8[%dma_wait3A_430, %dma_wait3A_431, %dma_wait3A_432] : memref<8x128x32xf32, #tpu.memory_space<vmem>> -> memref<1x128x32xf32, #tpu.memory_space<vmem>>
      %dma_wait3A_434 = tpu.memref_squeeze %dma_wait3A_433 : memref<1x128x32xf32, #tpu.memory_space<vmem>> -> memref<128x32xf32, #tpu.memory_space<vmem>>
      %dma_wait3A_435 = arith.constant 0 : i32
      %dma_wait3A_436 = tpu.memref_slice %arg7[%add3A_377, %dma_wait3A_435] : memref<80x128xi32, #tpu.memory_space<vmem>> -> memref<1x128xi32, #tpu.memory_space<vmem>>
      %dma_wait3A_437 = tpu.memref_squeeze %dma_wait3A_436 : memref<1x128xi32, #tpu.memory_space<vmem>> -> memref<128xi32, #tpu.memory_space<vmem>>
      %dma_wait3A_438 = arith.constant 0 : i32
      %dma_wait3A_439 = arith.constant 0 : i32
      %dma_wait3A_440 = tpu.memref_slice %arg9[%dma_wait3A_438, %dma_wait3A_439] : memref<10112x32xf32, #tpu.memory_space<vmem_shared>> -> memref<10112x32xf32, #tpu.memory_space<vmem_shared>>
      tpu.wait_indirect_dma semaphore(%arg24 : memref<!tpu.dma_semaphore, #tpu.memory_space<semaphore_mem>>) src(%dma_wait3A_434 : memref<128x32xf32, #tpu.memory_space<vmem>>) dst(%dma_wait3A_440 : memref<10112x32xf32, #tpu.memory_space<vmem_shared>>)
      %dma_wait3A_441 = arith.constant 6 : i32
      %dma_wait3A_442 = arith.constant 0 : i32
      %dma_wait3A_443 = arith.constant 0 : i32
      %dma_wait3A_444 = tpu.memref_slice %arg8[%dma_wait3A_441, %dma_wait3A_442, %dma_wait3A_443] : memref<8x128x32xf32, #tpu.memory_space<vmem>> -> memref<1x128x32xf32, #tpu.memory_space<vmem>>
      %dma_wait3A_445 = tpu.memref_squeeze %dma_wait3A_444 : memref<1x128x32xf32, #tpu.memory_space<vmem>> -> memref<128x32xf32, #tpu.memory_space<vmem>>
      %dma_wait3A_446 = arith.constant 0 : i32
      %dma_wait3A_447 = tpu.memref_slice %arg7[%add3A_392, %dma_wait3A_446] : memref<80x128xi32, #tpu.memory_space<vmem>> -> memref<1x128xi32, #tpu.memory_space<vmem>>
      %dma_wait3A_448 = tpu.memref_squeeze %dma_wait3A_447 : memref<1x128xi32, #tpu.memory_space<vmem>> -> memref<128xi32, #tpu.memory_space<vmem>>
      %dma_wait3A_449 = arith.constant 0 : i32
      %dma_wait3A_450 = arith.constant 0 : i32
      %dma_wait3A_451 = tpu.memref_slice %arg9[%dma_wait3A_449, %dma_wait3A_450] : memref<10112x32xf32, #tpu.memory_space<vmem_shared>> -> memref<10112x32xf32, #tpu.memory_space<vmem_shared>>
      tpu.wait_indirect_dma semaphore(%arg25 : memref<!tpu.dma_semaphore, #tpu.memory_space<semaphore_mem>>) src(%dma_wait3A_445 : memref<128x32xf32, #tpu.memory_space<vmem>>) dst(%dma_wait3A_451 : memref<10112x32xf32, #tpu.memory_space<vmem_shared>>)
      %dma_wait3A_452 = arith.constant 7 : i32
      %dma_wait3A_453 = arith.constant 0 : i32
      %dma_wait3A_454 = arith.constant 0 : i32
      %dma_wait3A_455 = tpu.memref_slice %arg8[%dma_wait3A_452, %dma_wait3A_453, %dma_wait3A_454] : memref<8x128x32xf32, #tpu.memory_space<vmem>> -> memref<1x128x32xf32, #tpu.memory_space<vmem>>
      %dma_wait3A_456 = tpu.memref_squeeze %dma_wait3A_455 : memref<1x128x32xf32, #tpu.memory_space<vmem>> -> memref<128x32xf32, #tpu.memory_space<vmem>>
      %dma_wait3A_457 = arith.constant 0 : i32
      %dma_wait3A_458 = tpu.memref_slice %arg7[%add3A_407, %dma_wait3A_457] : memref<80x128xi32, #tpu.memory_space<vmem>> -> memref<1x128xi32, #tpu.memory_space<vmem>>
      %dma_wait3A_459 = tpu.memref_squeeze %dma_wait3A_458 : memref<1x128xi32, #tpu.memory_space<vmem>> -> memref<128xi32, #tpu.memory_space<vmem>>
      %dma_wait3A_460 = arith.constant 0 : i32
      %dma_wait3A_461 = arith.constant 0 : i32
      %dma_wait3A_462 = tpu.memref_slice %arg9[%dma_wait3A_460, %dma_wait3A_461] : memref<10112x32xf32, #tpu.memory_space<vmem_shared>> -> memref<10112x32xf32, #tpu.memory_space<vmem_shared>>
      tpu.wait_indirect_dma semaphore(%arg26 : memref<!tpu.dma_semaphore, #tpu.memory_space<semaphore_mem>>) src(%dma_wait3A_456 : memref<128x32xf32, #tpu.memory_space<vmem>>) dst(%dma_wait3A_462 : memref<10112x32xf32, #tpu.memory_space<vmem_shared>>)
      %lt3A_463 = arith.constant 9 : i32
      %lt3A_464 = arith.cmpi slt, %scan3A_128, %lt3A_463 : i32
      %convert_element_type3A_465 = arith.extui %lt3A_464 : i1 to i32
      %cond3A_466 = arith.constant 0 : i32
      %cond3A_467 = arith.cmpi ne, %convert_element_type3A_465, %cond3A_466 : i32
      scf.if %cond3A_467 {
        %add3A_468 = arith.constant 8 : i32
        %add3A_469 = arith.addi %mul3A_130, %add3A_468 : i32
        %add3A_470 = arith.constant 4 : i32
        %add3A_471 = arith.addi %add3A_469, %add3A_470 : i32
        %add3A_472 = arith.constant 0 : i32
        %add3A_473 = arith.addi %add3A_471, %add3A_472 : i32
        %dma_start3A_474 = arith.constant 4 : i32
        %dma_start3A_475 = arith.constant 0 : i32
        %dma_start3A_476 = arith.constant 0 : i32
        %dma_start3A_477 = tpu.memref_slice %arg8[%dma_start3A_474, %dma_start3A_475, %dma_start3A_476] : memref<8x128x32xf32, #tpu.memory_space<vmem>> -> memref<1x128x32xf32, #tpu.memory_space<vmem>>
        %dma_start3A_478 = tpu.memref_squeeze %dma_start3A_477 : memref<1x128x32xf32, #tpu.memory_space<vmem>> -> memref<128x32xf32, #tpu.memory_space<vmem>>
        %dma_start3A_479 = arith.constant 0 : i32
        %dma_start3A_480 = tpu.memref_slice %arg6[%add3A_473, %dma_start3A_479] : memref<80x128xi32, #tpu.memory_space<vmem>> -> memref<1x128xi32, #tpu.memory_space<vmem>>
        %dma_start3A_481 = tpu.memref_squeeze %dma_start3A_480 : memref<1x128xi32, #tpu.memory_space<vmem>> -> memref<128xi32, #tpu.memory_space<vmem>>
        %dma_start3A_482 = arith.constant 0 : i32
        %dma_start3A_483 = arith.constant 0 : i32
        %dma_start3A_484 = tpu.memref_slice %arg10[%dma_start3A_482, %dma_start3A_483] : memref<10112x32xf32, #tpu.memory_space<vmem_shared>> -> memref<10112x32xf32, #tpu.memory_space<vmem_shared>>
        tpu.enqueue_indirect_dma source(%dma_start3A_484 : memref<10112x32xf32, #tpu.memory_space<vmem_shared>>) target(%dma_start3A_478 : memref<128x32xf32, #tpu.memory_space<vmem>>) offsets(%dma_start3A_481 : memref<128xi32, #tpu.memory_space<vmem>>) semaphore(%arg15 : memref<!tpu.dma_semaphore, #tpu.memory_space<semaphore_mem>>)
        %add3A_485 = arith.constant 8 : i32
        %add3A_486 = arith.addi %mul3A_130, %add3A_485 : i32
        %add3A_487 = arith.constant 4 : i32
        %add3A_488 = arith.addi %add3A_486, %add3A_487 : i32
        %add3A_489 = arith.constant 1 : i32
        %add3A_490 = arith.addi %add3A_488, %add3A_489 : i32
        %dma_start3A_491 = arith.constant 5 : i32
        %dma_start3A_492 = arith.constant 0 : i32
        %dma_start3A_493 = arith.constant 0 : i32
        %dma_start3A_494 = tpu.memref_slice %arg8[%dma_start3A_491, %dma_start3A_492, %dma_start3A_493] : memref<8x128x32xf32, #tpu.memory_space<vmem>> -> memref<1x128x32xf32, #tpu.memory_space<vmem>>
        %dma_start3A_495 = tpu.memref_squeeze %dma_start3A_494 : memref<1x128x32xf32, #tpu.memory_space<vmem>> -> memref<128x32xf32, #tpu.memory_space<vmem>>
        %dma_start3A_496 = arith.constant 0 : i32
        %dma_start3A_497 = tpu.memref_slice %arg6[%add3A_490, %dma_start3A_496] : memref<80x128xi32, #tpu.memory_space<vmem>> -> memref<1x128xi32, #tpu.memory_space<vmem>>
        %dma_start3A_498 = tpu.memref_squeeze %dma_start3A_497 : memref<1x128xi32, #tpu.memory_space<vmem>> -> memref<128xi32, #tpu.memory_space<vmem>>
        %dma_start3A_499 = arith.constant 0 : i32
        %dma_start3A_500 = arith.constant 0 : i32
        %dma_start3A_501 = tpu.memref_slice %arg10[%dma_start3A_499, %dma_start3A_500] : memref<10112x32xf32, #tpu.memory_space<vmem_shared>> -> memref<10112x32xf32, #tpu.memory_space<vmem_shared>>
        tpu.enqueue_indirect_dma source(%dma_start3A_501 : memref<10112x32xf32, #tpu.memory_space<vmem_shared>>) target(%dma_start3A_495 : memref<128x32xf32, #tpu.memory_space<vmem>>) offsets(%dma_start3A_498 : memref<128xi32, #tpu.memory_space<vmem>>) semaphore(%arg16 : memref<!tpu.dma_semaphore, #tpu.memory_space<semaphore_mem>>)
        %add3A_502 = arith.constant 8 : i32
        %add3A_503 = arith.addi %mul3A_130, %add3A_502 : i32
        %add3A_504 = arith.constant 4 : i32
        %add3A_505 = arith.addi %add3A_503, %add3A_504 : i32
        %add3A_506 = arith.constant 2 : i32
        %add3A_507 = arith.addi %add3A_505, %add3A_506 : i32
        %dma_start3A_508 = arith.constant 6 : i32
        %dma_start3A_509 = arith.constant 0 : i32
        %dma_start3A_510 = arith.constant 0 : i32
        %dma_start3A_511 = tpu.memref_slice %arg8[%dma_start3A_508, %dma_start3A_509, %dma_start3A_510] : memref<8x128x32xf32, #tpu.memory_space<vmem>> -> memref<1x128x32xf32, #tpu.memory_space<vmem>>
        %dma_start3A_512 = tpu.memref_squeeze %dma_start3A_511 : memref<1x128x32xf32, #tpu.memory_space<vmem>> -> memref<128x32xf32, #tpu.memory_space<vmem>>
        %dma_start3A_513 = arith.constant 0 : i32
        %dma_start3A_514 = tpu.memref_slice %arg6[%add3A_507, %dma_start3A_513] : memref<80x128xi32, #tpu.memory_space<vmem>> -> memref<1x128xi32, #tpu.memory_space<vmem>>
        %dma_start3A_515 = tpu.memref_squeeze %dma_start3A_514 : memref<1x128xi32, #tpu.memory_space<vmem>> -> memref<128xi32, #tpu.memory_space<vmem>>
        %dma_start3A_516 = arith.constant 0 : i32
        %dma_start3A_517 = arith.constant 0 : i32
        %dma_start3A_518 = tpu.memref_slice %arg10[%dma_start3A_516, %dma_start3A_517] : memref<10112x32xf32, #tpu.memory_space<vmem_shared>> -> memref<10112x32xf32, #tpu.memory_space<vmem_shared>>
        tpu.enqueue_indirect_dma source(%dma_start3A_518 : memref<10112x32xf32, #tpu.memory_space<vmem_shared>>) target(%dma_start3A_512 : memref<128x32xf32, #tpu.memory_space<vmem>>) offsets(%dma_start3A_515 : memref<128xi32, #tpu.memory_space<vmem>>) semaphore(%arg17 : memref<!tpu.dma_semaphore, #tpu.memory_space<semaphore_mem>>)
        %add3A_519 = arith.constant 8 : i32
        %add3A_520 = arith.addi %mul3A_130, %add3A_519 : i32
        %add3A_521 = arith.constant 4 : i32
        %add3A_522 = arith.addi %add3A_520, %add3A_521 : i32
        %add3A_523 = arith.constant 3 : i32
        %add3A_524 = arith.addi %add3A_522, %add3A_523 : i32
        %dma_start3A_525 = arith.constant 7 : i32
        %dma_start3A_526 = arith.constant 0 : i32
        %dma_start3A_527 = arith.constant 0 : i32
        %dma_start3A_528 = tpu.memref_slice %arg8[%dma_start3A_525, %dma_start3A_526, %dma_start3A_527] : memref<8x128x32xf32, #tpu.memory_space<vmem>> -> memref<1x128x32xf32, #tpu.memory_space<vmem>>
        %dma_start3A_529 = tpu.memref_squeeze %dma_start3A_528 : memref<1x128x32xf32, #tpu.memory_space<vmem>> -> memref<128x32xf32, #tpu.memory_space<vmem>>
        %dma_start3A_530 = arith.constant 0 : i32
        %dma_start3A_531 = tpu.memref_slice %arg6[%add3A_524, %dma_start3A_530] : memref<80x128xi32, #tpu.memory_space<vmem>> -> memref<1x128xi32, #tpu.memory_space<vmem>>
        %dma_start3A_532 = tpu.memref_squeeze %dma_start3A_531 : memref<1x128xi32, #tpu.memory_space<vmem>> -> memref<128xi32, #tpu.memory_space<vmem>>
        %dma_start3A_533 = arith.constant 0 : i32
        %dma_start3A_534 = arith.constant 0 : i32
        %dma_start3A_535 = tpu.memref_slice %arg10[%dma_start3A_533, %dma_start3A_534] : memref<10112x32xf32, #tpu.memory_space<vmem_shared>> -> memref<10112x32xf32, #tpu.memory_space<vmem_shared>>
        tpu.enqueue_indirect_dma source(%dma_start3A_535 : memref<10112x32xf32, #tpu.memory_space<vmem_shared>>) target(%dma_start3A_529 : memref<128x32xf32, #tpu.memory_space<vmem>>) offsets(%dma_start3A_532 : memref<128xi32, #tpu.memory_space<vmem>>) semaphore(%arg18 : memref<!tpu.dma_semaphore, #tpu.memory_space<semaphore_mem>>)
      } else {
      }
    }
    %scan3A_126 = arith.constant 10 : i32
    %barrier3A_127 = arith.constant 0 : index
    tpu.barrier barrier_id(%barrier3A_127)
    "tpu.region"() ({
      %run_scoped3A_128 = tpu.sem_alloc : memref<!tpu.dma_semaphore, #tpu.memory_space<semaphore_mem>>
      %dma_start3A_129 = arith.constant 0 : i32
      %dma_start3A_130 = tpu.memref_slice %arg5[%arg0, %multiple_of3A, %dma_start3A_129] : memref<2x10112x32xf32, #tpu.memory_space<hbm>> -> memref<1x632x32xf32, #tpu.memory_space<hbm>>
      %dma_start3A_131 = tpu.memref_squeeze %dma_start3A_130 : memref<1x632x32xf32, #tpu.memory_space<hbm>> -> memref<632x32xf32, #tpu.memory_space<hbm>>
      %dma_start3A_132 = arith.constant 0 : i32
      %dma_start3A_133 = tpu.memref_slice %arg9[%multiple_of3A, %dma_start3A_132] : memref<10112x32xf32, #tpu.memory_space<vmem_shared>> -> memref<632x32xf32, #tpu.memory_space<vmem_shared>>
      tpu.enqueue_dma source(%dma_start3A_133 : memref<632x32xf32, #tpu.memory_space<vmem_shared>>) target(%dma_start3A_131 : memref<632x32xf32, #tpu.memory_space<hbm>>) target_semaphore(%run_scoped3A_128 : memref<!tpu.dma_semaphore, #tpu.memory_space<semaphore_mem>>)
      %dma_wait3A = arith.constant 0 : i32
      %dma_wait3A_134 = tpu.memref_slice %arg5[%arg0, %multiple_of3A, %dma_wait3A] : memref<2x10112x32xf32, #tpu.memory_space<hbm>> -> memref<1x632x32xf32, #tpu.memory_space<hbm>>
      %dma_wait3A_135 = tpu.memref_squeeze %dma_wait3A_134 : memref<1x632x32xf32, #tpu.memory_space<hbm>> -> memref<632x32xf32, #tpu.memory_space<hbm>>
      %dma_wait3A_136 = arith.constant 0 : i32
      %dma_wait3A_137 = tpu.memref_slice %arg9[%multiple_of3A, %dma_wait3A_136] : memref<10112x32xf32, #tpu.memory_space<vmem_shared>> -> memref<632x32xf32, #tpu.memory_space<vmem_shared>>
      tpu.wait_dma2 semaphore(%run_scoped3A_128 : memref<!tpu.dma_semaphore, #tpu.memory_space<semaphore_mem>>) src(%dma_wait3A_137 : memref<632x32xf32, #tpu.memory_space<vmem_shared>>) dst(%dma_wait3A_135 : memref<632x32xf32, #tpu.memory_space<hbm>>)
      tpu.yield
    }) : () -> ()
    return
  }
}

#map = affine_map<(d0, d1) -> (0, 0)>
#map1 = affine_map<(d0, d1) -> (0, 0, 0)>
module attributes {stable_mosaic.version = 14 : i64} {
  func.func @prop1_k(%arg0: i32, %arg1: i32, %arg2: memref<10000x32xf32, #tpu.memory_space<hbm>>, %arg3: memref<10000x32xf32, #tpu.memory_space<hbm>>, %arg4: memref<2x2560x128xi32, #tpu.memory_space<hbm>>, %arg5: memref<2x10112x32xf32, #tpu.memory_space<hbm>>, %arg6: memref<160x128xi32, #tpu.memory_space<vmem>>, %arg7: memref<160x128xi32, #tpu.memory_space<vmem>>, %arg8: memref<8x128x32xf32, #tpu.memory_space<vmem>>, %arg9: memref<10112x32xf32, #tpu.memory_space<vmem_shared>>, %arg10: memref<10112x32xf32, #tpu.memory_space<vmem_shared>>, %arg11: memref<!tpu.dma_semaphore, #tpu.memory_space<semaphore_mem>>, %arg12: memref<!tpu.dma_semaphore, #tpu.memory_space<semaphore_mem>>, %arg13: memref<!tpu.dma_semaphore, #tpu.memory_space<semaphore_mem>>, %arg14: memref<!tpu.dma_semaphore, #tpu.memory_space<semaphore_mem>>, %arg15: memref<!tpu.dma_semaphore, #tpu.memory_space<semaphore_mem>>, %arg16: memref<!tpu.dma_semaphore, #tpu.memory_space<semaphore_mem>>, %arg17: memref<!tpu.dma_semaphore, #tpu.memory_space<semaphore_mem>>, %arg18: memref<!tpu.dma_semaphore, #tpu.memory_space<semaphore_mem>>, %arg19: memref<!tpu.dma_semaphore, #tpu.memory_space<semaphore_mem>>, %arg20: memref<!tpu.dma_semaphore, #tpu.memory_space<semaphore_mem>>, %arg21: memref<!tpu.dma_semaphore, #tpu.memory_space<semaphore_mem>>, %arg22: memref<!tpu.dma_semaphore, #tpu.memory_space<semaphore_mem>>, %arg23: memref<!tpu.dma_semaphore, #tpu.memory_space<semaphore_mem>>, %arg24: memref<!tpu.dma_semaphore, #tpu.memory_space<semaphore_mem>>, %arg25: memref<!tpu.dma_semaphore, #tpu.memory_space<semaphore_mem>>, %arg26: memref<!tpu.dma_semaphore, #tpu.memory_space<semaphore_mem>>) attributes {dimension_semantics = [#tpu.dimension_semantics<core_parallel>, #tpu.dimension_semantics<subcore_parallel>], iteration_bounds = array<i64: 2, 16>, scalar_prefetch = 0 : i64, scratch_operands = 21 : i64, tpu.core_type = #tpu.core_type<sc_vector_subcore>, window_params = [{transform_indices = #map}, {transform_indices = #map}, {transform_indices = #map1}, {transform_indices = #map1}]} {
    %mul3A = arith.constant 632 : i32
    %mul3A_0 = arith.muli %arg1, %mul3A : i32
    %multiple_of3A = tpu.assume_multiple %mul3A_0, 8 : i32
    %mul3A_1 = arith.constant 160 : i32
    %mul3A_2 = arith.muli %arg1, %mul3A_1 : i32
    %run_scoped3A = arith.constant 0 : i32
    "tpu.region"() ({
      %run_scoped3A_114 = tpu.sem_alloc : memref<!tpu.dma_semaphore, #tpu.memory_space<semaphore_mem>>
      %dma_start3A_115 = arith.constant 0 : i32
      %dma_start3A_116 = tpu.memref_slice %arg4[%run_scoped3A, %mul3A_2, %dma_start3A_115] : memref<2x2560x128xi32, #tpu.memory_space<hbm>> -> memref<1x160x128xi32, #tpu.memory_space<hbm>>
      %dma_start3A_117 = tpu.memref_squeeze %dma_start3A_116 : memref<1x160x128xi32, #tpu.memory_space<hbm>> -> memref<160x128xi32, #tpu.memory_space<hbm>>
      %dma_start3A_118 = arith.constant 0 : i32
      %dma_start3A_119 = tpu.memref_slice %arg4[%run_scoped3A, %mul3A_2, %dma_start3A_118] : memref<2x2560x128xi32, #tpu.memory_space<hbm>> -> memref<1x160x128xi32, #tpu.memory_space<hbm>>
      %dma_start3A_120 = tpu.memref_squeeze %dma_start3A_119 : memref<1x160x128xi32, #tpu.memory_space<hbm>> -> memref<160x128xi32, #tpu.memory_space<hbm>>
      tpu.enqueue_dma source(%dma_start3A_120 : memref<160x128xi32, #tpu.memory_space<hbm>>) target(%arg6 : memref<160x128xi32, #tpu.memory_space<vmem>>) target_semaphore(%run_scoped3A_114 : memref<!tpu.dma_semaphore, #tpu.memory_space<semaphore_mem>>)
      %dma_wait3A = arith.constant 0 : i32
      %dma_wait3A_121 = tpu.memref_slice %arg4[%run_scoped3A, %mul3A_2, %dma_wait3A] : memref<2x2560x128xi32, #tpu.memory_space<hbm>> -> memref<1x160x128xi32, #tpu.memory_space<hbm>>
      %dma_wait3A_122 = tpu.memref_squeeze %dma_wait3A_121 : memref<1x160x128xi32, #tpu.memory_space<hbm>> -> memref<160x128xi32, #tpu.memory_space<hbm>>
      %dma_wait3A_123 = arith.constant 0 : i32
      %dma_wait3A_124 = tpu.memref_slice %arg4[%run_scoped3A, %mul3A_2, %dma_wait3A_123] : memref<2x2560x128xi32, #tpu.memory_space<hbm>> -> memref<1x160x128xi32, #tpu.memory_space<hbm>>
      %dma_wait3A_125 = tpu.memref_squeeze %dma_wait3A_124 : memref<1x160x128xi32, #tpu.memory_space<hbm>> -> memref<160x128xi32, #tpu.memory_space<hbm>>
      tpu.wait_dma2 semaphore(%run_scoped3A_114 : memref<!tpu.dma_semaphore, #tpu.memory_space<semaphore_mem>>) src(%dma_wait3A_125 : memref<160x128xi32, #tpu.memory_space<hbm>>) dst(%arg6 : memref<160x128xi32, #tpu.memory_space<vmem>>)
      tpu.yield
    }) : () -> ()
    %mul3A_3 = arith.constant 160 : i32
    %mul3A_4 = arith.muli %arg1, %mul3A_3 : i32
    %run_scoped3A_5 = arith.constant 1 : i32
    "tpu.region"() ({
      %run_scoped3A_114 = tpu.sem_alloc : memref<!tpu.dma_semaphore, #tpu.memory_space<semaphore_mem>>
      %dma_start3A_115 = arith.constant 0 : i32
      %dma_start3A_116 = tpu.memref_slice %arg4[%run_scoped3A_5, %mul3A_4, %dma_start3A_115] : memref<2x2560x128xi32, #tpu.memory_space<hbm>> -> memref<1x160x128xi32, #tpu.memory_space<hbm>>
      %dma_start3A_117 = tpu.memref_squeeze %dma_start3A_116 : memref<1x160x128xi32, #tpu.memory_space<hbm>> -> memref<160x128xi32, #tpu.memory_space<hbm>>
      %dma_start3A_118 = arith.constant 0 : i32
      %dma_start3A_119 = tpu.memref_slice %arg4[%run_scoped3A_5, %mul3A_4, %dma_start3A_118] : memref<2x2560x128xi32, #tpu.memory_space<hbm>> -> memref<1x160x128xi32, #tpu.memory_space<hbm>>
      %dma_start3A_120 = tpu.memref_squeeze %dma_start3A_119 : memref<1x160x128xi32, #tpu.memory_space<hbm>> -> memref<160x128xi32, #tpu.memory_space<hbm>>
      tpu.enqueue_dma source(%dma_start3A_120 : memref<160x128xi32, #tpu.memory_space<hbm>>) target(%arg7 : memref<160x128xi32, #tpu.memory_space<vmem>>) target_semaphore(%run_scoped3A_114 : memref<!tpu.dma_semaphore, #tpu.memory_space<semaphore_mem>>)
      %dma_wait3A = arith.constant 0 : i32
      %dma_wait3A_121 = tpu.memref_slice %arg4[%run_scoped3A_5, %mul3A_4, %dma_wait3A] : memref<2x2560x128xi32, #tpu.memory_space<hbm>> -> memref<1x160x128xi32, #tpu.memory_space<hbm>>
      %dma_wait3A_122 = tpu.memref_squeeze %dma_wait3A_121 : memref<1x160x128xi32, #tpu.memory_space<hbm>> -> memref<160x128xi32, #tpu.memory_space<hbm>>
      %dma_wait3A_123 = arith.constant 0 : i32
      %dma_wait3A_124 = tpu.memref_slice %arg4[%run_scoped3A_5, %mul3A_4, %dma_wait3A_123] : memref<2x2560x128xi32, #tpu.memory_space<hbm>> -> memref<1x160x128xi32, #tpu.memory_space<hbm>>
      %dma_wait3A_125 = tpu.memref_squeeze %dma_wait3A_124 : memref<1x160x128xi32, #tpu.memory_space<hbm>> -> memref<160x128xi32, #tpu.memory_space<hbm>>
      tpu.wait_dma2 semaphore(%run_scoped3A_114 : memref<!tpu.dma_semaphore, #tpu.memory_space<semaphore_mem>>) src(%dma_wait3A_125 : memref<160x128xi32, #tpu.memory_space<hbm>>) dst(%arg7 : memref<160x128xi32, #tpu.memory_space<vmem>>)
      tpu.yield
    }) : () -> ()
    %eq3A = arith.constant 0 : i32
    %eq3A_6 = arith.cmpi eq, %arg0, %eq3A : i32
    %convert_element_type3A = arith.extui %eq3A_6 : i1 to i32
    %cond3A = arith.constant 0 : i32
    %cond3A_7 = arith.cmpi ne, %convert_element_type3A, %cond3A : i32
    scf.if %cond3A_7 {
      %mul3A_114 = arith.constant 632 : i32
      %mul3A_115 = arith.muli %arg1, %mul3A_114 : i32
      %multiple_of3A_116 = tpu.assume_multiple %mul3A_115, 8 : i32
      %lt3A = arith.constant 15 : i32
      %lt3A_117 = arith.cmpi slt, %arg1, %lt3A : i32
      %convert_element_type3A_118 = arith.extui %lt3A_117 : i1 to i32
      %cond3A_119 = arith.constant 0 : i32
      %cond3A_120 = arith.cmpi ne, %convert_element_type3A_118, %cond3A_119 : i32
      scf.if %cond3A_120 {
        "tpu.region"() ({
          %run_scoped3A_139 = tpu.sem_alloc : memref<!tpu.dma_semaphore, #tpu.memory_space<semaphore_mem>>
          %dma_start3A_140 = arith.constant 0 : i32
          %dma_start3A_141 = tpu.memref_slice %arg10[%multiple_of3A_116, %dma_start3A_140] : memref<10112x32xf32, #tpu.memory_space<vmem_shared>> -> memref<632x32xf32, #tpu.memory_space<vmem_shared>>
          %dma_start3A_142 = arith.constant 0 : i32
          %dma_start3A_143 = tpu.memref_slice %arg2[%multiple_of3A_116, %dma_start3A_142] : memref<10000x32xf32, #tpu.memory_space<hbm>> -> memref<632x32xf32, #tpu.memory_space<hbm>>
          tpu.enqueue_dma source(%dma_start3A_143 : memref<632x32xf32, #tpu.memory_space<hbm>>) target(%dma_start3A_141 : memref<632x32xf32, #tpu.memory_space<vmem_shared>>) target_semaphore(%run_scoped3A_139 : memref<!tpu.dma_semaphore, #tpu.memory_space<semaphore_mem>>)
          %dma_wait3A = arith.constant 0 : i32
          %dma_wait3A_144 = tpu.memref_slice %arg10[%multiple_of3A_116, %dma_wait3A] : memref<10112x32xf32, #tpu.memory_space<vmem_shared>> -> memref<632x32xf32, #tpu.memory_space<vmem_shared>>
          %dma_wait3A_145 = arith.constant 0 : i32
          %dma_wait3A_146 = tpu.memref_slice %arg2[%multiple_of3A_116, %dma_wait3A_145] : memref<10000x32xf32, #tpu.memory_space<hbm>> -> memref<632x32xf32, #tpu.memory_space<hbm>>
          tpu.wait_dma2 semaphore(%run_scoped3A_139 : memref<!tpu.dma_semaphore, #tpu.memory_space<semaphore_mem>>) src(%dma_wait3A_146 : memref<632x32xf32, #tpu.memory_space<hbm>>) dst(%dma_wait3A_144 : memref<632x32xf32, #tpu.memory_space<vmem_shared>>)
          tpu.yield
        }) : () -> ()
      } else {
      }
      %eq3A_121 = arith.constant 15 : i32
      %eq3A_122 = arith.cmpi eq, %arg1, %eq3A_121 : i32
      %convert_element_type3A_123 = arith.extui %eq3A_122 : i1 to i32
      %cond3A_124 = arith.constant 0 : i32
      %cond3A_125 = arith.cmpi ne, %convert_element_type3A_123, %cond3A_124 : i32
      scf.if %cond3A_125 {
        %multiple_of3A_139 = arith.constant 9480 : i32
        %multiple_of3A_140 = tpu.assume_multiple %multiple_of3A_139, 8 : i32
        "tpu.region"() ({
          %run_scoped3A_141 = tpu.sem_alloc : memref<!tpu.dma_semaphore, #tpu.memory_space<semaphore_mem>>
          %dma_start3A_142 = arith.constant 0 : i32
          %dma_start3A_143 = tpu.memref_slice %arg10[%multiple_of3A_140, %dma_start3A_142] : memref<10112x32xf32, #tpu.memory_space<vmem_shared>> -> memref<520x32xf32, #tpu.memory_space<vmem_shared>>
          %dma_start3A_144 = arith.constant 0 : i32
          %dma_start3A_145 = tpu.memref_slice %arg2[%multiple_of3A_140, %dma_start3A_144] : memref<10000x32xf32, #tpu.memory_space<hbm>> -> memref<520x32xf32, #tpu.memory_space<hbm>>
          tpu.enqueue_dma source(%dma_start3A_145 : memref<520x32xf32, #tpu.memory_space<hbm>>) target(%dma_start3A_143 : memref<520x32xf32, #tpu.memory_space<vmem_shared>>) target_semaphore(%run_scoped3A_141 : memref<!tpu.dma_semaphore, #tpu.memory_space<semaphore_mem>>)
          %dma_wait3A = arith.constant 0 : i32
          %dma_wait3A_146 = tpu.memref_slice %arg10[%multiple_of3A_140, %dma_wait3A] : memref<10112x32xf32, #tpu.memory_space<vmem_shared>> -> memref<520x32xf32, #tpu.memory_space<vmem_shared>>
          %dma_wait3A_147 = arith.constant 0 : i32
          %dma_wait3A_148 = tpu.memref_slice %arg2[%multiple_of3A_140, %dma_wait3A_147] : memref<10000x32xf32, #tpu.memory_space<hbm>> -> memref<520x32xf32, #tpu.memory_space<hbm>>
          tpu.wait_dma2 semaphore(%run_scoped3A_141 : memref<!tpu.dma_semaphore, #tpu.memory_space<semaphore_mem>>) src(%dma_wait3A_148 : memref<520x32xf32, #tpu.memory_space<hbm>>) dst(%dma_wait3A_146 : memref<520x32xf32, #tpu.memory_space<vmem_shared>>)
          tpu.yield
        }) : () -> ()
      } else {
      }
      %mul3A_126 = arith.constant 632 : i32
      %mul3A_127 = arith.muli %arg1, %mul3A_126 : i32
      %multiple_of3A_128 = tpu.assume_multiple %mul3A_127, 8 : i32
      %lt3A_129 = arith.constant 15 : i32
      %lt3A_130 = arith.cmpi slt, %arg1, %lt3A_129 : i32
      %convert_element_type3A_131 = arith.extui %lt3A_130 : i1 to i32
      %cond3A_132 = arith.constant 0 : i32
      %cond3A_133 = arith.cmpi ne, %convert_element_type3A_131, %cond3A_132 : i32
      scf.if %cond3A_133 {
        "tpu.region"() ({
          %run_scoped3A_139 = tpu.sem_alloc : memref<!tpu.dma_semaphore, #tpu.memory_space<semaphore_mem>>
          %dma_start3A_140 = arith.constant 0 : i32
          %dma_start3A_141 = tpu.memref_slice %arg9[%multiple_of3A_128, %dma_start3A_140] : memref<10112x32xf32, #tpu.memory_space<vmem_shared>> -> memref<632x32xf32, #tpu.memory_space<vmem_shared>>
          %dma_start3A_142 = arith.constant 0 : i32
          %dma_start3A_143 = tpu.memref_slice %arg2[%multiple_of3A_128, %dma_start3A_142] : memref<10000x32xf32, #tpu.memory_space<hbm>> -> memref<632x32xf32, #tpu.memory_space<hbm>>
          tpu.enqueue_dma source(%dma_start3A_143 : memref<632x32xf32, #tpu.memory_space<hbm>>) target(%dma_start3A_141 : memref<632x32xf32, #tpu.memory_space<vmem_shared>>) target_semaphore(%run_scoped3A_139 : memref<!tpu.dma_semaphore, #tpu.memory_space<semaphore_mem>>)
          %dma_wait3A = arith.constant 0 : i32
          %dma_wait3A_144 = tpu.memref_slice %arg9[%multiple_of3A_128, %dma_wait3A] : memref<10112x32xf32, #tpu.memory_space<vmem_shared>> -> memref<632x32xf32, #tpu.memory_space<vmem_shared>>
          %dma_wait3A_145 = arith.constant 0 : i32
          %dma_wait3A_146 = tpu.memref_slice %arg2[%multiple_of3A_128, %dma_wait3A_145] : memref<10000x32xf32, #tpu.memory_space<hbm>> -> memref<632x32xf32, #tpu.memory_space<hbm>>
          tpu.wait_dma2 semaphore(%run_scoped3A_139 : memref<!tpu.dma_semaphore, #tpu.memory_space<semaphore_mem>>) src(%dma_wait3A_146 : memref<632x32xf32, #tpu.memory_space<hbm>>) dst(%dma_wait3A_144 : memref<632x32xf32, #tpu.memory_space<vmem_shared>>)
          tpu.yield
        }) : () -> ()
      } else {
      }
      %eq3A_134 = arith.constant 15 : i32
      %eq3A_135 = arith.cmpi eq, %arg1, %eq3A_134 : i32
      %convert_element_type3A_136 = arith.extui %eq3A_135 : i1 to i32
      %cond3A_137 = arith.constant 0 : i32
      %cond3A_138 = arith.cmpi ne, %convert_element_type3A_136, %cond3A_137 : i32
      scf.if %cond3A_138 {
        %multiple_of3A_139 = arith.constant 9480 : i32
        %multiple_of3A_140 = tpu.assume_multiple %multiple_of3A_139, 8 : i32
        "tpu.region"() ({
          %run_scoped3A_141 = tpu.sem_alloc : memref<!tpu.dma_semaphore, #tpu.memory_space<semaphore_mem>>
          %dma_start3A_142 = arith.constant 0 : i32
          %dma_start3A_143 = tpu.memref_slice %arg9[%multiple_of3A_140, %dma_start3A_142] : memref<10112x32xf32, #tpu.memory_space<vmem_shared>> -> memref<520x32xf32, #tpu.memory_space<vmem_shared>>
          %dma_start3A_144 = arith.constant 0 : i32
          %dma_start3A_145 = tpu.memref_slice %arg2[%multiple_of3A_140, %dma_start3A_144] : memref<10000x32xf32, #tpu.memory_space<hbm>> -> memref<520x32xf32, #tpu.memory_space<hbm>>
          tpu.enqueue_dma source(%dma_start3A_145 : memref<520x32xf32, #tpu.memory_space<hbm>>) target(%dma_start3A_143 : memref<520x32xf32, #tpu.memory_space<vmem_shared>>) target_semaphore(%run_scoped3A_141 : memref<!tpu.dma_semaphore, #tpu.memory_space<semaphore_mem>>)
          %dma_wait3A = arith.constant 0 : i32
          %dma_wait3A_146 = tpu.memref_slice %arg9[%multiple_of3A_140, %dma_wait3A] : memref<10112x32xf32, #tpu.memory_space<vmem_shared>> -> memref<520x32xf32, #tpu.memory_space<vmem_shared>>
          %dma_wait3A_147 = arith.constant 0 : i32
          %dma_wait3A_148 = tpu.memref_slice %arg2[%multiple_of3A_140, %dma_wait3A_147] : memref<10000x32xf32, #tpu.memory_space<hbm>> -> memref<520x32xf32, #tpu.memory_space<hbm>>
          tpu.wait_dma2 semaphore(%run_scoped3A_141 : memref<!tpu.dma_semaphore, #tpu.memory_space<semaphore_mem>>) src(%dma_wait3A_148 : memref<520x32xf32, #tpu.memory_space<hbm>>) dst(%dma_wait3A_146 : memref<520x32xf32, #tpu.memory_space<vmem_shared>>)
          tpu.yield
        }) : () -> ()
      } else {
      }
    } else {
    }
    %eq3A_8 = arith.constant 1 : i32
    %eq3A_9 = arith.cmpi eq, %arg0, %eq3A_8 : i32
    %convert_element_type3A_10 = arith.extui %eq3A_9 : i1 to i32
    %cond3A_11 = arith.constant 0 : i32
    %cond3A_12 = arith.cmpi ne, %convert_element_type3A_10, %cond3A_11 : i32
    scf.if %cond3A_12 {
      %mul3A_114 = arith.constant 632 : i32
      %mul3A_115 = arith.muli %arg1, %mul3A_114 : i32
      %multiple_of3A_116 = tpu.assume_multiple %mul3A_115, 8 : i32
      %lt3A = arith.constant 15 : i32
      %lt3A_117 = arith.cmpi slt, %arg1, %lt3A : i32
      %convert_element_type3A_118 = arith.extui %lt3A_117 : i1 to i32
      %cond3A_119 = arith.constant 0 : i32
      %cond3A_120 = arith.cmpi ne, %convert_element_type3A_118, %cond3A_119 : i32
      scf.if %cond3A_120 {
        "tpu.region"() ({
          %run_scoped3A_139 = tpu.sem_alloc : memref<!tpu.dma_semaphore, #tpu.memory_space<semaphore_mem>>
          %dma_start3A_140 = arith.constant 0 : i32
          %dma_start3A_141 = tpu.memref_slice %arg10[%multiple_of3A_116, %dma_start3A_140] : memref<10112x32xf32, #tpu.memory_space<vmem_shared>> -> memref<632x32xf32, #tpu.memory_space<vmem_shared>>
          %dma_start3A_142 = arith.constant 0 : i32
          %dma_start3A_143 = tpu.memref_slice %arg3[%multiple_of3A_116, %dma_start3A_142] : memref<10000x32xf32, #tpu.memory_space<hbm>> -> memref<632x32xf32, #tpu.memory_space<hbm>>
          tpu.enqueue_dma source(%dma_start3A_143 : memref<632x32xf32, #tpu.memory_space<hbm>>) target(%dma_start3A_141 : memref<632x32xf32, #tpu.memory_space<vmem_shared>>) target_semaphore(%run_scoped3A_139 : memref<!tpu.dma_semaphore, #tpu.memory_space<semaphore_mem>>)
          %dma_wait3A = arith.constant 0 : i32
          %dma_wait3A_144 = tpu.memref_slice %arg10[%multiple_of3A_116, %dma_wait3A] : memref<10112x32xf32, #tpu.memory_space<vmem_shared>> -> memref<632x32xf32, #tpu.memory_space<vmem_shared>>
          %dma_wait3A_145 = arith.constant 0 : i32
          %dma_wait3A_146 = tpu.memref_slice %arg3[%multiple_of3A_116, %dma_wait3A_145] : memref<10000x32xf32, #tpu.memory_space<hbm>> -> memref<632x32xf32, #tpu.memory_space<hbm>>
          tpu.wait_dma2 semaphore(%run_scoped3A_139 : memref<!tpu.dma_semaphore, #tpu.memory_space<semaphore_mem>>) src(%dma_wait3A_146 : memref<632x32xf32, #tpu.memory_space<hbm>>) dst(%dma_wait3A_144 : memref<632x32xf32, #tpu.memory_space<vmem_shared>>)
          tpu.yield
        }) : () -> ()
      } else {
      }
      %eq3A_121 = arith.constant 15 : i32
      %eq3A_122 = arith.cmpi eq, %arg1, %eq3A_121 : i32
      %convert_element_type3A_123 = arith.extui %eq3A_122 : i1 to i32
      %cond3A_124 = arith.constant 0 : i32
      %cond3A_125 = arith.cmpi ne, %convert_element_type3A_123, %cond3A_124 : i32
      scf.if %cond3A_125 {
        %multiple_of3A_139 = arith.constant 9480 : i32
        %multiple_of3A_140 = tpu.assume_multiple %multiple_of3A_139, 8 : i32
        "tpu.region"() ({
          %run_scoped3A_141 = tpu.sem_alloc : memref<!tpu.dma_semaphore, #tpu.memory_space<semaphore_mem>>
          %dma_start3A_142 = arith.constant 0 : i32
          %dma_start3A_143 = tpu.memref_slice %arg10[%multiple_of3A_140, %dma_start3A_142] : memref<10112x32xf32, #tpu.memory_space<vmem_shared>> -> memref<520x32xf32, #tpu.memory_space<vmem_shared>>
          %dma_start3A_144 = arith.constant 0 : i32
          %dma_start3A_145 = tpu.memref_slice %arg3[%multiple_of3A_140, %dma_start3A_144] : memref<10000x32xf32, #tpu.memory_space<hbm>> -> memref<520x32xf32, #tpu.memory_space<hbm>>
          tpu.enqueue_dma source(%dma_start3A_145 : memref<520x32xf32, #tpu.memory_space<hbm>>) target(%dma_start3A_143 : memref<520x32xf32, #tpu.memory_space<vmem_shared>>) target_semaphore(%run_scoped3A_141 : memref<!tpu.dma_semaphore, #tpu.memory_space<semaphore_mem>>)
          %dma_wait3A = arith.constant 0 : i32
          %dma_wait3A_146 = tpu.memref_slice %arg10[%multiple_of3A_140, %dma_wait3A] : memref<10112x32xf32, #tpu.memory_space<vmem_shared>> -> memref<520x32xf32, #tpu.memory_space<vmem_shared>>
          %dma_wait3A_147 = arith.constant 0 : i32
          %dma_wait3A_148 = tpu.memref_slice %arg3[%multiple_of3A_140, %dma_wait3A_147] : memref<10000x32xf32, #tpu.memory_space<hbm>> -> memref<520x32xf32, #tpu.memory_space<hbm>>
          tpu.wait_dma2 semaphore(%run_scoped3A_141 : memref<!tpu.dma_semaphore, #tpu.memory_space<semaphore_mem>>) src(%dma_wait3A_148 : memref<520x32xf32, #tpu.memory_space<hbm>>) dst(%dma_wait3A_146 : memref<520x32xf32, #tpu.memory_space<vmem_shared>>)
          tpu.yield
        }) : () -> ()
      } else {
      }
      %mul3A_126 = arith.constant 632 : i32
      %mul3A_127 = arith.muli %arg1, %mul3A_126 : i32
      %multiple_of3A_128 = tpu.assume_multiple %mul3A_127, 8 : i32
      %lt3A_129 = arith.constant 15 : i32
      %lt3A_130 = arith.cmpi slt, %arg1, %lt3A_129 : i32
      %convert_element_type3A_131 = arith.extui %lt3A_130 : i1 to i32
      %cond3A_132 = arith.constant 0 : i32
      %cond3A_133 = arith.cmpi ne, %convert_element_type3A_131, %cond3A_132 : i32
      scf.if %cond3A_133 {
        "tpu.region"() ({
          %run_scoped3A_139 = tpu.sem_alloc : memref<!tpu.dma_semaphore, #tpu.memory_space<semaphore_mem>>
          %dma_start3A_140 = arith.constant 0 : i32
          %dma_start3A_141 = tpu.memref_slice %arg9[%multiple_of3A_128, %dma_start3A_140] : memref<10112x32xf32, #tpu.memory_space<vmem_shared>> -> memref<632x32xf32, #tpu.memory_space<vmem_shared>>
          %dma_start3A_142 = arith.constant 0 : i32
          %dma_start3A_143 = tpu.memref_slice %arg3[%multiple_of3A_128, %dma_start3A_142] : memref<10000x32xf32, #tpu.memory_space<hbm>> -> memref<632x32xf32, #tpu.memory_space<hbm>>
          tpu.enqueue_dma source(%dma_start3A_143 : memref<632x32xf32, #tpu.memory_space<hbm>>) target(%dma_start3A_141 : memref<632x32xf32, #tpu.memory_space<vmem_shared>>) target_semaphore(%run_scoped3A_139 : memref<!tpu.dma_semaphore, #tpu.memory_space<semaphore_mem>>)
          %dma_wait3A = arith.constant 0 : i32
          %dma_wait3A_144 = tpu.memref_slice %arg9[%multiple_of3A_128, %dma_wait3A] : memref<10112x32xf32, #tpu.memory_space<vmem_shared>> -> memref<632x32xf32, #tpu.memory_space<vmem_shared>>
          %dma_wait3A_145 = arith.constant 0 : i32
          %dma_wait3A_146 = tpu.memref_slice %arg3[%multiple_of3A_128, %dma_wait3A_145] : memref<10000x32xf32, #tpu.memory_space<hbm>> -> memref<632x32xf32, #tpu.memory_space<hbm>>
          tpu.wait_dma2 semaphore(%run_scoped3A_139 : memref<!tpu.dma_semaphore, #tpu.memory_space<semaphore_mem>>) src(%dma_wait3A_146 : memref<632x32xf32, #tpu.memory_space<hbm>>) dst(%dma_wait3A_144 : memref<632x32xf32, #tpu.memory_space<vmem_shared>>)
          tpu.yield
        }) : () -> ()
      } else {
      }
      %eq3A_134 = arith.constant 15 : i32
      %eq3A_135 = arith.cmpi eq, %arg1, %eq3A_134 : i32
      %convert_element_type3A_136 = arith.extui %eq3A_135 : i1 to i32
      %cond3A_137 = arith.constant 0 : i32
      %cond3A_138 = arith.cmpi ne, %convert_element_type3A_136, %cond3A_137 : i32
      scf.if %cond3A_138 {
        %multiple_of3A_139 = arith.constant 9480 : i32
        %multiple_of3A_140 = tpu.assume_multiple %multiple_of3A_139, 8 : i32
        "tpu.region"() ({
          %run_scoped3A_141 = tpu.sem_alloc : memref<!tpu.dma_semaphore, #tpu.memory_space<semaphore_mem>>
          %dma_start3A_142 = arith.constant 0 : i32
          %dma_start3A_143 = tpu.memref_slice %arg9[%multiple_of3A_140, %dma_start3A_142] : memref<10112x32xf32, #tpu.memory_space<vmem_shared>> -> memref<520x32xf32, #tpu.memory_space<vmem_shared>>
          %dma_start3A_144 = arith.constant 0 : i32
          %dma_start3A_145 = tpu.memref_slice %arg3[%multiple_of3A_140, %dma_start3A_144] : memref<10000x32xf32, #tpu.memory_space<hbm>> -> memref<520x32xf32, #tpu.memory_space<hbm>>
          tpu.enqueue_dma source(%dma_start3A_145 : memref<520x32xf32, #tpu.memory_space<hbm>>) target(%dma_start3A_143 : memref<520x32xf32, #tpu.memory_space<vmem_shared>>) target_semaphore(%run_scoped3A_141 : memref<!tpu.dma_semaphore, #tpu.memory_space<semaphore_mem>>)
          %dma_wait3A = arith.constant 0 : i32
          %dma_wait3A_146 = tpu.memref_slice %arg9[%multiple_of3A_140, %dma_wait3A] : memref<10112x32xf32, #tpu.memory_space<vmem_shared>> -> memref<520x32xf32, #tpu.memory_space<vmem_shared>>
          %dma_wait3A_147 = arith.constant 0 : i32
          %dma_wait3A_148 = tpu.memref_slice %arg3[%multiple_of3A_140, %dma_wait3A_147] : memref<10000x32xf32, #tpu.memory_space<hbm>> -> memref<520x32xf32, #tpu.memory_space<hbm>>
          tpu.wait_dma2 semaphore(%run_scoped3A_141 : memref<!tpu.dma_semaphore, #tpu.memory_space<semaphore_mem>>) src(%dma_wait3A_148 : memref<520x32xf32, #tpu.memory_space<hbm>>) dst(%dma_wait3A_146 : memref<520x32xf32, #tpu.memory_space<vmem_shared>>)
          tpu.yield
        }) : () -> ()
      } else {
      }
    } else {
    }
    %barrier3A = arith.constant 0 : index
    tpu.barrier barrier_id(%barrier3A)
    %dma_start3A = arith.constant 0 : i32
    %dma_start3A_13 = arith.constant 0 : i32
    %dma_start3A_14 = arith.constant 0 : i32
    %dma_start3A_15 = arith.constant 0 : i32
    %dma_start3A_16 = tpu.memref_slice %arg8[%dma_start3A_13, %dma_start3A_14, %dma_start3A_15] : memref<8x128x32xf32, #tpu.memory_space<vmem>> -> memref<1x128x32xf32, #tpu.memory_space<vmem>>
    %dma_start3A_17 = tpu.memref_squeeze %dma_start3A_16 : memref<1x128x32xf32, #tpu.memory_space<vmem>> -> memref<128x32xf32, #tpu.memory_space<vmem>>
    %dma_start3A_18 = arith.constant 0 : i32
    %dma_start3A_19 = tpu.memref_slice %arg6[%dma_start3A, %dma_start3A_18] : memref<160x128xi32, #tpu.memory_space<vmem>> -> memref<1x128xi32, #tpu.memory_space<vmem>>
    %dma_start3A_20 = tpu.memref_squeeze %dma_start3A_19 : memref<1x128xi32, #tpu.memory_space<vmem>> -> memref<128xi32, #tpu.memory_space<vmem>>
    %dma_start3A_21 = arith.constant 0 : i32
    %dma_start3A_22 = arith.constant 0 : i32
    %dma_start3A_23 = tpu.memref_slice %arg10[%dma_start3A_21, %dma_start3A_22] : memref<10112x32xf32, #tpu.memory_space<vmem_shared>> -> memref<10112x32xf32, #tpu.memory_space<vmem_shared>>
    tpu.enqueue_indirect_dma source(%dma_start3A_23 : memref<10112x32xf32, #tpu.memory_space<vmem_shared>>) target(%dma_start3A_17 : memref<128x32xf32, #tpu.memory_space<vmem>>) offsets(%dma_start3A_20 : memref<128xi32, #tpu.memory_space<vmem>>) semaphore(%arg11 : memref<!tpu.dma_semaphore, #tpu.memory_space<semaphore_mem>>)
    %dma_start3A_24 = arith.constant 1 : i32
    %dma_start3A_25 = arith.constant 1 : i32
    %dma_start3A_26 = arith.constant 0 : i32
    %dma_start3A_27 = arith.constant 0 : i32
    %dma_start3A_28 = tpu.memref_slice %arg8[%dma_start3A_25, %dma_start3A_26, %dma_start3A_27] : memref<8x128x32xf32, #tpu.memory_space<vmem>> -> memref<1x128x32xf32, #tpu.memory_space<vmem>>
    %dma_start3A_29 = tpu.memref_squeeze %dma_start3A_28 : memref<1x128x32xf32, #tpu.memory_space<vmem>> -> memref<128x32xf32, #tpu.memory_space<vmem>>
    %dma_start3A_30 = arith.constant 0 : i32
    %dma_start3A_31 = tpu.memref_slice %arg6[%dma_start3A_24, %dma_start3A_30] : memref<160x128xi32, #tpu.memory_space<vmem>> -> memref<1x128xi32, #tpu.memory_space<vmem>>
    %dma_start3A_32 = tpu.memref_squeeze %dma_start3A_31 : memref<1x128xi32, #tpu.memory_space<vmem>> -> memref<128xi32, #tpu.memory_space<vmem>>
    %dma_start3A_33 = arith.constant 0 : i32
    %dma_start3A_34 = arith.constant 0 : i32
    %dma_start3A_35 = tpu.memref_slice %arg10[%dma_start3A_33, %dma_start3A_34] : memref<10112x32xf32, #tpu.memory_space<vmem_shared>> -> memref<10112x32xf32, #tpu.memory_space<vmem_shared>>
    tpu.enqueue_indirect_dma source(%dma_start3A_35 : memref<10112x32xf32, #tpu.memory_space<vmem_shared>>) target(%dma_start3A_29 : memref<128x32xf32, #tpu.memory_space<vmem>>) offsets(%dma_start3A_32 : memref<128xi32, #tpu.memory_space<vmem>>) semaphore(%arg12 : memref<!tpu.dma_semaphore, #tpu.memory_space<semaphore_mem>>)
    %dma_start3A_36 = arith.constant 2 : i32
    %dma_start3A_37 = arith.constant 2 : i32
    %dma_start3A_38 = arith.constant 0 : i32
    %dma_start3A_39 = arith.constant 0 : i32
    %dma_start3A_40 = tpu.memref_slice %arg8[%dma_start3A_37, %dma_start3A_38, %dma_start3A_39] : memref<8x128x32xf32, #tpu.memory_space<vmem>> -> memref<1x128x32xf32, #tpu.memory_space<vmem>>
    %dma_start3A_41 = tpu.memref_squeeze %dma_start3A_40 : memref<1x128x32xf32, #tpu.memory_space<vmem>> -> memref<128x32xf32, #tpu.memory_space<vmem>>
    %dma_start3A_42 = arith.constant 0 : i32
    %dma_start3A_43 = tpu.memref_slice %arg6[%dma_start3A_36, %dma_start3A_42] : memref<160x128xi32, #tpu.memory_space<vmem>> -> memref<1x128xi32, #tpu.memory_space<vmem>>
    %dma_start3A_44 = tpu.memref_squeeze %dma_start3A_43 : memref<1x128xi32, #tpu.memory_space<vmem>> -> memref<128xi32, #tpu.memory_space<vmem>>
    %dma_start3A_45 = arith.constant 0 : i32
    %dma_start3A_46 = arith.constant 0 : i32
    %dma_start3A_47 = tpu.memref_slice %arg10[%dma_start3A_45, %dma_start3A_46] : memref<10112x32xf32, #tpu.memory_space<vmem_shared>> -> memref<10112x32xf32, #tpu.memory_space<vmem_shared>>
    tpu.enqueue_indirect_dma source(%dma_start3A_47 : memref<10112x32xf32, #tpu.memory_space<vmem_shared>>) target(%dma_start3A_41 : memref<128x32xf32, #tpu.memory_space<vmem>>) offsets(%dma_start3A_44 : memref<128xi32, #tpu.memory_space<vmem>>) semaphore(%arg13 : memref<!tpu.dma_semaphore, #tpu.memory_space<semaphore_mem>>)
    %dma_start3A_48 = arith.constant 3 : i32
    %dma_start3A_49 = arith.constant 3 : i32
    %dma_start3A_50 = arith.constant 0 : i32
    %dma_start3A_51 = arith.constant 0 : i32
    %dma_start3A_52 = tpu.memref_slice %arg8[%dma_start3A_49, %dma_start3A_50, %dma_start3A_51] : memref<8x128x32xf32, #tpu.memory_space<vmem>> -> memref<1x128x32xf32, #tpu.memory_space<vmem>>
    %dma_start3A_53 = tpu.memref_squeeze %dma_start3A_52 : memref<1x128x32xf32, #tpu.memory_space<vmem>> -> memref<128x32xf32, #tpu.memory_space<vmem>>
    %dma_start3A_54 = arith.constant 0 : i32
    %dma_start3A_55 = tpu.memref_slice %arg6[%dma_start3A_48, %dma_start3A_54] : memref<160x128xi32, #tpu.memory_space<vmem>> -> memref<1x128xi32, #tpu.memory_space<vmem>>
    %dma_start3A_56 = tpu.memref_squeeze %dma_start3A_55 : memref<1x128xi32, #tpu.memory_space<vmem>> -> memref<128xi32, #tpu.memory_space<vmem>>
    %dma_start3A_57 = arith.constant 0 : i32
    %dma_start3A_58 = arith.constant 0 : i32
    %dma_start3A_59 = tpu.memref_slice %arg10[%dma_start3A_57, %dma_start3A_58] : memref<10112x32xf32, #tpu.memory_space<vmem_shared>> -> memref<10112x32xf32, #tpu.memory_space<vmem_shared>>
    tpu.enqueue_indirect_dma source(%dma_start3A_59 : memref<10112x32xf32, #tpu.memory_space<vmem_shared>>) target(%dma_start3A_53 : memref<128x32xf32, #tpu.memory_space<vmem>>) offsets(%dma_start3A_56 : memref<128xi32, #tpu.memory_space<vmem>>) semaphore(%arg14 : memref<!tpu.dma_semaphore, #tpu.memory_space<semaphore_mem>>)
    %dma_start3A_60 = arith.constant 4 : i32
    %dma_start3A_61 = arith.constant 4 : i32
    %dma_start3A_62 = arith.constant 0 : i32
    %dma_start3A_63 = arith.constant 0 : i32
    %dma_start3A_64 = tpu.memref_slice %arg8[%dma_start3A_61, %dma_start3A_62, %dma_start3A_63] : memref<8x128x32xf32, #tpu.memory_space<vmem>> -> memref<1x128x32xf32, #tpu.memory_space<vmem>>
    %dma_start3A_65 = tpu.memref_squeeze %dma_start3A_64 : memref<1x128x32xf32, #tpu.memory_space<vmem>> -> memref<128x32xf32, #tpu.memory_space<vmem>>
    %dma_start3A_66 = arith.constant 0 : i32
    %dma_start3A_67 = tpu.memref_slice %arg6[%dma_start3A_60, %dma_start3A_66] : memref<160x128xi32, #tpu.memory_space<vmem>> -> memref<1x128xi32, #tpu.memory_space<vmem>>
    %dma_start3A_68 = tpu.memref_squeeze %dma_start3A_67 : memref<1x128xi32, #tpu.memory_space<vmem>> -> memref<128xi32, #tpu.memory_space<vmem>>
    %dma_start3A_69 = arith.constant 0 : i32
    %dma_start3A_70 = arith.constant 0 : i32
    %dma_start3A_71 = tpu.memref_slice %arg10[%dma_start3A_69, %dma_start3A_70] : memref<10112x32xf32, #tpu.memory_space<vmem_shared>> -> memref<10112x32xf32, #tpu.memory_space<vmem_shared>>
    tpu.enqueue_indirect_dma source(%dma_start3A_71 : memref<10112x32xf32, #tpu.memory_space<vmem_shared>>) target(%dma_start3A_65 : memref<128x32xf32, #tpu.memory_space<vmem>>) offsets(%dma_start3A_68 : memref<128xi32, #tpu.memory_space<vmem>>) semaphore(%arg15 : memref<!tpu.dma_semaphore, #tpu.memory_space<semaphore_mem>>)
    %dma_start3A_72 = arith.constant 5 : i32
    %dma_start3A_73 = arith.constant 5 : i32
    %dma_start3A_74 = arith.constant 0 : i32
    %dma_start3A_75 = arith.constant 0 : i32
    %dma_start3A_76 = tpu.memref_slice %arg8[%dma_start3A_73, %dma_start3A_74, %dma_start3A_75] : memref<8x128x32xf32, #tpu.memory_space<vmem>> -> memref<1x128x32xf32, #tpu.memory_space<vmem>>
    %dma_start3A_77 = tpu.memref_squeeze %dma_start3A_76 : memref<1x128x32xf32, #tpu.memory_space<vmem>> -> memref<128x32xf32, #tpu.memory_space<vmem>>
    %dma_start3A_78 = arith.constant 0 : i32
    %dma_start3A_79 = tpu.memref_slice %arg6[%dma_start3A_72, %dma_start3A_78] : memref<160x128xi32, #tpu.memory_space<vmem>> -> memref<1x128xi32, #tpu.memory_space<vmem>>
    %dma_start3A_80 = tpu.memref_squeeze %dma_start3A_79 : memref<1x128xi32, #tpu.memory_space<vmem>> -> memref<128xi32, #tpu.memory_space<vmem>>
    %dma_start3A_81 = arith.constant 0 : i32
    %dma_start3A_82 = arith.constant 0 : i32
    %dma_start3A_83 = tpu.memref_slice %arg10[%dma_start3A_81, %dma_start3A_82] : memref<10112x32xf32, #tpu.memory_space<vmem_shared>> -> memref<10112x32xf32, #tpu.memory_space<vmem_shared>>
    tpu.enqueue_indirect_dma source(%dma_start3A_83 : memref<10112x32xf32, #tpu.memory_space<vmem_shared>>) target(%dma_start3A_77 : memref<128x32xf32, #tpu.memory_space<vmem>>) offsets(%dma_start3A_80 : memref<128xi32, #tpu.memory_space<vmem>>) semaphore(%arg16 : memref<!tpu.dma_semaphore, #tpu.memory_space<semaphore_mem>>)
    %dma_start3A_84 = arith.constant 6 : i32
    %dma_start3A_85 = arith.constant 6 : i32
    %dma_start3A_86 = arith.constant 0 : i32
    %dma_start3A_87 = arith.constant 0 : i32
    %dma_start3A_88 = tpu.memref_slice %arg8[%dma_start3A_85, %dma_start3A_86, %dma_start3A_87] : memref<8x128x32xf32, #tpu.memory_space<vmem>> -> memref<1x128x32xf32, #tpu.memory_space<vmem>>
    %dma_start3A_89 = tpu.memref_squeeze %dma_start3A_88 : memref<1x128x32xf32, #tpu.memory_space<vmem>> -> memref<128x32xf32, #tpu.memory_space<vmem>>
    %dma_start3A_90 = arith.constant 0 : i32
    %dma_start3A_91 = tpu.memref_slice %arg6[%dma_start3A_84, %dma_start3A_90] : memref<160x128xi32, #tpu.memory_space<vmem>> -> memref<1x128xi32, #tpu.memory_space<vmem>>
    %dma_start3A_92 = tpu.memref_squeeze %dma_start3A_91 : memref<1x128xi32, #tpu.memory_space<vmem>> -> memref<128xi32, #tpu.memory_space<vmem>>
    %dma_start3A_93 = arith.constant 0 : i32
    %dma_start3A_94 = arith.constant 0 : i32
    %dma_start3A_95 = tpu.memref_slice %arg10[%dma_start3A_93, %dma_start3A_94] : memref<10112x32xf32, #tpu.memory_space<vmem_shared>> -> memref<10112x32xf32, #tpu.memory_space<vmem_shared>>
    tpu.enqueue_indirect_dma source(%dma_start3A_95 : memref<10112x32xf32, #tpu.memory_space<vmem_shared>>) target(%dma_start3A_89 : memref<128x32xf32, #tpu.memory_space<vmem>>) offsets(%dma_start3A_92 : memref<128xi32, #tpu.memory_space<vmem>>) semaphore(%arg17 : memref<!tpu.dma_semaphore, #tpu.memory_space<semaphore_mem>>)
    %dma_start3A_96 = arith.constant 7 : i32
    %dma_start3A_97 = arith.constant 7 : i32
    %dma_start3A_98 = arith.constant 0 : i32
    %dma_start3A_99 = arith.constant 0 : i32
    %dma_start3A_100 = tpu.memref_slice %arg8[%dma_start3A_97, %dma_start3A_98, %dma_start3A_99] : memref<8x128x32xf32, #tpu.memory_space<vmem>> -> memref<1x128x32xf32, #tpu.memory_space<vmem>>
    %dma_start3A_101 = tpu.memref_squeeze %dma_start3A_100 : memref<1x128x32xf32, #tpu.memory_space<vmem>> -> memref<128x32xf32, #tpu.memory_space<vmem>>
    %dma_start3A_102 = arith.constant 0 : i32
    %dma_start3A_103 = tpu.memref_slice %arg6[%dma_start3A_96, %dma_start3A_102] : memref<160x128xi32, #tpu.memory_space<vmem>> -> memref<1x128xi32, #tpu.memory_space<vmem>>
    %dma_start3A_104 = tpu.memref_squeeze %dma_start3A_103 : memref<1x128xi32, #tpu.memory_space<vmem>> -> memref<128xi32, #tpu.memory_space<vmem>>
    %dma_start3A_105 = arith.constant 0 : i32
    %dma_start3A_106 = arith.constant 0 : i32
    %dma_start3A_107 = tpu.memref_slice %arg10[%dma_start3A_105, %dma_start3A_106] : memref<10112x32xf32, #tpu.memory_space<vmem_shared>> -> memref<10112x32xf32, #tpu.memory_space<vmem_shared>>
    tpu.enqueue_indirect_dma source(%dma_start3A_107 : memref<10112x32xf32, #tpu.memory_space<vmem_shared>>) target(%dma_start3A_101 : memref<128x32xf32, #tpu.memory_space<vmem>>) offsets(%dma_start3A_104 : memref<128xi32, #tpu.memory_space<vmem>>) semaphore(%arg18 : memref<!tpu.dma_semaphore, #tpu.memory_space<semaphore_mem>>)
    %scan3A = arith.constant 0 : i32
    %scan3A_108 = arith.constant 0 : i32
    %scan3A_109 = arith.constant 20 : i32
    %scan3A_110 = arith.addi %scan3A_108, %scan3A_109 : i32
    %scan3A_111 = arith.constant 1 : i32
    scf.for %scan3A_114 = %scan3A_108 to %scan3A_110 step %scan3A_111  : i32 {
      %mul3A_115 = arith.constant 8 : i32
      %mul3A_116 = arith.muli %mul3A_115, %scan3A_114 : i32
      %add3A = arith.constant 0 : i32
      %add3A_117 = arith.addi %mul3A_116, %add3A : i32
      %add3A_118 = arith.constant 0 : i32
      %add3A_119 = arith.addi %add3A_117, %add3A_118 : i32
      %dma_wait3A = arith.constant 0 : i32
      %dma_wait3A_120 = arith.constant 0 : i32
      %dma_wait3A_121 = arith.constant 0 : i32
      %dma_wait3A_122 = tpu.memref_slice %arg8[%dma_wait3A, %dma_wait3A_120, %dma_wait3A_121] : memref<8x128x32xf32, #tpu.memory_space<vmem>> -> memref<1x128x32xf32, #tpu.memory_space<vmem>>
      %dma_wait3A_123 = tpu.memref_squeeze %dma_wait3A_122 : memref<1x128x32xf32, #tpu.memory_space<vmem>> -> memref<128x32xf32, #tpu.memory_space<vmem>>
      %dma_wait3A_124 = arith.constant 0 : i32
      %dma_wait3A_125 = tpu.memref_slice %arg6[%add3A_119, %dma_wait3A_124] : memref<160x128xi32, #tpu.memory_space<vmem>> -> memref<1x128xi32, #tpu.memory_space<vmem>>
      %dma_wait3A_126 = tpu.memref_squeeze %dma_wait3A_125 : memref<1x128xi32, #tpu.memory_space<vmem>> -> memref<128xi32, #tpu.memory_space<vmem>>
      %dma_wait3A_127 = arith.constant 0 : i32
      %dma_wait3A_128 = arith.constant 0 : i32
      %dma_wait3A_129 = tpu.memref_slice %arg10[%dma_wait3A_127, %dma_wait3A_128] : memref<10112x32xf32, #tpu.memory_space<vmem_shared>> -> memref<10112x32xf32, #tpu.memory_space<vmem_shared>>
      tpu.wait_indirect_dma semaphore(%arg11 : memref<!tpu.dma_semaphore, #tpu.memory_space<semaphore_mem>>) src(%dma_wait3A_129 : memref<10112x32xf32, #tpu.memory_space<vmem_shared>>) dst(%dma_wait3A_123 : memref<128x32xf32, #tpu.memory_space<vmem>>)
      %add3A_130 = arith.constant 0 : i32
      %add3A_131 = arith.addi %mul3A_116, %add3A_130 : i32
      %add3A_132 = arith.constant 1 : i32
      %add3A_133 = arith.addi %add3A_131, %add3A_132 : i32
      %dma_wait3A_134 = arith.constant 1 : i32
      %dma_wait3A_135 = arith.constant 0 : i32
      %dma_wait3A_136 = arith.constant 0 : i32
      %dma_wait3A_137 = tpu.memref_slice %arg8[%dma_wait3A_134, %dma_wait3A_135, %dma_wait3A_136] : memref<8x128x32xf32, #tpu.memory_space<vmem>> -> memref<1x128x32xf32, #tpu.memory_space<vmem>>
      %dma_wait3A_138 = tpu.memref_squeeze %dma_wait3A_137 : memref<1x128x32xf32, #tpu.memory_space<vmem>> -> memref<128x32xf32, #tpu.memory_space<vmem>>
      %dma_wait3A_139 = arith.constant 0 : i32
      %dma_wait3A_140 = tpu.memref_slice %arg6[%add3A_133, %dma_wait3A_139] : memref<160x128xi32, #tpu.memory_space<vmem>> -> memref<1x128xi32, #tpu.memory_space<vmem>>
      %dma_wait3A_141 = tpu.memref_squeeze %dma_wait3A_140 : memref<1x128xi32, #tpu.memory_space<vmem>> -> memref<128xi32, #tpu.memory_space<vmem>>
      %dma_wait3A_142 = arith.constant 0 : i32
      %dma_wait3A_143 = arith.constant 0 : i32
      %dma_wait3A_144 = tpu.memref_slice %arg10[%dma_wait3A_142, %dma_wait3A_143] : memref<10112x32xf32, #tpu.memory_space<vmem_shared>> -> memref<10112x32xf32, #tpu.memory_space<vmem_shared>>
      tpu.wait_indirect_dma semaphore(%arg12 : memref<!tpu.dma_semaphore, #tpu.memory_space<semaphore_mem>>) src(%dma_wait3A_144 : memref<10112x32xf32, #tpu.memory_space<vmem_shared>>) dst(%dma_wait3A_138 : memref<128x32xf32, #tpu.memory_space<vmem>>)
      %add3A_145 = arith.constant 0 : i32
      %add3A_146 = arith.addi %mul3A_116, %add3A_145 : i32
      %add3A_147 = arith.constant 2 : i32
      %add3A_148 = arith.addi %add3A_146, %add3A_147 : i32
      %dma_wait3A_149 = arith.constant 2 : i32
      %dma_wait3A_150 = arith.constant 0 : i32
      %dma_wait3A_151 = arith.constant 0 : i32
      %dma_wait3A_152 = tpu.memref_slice %arg8[%dma_wait3A_149, %dma_wait3A_150, %dma_wait3A_151] : memref<8x128x32xf32, #tpu.memory_space<vmem>> -> memref<1x128x32xf32, #tpu.memory_space<vmem>>
      %dma_wait3A_153 = tpu.memref_squeeze %dma_wait3A_152 : memref<1x128x32xf32, #tpu.memory_space<vmem>> -> memref<128x32xf32, #tpu.memory_space<vmem>>
      %dma_wait3A_154 = arith.constant 0 : i32
      %dma_wait3A_155 = tpu.memref_slice %arg6[%add3A_148, %dma_wait3A_154] : memref<160x128xi32, #tpu.memory_space<vmem>> -> memref<1x128xi32, #tpu.memory_space<vmem>>
      %dma_wait3A_156 = tpu.memref_squeeze %dma_wait3A_155 : memref<1x128xi32, #tpu.memory_space<vmem>> -> memref<128xi32, #tpu.memory_space<vmem>>
      %dma_wait3A_157 = arith.constant 0 : i32
      %dma_wait3A_158 = arith.constant 0 : i32
      %dma_wait3A_159 = tpu.memref_slice %arg10[%dma_wait3A_157, %dma_wait3A_158] : memref<10112x32xf32, #tpu.memory_space<vmem_shared>> -> memref<10112x32xf32, #tpu.memory_space<vmem_shared>>
      tpu.wait_indirect_dma semaphore(%arg13 : memref<!tpu.dma_semaphore, #tpu.memory_space<semaphore_mem>>) src(%dma_wait3A_159 : memref<10112x32xf32, #tpu.memory_space<vmem_shared>>) dst(%dma_wait3A_153 : memref<128x32xf32, #tpu.memory_space<vmem>>)
      %add3A_160 = arith.constant 0 : i32
      %add3A_161 = arith.addi %mul3A_116, %add3A_160 : i32
      %add3A_162 = arith.constant 3 : i32
      %add3A_163 = arith.addi %add3A_161, %add3A_162 : i32
      %dma_wait3A_164 = arith.constant 3 : i32
      %dma_wait3A_165 = arith.constant 0 : i32
      %dma_wait3A_166 = arith.constant 0 : i32
      %dma_wait3A_167 = tpu.memref_slice %arg8[%dma_wait3A_164, %dma_wait3A_165, %dma_wait3A_166] : memref<8x128x32xf32, #tpu.memory_space<vmem>> -> memref<1x128x32xf32, #tpu.memory_space<vmem>>
      %dma_wait3A_168 = tpu.memref_squeeze %dma_wait3A_167 : memref<1x128x32xf32, #tpu.memory_space<vmem>> -> memref<128x32xf32, #tpu.memory_space<vmem>>
      %dma_wait3A_169 = arith.constant 0 : i32
      %dma_wait3A_170 = tpu.memref_slice %arg6[%add3A_163, %dma_wait3A_169] : memref<160x128xi32, #tpu.memory_space<vmem>> -> memref<1x128xi32, #tpu.memory_space<vmem>>
      %dma_wait3A_171 = tpu.memref_squeeze %dma_wait3A_170 : memref<1x128xi32, #tpu.memory_space<vmem>> -> memref<128xi32, #tpu.memory_space<vmem>>
      %dma_wait3A_172 = arith.constant 0 : i32
      %dma_wait3A_173 = arith.constant 0 : i32
      %dma_wait3A_174 = tpu.memref_slice %arg10[%dma_wait3A_172, %dma_wait3A_173] : memref<10112x32xf32, #tpu.memory_space<vmem_shared>> -> memref<10112x32xf32, #tpu.memory_space<vmem_shared>>
      tpu.wait_indirect_dma semaphore(%arg14 : memref<!tpu.dma_semaphore, #tpu.memory_space<semaphore_mem>>) src(%dma_wait3A_174 : memref<10112x32xf32, #tpu.memory_space<vmem_shared>>) dst(%dma_wait3A_168 : memref<128x32xf32, #tpu.memory_space<vmem>>)
      %add3A_175 = arith.constant 0 : i32
      %add3A_176 = arith.addi %mul3A_116, %add3A_175 : i32
      %add3A_177 = arith.constant 0 : i32
      %add3A_178 = arith.addi %add3A_176, %add3A_177 : i32
      %dma_start3A_179 = arith.constant 0 : i32
      %dma_start3A_180 = arith.constant 0 : i32
      %dma_start3A_181 = arith.constant 0 : i32
      %dma_start3A_182 = tpu.memref_slice %arg8[%dma_start3A_179, %dma_start3A_180, %dma_start3A_181] : memref<8x128x32xf32, #tpu.memory_space<vmem>> -> memref<1x128x32xf32, #tpu.memory_space<vmem>>
      %dma_start3A_183 = tpu.memref_squeeze %dma_start3A_182 : memref<1x128x32xf32, #tpu.memory_space<vmem>> -> memref<128x32xf32, #tpu.memory_space<vmem>>
      %dma_start3A_184 = arith.constant 0 : i32
      %dma_start3A_185 = tpu.memref_slice %arg7[%add3A_178, %dma_start3A_184] : memref<160x128xi32, #tpu.memory_space<vmem>> -> memref<1x128xi32, #tpu.memory_space<vmem>>
      %dma_start3A_186 = tpu.memref_squeeze %dma_start3A_185 : memref<1x128xi32, #tpu.memory_space<vmem>> -> memref<128xi32, #tpu.memory_space<vmem>>
      %dma_start3A_187 = arith.constant 0 : i32
      %dma_start3A_188 = arith.constant 0 : i32
      %dma_start3A_189 = tpu.memref_slice %arg9[%dma_start3A_187, %dma_start3A_188] : memref<10112x32xf32, #tpu.memory_space<vmem_shared>> -> memref<10112x32xf32, #tpu.memory_space<vmem_shared>>
      tpu.enqueue_indirect_dma source(%dma_start3A_183 : memref<128x32xf32, #tpu.memory_space<vmem>>) target(%dma_start3A_189 : memref<10112x32xf32, #tpu.memory_space<vmem_shared>>) offsets(%dma_start3A_186 : memref<128xi32, #tpu.memory_space<vmem>>) semaphore(%arg19 : memref<!tpu.dma_semaphore, #tpu.memory_space<semaphore_mem>>) {add = true}
      %add3A_190 = arith.constant 0 : i32
      %add3A_191 = arith.addi %mul3A_116, %add3A_190 : i32
      %add3A_192 = arith.constant 1 : i32
      %add3A_193 = arith.addi %add3A_191, %add3A_192 : i32
      %dma_start3A_194 = arith.constant 1 : i32
      %dma_start3A_195 = arith.constant 0 : i32
      %dma_start3A_196 = arith.constant 0 : i32
      %dma_start3A_197 = tpu.memref_slice %arg8[%dma_start3A_194, %dma_start3A_195, %dma_start3A_196] : memref<8x128x32xf32, #tpu.memory_space<vmem>> -> memref<1x128x32xf32, #tpu.memory_space<vmem>>
      %dma_start3A_198 = tpu.memref_squeeze %dma_start3A_197 : memref<1x128x32xf32, #tpu.memory_space<vmem>> -> memref<128x32xf32, #tpu.memory_space<vmem>>
      %dma_start3A_199 = arith.constant 0 : i32
      %dma_start3A_200 = tpu.memref_slice %arg7[%add3A_193, %dma_start3A_199] : memref<160x128xi32, #tpu.memory_space<vmem>> -> memref<1x128xi32, #tpu.memory_space<vmem>>
      %dma_start3A_201 = tpu.memref_squeeze %dma_start3A_200 : memref<1x128xi32, #tpu.memory_space<vmem>> -> memref<128xi32, #tpu.memory_space<vmem>>
      %dma_start3A_202 = arith.constant 0 : i32
      %dma_start3A_203 = arith.constant 0 : i32
      %dma_start3A_204 = tpu.memref_slice %arg9[%dma_start3A_202, %dma_start3A_203] : memref<10112x32xf32, #tpu.memory_space<vmem_shared>> -> memref<10112x32xf32, #tpu.memory_space<vmem_shared>>
      tpu.enqueue_indirect_dma source(%dma_start3A_198 : memref<128x32xf32, #tpu.memory_space<vmem>>) target(%dma_start3A_204 : memref<10112x32xf32, #tpu.memory_space<vmem_shared>>) offsets(%dma_start3A_201 : memref<128xi32, #tpu.memory_space<vmem>>) semaphore(%arg20 : memref<!tpu.dma_semaphore, #tpu.memory_space<semaphore_mem>>) {add = true}
      %add3A_205 = arith.constant 0 : i32
      %add3A_206 = arith.addi %mul3A_116, %add3A_205 : i32
      %add3A_207 = arith.constant 2 : i32
      %add3A_208 = arith.addi %add3A_206, %add3A_207 : i32
      %dma_start3A_209 = arith.constant 2 : i32
      %dma_start3A_210 = arith.constant 0 : i32
      %dma_start3A_211 = arith.constant 0 : i32
      %dma_start3A_212 = tpu.memref_slice %arg8[%dma_start3A_209, %dma_start3A_210, %dma_start3A_211] : memref<8x128x32xf32, #tpu.memory_space<vmem>> -> memref<1x128x32xf32, #tpu.memory_space<vmem>>
      %dma_start3A_213 = tpu.memref_squeeze %dma_start3A_212 : memref<1x128x32xf32, #tpu.memory_space<vmem>> -> memref<128x32xf32, #tpu.memory_space<vmem>>
      %dma_start3A_214 = arith.constant 0 : i32
      %dma_start3A_215 = tpu.memref_slice %arg7[%add3A_208, %dma_start3A_214] : memref<160x128xi32, #tpu.memory_space<vmem>> -> memref<1x128xi32, #tpu.memory_space<vmem>>
      %dma_start3A_216 = tpu.memref_squeeze %dma_start3A_215 : memref<1x128xi32, #tpu.memory_space<vmem>> -> memref<128xi32, #tpu.memory_space<vmem>>
      %dma_start3A_217 = arith.constant 0 : i32
      %dma_start3A_218 = arith.constant 0 : i32
      %dma_start3A_219 = tpu.memref_slice %arg9[%dma_start3A_217, %dma_start3A_218] : memref<10112x32xf32, #tpu.memory_space<vmem_shared>> -> memref<10112x32xf32, #tpu.memory_space<vmem_shared>>
      tpu.enqueue_indirect_dma source(%dma_start3A_213 : memref<128x32xf32, #tpu.memory_space<vmem>>) target(%dma_start3A_219 : memref<10112x32xf32, #tpu.memory_space<vmem_shared>>) offsets(%dma_start3A_216 : memref<128xi32, #tpu.memory_space<vmem>>) semaphore(%arg21 : memref<!tpu.dma_semaphore, #tpu.memory_space<semaphore_mem>>) {add = true}
      %add3A_220 = arith.constant 0 : i32
      %add3A_221 = arith.addi %mul3A_116, %add3A_220 : i32
      %add3A_222 = arith.constant 3 : i32
      %add3A_223 = arith.addi %add3A_221, %add3A_222 : i32
      %dma_start3A_224 = arith.constant 3 : i32
      %dma_start3A_225 = arith.constant 0 : i32
      %dma_start3A_226 = arith.constant 0 : i32
      %dma_start3A_227 = tpu.memref_slice %arg8[%dma_start3A_224, %dma_start3A_225, %dma_start3A_226] : memref<8x128x32xf32, #tpu.memory_space<vmem>> -> memref<1x128x32xf32, #tpu.memory_space<vmem>>
      %dma_start3A_228 = tpu.memref_squeeze %dma_start3A_227 : memref<1x128x32xf32, #tpu.memory_space<vmem>> -> memref<128x32xf32, #tpu.memory_space<vmem>>
      %dma_start3A_229 = arith.constant 0 : i32
      %dma_start3A_230 = tpu.memref_slice %arg7[%add3A_223, %dma_start3A_229] : memref<160x128xi32, #tpu.memory_space<vmem>> -> memref<1x128xi32, #tpu.memory_space<vmem>>
      %dma_start3A_231 = tpu.memref_squeeze %dma_start3A_230 : memref<1x128xi32, #tpu.memory_space<vmem>> -> memref<128xi32, #tpu.memory_space<vmem>>
      %dma_start3A_232 = arith.constant 0 : i32
      %dma_start3A_233 = arith.constant 0 : i32
      %dma_start3A_234 = tpu.memref_slice %arg9[%dma_start3A_232, %dma_start3A_233] : memref<10112x32xf32, #tpu.memory_space<vmem_shared>> -> memref<10112x32xf32, #tpu.memory_space<vmem_shared>>
      tpu.enqueue_indirect_dma source(%dma_start3A_228 : memref<128x32xf32, #tpu.memory_space<vmem>>) target(%dma_start3A_234 : memref<10112x32xf32, #tpu.memory_space<vmem_shared>>) offsets(%dma_start3A_231 : memref<128xi32, #tpu.memory_space<vmem>>) semaphore(%arg22 : memref<!tpu.dma_semaphore, #tpu.memory_space<semaphore_mem>>) {add = true}
      %dma_wait3A_235 = arith.constant 0 : i32
      %dma_wait3A_236 = arith.constant 0 : i32
      %dma_wait3A_237 = arith.constant 0 : i32
      %dma_wait3A_238 = tpu.memref_slice %arg8[%dma_wait3A_235, %dma_wait3A_236, %dma_wait3A_237] : memref<8x128x32xf32, #tpu.memory_space<vmem>> -> memref<1x128x32xf32, #tpu.memory_space<vmem>>
      %dma_wait3A_239 = tpu.memref_squeeze %dma_wait3A_238 : memref<1x128x32xf32, #tpu.memory_space<vmem>> -> memref<128x32xf32, #tpu.memory_space<vmem>>
      %dma_wait3A_240 = arith.constant 0 : i32
      %dma_wait3A_241 = tpu.memref_slice %arg7[%add3A_178, %dma_wait3A_240] : memref<160x128xi32, #tpu.memory_space<vmem>> -> memref<1x128xi32, #tpu.memory_space<vmem>>
      %dma_wait3A_242 = tpu.memref_squeeze %dma_wait3A_241 : memref<1x128xi32, #tpu.memory_space<vmem>> -> memref<128xi32, #tpu.memory_space<vmem>>
      %dma_wait3A_243 = arith.constant 0 : i32
      %dma_wait3A_244 = arith.constant 0 : i32
      %dma_wait3A_245 = tpu.memref_slice %arg9[%dma_wait3A_243, %dma_wait3A_244] : memref<10112x32xf32, #tpu.memory_space<vmem_shared>> -> memref<10112x32xf32, #tpu.memory_space<vmem_shared>>
      tpu.wait_indirect_dma semaphore(%arg19 : memref<!tpu.dma_semaphore, #tpu.memory_space<semaphore_mem>>) src(%dma_wait3A_239 : memref<128x32xf32, #tpu.memory_space<vmem>>) dst(%dma_wait3A_245 : memref<10112x32xf32, #tpu.memory_space<vmem_shared>>)
      %dma_wait3A_246 = arith.constant 1 : i32
      %dma_wait3A_247 = arith.constant 0 : i32
      %dma_wait3A_248 = arith.constant 0 : i32
      %dma_wait3A_249 = tpu.memref_slice %arg8[%dma_wait3A_246, %dma_wait3A_247, %dma_wait3A_248] : memref<8x128x32xf32, #tpu.memory_space<vmem>> -> memref<1x128x32xf32, #tpu.memory_space<vmem>>
      %dma_wait3A_250 = tpu.memref_squeeze %dma_wait3A_249 : memref<1x128x32xf32, #tpu.memory_space<vmem>> -> memref<128x32xf32, #tpu.memory_space<vmem>>
      %dma_wait3A_251 = arith.constant 0 : i32
      %dma_wait3A_252 = tpu.memref_slice %arg7[%add3A_193, %dma_wait3A_251] : memref<160x128xi32, #tpu.memory_space<vmem>> -> memref<1x128xi32, #tpu.memory_space<vmem>>
      %dma_wait3A_253 = tpu.memref_squeeze %dma_wait3A_252 : memref<1x128xi32, #tpu.memory_space<vmem>> -> memref<128xi32, #tpu.memory_space<vmem>>
      %dma_wait3A_254 = arith.constant 0 : i32
      %dma_wait3A_255 = arith.constant 0 : i32
      %dma_wait3A_256 = tpu.memref_slice %arg9[%dma_wait3A_254, %dma_wait3A_255] : memref<10112x32xf32, #tpu.memory_space<vmem_shared>> -> memref<10112x32xf32, #tpu.memory_space<vmem_shared>>
      tpu.wait_indirect_dma semaphore(%arg20 : memref<!tpu.dma_semaphore, #tpu.memory_space<semaphore_mem>>) src(%dma_wait3A_250 : memref<128x32xf32, #tpu.memory_space<vmem>>) dst(%dma_wait3A_256 : memref<10112x32xf32, #tpu.memory_space<vmem_shared>>)
      %dma_wait3A_257 = arith.constant 2 : i32
      %dma_wait3A_258 = arith.constant 0 : i32
      %dma_wait3A_259 = arith.constant 0 : i32
      %dma_wait3A_260 = tpu.memref_slice %arg8[%dma_wait3A_257, %dma_wait3A_258, %dma_wait3A_259] : memref<8x128x32xf32, #tpu.memory_space<vmem>> -> memref<1x128x32xf32, #tpu.memory_space<vmem>>
      %dma_wait3A_261 = tpu.memref_squeeze %dma_wait3A_260 : memref<1x128x32xf32, #tpu.memory_space<vmem>> -> memref<128x32xf32, #tpu.memory_space<vmem>>
      %dma_wait3A_262 = arith.constant 0 : i32
      %dma_wait3A_263 = tpu.memref_slice %arg7[%add3A_208, %dma_wait3A_262] : memref<160x128xi32, #tpu.memory_space<vmem>> -> memref<1x128xi32, #tpu.memory_space<vmem>>
      %dma_wait3A_264 = tpu.memref_squeeze %dma_wait3A_263 : memref<1x128xi32, #tpu.memory_space<vmem>> -> memref<128xi32, #tpu.memory_space<vmem>>
      %dma_wait3A_265 = arith.constant 0 : i32
      %dma_wait3A_266 = arith.constant 0 : i32
      %dma_wait3A_267 = tpu.memref_slice %arg9[%dma_wait3A_265, %dma_wait3A_266] : memref<10112x32xf32, #tpu.memory_space<vmem_shared>> -> memref<10112x32xf32, #tpu.memory_space<vmem_shared>>
      tpu.wait_indirect_dma semaphore(%arg21 : memref<!tpu.dma_semaphore, #tpu.memory_space<semaphore_mem>>) src(%dma_wait3A_261 : memref<128x32xf32, #tpu.memory_space<vmem>>) dst(%dma_wait3A_267 : memref<10112x32xf32, #tpu.memory_space<vmem_shared>>)
      %dma_wait3A_268 = arith.constant 3 : i32
      %dma_wait3A_269 = arith.constant 0 : i32
      %dma_wait3A_270 = arith.constant 0 : i32
      %dma_wait3A_271 = tpu.memref_slice %arg8[%dma_wait3A_268, %dma_wait3A_269, %dma_wait3A_270] : memref<8x128x32xf32, #tpu.memory_space<vmem>> -> memref<1x128x32xf32, #tpu.memory_space<vmem>>
      %dma_wait3A_272 = tpu.memref_squeeze %dma_wait3A_271 : memref<1x128x32xf32, #tpu.memory_space<vmem>> -> memref<128x32xf32, #tpu.memory_space<vmem>>
      %dma_wait3A_273 = arith.constant 0 : i32
      %dma_wait3A_274 = tpu.memref_slice %arg7[%add3A_223, %dma_wait3A_273] : memref<160x128xi32, #tpu.memory_space<vmem>> -> memref<1x128xi32, #tpu.memory_space<vmem>>
      %dma_wait3A_275 = tpu.memref_squeeze %dma_wait3A_274 : memref<1x128xi32, #tpu.memory_space<vmem>> -> memref<128xi32, #tpu.memory_space<vmem>>
      %dma_wait3A_276 = arith.constant 0 : i32
      %dma_wait3A_277 = arith.constant 0 : i32
      %dma_wait3A_278 = tpu.memref_slice %arg9[%dma_wait3A_276, %dma_wait3A_277] : memref<10112x32xf32, #tpu.memory_space<vmem_shared>> -> memref<10112x32xf32, #tpu.memory_space<vmem_shared>>
      tpu.wait_indirect_dma semaphore(%arg22 : memref<!tpu.dma_semaphore, #tpu.memory_space<semaphore_mem>>) src(%dma_wait3A_272 : memref<128x32xf32, #tpu.memory_space<vmem>>) dst(%dma_wait3A_278 : memref<10112x32xf32, #tpu.memory_space<vmem_shared>>)
      %lt3A = arith.constant 19 : i32
      %lt3A_279 = arith.cmpi slt, %scan3A_114, %lt3A : i32
      %convert_element_type3A_280 = arith.extui %lt3A_279 : i1 to i32
      %cond3A_281 = arith.constant 0 : i32
      %cond3A_282 = arith.cmpi ne, %convert_element_type3A_280, %cond3A_281 : i32
      scf.if %cond3A_282 {
        %add3A_452 = arith.constant 8 : i32
        %add3A_453 = arith.addi %mul3A_116, %add3A_452 : i32
        %add3A_454 = arith.constant 0 : i32
        %add3A_455 = arith.addi %add3A_453, %add3A_454 : i32
        %add3A_456 = arith.constant 0 : i32
        %add3A_457 = arith.addi %add3A_455, %add3A_456 : i32
        %dma_start3A_458 = arith.constant 0 : i32
        %dma_start3A_459 = arith.constant 0 : i32
        %dma_start3A_460 = arith.constant 0 : i32
        %dma_start3A_461 = tpu.memref_slice %arg8[%dma_start3A_458, %dma_start3A_459, %dma_start3A_460] : memref<8x128x32xf32, #tpu.memory_space<vmem>> -> memref<1x128x32xf32, #tpu.memory_space<vmem>>
        %dma_start3A_462 = tpu.memref_squeeze %dma_start3A_461 : memref<1x128x32xf32, #tpu.memory_space<vmem>> -> memref<128x32xf32, #tpu.memory_space<vmem>>
        %dma_start3A_463 = arith.constant 0 : i32
        %dma_start3A_464 = tpu.memref_slice %arg6[%add3A_457, %dma_start3A_463] : memref<160x128xi32, #tpu.memory_space<vmem>> -> memref<1x128xi32, #tpu.memory_space<vmem>>
        %dma_start3A_465 = tpu.memref_squeeze %dma_start3A_464 : memref<1x128xi32, #tpu.memory_space<vmem>> -> memref<128xi32, #tpu.memory_space<vmem>>
        %dma_start3A_466 = arith.constant 0 : i32
        %dma_start3A_467 = arith.constant 0 : i32
        %dma_start3A_468 = tpu.memref_slice %arg10[%dma_start3A_466, %dma_start3A_467] : memref<10112x32xf32, #tpu.memory_space<vmem_shared>> -> memref<10112x32xf32, #tpu.memory_space<vmem_shared>>
        tpu.enqueue_indirect_dma source(%dma_start3A_468 : memref<10112x32xf32, #tpu.memory_space<vmem_shared>>) target(%dma_start3A_462 : memref<128x32xf32, #tpu.memory_space<vmem>>) offsets(%dma_start3A_465 : memref<128xi32, #tpu.memory_space<vmem>>) semaphore(%arg11 : memref<!tpu.dma_semaphore, #tpu.memory_space<semaphore_mem>>)
        %add3A_469 = arith.constant 8 : i32
        %add3A_470 = arith.addi %mul3A_116, %add3A_469 : i32
        %add3A_471 = arith.constant 0 : i32
        %add3A_472 = arith.addi %add3A_470, %add3A_471 : i32
        %add3A_473 = arith.constant 1 : i32
        %add3A_474 = arith.addi %add3A_472, %add3A_473 : i32
        %dma_start3A_475 = arith.constant 1 : i32
        %dma_start3A_476 = arith.constant 0 : i32
        %dma_start3A_477 = arith.constant 0 : i32
        %dma_start3A_478 = tpu.memref_slice %arg8[%dma_start3A_475, %dma_start3A_476, %dma_start3A_477] : memref<8x128x32xf32, #tpu.memory_space<vmem>> -> memref<1x128x32xf32, #tpu.memory_space<vmem>>
        %dma_start3A_479 = tpu.memref_squeeze %dma_start3A_478 : memref<1x128x32xf32, #tpu.memory_space<vmem>> -> memref<128x32xf32, #tpu.memory_space<vmem>>
        %dma_start3A_480 = arith.constant 0 : i32
        %dma_start3A_481 = tpu.memref_slice %arg6[%add3A_474, %dma_start3A_480] : memref<160x128xi32, #tpu.memory_space<vmem>> -> memref<1x128xi32, #tpu.memory_space<vmem>>
        %dma_start3A_482 = tpu.memref_squeeze %dma_start3A_481 : memref<1x128xi32, #tpu.memory_space<vmem>> -> memref<128xi32, #tpu.memory_space<vmem>>
        %dma_start3A_483 = arith.constant 0 : i32
        %dma_start3A_484 = arith.constant 0 : i32
        %dma_start3A_485 = tpu.memref_slice %arg10[%dma_start3A_483, %dma_start3A_484] : memref<10112x32xf32, #tpu.memory_space<vmem_shared>> -> memref<10112x32xf32, #tpu.memory_space<vmem_shared>>
        tpu.enqueue_indirect_dma source(%dma_start3A_485 : memref<10112x32xf32, #tpu.memory_space<vmem_shared>>) target(%dma_start3A_479 : memref<128x32xf32, #tpu.memory_space<vmem>>) offsets(%dma_start3A_482 : memref<128xi32, #tpu.memory_space<vmem>>) semaphore(%arg12 : memref<!tpu.dma_semaphore, #tpu.memory_space<semaphore_mem>>)
        %add3A_486 = arith.constant 8 : i32
        %add3A_487 = arith.addi %mul3A_116, %add3A_486 : i32
        %add3A_488 = arith.constant 0 : i32
        %add3A_489 = arith.addi %add3A_487, %add3A_488 : i32
        %add3A_490 = arith.constant 2 : i32
        %add3A_491 = arith.addi %add3A_489, %add3A_490 : i32
        %dma_start3A_492 = arith.constant 2 : i32
        %dma_start3A_493 = arith.constant 0 : i32
        %dma_start3A_494 = arith.constant 0 : i32
        %dma_start3A_495 = tpu.memref_slice %arg8[%dma_start3A_492, %dma_start3A_493, %dma_start3A_494] : memref<8x128x32xf32, #tpu.memory_space<vmem>> -> memref<1x128x32xf32, #tpu.memory_space<vmem>>
        %dma_start3A_496 = tpu.memref_squeeze %dma_start3A_495 : memref<1x128x32xf32, #tpu.memory_space<vmem>> -> memref<128x32xf32, #tpu.memory_space<vmem>>
        %dma_start3A_497 = arith.constant 0 : i32
        %dma_start3A_498 = tpu.memref_slice %arg6[%add3A_491, %dma_start3A_497] : memref<160x128xi32, #tpu.memory_space<vmem>> -> memref<1x128xi32, #tpu.memory_space<vmem>>
        %dma_start3A_499 = tpu.memref_squeeze %dma_start3A_498 : memref<1x128xi32, #tpu.memory_space<vmem>> -> memref<128xi32, #tpu.memory_space<vmem>>
        %dma_start3A_500 = arith.constant 0 : i32
        %dma_start3A_501 = arith.constant 0 : i32
        %dma_start3A_502 = tpu.memref_slice %arg10[%dma_start3A_500, %dma_start3A_501] : memref<10112x32xf32, #tpu.memory_space<vmem_shared>> -> memref<10112x32xf32, #tpu.memory_space<vmem_shared>>
        tpu.enqueue_indirect_dma source(%dma_start3A_502 : memref<10112x32xf32, #tpu.memory_space<vmem_shared>>) target(%dma_start3A_496 : memref<128x32xf32, #tpu.memory_space<vmem>>) offsets(%dma_start3A_499 : memref<128xi32, #tpu.memory_space<vmem>>) semaphore(%arg13 : memref<!tpu.dma_semaphore, #tpu.memory_space<semaphore_mem>>)
        %add3A_503 = arith.constant 8 : i32
        %add3A_504 = arith.addi %mul3A_116, %add3A_503 : i32
        %add3A_505 = arith.constant 0 : i32
        %add3A_506 = arith.addi %add3A_504, %add3A_505 : i32
        %add3A_507 = arith.constant 3 : i32
        %add3A_508 = arith.addi %add3A_506, %add3A_507 : i32
        %dma_start3A_509 = arith.constant 3 : i32
        %dma_start3A_510 = arith.constant 0 : i32
        %dma_start3A_511 = arith.constant 0 : i32
        %dma_start3A_512 = tpu.memref_slice %arg8[%dma_start3A_509, %dma_start3A_510, %dma_start3A_511] : memref<8x128x32xf32, #tpu.memory_space<vmem>> -> memref<1x128x32xf32, #tpu.memory_space<vmem>>
        %dma_start3A_513 = tpu.memref_squeeze %dma_start3A_512 : memref<1x128x32xf32, #tpu.memory_space<vmem>> -> memref<128x32xf32, #tpu.memory_space<vmem>>
        %dma_start3A_514 = arith.constant 0 : i32
        %dma_start3A_515 = tpu.memref_slice %arg6[%add3A_508, %dma_start3A_514] : memref<160x128xi32, #tpu.memory_space<vmem>> -> memref<1x128xi32, #tpu.memory_space<vmem>>
        %dma_start3A_516 = tpu.memref_squeeze %dma_start3A_515 : memref<1x128xi32, #tpu.memory_space<vmem>> -> memref<128xi32, #tpu.memory_space<vmem>>
        %dma_start3A_517 = arith.constant 0 : i32
        %dma_start3A_518 = arith.constant 0 : i32
        %dma_start3A_519 = tpu.memref_slice %arg10[%dma_start3A_517, %dma_start3A_518] : memref<10112x32xf32, #tpu.memory_space<vmem_shared>> -> memref<10112x32xf32, #tpu.memory_space<vmem_shared>>
        tpu.enqueue_indirect_dma source(%dma_start3A_519 : memref<10112x32xf32, #tpu.memory_space<vmem_shared>>) target(%dma_start3A_513 : memref<128x32xf32, #tpu.memory_space<vmem>>) offsets(%dma_start3A_516 : memref<128xi32, #tpu.memory_space<vmem>>) semaphore(%arg14 : memref<!tpu.dma_semaphore, #tpu.memory_space<semaphore_mem>>)
      } else {
      }
      %add3A_283 = arith.constant 4 : i32
      %add3A_284 = arith.addi %mul3A_116, %add3A_283 : i32
      %add3A_285 = arith.constant 0 : i32
      %add3A_286 = arith.addi %add3A_284, %add3A_285 : i32
      %dma_wait3A_287 = arith.constant 4 : i32
      %dma_wait3A_288 = arith.constant 0 : i32
      %dma_wait3A_289 = arith.constant 0 : i32
      %dma_wait3A_290 = tpu.memref_slice %arg8[%dma_wait3A_287, %dma_wait3A_288, %dma_wait3A_289] : memref<8x128x32xf32, #tpu.memory_space<vmem>> -> memref<1x128x32xf32, #tpu.memory_space<vmem>>
      %dma_wait3A_291 = tpu.memref_squeeze %dma_wait3A_290 : memref<1x128x32xf32, #tpu.memory_space<vmem>> -> memref<128x32xf32, #tpu.memory_space<vmem>>
      %dma_wait3A_292 = arith.constant 0 : i32
      %dma_wait3A_293 = tpu.memref_slice %arg6[%add3A_286, %dma_wait3A_292] : memref<160x128xi32, #tpu.memory_space<vmem>> -> memref<1x128xi32, #tpu.memory_space<vmem>>
      %dma_wait3A_294 = tpu.memref_squeeze %dma_wait3A_293 : memref<1x128xi32, #tpu.memory_space<vmem>> -> memref<128xi32, #tpu.memory_space<vmem>>
      %dma_wait3A_295 = arith.constant 0 : i32
      %dma_wait3A_296 = arith.constant 0 : i32
      %dma_wait3A_297 = tpu.memref_slice %arg10[%dma_wait3A_295, %dma_wait3A_296] : memref<10112x32xf32, #tpu.memory_space<vmem_shared>> -> memref<10112x32xf32, #tpu.memory_space<vmem_shared>>
      tpu.wait_indirect_dma semaphore(%arg15 : memref<!tpu.dma_semaphore, #tpu.memory_space<semaphore_mem>>) src(%dma_wait3A_297 : memref<10112x32xf32, #tpu.memory_space<vmem_shared>>) dst(%dma_wait3A_291 : memref<128x32xf32, #tpu.memory_space<vmem>>)
      %add3A_298 = arith.constant 4 : i32
      %add3A_299 = arith.addi %mul3A_116, %add3A_298 : i32
      %add3A_300 = arith.constant 1 : i32
      %add3A_301 = arith.addi %add3A_299, %add3A_300 : i32
      %dma_wait3A_302 = arith.constant 5 : i32
      %dma_wait3A_303 = arith.constant 0 : i32
      %dma_wait3A_304 = arith.constant 0 : i32
      %dma_wait3A_305 = tpu.memref_slice %arg8[%dma_wait3A_302, %dma_wait3A_303, %dma_wait3A_304] : memref<8x128x32xf32, #tpu.memory_space<vmem>> -> memref<1x128x32xf32, #tpu.memory_space<vmem>>
      %dma_wait3A_306 = tpu.memref_squeeze %dma_wait3A_305 : memref<1x128x32xf32, #tpu.memory_space<vmem>> -> memref<128x32xf32, #tpu.memory_space<vmem>>
      %dma_wait3A_307 = arith.constant 0 : i32
      %dma_wait3A_308 = tpu.memref_slice %arg6[%add3A_301, %dma_wait3A_307] : memref<160x128xi32, #tpu.memory_space<vmem>> -> memref<1x128xi32, #tpu.memory_space<vmem>>
      %dma_wait3A_309 = tpu.memref_squeeze %dma_wait3A_308 : memref<1x128xi32, #tpu.memory_space<vmem>> -> memref<128xi32, #tpu.memory_space<vmem>>
      %dma_wait3A_310 = arith.constant 0 : i32
      %dma_wait3A_311 = arith.constant 0 : i32
      %dma_wait3A_312 = tpu.memref_slice %arg10[%dma_wait3A_310, %dma_wait3A_311] : memref<10112x32xf32, #tpu.memory_space<vmem_shared>> -> memref<10112x32xf32, #tpu.memory_space<vmem_shared>>
      tpu.wait_indirect_dma semaphore(%arg16 : memref<!tpu.dma_semaphore, #tpu.memory_space<semaphore_mem>>) src(%dma_wait3A_312 : memref<10112x32xf32, #tpu.memory_space<vmem_shared>>) dst(%dma_wait3A_306 : memref<128x32xf32, #tpu.memory_space<vmem>>)
      %add3A_313 = arith.constant 4 : i32
      %add3A_314 = arith.addi %mul3A_116, %add3A_313 : i32
      %add3A_315 = arith.constant 2 : i32
      %add3A_316 = arith.addi %add3A_314, %add3A_315 : i32
      %dma_wait3A_317 = arith.constant 6 : i32
      %dma_wait3A_318 = arith.constant 0 : i32
      %dma_wait3A_319 = arith.constant 0 : i32
      %dma_wait3A_320 = tpu.memref_slice %arg8[%dma_wait3A_317, %dma_wait3A_318, %dma_wait3A_319] : memref<8x128x32xf32, #tpu.memory_space<vmem>> -> memref<1x128x32xf32, #tpu.memory_space<vmem>>
      %dma_wait3A_321 = tpu.memref_squeeze %dma_wait3A_320 : memref<1x128x32xf32, #tpu.memory_space<vmem>> -> memref<128x32xf32, #tpu.memory_space<vmem>>
      %dma_wait3A_322 = arith.constant 0 : i32
      %dma_wait3A_323 = tpu.memref_slice %arg6[%add3A_316, %dma_wait3A_322] : memref<160x128xi32, #tpu.memory_space<vmem>> -> memref<1x128xi32, #tpu.memory_space<vmem>>
      %dma_wait3A_324 = tpu.memref_squeeze %dma_wait3A_323 : memref<1x128xi32, #tpu.memory_space<vmem>> -> memref<128xi32, #tpu.memory_space<vmem>>
      %dma_wait3A_325 = arith.constant 0 : i32
      %dma_wait3A_326 = arith.constant 0 : i32
      %dma_wait3A_327 = tpu.memref_slice %arg10[%dma_wait3A_325, %dma_wait3A_326] : memref<10112x32xf32, #tpu.memory_space<vmem_shared>> -> memref<10112x32xf32, #tpu.memory_space<vmem_shared>>
      tpu.wait_indirect_dma semaphore(%arg17 : memref<!tpu.dma_semaphore, #tpu.memory_space<semaphore_mem>>) src(%dma_wait3A_327 : memref<10112x32xf32, #tpu.memory_space<vmem_shared>>) dst(%dma_wait3A_321 : memref<128x32xf32, #tpu.memory_space<vmem>>)
      %add3A_328 = arith.constant 4 : i32
      %add3A_329 = arith.addi %mul3A_116, %add3A_328 : i32
      %add3A_330 = arith.constant 3 : i32
      %add3A_331 = arith.addi %add3A_329, %add3A_330 : i32
      %dma_wait3A_332 = arith.constant 7 : i32
      %dma_wait3A_333 = arith.constant 0 : i32
      %dma_wait3A_334 = arith.constant 0 : i32
      %dma_wait3A_335 = tpu.memref_slice %arg8[%dma_wait3A_332, %dma_wait3A_333, %dma_wait3A_334] : memref<8x128x32xf32, #tpu.memory_space<vmem>> -> memref<1x128x32xf32, #tpu.memory_space<vmem>>
      %dma_wait3A_336 = tpu.memref_squeeze %dma_wait3A_335 : memref<1x128x32xf32, #tpu.memory_space<vmem>> -> memref<128x32xf32, #tpu.memory_space<vmem>>
      %dma_wait3A_337 = arith.constant 0 : i32
      %dma_wait3A_338 = tpu.memref_slice %arg6[%add3A_331, %dma_wait3A_337] : memref<160x128xi32, #tpu.memory_space<vmem>> -> memref<1x128xi32, #tpu.memory_space<vmem>>
      %dma_wait3A_339 = tpu.memref_squeeze %dma_wait3A_338 : memref<1x128xi32, #tpu.memory_space<vmem>> -> memref<128xi32, #tpu.memory_space<vmem>>
      %dma_wait3A_340 = arith.constant 0 : i32
      %dma_wait3A_341 = arith.constant 0 : i32
      %dma_wait3A_342 = tpu.memref_slice %arg10[%dma_wait3A_340, %dma_wait3A_341] : memref<10112x32xf32, #tpu.memory_space<vmem_shared>> -> memref<10112x32xf32, #tpu.memory_space<vmem_shared>>
      tpu.wait_indirect_dma semaphore(%arg18 : memref<!tpu.dma_semaphore, #tpu.memory_space<semaphore_mem>>) src(%dma_wait3A_342 : memref<10112x32xf32, #tpu.memory_space<vmem_shared>>) dst(%dma_wait3A_336 : memref<128x32xf32, #tpu.memory_space<vmem>>)
      %add3A_343 = arith.constant 4 : i32
      %add3A_344 = arith.addi %mul3A_116, %add3A_343 : i32
      %add3A_345 = arith.constant 0 : i32
      %add3A_346 = arith.addi %add3A_344, %add3A_345 : i32
      %dma_start3A_347 = arith.constant 4 : i32
      %dma_start3A_348 = arith.constant 0 : i32
      %dma_start3A_349 = arith.constant 0 : i32
      %dma_start3A_350 = tpu.memref_slice %arg8[%dma_start3A_347, %dma_start3A_348, %dma_start3A_349] : memref<8x128x32xf32, #tpu.memory_space<vmem>> -> memref<1x128x32xf32, #tpu.memory_space<vmem>>
      %dma_start3A_351 = tpu.memref_squeeze %dma_start3A_350 : memref<1x128x32xf32, #tpu.memory_space<vmem>> -> memref<128x32xf32, #tpu.memory_space<vmem>>
      %dma_start3A_352 = arith.constant 0 : i32
      %dma_start3A_353 = tpu.memref_slice %arg7[%add3A_346, %dma_start3A_352] : memref<160x128xi32, #tpu.memory_space<vmem>> -> memref<1x128xi32, #tpu.memory_space<vmem>>
      %dma_start3A_354 = tpu.memref_squeeze %dma_start3A_353 : memref<1x128xi32, #tpu.memory_space<vmem>> -> memref<128xi32, #tpu.memory_space<vmem>>
      %dma_start3A_355 = arith.constant 0 : i32
      %dma_start3A_356 = arith.constant 0 : i32
      %dma_start3A_357 = tpu.memref_slice %arg9[%dma_start3A_355, %dma_start3A_356] : memref<10112x32xf32, #tpu.memory_space<vmem_shared>> -> memref<10112x32xf32, #tpu.memory_space<vmem_shared>>
      tpu.enqueue_indirect_dma source(%dma_start3A_351 : memref<128x32xf32, #tpu.memory_space<vmem>>) target(%dma_start3A_357 : memref<10112x32xf32, #tpu.memory_space<vmem_shared>>) offsets(%dma_start3A_354 : memref<128xi32, #tpu.memory_space<vmem>>) semaphore(%arg23 : memref<!tpu.dma_semaphore, #tpu.memory_space<semaphore_mem>>) {add = true}
      %add3A_358 = arith.constant 4 : i32
      %add3A_359 = arith.addi %mul3A_116, %add3A_358 : i32
      %add3A_360 = arith.constant 1 : i32
      %add3A_361 = arith.addi %add3A_359, %add3A_360 : i32
      %dma_start3A_362 = arith.constant 5 : i32
      %dma_start3A_363 = arith.constant 0 : i32
      %dma_start3A_364 = arith.constant 0 : i32
      %dma_start3A_365 = tpu.memref_slice %arg8[%dma_start3A_362, %dma_start3A_363, %dma_start3A_364] : memref<8x128x32xf32, #tpu.memory_space<vmem>> -> memref<1x128x32xf32, #tpu.memory_space<vmem>>
      %dma_start3A_366 = tpu.memref_squeeze %dma_start3A_365 : memref<1x128x32xf32, #tpu.memory_space<vmem>> -> memref<128x32xf32, #tpu.memory_space<vmem>>
      %dma_start3A_367 = arith.constant 0 : i32
      %dma_start3A_368 = tpu.memref_slice %arg7[%add3A_361, %dma_start3A_367] : memref<160x128xi32, #tpu.memory_space<vmem>> -> memref<1x128xi32, #tpu.memory_space<vmem>>
      %dma_start3A_369 = tpu.memref_squeeze %dma_start3A_368 : memref<1x128xi32, #tpu.memory_space<vmem>> -> memref<128xi32, #tpu.memory_space<vmem>>
      %dma_start3A_370 = arith.constant 0 : i32
      %dma_start3A_371 = arith.constant 0 : i32
      %dma_start3A_372 = tpu.memref_slice %arg9[%dma_start3A_370, %dma_start3A_371] : memref<10112x32xf32, #tpu.memory_space<vmem_shared>> -> memref<10112x32xf32, #tpu.memory_space<vmem_shared>>
      tpu.enqueue_indirect_dma source(%dma_start3A_366 : memref<128x32xf32, #tpu.memory_space<vmem>>) target(%dma_start3A_372 : memref<10112x32xf32, #tpu.memory_space<vmem_shared>>) offsets(%dma_start3A_369 : memref<128xi32, #tpu.memory_space<vmem>>) semaphore(%arg24 : memref<!tpu.dma_semaphore, #tpu.memory_space<semaphore_mem>>) {add = true}
      %add3A_373 = arith.constant 4 : i32
      %add3A_374 = arith.addi %mul3A_116, %add3A_373 : i32
      %add3A_375 = arith.constant 2 : i32
      %add3A_376 = arith.addi %add3A_374, %add3A_375 : i32
      %dma_start3A_377 = arith.constant 6 : i32
      %dma_start3A_378 = arith.constant 0 : i32
      %dma_start3A_379 = arith.constant 0 : i32
      %dma_start3A_380 = tpu.memref_slice %arg8[%dma_start3A_377, %dma_start3A_378, %dma_start3A_379] : memref<8x128x32xf32, #tpu.memory_space<vmem>> -> memref<1x128x32xf32, #tpu.memory_space<vmem>>
      %dma_start3A_381 = tpu.memref_squeeze %dma_start3A_380 : memref<1x128x32xf32, #tpu.memory_space<vmem>> -> memref<128x32xf32, #tpu.memory_space<vmem>>
      %dma_start3A_382 = arith.constant 0 : i32
      %dma_start3A_383 = tpu.memref_slice %arg7[%add3A_376, %dma_start3A_382] : memref<160x128xi32, #tpu.memory_space<vmem>> -> memref<1x128xi32, #tpu.memory_space<vmem>>
      %dma_start3A_384 = tpu.memref_squeeze %dma_start3A_383 : memref<1x128xi32, #tpu.memory_space<vmem>> -> memref<128xi32, #tpu.memory_space<vmem>>
      %dma_start3A_385 = arith.constant 0 : i32
      %dma_start3A_386 = arith.constant 0 : i32
      %dma_start3A_387 = tpu.memref_slice %arg9[%dma_start3A_385, %dma_start3A_386] : memref<10112x32xf32, #tpu.memory_space<vmem_shared>> -> memref<10112x32xf32, #tpu.memory_space<vmem_shared>>
      tpu.enqueue_indirect_dma source(%dma_start3A_381 : memref<128x32xf32, #tpu.memory_space<vmem>>) target(%dma_start3A_387 : memref<10112x32xf32, #tpu.memory_space<vmem_shared>>) offsets(%dma_start3A_384 : memref<128xi32, #tpu.memory_space<vmem>>) semaphore(%arg25 : memref<!tpu.dma_semaphore, #tpu.memory_space<semaphore_mem>>) {add = true}
      %add3A_388 = arith.constant 4 : i32
      %add3A_389 = arith.addi %mul3A_116, %add3A_388 : i32
      %add3A_390 = arith.constant 3 : i32
      %add3A_391 = arith.addi %add3A_389, %add3A_390 : i32
      %dma_start3A_392 = arith.constant 7 : i32
      %dma_start3A_393 = arith.constant 0 : i32
      %dma_start3A_394 = arith.constant 0 : i32
      %dma_start3A_395 = tpu.memref_slice %arg8[%dma_start3A_392, %dma_start3A_393, %dma_start3A_394] : memref<8x128x32xf32, #tpu.memory_space<vmem>> -> memref<1x128x32xf32, #tpu.memory_space<vmem>>
      %dma_start3A_396 = tpu.memref_squeeze %dma_start3A_395 : memref<1x128x32xf32, #tpu.memory_space<vmem>> -> memref<128x32xf32, #tpu.memory_space<vmem>>
      %dma_start3A_397 = arith.constant 0 : i32
      %dma_start3A_398 = tpu.memref_slice %arg7[%add3A_391, %dma_start3A_397] : memref<160x128xi32, #tpu.memory_space<vmem>> -> memref<1x128xi32, #tpu.memory_space<vmem>>
      %dma_start3A_399 = tpu.memref_squeeze %dma_start3A_398 : memref<1x128xi32, #tpu.memory_space<vmem>> -> memref<128xi32, #tpu.memory_space<vmem>>
      %dma_start3A_400 = arith.constant 0 : i32
      %dma_start3A_401 = arith.constant 0 : i32
      %dma_start3A_402 = tpu.memref_slice %arg9[%dma_start3A_400, %dma_start3A_401] : memref<10112x32xf32, #tpu.memory_space<vmem_shared>> -> memref<10112x32xf32, #tpu.memory_space<vmem_shared>>
      tpu.enqueue_indirect_dma source(%dma_start3A_396 : memref<128x32xf32, #tpu.memory_space<vmem>>) target(%dma_start3A_402 : memref<10112x32xf32, #tpu.memory_space<vmem_shared>>) offsets(%dma_start3A_399 : memref<128xi32, #tpu.memory_space<vmem>>) semaphore(%arg26 : memref<!tpu.dma_semaphore, #tpu.memory_space<semaphore_mem>>) {add = true}
      %dma_wait3A_403 = arith.constant 4 : i32
      %dma_wait3A_404 = arith.constant 0 : i32
      %dma_wait3A_405 = arith.constant 0 : i32
      %dma_wait3A_406 = tpu.memref_slice %arg8[%dma_wait3A_403, %dma_wait3A_404, %dma_wait3A_405] : memref<8x128x32xf32, #tpu.memory_space<vmem>> -> memref<1x128x32xf32, #tpu.memory_space<vmem>>
      %dma_wait3A_407 = tpu.memref_squeeze %dma_wait3A_406 : memref<1x128x32xf32, #tpu.memory_space<vmem>> -> memref<128x32xf32, #tpu.memory_space<vmem>>
      %dma_wait3A_408 = arith.constant 0 : i32
      %dma_wait3A_409 = tpu.memref_slice %arg7[%add3A_346, %dma_wait3A_408] : memref<160x128xi32, #tpu.memory_space<vmem>> -> memref<1x128xi32, #tpu.memory_space<vmem>>
      %dma_wait3A_410 = tpu.memref_squeeze %dma_wait3A_409 : memref<1x128xi32, #tpu.memory_space<vmem>> -> memref<128xi32, #tpu.memory_space<vmem>>
      %dma_wait3A_411 = arith.constant 0 : i32
      %dma_wait3A_412 = arith.constant 0 : i32
      %dma_wait3A_413 = tpu.memref_slice %arg9[%dma_wait3A_411, %dma_wait3A_412] : memref<10112x32xf32, #tpu.memory_space<vmem_shared>> -> memref<10112x32xf32, #tpu.memory_space<vmem_shared>>
      tpu.wait_indirect_dma semaphore(%arg23 : memref<!tpu.dma_semaphore, #tpu.memory_space<semaphore_mem>>) src(%dma_wait3A_407 : memref<128x32xf32, #tpu.memory_space<vmem>>) dst(%dma_wait3A_413 : memref<10112x32xf32, #tpu.memory_space<vmem_shared>>)
      %dma_wait3A_414 = arith.constant 5 : i32
      %dma_wait3A_415 = arith.constant 0 : i32
      %dma_wait3A_416 = arith.constant 0 : i32
      %dma_wait3A_417 = tpu.memref_slice %arg8[%dma_wait3A_414, %dma_wait3A_415, %dma_wait3A_416] : memref<8x128x32xf32, #tpu.memory_space<vmem>> -> memref<1x128x32xf32, #tpu.memory_space<vmem>>
      %dma_wait3A_418 = tpu.memref_squeeze %dma_wait3A_417 : memref<1x128x32xf32, #tpu.memory_space<vmem>> -> memref<128x32xf32, #tpu.memory_space<vmem>>
      %dma_wait3A_419 = arith.constant 0 : i32
      %dma_wait3A_420 = tpu.memref_slice %arg7[%add3A_361, %dma_wait3A_419] : memref<160x128xi32, #tpu.memory_space<vmem>> -> memref<1x128xi32, #tpu.memory_space<vmem>>
      %dma_wait3A_421 = tpu.memref_squeeze %dma_wait3A_420 : memref<1x128xi32, #tpu.memory_space<vmem>> -> memref<128xi32, #tpu.memory_space<vmem>>
      %dma_wait3A_422 = arith.constant 0 : i32
      %dma_wait3A_423 = arith.constant 0 : i32
      %dma_wait3A_424 = tpu.memref_slice %arg9[%dma_wait3A_422, %dma_wait3A_423] : memref<10112x32xf32, #tpu.memory_space<vmem_shared>> -> memref<10112x32xf32, #tpu.memory_space<vmem_shared>>
      tpu.wait_indirect_dma semaphore(%arg24 : memref<!tpu.dma_semaphore, #tpu.memory_space<semaphore_mem>>) src(%dma_wait3A_418 : memref<128x32xf32, #tpu.memory_space<vmem>>) dst(%dma_wait3A_424 : memref<10112x32xf32, #tpu.memory_space<vmem_shared>>)
      %dma_wait3A_425 = arith.constant 6 : i32
      %dma_wait3A_426 = arith.constant 0 : i32
      %dma_wait3A_427 = arith.constant 0 : i32
      %dma_wait3A_428 = tpu.memref_slice %arg8[%dma_wait3A_425, %dma_wait3A_426, %dma_wait3A_427] : memref<8x128x32xf32, #tpu.memory_space<vmem>> -> memref<1x128x32xf32, #tpu.memory_space<vmem>>
      %dma_wait3A_429 = tpu.memref_squeeze %dma_wait3A_428 : memref<1x128x32xf32, #tpu.memory_space<vmem>> -> memref<128x32xf32, #tpu.memory_space<vmem>>
      %dma_wait3A_430 = arith.constant 0 : i32
      %dma_wait3A_431 = tpu.memref_slice %arg7[%add3A_376, %dma_wait3A_430] : memref<160x128xi32, #tpu.memory_space<vmem>> -> memref<1x128xi32, #tpu.memory_space<vmem>>
      %dma_wait3A_432 = tpu.memref_squeeze %dma_wait3A_431 : memref<1x128xi32, #tpu.memory_space<vmem>> -> memref<128xi32, #tpu.memory_space<vmem>>
      %dma_wait3A_433 = arith.constant 0 : i32
      %dma_wait3A_434 = arith.constant 0 : i32
      %dma_wait3A_435 = tpu.memref_slice %arg9[%dma_wait3A_433, %dma_wait3A_434] : memref<10112x32xf32, #tpu.memory_space<vmem_shared>> -> memref<10112x32xf32, #tpu.memory_space<vmem_shared>>
      tpu.wait_indirect_dma semaphore(%arg25 : memref<!tpu.dma_semaphore, #tpu.memory_space<semaphore_mem>>) src(%dma_wait3A_429 : memref<128x32xf32, #tpu.memory_space<vmem>>) dst(%dma_wait3A_435 : memref<10112x32xf32, #tpu.memory_space<vmem_shared>>)
      %dma_wait3A_436 = arith.constant 7 : i32
      %dma_wait3A_437 = arith.constant 0 : i32
      %dma_wait3A_438 = arith.constant 0 : i32
      %dma_wait3A_439 = tpu.memref_slice %arg8[%dma_wait3A_436, %dma_wait3A_437, %dma_wait3A_438] : memref<8x128x32xf32, #tpu.memory_space<vmem>> -> memref<1x128x32xf32, #tpu.memory_space<vmem>>
      %dma_wait3A_440 = tpu.memref_squeeze %dma_wait3A_439 : memref<1x128x32xf32, #tpu.memory_space<vmem>> -> memref<128x32xf32, #tpu.memory_space<vmem>>
      %dma_wait3A_441 = arith.constant 0 : i32
      %dma_wait3A_442 = tpu.memref_slice %arg7[%add3A_391, %dma_wait3A_441] : memref<160x128xi32, #tpu.memory_space<vmem>> -> memref<1x128xi32, #tpu.memory_space<vmem>>
      %dma_wait3A_443 = tpu.memref_squeeze %dma_wait3A_442 : memref<1x128xi32, #tpu.memory_space<vmem>> -> memref<128xi32, #tpu.memory_space<vmem>>
      %dma_wait3A_444 = arith.constant 0 : i32
      %dma_wait3A_445 = arith.constant 0 : i32
      %dma_wait3A_446 = tpu.memref_slice %arg9[%dma_wait3A_444, %dma_wait3A_445] : memref<10112x32xf32, #tpu.memory_space<vmem_shared>> -> memref<10112x32xf32, #tpu.memory_space<vmem_shared>>
      tpu.wait_indirect_dma semaphore(%arg26 : memref<!tpu.dma_semaphore, #tpu.memory_space<semaphore_mem>>) src(%dma_wait3A_440 : memref<128x32xf32, #tpu.memory_space<vmem>>) dst(%dma_wait3A_446 : memref<10112x32xf32, #tpu.memory_space<vmem_shared>>)
      %lt3A_447 = arith.constant 19 : i32
      %lt3A_448 = arith.cmpi slt, %scan3A_114, %lt3A_447 : i32
      %convert_element_type3A_449 = arith.extui %lt3A_448 : i1 to i32
      %cond3A_450 = arith.constant 0 : i32
      %cond3A_451 = arith.cmpi ne, %convert_element_type3A_449, %cond3A_450 : i32
      scf.if %cond3A_451 {
        %add3A_452 = arith.constant 8 : i32
        %add3A_453 = arith.addi %mul3A_116, %add3A_452 : i32
        %add3A_454 = arith.constant 4 : i32
        %add3A_455 = arith.addi %add3A_453, %add3A_454 : i32
        %add3A_456 = arith.constant 0 : i32
        %add3A_457 = arith.addi %add3A_455, %add3A_456 : i32
        %dma_start3A_458 = arith.constant 4 : i32
        %dma_start3A_459 = arith.constant 0 : i32
        %dma_start3A_460 = arith.constant 0 : i32
        %dma_start3A_461 = tpu.memref_slice %arg8[%dma_start3A_458, %dma_start3A_459, %dma_start3A_460] : memref<8x128x32xf32, #tpu.memory_space<vmem>> -> memref<1x128x32xf32, #tpu.memory_space<vmem>>
        %dma_start3A_462 = tpu.memref_squeeze %dma_start3A_461 : memref<1x128x32xf32, #tpu.memory_space<vmem>> -> memref<128x32xf32, #tpu.memory_space<vmem>>
        %dma_start3A_463 = arith.constant 0 : i32
        %dma_start3A_464 = tpu.memref_slice %arg6[%add3A_457, %dma_start3A_463] : memref<160x128xi32, #tpu.memory_space<vmem>> -> memref<1x128xi32, #tpu.memory_space<vmem>>
        %dma_start3A_465 = tpu.memref_squeeze %dma_start3A_464 : memref<1x128xi32, #tpu.memory_space<vmem>> -> memref<128xi32, #tpu.memory_space<vmem>>
        %dma_start3A_466 = arith.constant 0 : i32
        %dma_start3A_467 = arith.constant 0 : i32
        %dma_start3A_468 = tpu.memref_slice %arg10[%dma_start3A_466, %dma_start3A_467] : memref<10112x32xf32, #tpu.memory_space<vmem_shared>> -> memref<10112x32xf32, #tpu.memory_space<vmem_shared>>
        tpu.enqueue_indirect_dma source(%dma_start3A_468 : memref<10112x32xf32, #tpu.memory_space<vmem_shared>>) target(%dma_start3A_462 : memref<128x32xf32, #tpu.memory_space<vmem>>) offsets(%dma_start3A_465 : memref<128xi32, #tpu.memory_space<vmem>>) semaphore(%arg15 : memref<!tpu.dma_semaphore, #tpu.memory_space<semaphore_mem>>)
        %add3A_469 = arith.constant 8 : i32
        %add3A_470 = arith.addi %mul3A_116, %add3A_469 : i32
        %add3A_471 = arith.constant 4 : i32
        %add3A_472 = arith.addi %add3A_470, %add3A_471 : i32
        %add3A_473 = arith.constant 1 : i32
        %add3A_474 = arith.addi %add3A_472, %add3A_473 : i32
        %dma_start3A_475 = arith.constant 5 : i32
        %dma_start3A_476 = arith.constant 0 : i32
        %dma_start3A_477 = arith.constant 0 : i32
        %dma_start3A_478 = tpu.memref_slice %arg8[%dma_start3A_475, %dma_start3A_476, %dma_start3A_477] : memref<8x128x32xf32, #tpu.memory_space<vmem>> -> memref<1x128x32xf32, #tpu.memory_space<vmem>>
        %dma_start3A_479 = tpu.memref_squeeze %dma_start3A_478 : memref<1x128x32xf32, #tpu.memory_space<vmem>> -> memref<128x32xf32, #tpu.memory_space<vmem>>
        %dma_start3A_480 = arith.constant 0 : i32
        %dma_start3A_481 = tpu.memref_slice %arg6[%add3A_474, %dma_start3A_480] : memref<160x128xi32, #tpu.memory_space<vmem>> -> memref<1x128xi32, #tpu.memory_space<vmem>>
        %dma_start3A_482 = tpu.memref_squeeze %dma_start3A_481 : memref<1x128xi32, #tpu.memory_space<vmem>> -> memref<128xi32, #tpu.memory_space<vmem>>
        %dma_start3A_483 = arith.constant 0 : i32
        %dma_start3A_484 = arith.constant 0 : i32
        %dma_start3A_485 = tpu.memref_slice %arg10[%dma_start3A_483, %dma_start3A_484] : memref<10112x32xf32, #tpu.memory_space<vmem_shared>> -> memref<10112x32xf32, #tpu.memory_space<vmem_shared>>
        tpu.enqueue_indirect_dma source(%dma_start3A_485 : memref<10112x32xf32, #tpu.memory_space<vmem_shared>>) target(%dma_start3A_479 : memref<128x32xf32, #tpu.memory_space<vmem>>) offsets(%dma_start3A_482 : memref<128xi32, #tpu.memory_space<vmem>>) semaphore(%arg16 : memref<!tpu.dma_semaphore, #tpu.memory_space<semaphore_mem>>)
        %add3A_486 = arith.constant 8 : i32
        %add3A_487 = arith.addi %mul3A_116, %add3A_486 : i32
        %add3A_488 = arith.constant 4 : i32
        %add3A_489 = arith.addi %add3A_487, %add3A_488 : i32
        %add3A_490 = arith.constant 2 : i32
        %add3A_491 = arith.addi %add3A_489, %add3A_490 : i32
        %dma_start3A_492 = arith.constant 6 : i32
        %dma_start3A_493 = arith.constant 0 : i32
        %dma_start3A_494 = arith.constant 0 : i32
        %dma_start3A_495 = tpu.memref_slice %arg8[%dma_start3A_492, %dma_start3A_493, %dma_start3A_494] : memref<8x128x32xf32, #tpu.memory_space<vmem>> -> memref<1x128x32xf32, #tpu.memory_space<vmem>>
        %dma_start3A_496 = tpu.memref_squeeze %dma_start3A_495 : memref<1x128x32xf32, #tpu.memory_space<vmem>> -> memref<128x32xf32, #tpu.memory_space<vmem>>
        %dma_start3A_497 = arith.constant 0 : i32
        %dma_start3A_498 = tpu.memref_slice %arg6[%add3A_491, %dma_start3A_497] : memref<160x128xi32, #tpu.memory_space<vmem>> -> memref<1x128xi32, #tpu.memory_space<vmem>>
        %dma_start3A_499 = tpu.memref_squeeze %dma_start3A_498 : memref<1x128xi32, #tpu.memory_space<vmem>> -> memref<128xi32, #tpu.memory_space<vmem>>
        %dma_start3A_500 = arith.constant 0 : i32
        %dma_start3A_501 = arith.constant 0 : i32
        %dma_start3A_502 = tpu.memref_slice %arg10[%dma_start3A_500, %dma_start3A_501] : memref<10112x32xf32, #tpu.memory_space<vmem_shared>> -> memref<10112x32xf32, #tpu.memory_space<vmem_shared>>
        tpu.enqueue_indirect_dma source(%dma_start3A_502 : memref<10112x32xf32, #tpu.memory_space<vmem_shared>>) target(%dma_start3A_496 : memref<128x32xf32, #tpu.memory_space<vmem>>) offsets(%dma_start3A_499 : memref<128xi32, #tpu.memory_space<vmem>>) semaphore(%arg17 : memref<!tpu.dma_semaphore, #tpu.memory_space<semaphore_mem>>)
        %add3A_503 = arith.constant 8 : i32
        %add3A_504 = arith.addi %mul3A_116, %add3A_503 : i32
        %add3A_505 = arith.constant 4 : i32
        %add3A_506 = arith.addi %add3A_504, %add3A_505 : i32
        %add3A_507 = arith.constant 3 : i32
        %add3A_508 = arith.addi %add3A_506, %add3A_507 : i32
        %dma_start3A_509 = arith.constant 7 : i32
        %dma_start3A_510 = arith.constant 0 : i32
        %dma_start3A_511 = arith.constant 0 : i32
        %dma_start3A_512 = tpu.memref_slice %arg8[%dma_start3A_509, %dma_start3A_510, %dma_start3A_511] : memref<8x128x32xf32, #tpu.memory_space<vmem>> -> memref<1x128x32xf32, #tpu.memory_space<vmem>>
        %dma_start3A_513 = tpu.memref_squeeze %dma_start3A_512 : memref<1x128x32xf32, #tpu.memory_space<vmem>> -> memref<128x32xf32, #tpu.memory_space<vmem>>
        %dma_start3A_514 = arith.constant 0 : i32
        %dma_start3A_515 = tpu.memref_slice %arg6[%add3A_508, %dma_start3A_514] : memref<160x128xi32, #tpu.memory_space<vmem>> -> memref<1x128xi32, #tpu.memory_space<vmem>>
        %dma_start3A_516 = tpu.memref_squeeze %dma_start3A_515 : memref<1x128xi32, #tpu.memory_space<vmem>> -> memref<128xi32, #tpu.memory_space<vmem>>
        %dma_start3A_517 = arith.constant 0 : i32
        %dma_start3A_518 = arith.constant 0 : i32
        %dma_start3A_519 = tpu.memref_slice %arg10[%dma_start3A_517, %dma_start3A_518] : memref<10112x32xf32, #tpu.memory_space<vmem_shared>> -> memref<10112x32xf32, #tpu.memory_space<vmem_shared>>
        tpu.enqueue_indirect_dma source(%dma_start3A_519 : memref<10112x32xf32, #tpu.memory_space<vmem_shared>>) target(%dma_start3A_513 : memref<128x32xf32, #tpu.memory_space<vmem>>) offsets(%dma_start3A_516 : memref<128xi32, #tpu.memory_space<vmem>>) semaphore(%arg18 : memref<!tpu.dma_semaphore, #tpu.memory_space<semaphore_mem>>)
      } else {
      }
    }
    %scan3A_112 = arith.constant 20 : i32
    %barrier3A_113 = arith.constant 0 : index
    tpu.barrier barrier_id(%barrier3A_113)
    "tpu.region"() ({
      %run_scoped3A_114 = tpu.sem_alloc : memref<!tpu.dma_semaphore, #tpu.memory_space<semaphore_mem>>
      %dma_start3A_115 = arith.constant 0 : i32
      %dma_start3A_116 = tpu.memref_slice %arg5[%arg0, %multiple_of3A, %dma_start3A_115] : memref<2x10112x32xf32, #tpu.memory_space<hbm>> -> memref<1x632x32xf32, #tpu.memory_space<hbm>>
      %dma_start3A_117 = tpu.memref_squeeze %dma_start3A_116 : memref<1x632x32xf32, #tpu.memory_space<hbm>> -> memref<632x32xf32, #tpu.memory_space<hbm>>
      %dma_start3A_118 = arith.constant 0 : i32
      %dma_start3A_119 = tpu.memref_slice %arg9[%multiple_of3A, %dma_start3A_118] : memref<10112x32xf32, #tpu.memory_space<vmem_shared>> -> memref<632x32xf32, #tpu.memory_space<vmem_shared>>
      tpu.enqueue_dma source(%dma_start3A_119 : memref<632x32xf32, #tpu.memory_space<vmem_shared>>) target(%dma_start3A_117 : memref<632x32xf32, #tpu.memory_space<hbm>>) target_semaphore(%run_scoped3A_114 : memref<!tpu.dma_semaphore, #tpu.memory_space<semaphore_mem>>)
      %dma_wait3A = arith.constant 0 : i32
      %dma_wait3A_120 = tpu.memref_slice %arg5[%arg0, %multiple_of3A, %dma_wait3A] : memref<2x10112x32xf32, #tpu.memory_space<hbm>> -> memref<1x632x32xf32, #tpu.memory_space<hbm>>
      %dma_wait3A_121 = tpu.memref_squeeze %dma_wait3A_120 : memref<1x632x32xf32, #tpu.memory_space<hbm>> -> memref<632x32xf32, #tpu.memory_space<hbm>>
      %dma_wait3A_122 = arith.constant 0 : i32
      %dma_wait3A_123 = tpu.memref_slice %arg9[%multiple_of3A, %dma_wait3A_122] : memref<10112x32xf32, #tpu.memory_space<vmem_shared>> -> memref<632x32xf32, #tpu.memory_space<vmem_shared>>
      tpu.wait_dma2 semaphore(%run_scoped3A_114 : memref<!tpu.dma_semaphore, #tpu.memory_space<semaphore_mem>>) src(%dma_wait3A_123 : memref<632x32xf32, #tpu.memory_space<vmem_shared>>) dst(%dma_wait3A_121 : memref<632x32xf32, #tpu.memory_space<hbm>>)
      tpu.yield
    }) : () -> ()
    return
  }
}

#map = affine_map<(d0, d1) -> (0, 0, 0)>
#map1 = affine_map<(d0, d1) -> (0, 0)>
module attributes {stable_mosaic.version = 14 : i64} {
  func.func @deg_k(%arg0: i32, %arg1: i32, %arg2: memref<2x2560x128xi32, #tpu.memory_space<hbm>>, %arg3: memref<128x16xf32, #tpu.memory_space<hbm>>, %arg4: memref<10112x16xf32, #tpu.memory_space<hbm>>, %arg5: memref<2x10112x16xf32, #tpu.memory_space<hbm>>, %arg6: memref<80x128xi32, #tpu.memory_space<vmem>>, %arg7: memref<128x16xf32, #tpu.memory_space<vmem>>, %arg8: memref<10112x16xf32, #tpu.memory_space<vmem_shared>>, %arg9: memref<!tpu.dma_semaphore, #tpu.memory_space<semaphore_mem>>) attributes {dimension_semantics = [#tpu.dimension_semantics<core_parallel>, #tpu.dimension_semantics<subcore_parallel>], iteration_bounds = array<i64: 2, 16>, scalar_prefetch = 0 : i64, scratch_operands = 4 : i64, tpu.core_type = #tpu.core_type<sc_vector_subcore>, window_params = [{transform_indices = #map}, {transform_indices = #map1}, {transform_indices = #map1}, {transform_indices = #map}]} {
    %mul3A = arith.constant 16 : i32
    %mul3A_0 = arith.muli %arg0, %mul3A : i32
    %add3A = arith.addi %mul3A_0, %arg1 : i32
    %mul3A_1 = arith.constant 632 : i32
    %mul3A_2 = arith.muli %arg1, %mul3A_1 : i32
    %multiple_of3A = tpu.assume_multiple %mul3A_2, 8 : i32
    "tpu.region"() ({
      %run_scoped3A_66 = tpu.sem_alloc : memref<!tpu.dma_semaphore, #tpu.memory_space<semaphore_mem>>
      %dma_start3A = arith.constant 0 : i32
      %dma_start3A_67 = tpu.memref_slice %arg8[%multiple_of3A, %dma_start3A] : memref<10112x16xf32, #tpu.memory_space<vmem_shared>> -> memref<632x16xf32, #tpu.memory_space<vmem_shared>>
      %dma_start3A_68 = arith.constant 0 : i32
      %dma_start3A_69 = tpu.memref_slice %arg4[%multiple_of3A, %dma_start3A_68] : memref<10112x16xf32, #tpu.memory_space<hbm>> -> memref<632x16xf32, #tpu.memory_space<hbm>>
      tpu.enqueue_dma source(%dma_start3A_69 : memref<632x16xf32, #tpu.memory_space<hbm>>) target(%dma_start3A_67 : memref<632x16xf32, #tpu.memory_space<vmem_shared>>) target_semaphore(%run_scoped3A_66 : memref<!tpu.dma_semaphore, #tpu.memory_space<semaphore_mem>>)
      %dma_wait3A_70 = arith.constant 0 : i32
      %dma_wait3A_71 = tpu.memref_slice %arg8[%multiple_of3A, %dma_wait3A_70] : memref<10112x16xf32, #tpu.memory_space<vmem_shared>> -> memref<632x16xf32, #tpu.memory_space<vmem_shared>>
      %dma_wait3A_72 = arith.constant 0 : i32
      %dma_wait3A_73 = tpu.memref_slice %arg4[%multiple_of3A, %dma_wait3A_72] : memref<10112x16xf32, #tpu.memory_space<hbm>> -> memref<632x16xf32, #tpu.memory_space<hbm>>
      tpu.wait_dma2 semaphore(%run_scoped3A_66 : memref<!tpu.dma_semaphore, #tpu.memory_space<semaphore_mem>>) src(%dma_wait3A_73 : memref<632x16xf32, #tpu.memory_space<hbm>>) dst(%dma_wait3A_71 : memref<632x16xf32, #tpu.memory_space<vmem_shared>>)
      tpu.yield
    }) : () -> ()
    "tpu.region"() ({
      %run_scoped3A_66 = tpu.sem_alloc : memref<!tpu.dma_semaphore, #tpu.memory_space<semaphore_mem>>
      tpu.enqueue_dma source(%arg3 : memref<128x16xf32, #tpu.memory_space<hbm>>) target(%arg7 : memref<128x16xf32, #tpu.memory_space<vmem>>) target_semaphore(%run_scoped3A_66 : memref<!tpu.dma_semaphore, #tpu.memory_space<semaphore_mem>>)
      tpu.wait_dma2 semaphore(%run_scoped3A_66 : memref<!tpu.dma_semaphore, #tpu.memory_space<semaphore_mem>>) src(%arg3 : memref<128x16xf32, #tpu.memory_space<hbm>>) dst(%arg7 : memref<128x16xf32, #tpu.memory_space<vmem>>)
      tpu.yield
    }) : () -> ()
    %mul3A_3 = arith.constant 80 : i32
    %mul3A_4 = arith.muli %add3A, %mul3A_3 : i32
    %run_scoped3A = arith.constant 1 : i32
    "tpu.region"() ({
      %run_scoped3A_66 = tpu.sem_alloc : memref<!tpu.dma_semaphore, #tpu.memory_space<semaphore_mem>>
      %dma_start3A = arith.constant 0 : i32
      %dma_start3A_67 = tpu.memref_slice %arg2[%run_scoped3A, %mul3A_4, %dma_start3A] : memref<2x2560x128xi32, #tpu.memory_space<hbm>> -> memref<1x80x128xi32, #tpu.memory_space<hbm>>
      %dma_start3A_68 = tpu.memref_squeeze %dma_start3A_67 : memref<1x80x128xi32, #tpu.memory_space<hbm>> -> memref<80x128xi32, #tpu.memory_space<hbm>>
      %dma_start3A_69 = arith.constant 0 : i32
      %dma_start3A_70 = tpu.memref_slice %arg2[%run_scoped3A, %mul3A_4, %dma_start3A_69] : memref<2x2560x128xi32, #tpu.memory_space<hbm>> -> memref<1x80x128xi32, #tpu.memory_space<hbm>>
      %dma_start3A_71 = tpu.memref_squeeze %dma_start3A_70 : memref<1x80x128xi32, #tpu.memory_space<hbm>> -> memref<80x128xi32, #tpu.memory_space<hbm>>
      tpu.enqueue_dma source(%dma_start3A_71 : memref<80x128xi32, #tpu.memory_space<hbm>>) target(%arg6 : memref<80x128xi32, #tpu.memory_space<vmem>>) target_semaphore(%run_scoped3A_66 : memref<!tpu.dma_semaphore, #tpu.memory_space<semaphore_mem>>)
      %dma_wait3A_72 = arith.constant 0 : i32
      %dma_wait3A_73 = tpu.memref_slice %arg2[%run_scoped3A, %mul3A_4, %dma_wait3A_72] : memref<2x2560x128xi32, #tpu.memory_space<hbm>> -> memref<1x80x128xi32, #tpu.memory_space<hbm>>
      %dma_wait3A_74 = tpu.memref_squeeze %dma_wait3A_73 : memref<1x80x128xi32, #tpu.memory_space<hbm>> -> memref<80x128xi32, #tpu.memory_space<hbm>>
      %dma_wait3A_75 = arith.constant 0 : i32
      %dma_wait3A_76 = tpu.memref_slice %arg2[%run_scoped3A, %mul3A_4, %dma_wait3A_75] : memref<2x2560x128xi32, #tpu.memory_space<hbm>> -> memref<1x80x128xi32, #tpu.memory_space<hbm>>
      %dma_wait3A_77 = tpu.memref_squeeze %dma_wait3A_76 : memref<1x80x128xi32, #tpu.memory_space<hbm>> -> memref<80x128xi32, #tpu.memory_space<hbm>>
      tpu.wait_dma2 semaphore(%run_scoped3A_66 : memref<!tpu.dma_semaphore, #tpu.memory_space<semaphore_mem>>) src(%dma_wait3A_77 : memref<80x128xi32, #tpu.memory_space<hbm>>) dst(%arg6 : memref<80x128xi32, #tpu.memory_space<vmem>>)
      tpu.yield
    }) : () -> ()
    %barrier3A = arith.constant 0 : index
    tpu.barrier barrier_id(%barrier3A)
    %scan3A = arith.constant 0 : i32
    %scan3A_5 = arith.constant 0 : i32
    %scan3A_6 = arith.constant 10 : i32
    %scan3A_7 = arith.addi %scan3A_5, %scan3A_6 : i32
    %scan3A_8 = arith.constant 1 : i32
    scf.for %scan3A_66 = %scan3A_5 to %scan3A_7 step %scan3A_8  : i32 {
      %mul3A_67 = arith.constant 8 : i32
      %mul3A_68 = arith.muli %scan3A_66, %mul3A_67 : i32
      %add3A_69 = arith.constant 0 : i32
      %add3A_70 = arith.addi %mul3A_68, %add3A_69 : i32
      %dma_start3A = arith.constant 0 : i32
      %dma_start3A_71 = tpu.memref_slice %arg6[%add3A_70, %dma_start3A] : memref<80x128xi32, #tpu.memory_space<vmem>> -> memref<1x128xi32, #tpu.memory_space<vmem>>
      %dma_start3A_72 = tpu.memref_squeeze %dma_start3A_71 : memref<1x128xi32, #tpu.memory_space<vmem>> -> memref<128xi32, #tpu.memory_space<vmem>>
      %dma_start3A_73 = arith.constant 0 : i32
      %dma_start3A_74 = arith.constant 0 : i32
      %dma_start3A_75 = tpu.memref_slice %arg8[%dma_start3A_73, %dma_start3A_74] : memref<10112x16xf32, #tpu.memory_space<vmem_shared>> -> memref<10112x16xf32, #tpu.memory_space<vmem_shared>>
      tpu.enqueue_indirect_dma source(%arg7 : memref<128x16xf32, #tpu.memory_space<vmem>>) target(%dma_start3A_75 : memref<10112x16xf32, #tpu.memory_space<vmem_shared>>) offsets(%dma_start3A_72 : memref<128xi32, #tpu.memory_space<vmem>>) semaphore(%arg9 : memref<!tpu.dma_semaphore, #tpu.memory_space<semaphore_mem>>) {add = true}
      %mul3A_76 = arith.constant 8 : i32
      %mul3A_77 = arith.muli %scan3A_66, %mul3A_76 : i32
      %add3A_78 = arith.constant 1 : i32
      %add3A_79 = arith.addi %mul3A_77, %add3A_78 : i32
      %dma_start3A_80 = arith.constant 0 : i32
      %dma_start3A_81 = tpu.memref_slice %arg6[%add3A_79, %dma_start3A_80] : memref<80x128xi32, #tpu.memory_space<vmem>> -> memref<1x128xi32, #tpu.memory_space<vmem>>
      %dma_start3A_82 = tpu.memref_squeeze %dma_start3A_81 : memref<1x128xi32, #tpu.memory_space<vmem>> -> memref<128xi32, #tpu.memory_space<vmem>>
      %dma_start3A_83 = arith.constant 0 : i32
      %dma_start3A_84 = arith.constant 0 : i32
      %dma_start3A_85 = tpu.memref_slice %arg8[%dma_start3A_83, %dma_start3A_84] : memref<10112x16xf32, #tpu.memory_space<vmem_shared>> -> memref<10112x16xf32, #tpu.memory_space<vmem_shared>>
      tpu.enqueue_indirect_dma source(%arg7 : memref<128x16xf32, #tpu.memory_space<vmem>>) target(%dma_start3A_85 : memref<10112x16xf32, #tpu.memory_space<vmem_shared>>) offsets(%dma_start3A_82 : memref<128xi32, #tpu.memory_space<vmem>>) semaphore(%arg9 : memref<!tpu.dma_semaphore, #tpu.memory_space<semaphore_mem>>) {add = true}
      %mul3A_86 = arith.constant 8 : i32
      %mul3A_87 = arith.muli %scan3A_66, %mul3A_86 : i32
      %add3A_88 = arith.constant 2 : i32
      %add3A_89 = arith.addi %mul3A_87, %add3A_88 : i32
      %dma_start3A_90 = arith.constant 0 : i32
      %dma_start3A_91 = tpu.memref_slice %arg6[%add3A_89, %dma_start3A_90] : memref<80x128xi32, #tpu.memory_space<vmem>> -> memref<1x128xi32, #tpu.memory_space<vmem>>
      %dma_start3A_92 = tpu.memref_squeeze %dma_start3A_91 : memref<1x128xi32, #tpu.memory_space<vmem>> -> memref<128xi32, #tpu.memory_space<vmem>>
      %dma_start3A_93 = arith.constant 0 : i32
      %dma_start3A_94 = arith.constant 0 : i32
      %dma_start3A_95 = tpu.memref_slice %arg8[%dma_start3A_93, %dma_start3A_94] : memref<10112x16xf32, #tpu.memory_space<vmem_shared>> -> memref<10112x16xf32, #tpu.memory_space<vmem_shared>>
      tpu.enqueue_indirect_dma source(%arg7 : memref<128x16xf32, #tpu.memory_space<vmem>>) target(%dma_start3A_95 : memref<10112x16xf32, #tpu.memory_space<vmem_shared>>) offsets(%dma_start3A_92 : memref<128xi32, #tpu.memory_space<vmem>>) semaphore(%arg9 : memref<!tpu.dma_semaphore, #tpu.memory_space<semaphore_mem>>) {add = true}
      %mul3A_96 = arith.constant 8 : i32
      %mul3A_97 = arith.muli %scan3A_66, %mul3A_96 : i32
      %add3A_98 = arith.constant 3 : i32
      %add3A_99 = arith.addi %mul3A_97, %add3A_98 : i32
      %dma_start3A_100 = arith.constant 0 : i32
      %dma_start3A_101 = tpu.memref_slice %arg6[%add3A_99, %dma_start3A_100] : memref<80x128xi32, #tpu.memory_space<vmem>> -> memref<1x128xi32, #tpu.memory_space<vmem>>
      %dma_start3A_102 = tpu.memref_squeeze %dma_start3A_101 : memref<1x128xi32, #tpu.memory_space<vmem>> -> memref<128xi32, #tpu.memory_space<vmem>>
      %dma_start3A_103 = arith.constant 0 : i32
      %dma_start3A_104 = arith.constant 0 : i32
      %dma_start3A_105 = tpu.memref_slice %arg8[%dma_start3A_103, %dma_start3A_104] : memref<10112x16xf32, #tpu.memory_space<vmem_shared>> -> memref<10112x16xf32, #tpu.memory_space<vmem_shared>>
      tpu.enqueue_indirect_dma source(%arg7 : memref<128x16xf32, #tpu.memory_space<vmem>>) target(%dma_start3A_105 : memref<10112x16xf32, #tpu.memory_space<vmem_shared>>) offsets(%dma_start3A_102 : memref<128xi32, #tpu.memory_space<vmem>>) semaphore(%arg9 : memref<!tpu.dma_semaphore, #tpu.memory_space<semaphore_mem>>) {add = true}
      %mul3A_106 = arith.constant 8 : i32
      %mul3A_107 = arith.muli %scan3A_66, %mul3A_106 : i32
      %add3A_108 = arith.constant 4 : i32
      %add3A_109 = arith.addi %mul3A_107, %add3A_108 : i32
      %dma_start3A_110 = arith.constant 0 : i32
      %dma_start3A_111 = tpu.memref_slice %arg6[%add3A_109, %dma_start3A_110] : memref<80x128xi32, #tpu.memory_space<vmem>> -> memref<1x128xi32, #tpu.memory_space<vmem>>
      %dma_start3A_112 = tpu.memref_squeeze %dma_start3A_111 : memref<1x128xi32, #tpu.memory_space<vmem>> -> memref<128xi32, #tpu.memory_space<vmem>>
      %dma_start3A_113 = arith.constant 0 : i32
      %dma_start3A_114 = arith.constant 0 : i32
      %dma_start3A_115 = tpu.memref_slice %arg8[%dma_start3A_113, %dma_start3A_114] : memref<10112x16xf32, #tpu.memory_space<vmem_shared>> -> memref<10112x16xf32, #tpu.memory_space<vmem_shared>>
      tpu.enqueue_indirect_dma source(%arg7 : memref<128x16xf32, #tpu.memory_space<vmem>>) target(%dma_start3A_115 : memref<10112x16xf32, #tpu.memory_space<vmem_shared>>) offsets(%dma_start3A_112 : memref<128xi32, #tpu.memory_space<vmem>>) semaphore(%arg9 : memref<!tpu.dma_semaphore, #tpu.memory_space<semaphore_mem>>) {add = true}
      %mul3A_116 = arith.constant 8 : i32
      %mul3A_117 = arith.muli %scan3A_66, %mul3A_116 : i32
      %add3A_118 = arith.constant 5 : i32
      %add3A_119 = arith.addi %mul3A_117, %add3A_118 : i32
      %dma_start3A_120 = arith.constant 0 : i32
      %dma_start3A_121 = tpu.memref_slice %arg6[%add3A_119, %dma_start3A_120] : memref<80x128xi32, #tpu.memory_space<vmem>> -> memref<1x128xi32, #tpu.memory_space<vmem>>
      %dma_start3A_122 = tpu.memref_squeeze %dma_start3A_121 : memref<1x128xi32, #tpu.memory_space<vmem>> -> memref<128xi32, #tpu.memory_space<vmem>>
      %dma_start3A_123 = arith.constant 0 : i32
      %dma_start3A_124 = arith.constant 0 : i32
      %dma_start3A_125 = tpu.memref_slice %arg8[%dma_start3A_123, %dma_start3A_124] : memref<10112x16xf32, #tpu.memory_space<vmem_shared>> -> memref<10112x16xf32, #tpu.memory_space<vmem_shared>>
      tpu.enqueue_indirect_dma source(%arg7 : memref<128x16xf32, #tpu.memory_space<vmem>>) target(%dma_start3A_125 : memref<10112x16xf32, #tpu.memory_space<vmem_shared>>) offsets(%dma_start3A_122 : memref<128xi32, #tpu.memory_space<vmem>>) semaphore(%arg9 : memref<!tpu.dma_semaphore, #tpu.memory_space<semaphore_mem>>) {add = true}
      %mul3A_126 = arith.constant 8 : i32
      %mul3A_127 = arith.muli %scan3A_66, %mul3A_126 : i32
      %add3A_128 = arith.constant 6 : i32
      %add3A_129 = arith.addi %mul3A_127, %add3A_128 : i32
      %dma_start3A_130 = arith.constant 0 : i32
      %dma_start3A_131 = tpu.memref_slice %arg6[%add3A_129, %dma_start3A_130] : memref<80x128xi32, #tpu.memory_space<vmem>> -> memref<1x128xi32, #tpu.memory_space<vmem>>
      %dma_start3A_132 = tpu.memref_squeeze %dma_start3A_131 : memref<1x128xi32, #tpu.memory_space<vmem>> -> memref<128xi32, #tpu.memory_space<vmem>>
      %dma_start3A_133 = arith.constant 0 : i32
      %dma_start3A_134 = arith.constant 0 : i32
      %dma_start3A_135 = tpu.memref_slice %arg8[%dma_start3A_133, %dma_start3A_134] : memref<10112x16xf32, #tpu.memory_space<vmem_shared>> -> memref<10112x16xf32, #tpu.memory_space<vmem_shared>>
      tpu.enqueue_indirect_dma source(%arg7 : memref<128x16xf32, #tpu.memory_space<vmem>>) target(%dma_start3A_135 : memref<10112x16xf32, #tpu.memory_space<vmem_shared>>) offsets(%dma_start3A_132 : memref<128xi32, #tpu.memory_space<vmem>>) semaphore(%arg9 : memref<!tpu.dma_semaphore, #tpu.memory_space<semaphore_mem>>) {add = true}
      %mul3A_136 = arith.constant 8 : i32
      %mul3A_137 = arith.muli %scan3A_66, %mul3A_136 : i32
      %add3A_138 = arith.constant 7 : i32
      %add3A_139 = arith.addi %mul3A_137, %add3A_138 : i32
      %dma_start3A_140 = arith.constant 0 : i32
      %dma_start3A_141 = tpu.memref_slice %arg6[%add3A_139, %dma_start3A_140] : memref<80x128xi32, #tpu.memory_space<vmem>> -> memref<1x128xi32, #tpu.memory_space<vmem>>
      %dma_start3A_142 = tpu.memref_squeeze %dma_start3A_141 : memref<1x128xi32, #tpu.memory_space<vmem>> -> memref<128xi32, #tpu.memory_space<vmem>>
      %dma_start3A_143 = arith.constant 0 : i32
      %dma_start3A_144 = arith.constant 0 : i32
      %dma_start3A_145 = tpu.memref_slice %arg8[%dma_start3A_143, %dma_start3A_144] : memref<10112x16xf32, #tpu.memory_space<vmem_shared>> -> memref<10112x16xf32, #tpu.memory_space<vmem_shared>>
      tpu.enqueue_indirect_dma source(%arg7 : memref<128x16xf32, #tpu.memory_space<vmem>>) target(%dma_start3A_145 : memref<10112x16xf32, #tpu.memory_space<vmem_shared>>) offsets(%dma_start3A_142 : memref<128xi32, #tpu.memory_space<vmem>>) semaphore(%arg9 : memref<!tpu.dma_semaphore, #tpu.memory_space<semaphore_mem>>) {add = true}
      %gt3A = arith.constant 0 : i32
      %gt3A_146 = arith.cmpi sgt, %scan3A_66, %gt3A : i32
      %convert_element_type3A = arith.extui %gt3A_146 : i1 to i32
      %cond3A = arith.constant 0 : i32
      %cond3A_147 = arith.cmpi ne, %convert_element_type3A, %cond3A : i32
      scf.if %cond3A_147 {
        %dma_wait3A_148 = arith.constant 0 : i32
        %dma_wait3A_149 = arith.constant 0 : i32
        %dma_wait3A_150 = tpu.memref_slice %arg6[%dma_wait3A_148, %dma_wait3A_149] : memref<80x128xi32, #tpu.memory_space<vmem>> -> memref<1x128xi32, #tpu.memory_space<vmem>>
        %dma_wait3A_151 = tpu.memref_squeeze %dma_wait3A_150 : memref<1x128xi32, #tpu.memory_space<vmem>> -> memref<128xi32, #tpu.memory_space<vmem>>
        %dma_wait3A_152 = arith.constant 0 : i32
        %dma_wait3A_153 = arith.constant 0 : i32
        %dma_wait3A_154 = tpu.memref_slice %arg8[%dma_wait3A_152, %dma_wait3A_153] : memref<10112x16xf32, #tpu.memory_space<vmem_shared>> -> memref<10112x16xf32, #tpu.memory_space<vmem_shared>>
        tpu.wait_indirect_dma semaphore(%arg9 : memref<!tpu.dma_semaphore, #tpu.memory_space<semaphore_mem>>) src(%arg7 : memref<128x16xf32, #tpu.memory_space<vmem>>) dst(%dma_wait3A_154 : memref<10112x16xf32, #tpu.memory_space<vmem_shared>>)
        %dma_wait3A_155 = arith.constant 1 : i32
        %dma_wait3A_156 = arith.constant 0 : i32
        %dma_wait3A_157 = tpu.memref_slice %arg6[%dma_wait3A_155, %dma_wait3A_156] : memref<80x128xi32, #tpu.memory_space<vmem>> -> memref<1x128xi32, #tpu.memory_space<vmem>>
        %dma_wait3A_158 = tpu.memref_squeeze %dma_wait3A_157 : memref<1x128xi32, #tpu.memory_space<vmem>> -> memref<128xi32, #tpu.memory_space<vmem>>
        %dma_wait3A_159 = arith.constant 0 : i32
        %dma_wait3A_160 = arith.constant 0 : i32
        %dma_wait3A_161 = tpu.memref_slice %arg8[%dma_wait3A_159, %dma_wait3A_160] : memref<10112x16xf32, #tpu.memory_space<vmem_shared>> -> memref<10112x16xf32, #tpu.memory_space<vmem_shared>>
        tpu.wait_indirect_dma semaphore(%arg9 : memref<!tpu.dma_semaphore, #tpu.memory_space<semaphore_mem>>) src(%arg7 : memref<128x16xf32, #tpu.memory_space<vmem>>) dst(%dma_wait3A_161 : memref<10112x16xf32, #tpu.memory_space<vmem_shared>>)
        %dma_wait3A_162 = arith.constant 2 : i32
        %dma_wait3A_163 = arith.constant 0 : i32
        %dma_wait3A_164 = tpu.memref_slice %arg6[%dma_wait3A_162, %dma_wait3A_163] : memref<80x128xi32, #tpu.memory_space<vmem>> -> memref<1x128xi32, #tpu.memory_space<vmem>>
        %dma_wait3A_165 = tpu.memref_squeeze %dma_wait3A_164 : memref<1x128xi32, #tpu.memory_space<vmem>> -> memref<128xi32, #tpu.memory_space<vmem>>
        %dma_wait3A_166 = arith.constant 0 : i32
        %dma_wait3A_167 = arith.constant 0 : i32
        %dma_wait3A_168 = tpu.memref_slice %arg8[%dma_wait3A_166, %dma_wait3A_167] : memref<10112x16xf32, #tpu.memory_space<vmem_shared>> -> memref<10112x16xf32, #tpu.memory_space<vmem_shared>>
        tpu.wait_indirect_dma semaphore(%arg9 : memref<!tpu.dma_semaphore, #tpu.memory_space<semaphore_mem>>) src(%arg7 : memref<128x16xf32, #tpu.memory_space<vmem>>) dst(%dma_wait3A_168 : memref<10112x16xf32, #tpu.memory_space<vmem_shared>>)
        %dma_wait3A_169 = arith.constant 3 : i32
        %dma_wait3A_170 = arith.constant 0 : i32
        %dma_wait3A_171 = tpu.memref_slice %arg6[%dma_wait3A_169, %dma_wait3A_170] : memref<80x128xi32, #tpu.memory_space<vmem>> -> memref<1x128xi32, #tpu.memory_space<vmem>>
        %dma_wait3A_172 = tpu.memref_squeeze %dma_wait3A_171 : memref<1x128xi32, #tpu.memory_space<vmem>> -> memref<128xi32, #tpu.memory_space<vmem>>
        %dma_wait3A_173 = arith.constant 0 : i32
        %dma_wait3A_174 = arith.constant 0 : i32
        %dma_wait3A_175 = tpu.memref_slice %arg8[%dma_wait3A_173, %dma_wait3A_174] : memref<10112x16xf32, #tpu.memory_space<vmem_shared>> -> memref<10112x16xf32, #tpu.memory_space<vmem_shared>>
        tpu.wait_indirect_dma semaphore(%arg9 : memref<!tpu.dma_semaphore, #tpu.memory_space<semaphore_mem>>) src(%arg7 : memref<128x16xf32, #tpu.memory_space<vmem>>) dst(%dma_wait3A_175 : memref<10112x16xf32, #tpu.memory_space<vmem_shared>>)
        %dma_wait3A_176 = arith.constant 4 : i32
        %dma_wait3A_177 = arith.constant 0 : i32
        %dma_wait3A_178 = tpu.memref_slice %arg6[%dma_wait3A_176, %dma_wait3A_177] : memref<80x128xi32, #tpu.memory_space<vmem>> -> memref<1x128xi32, #tpu.memory_space<vmem>>
        %dma_wait3A_179 = tpu.memref_squeeze %dma_wait3A_178 : memref<1x128xi32, #tpu.memory_space<vmem>> -> memref<128xi32, #tpu.memory_space<vmem>>
        %dma_wait3A_180 = arith.constant 0 : i32
        %dma_wait3A_181 = arith.constant 0 : i32
        %dma_wait3A_182 = tpu.memref_slice %arg8[%dma_wait3A_180, %dma_wait3A_181] : memref<10112x16xf32, #tpu.memory_space<vmem_shared>> -> memref<10112x16xf32, #tpu.memory_space<vmem_shared>>
        tpu.wait_indirect_dma semaphore(%arg9 : memref<!tpu.dma_semaphore, #tpu.memory_space<semaphore_mem>>) src(%arg7 : memref<128x16xf32, #tpu.memory_space<vmem>>) dst(%dma_wait3A_182 : memref<10112x16xf32, #tpu.memory_space<vmem_shared>>)
        %dma_wait3A_183 = arith.constant 5 : i32
        %dma_wait3A_184 = arith.constant 0 : i32
        %dma_wait3A_185 = tpu.memref_slice %arg6[%dma_wait3A_183, %dma_wait3A_184] : memref<80x128xi32, #tpu.memory_space<vmem>> -> memref<1x128xi32, #tpu.memory_space<vmem>>
        %dma_wait3A_186 = tpu.memref_squeeze %dma_wait3A_185 : memref<1x128xi32, #tpu.memory_space<vmem>> -> memref<128xi32, #tpu.memory_space<vmem>>
        %dma_wait3A_187 = arith.constant 0 : i32
        %dma_wait3A_188 = arith.constant 0 : i32
        %dma_wait3A_189 = tpu.memref_slice %arg8[%dma_wait3A_187, %dma_wait3A_188] : memref<10112x16xf32, #tpu.memory_space<vmem_shared>> -> memref<10112x16xf32, #tpu.memory_space<vmem_shared>>
        tpu.wait_indirect_dma semaphore(%arg9 : memref<!tpu.dma_semaphore, #tpu.memory_space<semaphore_mem>>) src(%arg7 : memref<128x16xf32, #tpu.memory_space<vmem>>) dst(%dma_wait3A_189 : memref<10112x16xf32, #tpu.memory_space<vmem_shared>>)
        %dma_wait3A_190 = arith.constant 6 : i32
        %dma_wait3A_191 = arith.constant 0 : i32
        %dma_wait3A_192 = tpu.memref_slice %arg6[%dma_wait3A_190, %dma_wait3A_191] : memref<80x128xi32, #tpu.memory_space<vmem>> -> memref<1x128xi32, #tpu.memory_space<vmem>>
        %dma_wait3A_193 = tpu.memref_squeeze %dma_wait3A_192 : memref<1x128xi32, #tpu.memory_space<vmem>> -> memref<128xi32, #tpu.memory_space<vmem>>
        %dma_wait3A_194 = arith.constant 0 : i32
        %dma_wait3A_195 = arith.constant 0 : i32
        %dma_wait3A_196 = tpu.memref_slice %arg8[%dma_wait3A_194, %dma_wait3A_195] : memref<10112x16xf32, #tpu.memory_space<vmem_shared>> -> memref<10112x16xf32, #tpu.memory_space<vmem_shared>>
        tpu.wait_indirect_dma semaphore(%arg9 : memref<!tpu.dma_semaphore, #tpu.memory_space<semaphore_mem>>) src(%arg7 : memref<128x16xf32, #tpu.memory_space<vmem>>) dst(%dma_wait3A_196 : memref<10112x16xf32, #tpu.memory_space<vmem_shared>>)
        %dma_wait3A_197 = arith.constant 7 : i32
        %dma_wait3A_198 = arith.constant 0 : i32
        %dma_wait3A_199 = tpu.memref_slice %arg6[%dma_wait3A_197, %dma_wait3A_198] : memref<80x128xi32, #tpu.memory_space<vmem>> -> memref<1x128xi32, #tpu.memory_space<vmem>>
        %dma_wait3A_200 = tpu.memref_squeeze %dma_wait3A_199 : memref<1x128xi32, #tpu.memory_space<vmem>> -> memref<128xi32, #tpu.memory_space<vmem>>
        %dma_wait3A_201 = arith.constant 0 : i32
        %dma_wait3A_202 = arith.constant 0 : i32
        %dma_wait3A_203 = tpu.memref_slice %arg8[%dma_wait3A_201, %dma_wait3A_202] : memref<10112x16xf32, #tpu.memory_space<vmem_shared>> -> memref<10112x16xf32, #tpu.memory_space<vmem_shared>>
        tpu.wait_indirect_dma semaphore(%arg9 : memref<!tpu.dma_semaphore, #tpu.memory_space<semaphore_mem>>) src(%arg7 : memref<128x16xf32, #tpu.memory_space<vmem>>) dst(%dma_wait3A_203 : memref<10112x16xf32, #tpu.memory_space<vmem_shared>>)
      } else {
      }
    }
    %scan3A_9 = arith.constant 10 : i32
    %dma_wait3A = arith.constant 0 : i32
    %dma_wait3A_10 = arith.constant 0 : i32
    %dma_wait3A_11 = tpu.memref_slice %arg6[%dma_wait3A, %dma_wait3A_10] : memref<80x128xi32, #tpu.memory_space<vmem>> -> memref<1x128xi32, #tpu.memory_space<vmem>>
    %dma_wait3A_12 = tpu.memref_squeeze %dma_wait3A_11 : memref<1x128xi32, #tpu.memory_space<vmem>> -> memref<128xi32, #tpu.memory_space<vmem>>
    %dma_wait3A_13 = arith.constant 0 : i32
    %dma_wait3A_14 = arith.constant 0 : i32
    %dma_wait3A_15 = tpu.memref_slice %arg8[%dma_wait3A_13, %dma_wait3A_14] : memref<10112x16xf32, #tpu.memory_space<vmem_shared>> -> memref<10112x16xf32, #tpu.memory_space<vmem_shared>>
    tpu.wait_indirect_dma semaphore(%arg9 : memref<!tpu.dma_semaphore, #tpu.memory_space<semaphore_mem>>) src(%arg7 : memref<128x16xf32, #tpu.memory_space<vmem>>) dst(%dma_wait3A_15 : memref<10112x16xf32, #tpu.memory_space<vmem_shared>>)
    %dma_wait3A_16 = arith.constant 1 : i32
    %dma_wait3A_17 = arith.constant 0 : i32
    %dma_wait3A_18 = tpu.memref_slice %arg6[%dma_wait3A_16, %dma_wait3A_17] : memref<80x128xi32, #tpu.memory_space<vmem>> -> memref<1x128xi32, #tpu.memory_space<vmem>>
    %dma_wait3A_19 = tpu.memref_squeeze %dma_wait3A_18 : memref<1x128xi32, #tpu.memory_space<vmem>> -> memref<128xi32, #tpu.memory_space<vmem>>
    %dma_wait3A_20 = arith.constant 0 : i32
    %dma_wait3A_21 = arith.constant 0 : i32
    %dma_wait3A_22 = tpu.memref_slice %arg8[%dma_wait3A_20, %dma_wait3A_21] : memref<10112x16xf32, #tpu.memory_space<vmem_shared>> -> memref<10112x16xf32, #tpu.memory_space<vmem_shared>>
    tpu.wait_indirect_dma semaphore(%arg9 : memref<!tpu.dma_semaphore, #tpu.memory_space<semaphore_mem>>) src(%arg7 : memref<128x16xf32, #tpu.memory_space<vmem>>) dst(%dma_wait3A_22 : memref<10112x16xf32, #tpu.memory_space<vmem_shared>>)
    %dma_wait3A_23 = arith.constant 2 : i32
    %dma_wait3A_24 = arith.constant 0 : i32
    %dma_wait3A_25 = tpu.memref_slice %arg6[%dma_wait3A_23, %dma_wait3A_24] : memref<80x128xi32, #tpu.memory_space<vmem>> -> memref<1x128xi32, #tpu.memory_space<vmem>>
    %dma_wait3A_26 = tpu.memref_squeeze %dma_wait3A_25 : memref<1x128xi32, #tpu.memory_space<vmem>> -> memref<128xi32, #tpu.memory_space<vmem>>
    %dma_wait3A_27 = arith.constant 0 : i32
    %dma_wait3A_28 = arith.constant 0 : i32
    %dma_wait3A_29 = tpu.memref_slice %arg8[%dma_wait3A_27, %dma_wait3A_28] : memref<10112x16xf32, #tpu.memory_space<vmem_shared>> -> memref<10112x16xf32, #tpu.memory_space<vmem_shared>>
    tpu.wait_indirect_dma semaphore(%arg9 : memref<!tpu.dma_semaphore, #tpu.memory_space<semaphore_mem>>) src(%arg7 : memref<128x16xf32, #tpu.memory_space<vmem>>) dst(%dma_wait3A_29 : memref<10112x16xf32, #tpu.memory_space<vmem_shared>>)
    %dma_wait3A_30 = arith.constant 3 : i32
    %dma_wait3A_31 = arith.constant 0 : i32
    %dma_wait3A_32 = tpu.memref_slice %arg6[%dma_wait3A_30, %dma_wait3A_31] : memref<80x128xi32, #tpu.memory_space<vmem>> -> memref<1x128xi32, #tpu.memory_space<vmem>>
    %dma_wait3A_33 = tpu.memref_squeeze %dma_wait3A_32 : memref<1x128xi32, #tpu.memory_space<vmem>> -> memref<128xi32, #tpu.memory_space<vmem>>
    %dma_wait3A_34 = arith.constant 0 : i32
    %dma_wait3A_35 = arith.constant 0 : i32
    %dma_wait3A_36 = tpu.memref_slice %arg8[%dma_wait3A_34, %dma_wait3A_35] : memref<10112x16xf32, #tpu.memory_space<vmem_shared>> -> memref<10112x16xf32, #tpu.memory_space<vmem_shared>>
    tpu.wait_indirect_dma semaphore(%arg9 : memref<!tpu.dma_semaphore, #tpu.memory_space<semaphore_mem>>) src(%arg7 : memref<128x16xf32, #tpu.memory_space<vmem>>) dst(%dma_wait3A_36 : memref<10112x16xf32, #tpu.memory_space<vmem_shared>>)
    %dma_wait3A_37 = arith.constant 4 : i32
    %dma_wait3A_38 = arith.constant 0 : i32
    %dma_wait3A_39 = tpu.memref_slice %arg6[%dma_wait3A_37, %dma_wait3A_38] : memref<80x128xi32, #tpu.memory_space<vmem>> -> memref<1x128xi32, #tpu.memory_space<vmem>>
    %dma_wait3A_40 = tpu.memref_squeeze %dma_wait3A_39 : memref<1x128xi32, #tpu.memory_space<vmem>> -> memref<128xi32, #tpu.memory_space<vmem>>
    %dma_wait3A_41 = arith.constant 0 : i32
    %dma_wait3A_42 = arith.constant 0 : i32
    %dma_wait3A_43 = tpu.memref_slice %arg8[%dma_wait3A_41, %dma_wait3A_42] : memref<10112x16xf32, #tpu.memory_space<vmem_shared>> -> memref<10112x16xf32, #tpu.memory_space<vmem_shared>>
    tpu.wait_indirect_dma semaphore(%arg9 : memref<!tpu.dma_semaphore, #tpu.memory_space<semaphore_mem>>) src(%arg7 : memref<128x16xf32, #tpu.memory_space<vmem>>) dst(%dma_wait3A_43 : memref<10112x16xf32, #tpu.memory_space<vmem_shared>>)
    %dma_wait3A_44 = arith.constant 5 : i32
    %dma_wait3A_45 = arith.constant 0 : i32
    %dma_wait3A_46 = tpu.memref_slice %arg6[%dma_wait3A_44, %dma_wait3A_45] : memref<80x128xi32, #tpu.memory_space<vmem>> -> memref<1x128xi32, #tpu.memory_space<vmem>>
    %dma_wait3A_47 = tpu.memref_squeeze %dma_wait3A_46 : memref<1x128xi32, #tpu.memory_space<vmem>> -> memref<128xi32, #tpu.memory_space<vmem>>
    %dma_wait3A_48 = arith.constant 0 : i32
    %dma_wait3A_49 = arith.constant 0 : i32
    %dma_wait3A_50 = tpu.memref_slice %arg8[%dma_wait3A_48, %dma_wait3A_49] : memref<10112x16xf32, #tpu.memory_space<vmem_shared>> -> memref<10112x16xf32, #tpu.memory_space<vmem_shared>>
    tpu.wait_indirect_dma semaphore(%arg9 : memref<!tpu.dma_semaphore, #tpu.memory_space<semaphore_mem>>) src(%arg7 : memref<128x16xf32, #tpu.memory_space<vmem>>) dst(%dma_wait3A_50 : memref<10112x16xf32, #tpu.memory_space<vmem_shared>>)
    %dma_wait3A_51 = arith.constant 6 : i32
    %dma_wait3A_52 = arith.constant 0 : i32
    %dma_wait3A_53 = tpu.memref_slice %arg6[%dma_wait3A_51, %dma_wait3A_52] : memref<80x128xi32, #tpu.memory_space<vmem>> -> memref<1x128xi32, #tpu.memory_space<vmem>>
    %dma_wait3A_54 = tpu.memref_squeeze %dma_wait3A_53 : memref<1x128xi32, #tpu.memory_space<vmem>> -> memref<128xi32, #tpu.memory_space<vmem>>
    %dma_wait3A_55 = arith.constant 0 : i32
    %dma_wait3A_56 = arith.constant 0 : i32
    %dma_wait3A_57 = tpu.memref_slice %arg8[%dma_wait3A_55, %dma_wait3A_56] : memref<10112x16xf32, #tpu.memory_space<vmem_shared>> -> memref<10112x16xf32, #tpu.memory_space<vmem_shared>>
    tpu.wait_indirect_dma semaphore(%arg9 : memref<!tpu.dma_semaphore, #tpu.memory_space<semaphore_mem>>) src(%arg7 : memref<128x16xf32, #tpu.memory_space<vmem>>) dst(%dma_wait3A_57 : memref<10112x16xf32, #tpu.memory_space<vmem_shared>>)
    %dma_wait3A_58 = arith.constant 7 : i32
    %dma_wait3A_59 = arith.constant 0 : i32
    %dma_wait3A_60 = tpu.memref_slice %arg6[%dma_wait3A_58, %dma_wait3A_59] : memref<80x128xi32, #tpu.memory_space<vmem>> -> memref<1x128xi32, #tpu.memory_space<vmem>>
    %dma_wait3A_61 = tpu.memref_squeeze %dma_wait3A_60 : memref<1x128xi32, #tpu.memory_space<vmem>> -> memref<128xi32, #tpu.memory_space<vmem>>
    %dma_wait3A_62 = arith.constant 0 : i32
    %dma_wait3A_63 = arith.constant 0 : i32
    %dma_wait3A_64 = tpu.memref_slice %arg8[%dma_wait3A_62, %dma_wait3A_63] : memref<10112x16xf32, #tpu.memory_space<vmem_shared>> -> memref<10112x16xf32, #tpu.memory_space<vmem_shared>>
    tpu.wait_indirect_dma semaphore(%arg9 : memref<!tpu.dma_semaphore, #tpu.memory_space<semaphore_mem>>) src(%arg7 : memref<128x16xf32, #tpu.memory_space<vmem>>) dst(%dma_wait3A_64 : memref<10112x16xf32, #tpu.memory_space<vmem_shared>>)
    %barrier3A_65 = arith.constant 0 : index
    tpu.barrier barrier_id(%barrier3A_65)
    "tpu.region"() ({
      %run_scoped3A_66 = tpu.sem_alloc : memref<!tpu.dma_semaphore, #tpu.memory_space<semaphore_mem>>
      %dma_start3A = arith.constant 0 : i32
      %dma_start3A_67 = tpu.memref_slice %arg5[%arg0, %multiple_of3A, %dma_start3A] : memref<2x10112x16xf32, #tpu.memory_space<hbm>> -> memref<1x632x16xf32, #tpu.memory_space<hbm>>
      %dma_start3A_68 = tpu.memref_squeeze %dma_start3A_67 : memref<1x632x16xf32, #tpu.memory_space<hbm>> -> memref<632x16xf32, #tpu.memory_space<hbm>>
      %dma_start3A_69 = arith.constant 0 : i32
      %dma_start3A_70 = tpu.memref_slice %arg8[%multiple_of3A, %dma_start3A_69] : memref<10112x16xf32, #tpu.memory_space<vmem_shared>> -> memref<632x16xf32, #tpu.memory_space<vmem_shared>>
      tpu.enqueue_dma source(%dma_start3A_70 : memref<632x16xf32, #tpu.memory_space<vmem_shared>>) target(%dma_start3A_68 : memref<632x16xf32, #tpu.memory_space<hbm>>) target_semaphore(%run_scoped3A_66 : memref<!tpu.dma_semaphore, #tpu.memory_space<semaphore_mem>>)
      %dma_wait3A_71 = arith.constant 0 : i32
      %dma_wait3A_72 = tpu.memref_slice %arg5[%arg0, %multiple_of3A, %dma_wait3A_71] : memref<2x10112x16xf32, #tpu.memory_space<hbm>> -> memref<1x632x16xf32, #tpu.memory_space<hbm>>
      %dma_wait3A_73 = tpu.memref_squeeze %dma_wait3A_72 : memref<1x632x16xf32, #tpu.memory_space<hbm>> -> memref<632x16xf32, #tpu.memory_space<hbm>>
      %dma_wait3A_74 = arith.constant 0 : i32
      %dma_wait3A_75 = tpu.memref_slice %arg8[%multiple_of3A, %dma_wait3A_74] : memref<10112x16xf32, #tpu.memory_space<vmem_shared>> -> memref<632x16xf32, #tpu.memory_space<vmem_shared>>
      tpu.wait_dma2 semaphore(%run_scoped3A_66 : memref<!tpu.dma_semaphore, #tpu.memory_space<semaphore_mem>>) src(%dma_wait3A_75 : memref<632x16xf32, #tpu.memory_space<vmem_shared>>) dst(%dma_wait3A_73 : memref<632x16xf32, #tpu.memory_space<hbm>>)
      tpu.yield
    }) : () -> ()
    return
  }
}

module attributes {stable_mosaic.version = 14 : i64} {
  func.func @body(%arg0: i32, %arg1: memref<2000x128xf32, #tpu.memory_space<vmem>>, %arg2: memref<128x64xf32, #tpu.memory_space<vmem>>, %arg3: memref<2000x64xf32, #tpu.memory_space<vmem>>) attributes {dimension_semantics = [#tpu.dimension_semantics<arbitrary>], iteration_bounds = array<i64: 5>, scalar_prefetch = 0 : i64, scratch_operands = 0 : i64, tpu.core_type = #tpu.core_type<tc>, window_params = [{transform_indices = @transform_0, window_bounds = array<i64: 2000, 128>}, {pipeline_mode = #tpu.pipeline_mode<synchronous>, transform_indices = @transform_1, window_bounds = array<i64: 128, 64>}, {transform_indices = @transform_2, window_bounds = array<i64: 2000, 64>}]} {
    %get3A = arith.constant 0 : index
    %get3A_0 = arith.constant 0 : index
    %get3A_1 = vector.load %arg1[%get3A, %get3A_0] : memref<2000x128xf32, #tpu.memory_space<vmem>>, vector<2000x128xf32>
    %get3A_2 = arith.constant 0 : index
    %get3A_3 = arith.constant 0 : index
    %get3A_4 = vector.load %arg2[%get3A_2, %get3A_3] : memref<128x64xf32, #tpu.memory_space<vmem>>, vector<128x64xf32>
    %dot_general3A = arith.constant dense<0.000000e+00> : vector<2000x64xf32>
    %dot_general3A_5 = tpu.matmul %get3A_1, %get3A_4, %dot_general3A {dimension_numbers = #tpu.dot_dimension_numbers<[1], [0], [0], [1], [0, 0, 1, 1], [], []>, transpose_lhs_hint = false} : vector<2000x128xf32>, vector<128x64xf32>, vector<2000x64xf32> -> vector<2000x64xf32>
    %swap3A = arith.constant 0 : index
    %swap3A_6 = arith.constant 0 : index
    %swap3A_7 = vector.load %arg3[%swap3A, %swap3A_6] : memref<2000x64xf32, #tpu.memory_space<vmem>>, vector<2000x64xf32>
    tpu.vector_store %arg3[%swap3A, %swap3A_6], %dot_general3A_5 {strides = array<i32>} : memref<2000x64xf32, #tpu.memory_space<vmem>>, vector<2000x64xf32>,
    return
  }
  func.func @transform_0(%arg0: i32) -> (i32, i32) {
    %c0_i32 = arith.constant 0 : i32
    %c0_i32_0 = arith.constant 0 : i32
    return %arg0, %c0_i32 : i32, i32
  }
  func.func @transform_1(%arg0: i32) -> (i32, i32) {
    %c0_i32 = arith.constant 0 : i32
    %c0_i32_0 = arith.constant 0 : i32
    %c0_i32_1 = arith.constant 0 : i32
    return %c0_i32, %c0_i32_0 : i32, i32
  }
  func.func @transform_2(%arg0: i32) -> (i32, i32) {
    %c0_i32 = arith.constant 0 : i32
    %c0_i32_0 = arith.constant 0 : i32
    return %arg0, %c0_i32 : i32, i32
  }
}

module attributes {stable_mosaic.version = 14 : i64} {
  func.func @body(%arg0: i32, %arg1: memref<2x1264x128xf32, #tpu.memory_space<vmem>>, %arg2: memref<2000x64xf32, #tpu.memory_space<vmem>>, %arg3: memref<2000x32xf32, #tpu.memory_space<vmem>>, %arg4: memref<2000x32xf32, #tpu.memory_space<vmem>>, %arg5: memref<2000x1xf32, #tpu.memory_space<vmem>>) attributes {dimension_semantics = [#tpu.dimension_semantics<arbitrary>], iteration_bounds = array<i64: 5>, scalar_prefetch = 0 : i64, scratch_operands = 0 : i64, tpu.core_type = #tpu.core_type<tc>, window_params = [{pipeline_mode = #tpu.pipeline_mode<synchronous>, transform_indices = @transform_0, window_bounds = array<i64: 2, 1264, 128>}, {transform_indices = @transform_1, window_bounds = array<i64: 2000, 64>}, {transform_indices = @transform_2, window_bounds = array<i64: 2000, 32>}, {transform_indices = @transform_3, window_bounds = array<i64: 2000, 32>}, {transform_indices = @transform_4, window_bounds = array<i64: 2000, 1>}]} {
    %mul3A = arith.constant 250 : i32
    %mul3A_0 = arith.muli %arg0, %mul3A : i32
    %get3A = arith.constant 0 : index
    %get3A_1 = arith.index_cast %mul3A_0 : i32 to index
    %get3A_2 = arith.constant 0 : index
    %get3A_3 = vector.load %arg1[%get3A, %get3A_1, %get3A_2] : memref<2x1264x128xf32, #tpu.memory_space<vmem>>, vector<1x250x128xf32>
    %get3A_4 = vector.shape_cast %get3A_3 : vector<1x250x128xf32> to vector<250x128xf32>
    %mul3A_5 = arith.constant 250 : i32
    %mul3A_6 = arith.muli %arg0, %mul3A_5 : i32
    %get3A_7 = arith.constant 1 : index
    %get3A_8 = arith.index_cast %mul3A_6 : i32 to index
    %get3A_9 = arith.constant 0 : index
    %get3A_10 = vector.load %arg1[%get3A_7, %get3A_8, %get3A_9] : memref<2x1264x128xf32, #tpu.memory_space<vmem>>, vector<1x250x128xf32>
    %get3A_11 = vector.shape_cast %get3A_10 : vector<1x250x128xf32> to vector<250x128xf32>
    %add3A = arith.addf %get3A_4, %get3A_11 : vector<250x128xf32>
    %reshape3A = vector.shape_cast %add3A : vector<250x128xf32> to vector<250x8x16xf32>
    %slice3A = vector.extract_strided_slice %reshape3A {offsets = [0, 0, 0], sizes = [250, 8, 1], strides = [1, 1, 1]} : vector<250x8x16xf32> to vector<250x8x1xf32>
    %squeeze3A = vector.shape_cast %slice3A : vector<250x8x1xf32> to vector<250x8xf32>
    %reshape3A_12 = vector.shape_cast %squeeze3A : vector<250x8xf32> to vector<2000x1xf32>
    %add3A_13 = arith.constant 1.000000e+00 : f32
    %add3A_14 = vector.broadcast %add3A_13 : f32 to vector<2000x1xf32>
    %add3A_15 = arith.addf %reshape3A_12, %add3A_14 : vector<2000x1xf32>
    %rsqrt3A = math.rsqrt %add3A_15 : vector<2000x1xf32>
    %get3A_16 = arith.constant 0 : index
    %get3A_17 = arith.constant 0 : index
    %get3A_18 = vector.load %arg2[%get3A_16, %get3A_17] : memref<2000x64xf32, #tpu.memory_space<vmem>>, vector<2000x64xf32>
    %mul3A_19 = vector.broadcast %rsqrt3A : vector<2000x1xf32> to vector<2000x64xf32>
    %mul3A_20 = arith.mulf %get3A_18, %mul3A_19 : vector<2000x64xf32>
    %slice3A_21 = vector.extract_strided_slice %mul3A_20 {offsets = [0, 0], sizes = [2000, 32], strides = [1, 1]} : vector<2000x64xf32> to vector<2000x32xf32>
    %swap3A = arith.constant 0 : index
    %swap3A_22 = arith.constant 0 : index
    %swap3A_23 = vector.load %arg3[%swap3A, %swap3A_22] : memref<2000x32xf32, #tpu.memory_space<vmem>>, vector<2000x32xf32>
    tpu.vector_store %arg3[%swap3A, %swap3A_22], %slice3A_21 {strides = array<i32>} : memref<2000x32xf32, #tpu.memory_space<vmem>>, vector<2000x32xf32>,
    %slice3A_24 = vector.extract_strided_slice %mul3A_20 {offsets = [0, 32], sizes = [2000, 32], strides = [1, 1]} : vector<2000x64xf32> to vector<2000x32xf32>
    %swap3A_25 = arith.constant 0 : index
    %swap3A_26 = arith.constant 0 : index
    %swap3A_27 = vector.load %arg4[%swap3A_25, %swap3A_26] : memref<2000x32xf32, #tpu.memory_space<vmem>>, vector<2000x32xf32>
    tpu.vector_store %arg4[%swap3A_25, %swap3A_26], %slice3A_24 {strides = array<i32>} : memref<2000x32xf32, #tpu.memory_space<vmem>>, vector<2000x32xf32>,
    %swap3A_28 = arith.constant 0 : index
    %swap3A_29 = arith.constant 0 : index
    %swap3A_30 = vector.load %arg5[%swap3A_28, %swap3A_29] : memref<2000x1xf32, #tpu.memory_space<vmem>>, vector<2000x1xf32>
    tpu.vector_store %arg5[%swap3A_28, %swap3A_29], %rsqrt3A {strides = array<i32>} : memref<2000x1xf32, #tpu.memory_space<vmem>>, vector<2000x1xf32>,
    return
  }
  func.func @transform_0(%arg0: i32) -> (i32, i32, i32) {
    %c0_i32 = arith.constant 0 : i32
    %c0_i32_0 = arith.constant 0 : i32
    %c0_i32_1 = arith.constant 0 : i32
    %c0_i32_2 = arith.constant 0 : i32
    return %c0_i32, %c0_i32_0, %c0_i32_1 : i32, i32, i32
  }
  func.func @transform_1(%arg0: i32) -> (i32, i32) {
    %c0_i32 = arith.constant 0 : i32
    %c0_i32_0 = arith.constant 0 : i32
    return %arg0, %c0_i32 : i32, i32
  }
  func.func @transform_2(%arg0: i32) -> (i32, i32) {
    %c0_i32 = arith.constant 0 : i32
    %c0_i32_0 = arith.constant 0 : i32
    return %arg0, %c0_i32 : i32, i32
  }
  func.func @transform_3(%arg0: i32) -> (i32, i32) {
    %c0_i32 = arith.constant 0 : i32
    %c0_i32_0 = arith.constant 0 : i32
    return %arg0, %c0_i32 : i32, i32
  }
  func.func @transform_4(%arg0: i32) -> (i32, i32) {
    %c0_i32 = arith.constant 0 : i32
    %c0_i32_0 = arith.constant 0 : i32
    return %arg0, %c0_i32 : i32, i32
  }
}

module attributes {stable_mosaic.version = 14 : i64} {
  func.func @body(%arg0: i32, %arg1: memref<2x2000x32xf32, #tpu.memory_space<vmem>>, %arg2: memref<2000x1xf32, #tpu.memory_space<vmem>>, %arg3: memref<1x64xf32, #tpu.memory_space<vmem>>, %arg4: memref<2x32x32xf32, #tpu.memory_space<vmem>>, %arg5: memref<2000x32xf32, #tpu.memory_space<vmem>>) attributes {dimension_semantics = [#tpu.dimension_semantics<arbitrary>], iteration_bounds = array<i64: 5>, scalar_prefetch = 0 : i64, scratch_operands = 0 : i64, tpu.core_type = #tpu.core_type<tc>, window_params = [{transform_indices = @transform_0, window_bounds = array<i64: 2, 2000, 32>}, {transform_indices = @transform_1, window_bounds = array<i64: 2000, 1>}, {pipeline_mode = #tpu.pipeline_mode<synchronous>, transform_indices = @transform_2, window_bounds = array<i64: 1, 64>}, {pipeline_mode = #tpu.pipeline_mode<synchronous>, transform_indices = @transform_3, window_bounds = array<i64: 2, 32, 32>}, {transform_indices = @transform_4, window_bounds = array<i64: 2000, 32>}]} {
    %get3A = arith.constant 0 : index
    %get3A_0 = arith.constant 0 : index
    %get3A_1 = arith.constant 0 : index
    %get3A_2 = vector.load %arg1[%get3A, %get3A_0, %get3A_1] : memref<2x2000x32xf32, #tpu.memory_space<vmem>>, vector<1x2000x32xf32>
    %get3A_3 = vector.shape_cast %get3A_2 : vector<1x2000x32xf32> to vector<2000x32xf32>
    %get3A_4 = arith.constant 1 : index
    %get3A_5 = arith.constant 0 : index
    %get3A_6 = arith.constant 0 : index
    %get3A_7 = vector.load %arg1[%get3A_4, %get3A_5, %get3A_6] : memref<2x2000x32xf32, #tpu.memory_space<vmem>>, vector<1x2000x32xf32>
    %get3A_8 = vector.shape_cast %get3A_7 : vector<1x2000x32xf32> to vector<2000x32xf32>
    %get3A_9 = arith.constant 0 : index
    %get3A_10 = arith.constant 0 : index
    %get3A_11 = vector.load %arg2[%get3A_9, %get3A_10] : memref<2000x1xf32, #tpu.memory_space<vmem>>, vector<2000x1xf32>
    %mul3A = vector.broadcast %get3A_11 : vector<2000x1xf32> to vector<2000x32xf32>
    %mul3A_12 = arith.mulf %get3A_3, %mul3A : vector<2000x32xf32>
    %get3A_13 = arith.constant 0 : index
    %get3A_14 = arith.constant 0 : index
    %get3A_15 = vector.load %arg3[%get3A_13, %get3A_14] : memref<1x64xf32, #tpu.memory_space<vmem>>, vector<1x32xf32>
    %add3A = vector.broadcast %get3A_15 : vector<1x32xf32> to vector<2000x32xf32>
    %add3A_16 = arith.addf %mul3A_12, %add3A : vector<2000x32xf32>
    %max3A = arith.constant 0.000000e+00 : f32
    %max3A_17 = vector.broadcast %max3A : f32 to vector<2000x32xf32>
    %max3A_18 = arith.maximumf %add3A_16, %max3A_17 : vector<2000x32xf32>
    %mul3A_19 = vector.broadcast %get3A_11 : vector<2000x1xf32> to vector<2000x32xf32>
    %mul3A_20 = arith.mulf %get3A_8, %mul3A_19 : vector<2000x32xf32>
    %get3A_21 = arith.constant 0 : index
    %get3A_22 = arith.constant 32 : index
    %get3A_23 = vector.load %arg3[%get3A_21, %get3A_22] : memref<1x64xf32, #tpu.memory_space<vmem>>, vector<1x32xf32>
    %add3A_24 = vector.broadcast %get3A_23 : vector<1x32xf32> to vector<2000x32xf32>
    %add3A_25 = arith.addf %mul3A_20, %add3A_24 : vector<2000x32xf32>
    %max3A_26 = arith.constant 0.000000e+00 : f32
    %max3A_27 = vector.broadcast %max3A_26 : f32 to vector<2000x32xf32>
    %max3A_28 = arith.maximumf %add3A_25, %max3A_27 : vector<2000x32xf32>
    %get3A_29 = arith.constant 0 : index
    %get3A_30 = arith.constant 0 : index
    %get3A_31 = arith.constant 0 : index
    %get3A_32 = vector.load %arg4[%get3A_29, %get3A_30, %get3A_31] : memref<2x32x32xf32, #tpu.memory_space<vmem>>, vector<1x32x32xf32>
    %get3A_33 = vector.shape_cast %get3A_32 : vector<1x32x32xf32> to vector<32x32xf32>
    %dot_general3A = arith.constant dense<0.000000e+00> : vector<2000x32xf32>
    %dot_general3A_34 = tpu.matmul %max3A_18, %get3A_33, %dot_general3A {dimension_numbers = #tpu.dot_dimension_numbers<[1], [0], [0], [1], [0, 0, 1, 1], [], []>, transpose_lhs_hint = false} : vector<2000x32xf32>, vector<32x32xf32>, vector<2000x32xf32> -> vector<2000x32xf32>
    %get3A_35 = arith.constant 1 : index
    %get3A_36 = arith.constant 0 : index
    %get3A_37 = arith.constant 0 : index
    %get3A_38 = vector.load %arg4[%get3A_35, %get3A_36, %get3A_37] : memref<2x32x32xf32, #tpu.memory_space<vmem>>, vector<1x32x32xf32>
    %get3A_39 = vector.shape_cast %get3A_38 : vector<1x32x32xf32> to vector<32x32xf32>
    %dot_general3A_40 = arith.constant dense<0.000000e+00> : vector<2000x32xf32>
    %dot_general3A_41 = tpu.matmul %max3A_28, %get3A_39, %dot_general3A_40 {dimension_numbers = #tpu.dot_dimension_numbers<[1], [0], [0], [1], [0, 0, 1, 1], [], []>, transpose_lhs_hint = false} : vector<2000x32xf32>, vector<32x32xf32>, vector<2000x32xf32> -> vector<2000x32xf32>
    %add3A_42 = arith.addf %dot_general3A_34, %dot_general3A_41 : vector<2000x32xf32>
    %mul3A_43 = vector.broadcast %get3A_11 : vector<2000x1xf32> to vector<2000x32xf32>
    %mul3A_44 = arith.mulf %add3A_42, %mul3A_43 : vector<2000x32xf32>
    %swap3A = arith.constant 0 : index
    %swap3A_45 = arith.constant 0 : index
    %swap3A_46 = vector.load %arg5[%swap3A, %swap3A_45] : memref<2000x32xf32, #tpu.memory_space<vmem>>, vector<2000x32xf32>
    tpu.vector_store %arg5[%swap3A, %swap3A_45], %mul3A_44 {strides = array<i32>} : memref<2000x32xf32, #tpu.memory_space<vmem>>, vector<2000x32xf32>,
    return
  }
  func.func @transform_0(%arg0: i32) -> (i32, i32, i32) {
    %c0_i32 = arith.constant 0 : i32
    %c0_i32_0 = arith.constant 0 : i32
    %c0_i32_1 = arith.constant 0 : i32
    return %c0_i32, %arg0, %c0_i32_0 : i32, i32, i32
  }
  func.func @transform_1(%arg0: i32) -> (i32, i32) {
    %c0_i32 = arith.constant 0 : i32
    %c0_i32_0 = arith.constant 0 : i32
    return %arg0, %c0_i32 : i32, i32
  }
  func.func @transform_2(%arg0: i32) -> (i32, i32) {
    %c0_i32 = arith.constant 0 : i32
    %c0_i32_0 = arith.constant 0 : i32
    %c0_i32_1 = arith.constant 0 : i32
    return %c0_i32, %c0_i32_0 : i32, i32
  }
  func.func @transform_3(%arg0: i32) -> (i32, i32, i32) {
    %c0_i32 = arith.constant 0 : i32
    %c0_i32_0 = arith.constant 0 : i32
    %c0_i32_1 = arith.constant 0 : i32
    %c0_i32_2 = arith.constant 0 : i32
    return %c0_i32, %c0_i32_0, %c0_i32_1 : i32, i32, i32
  }
  func.func @transform_4(%arg0: i32) -> (i32, i32) {
    %c0_i32 = arith.constant 0 : i32
    %c0_i32_0 = arith.constant 0 : i32
    return %arg0, %c0_i32 : i32, i32
  }
}

module attributes {stable_mosaic.version = 14 : i64} {
  func.func @body(%arg0: i32, %arg1: memref<2x2000x32xf32, #tpu.memory_space<vmem>>, %arg2: memref<2000x1xf32, #tpu.memory_space<vmem>>, %arg3: memref<1x32xf32, #tpu.memory_space<vmem>>, %arg4: memref<1x1x2000xi32, #tpu.memory_space<vmem>>, %arg5: memref<64x32xf32, #tpu.memory_space<vmem>>) attributes {dimension_semantics = [#tpu.dimension_semantics<arbitrary>], iteration_bounds = array<i64: 5>, scalar_prefetch = 0 : i64, scratch_operands = 0 : i64, tpu.core_type = #tpu.core_type<tc>, window_params = [{transform_indices = @transform_0, window_bounds = array<i64: 2, 2000, 32>}, {transform_indices = @transform_1, window_bounds = array<i64: 2000, 1>}, {pipeline_mode = #tpu.pipeline_mode<synchronous>, transform_indices = @transform_2, window_bounds = array<i64: 1, 32>}, {transform_indices = @transform_3, window_bounds = array<i64: 1, 1, 2000>}, {pipeline_mode = #tpu.pipeline_mode<synchronous>, transform_indices = @transform_4, window_bounds = array<i64: 64, 32>}]} {
    %get3A = arith.constant 0 : index
    %get3A_0 = arith.constant 0 : index
    %get3A_1 = arith.constant 0 : index
    %get3A_2 = vector.load %arg1[%get3A, %get3A_0, %get3A_1] : memref<2x2000x32xf32, #tpu.memory_space<vmem>>, vector<1x2000x32xf32>
    %get3A_3 = vector.shape_cast %get3A_2 : vector<1x2000x32xf32> to vector<2000x32xf32>
    %get3A_4 = arith.constant 1 : index
    %get3A_5 = arith.constant 0 : index
    %get3A_6 = arith.constant 0 : index
    %get3A_7 = vector.load %arg1[%get3A_4, %get3A_5, %get3A_6] : memref<2x2000x32xf32, #tpu.memory_space<vmem>>, vector<1x2000x32xf32>
    %get3A_8 = vector.shape_cast %get3A_7 : vector<1x2000x32xf32> to vector<2000x32xf32>
    %add3A = arith.addf %get3A_3, %get3A_8 : vector<2000x32xf32>
    %get3A_9 = arith.constant 0 : index
    %get3A_10 = arith.constant 0 : index
    %get3A_11 = vector.load %arg2[%get3A_9, %get3A_10] : memref<2000x1xf32, #tpu.memory_space<vmem>>, vector<2000x1xf32>
    %mul3A = vector.broadcast %get3A_11 : vector<2000x1xf32> to vector<2000x32xf32>
    %mul3A_12 = arith.mulf %add3A, %mul3A : vector<2000x32xf32>
    %get3A_13 = arith.constant 0 : index
    %get3A_14 = arith.constant 0 : index
    %get3A_15 = vector.load %arg3[%get3A_13, %get3A_14] : memref<1x32xf32, #tpu.memory_space<vmem>>, vector<1x32xf32>
    %add3A_16 = vector.broadcast %get3A_15 : vector<1x32xf32> to vector<2000x32xf32>
    %add3A_17 = arith.addf %mul3A_12, %add3A_16 : vector<2000x32xf32>
    %get3A_18 = arith.constant 0 : index
    %get3A_19 = arith.constant 0 : index
    %get3A_20 = arith.constant 0 : index
    %get3A_21 = vector.load %arg4[%get3A_18, %get3A_19, %get3A_20] : memref<1x1x2000xi32, #tpu.memory_space<vmem>>, vector<1x1x2000xi32>
    %get3A_22 = vector.shape_cast %get3A_21 : vector<1x1x2000xi32> to vector<1x2000xi32>
    %iota3A = tpu.iota {dimensions = array<i32: 0>} : vector<64x2000xi32>
    %eq3A = vector.broadcast %get3A_22 : vector<1x2000xi32> to vector<64x2000xi32>
    %eq3A_23 = arith.cmpi eq, %iota3A, %eq3A : vector<64x2000xi32>
    %convert_element_type3A = arith.extui %eq3A_23 : vector<64x2000xi1> to vector<64x2000xi32>
    %convert_element_type3A_24 = arith.sitofp %convert_element_type3A : vector<64x2000xi32> to vector<64x2000xf32>
    %dot_general3A = arith.constant dense<0.000000e+00> : vector<64x32xf32>
    %dot_general3A_25 = tpu.matmul %convert_element_type3A_24, %add3A_17, %dot_general3A {dimension_numbers = #tpu.dot_dimension_numbers<[1], [0], [0], [1], [0, 0, 1, 1], [], []>, transpose_lhs_hint = false} : vector<64x2000xf32>, vector<2000x32xf32>, vector<64x32xf32> -> vector<64x32xf32>
    %eq3A_26 = arith.constant 0 : i32
    %eq3A_27 = arith.cmpi eq, %arg0, %eq3A_26 : i32
    %convert_element_type3A_28 = arith.extui %eq3A_27 : i1 to i32
    %cond3A = arith.constant 0 : i32
    %cond3A_29 = arith.cmpi ne, %convert_element_type3A_28, %cond3A : i32
    scf.if %cond3A_29 {
      %swap3A = arith.constant 0 : index
      %swap3A_34 = arith.constant 0 : index
      %swap3A_35 = vector.load %arg5[%swap3A, %swap3A_34] : memref<64x32xf32, #tpu.memory_space<vmem>>, vector<64x32xf32>
      tpu.vector_store %arg5[%swap3A, %swap3A_34], %dot_general3A_25 {strides = array<i32>} : memref<64x32xf32, #tpu.memory_space<vmem>>, vector<64x32xf32>,
    } else {
    }
    %ne3A = arith.constant 0 : i32
    %ne3A_30 = arith.cmpi ne, %arg0, %ne3A : i32
    %convert_element_type3A_31 = arith.extui %ne3A_30 : i1 to i32
    %cond3A_32 = arith.constant 0 : i32
    %cond3A_33 = arith.cmpi ne, %convert_element_type3A_31, %cond3A_32 : i32
    scf.if %cond3A_33 {
      %get3A_34 = arith.constant 0 : index
      %get3A_35 = arith.constant 0 : index
      %get3A_36 = vector.load %arg5[%get3A_34, %get3A_35] : memref<64x32xf32, #tpu.memory_space<vmem>>, vector<64x32xf32>
      %add3A_37 = arith.addf %get3A_36, %dot_general3A_25 : vector<64x32xf32>
      %swap3A = arith.constant 0 : index
      %swap3A_38 = arith.constant 0 : index
      %swap3A_39 = vector.load %arg5[%swap3A, %swap3A_38] : memref<64x32xf32, #tpu.memory_space<vmem>>, vector<64x32xf32>
      tpu.vector_store %arg5[%swap3A, %swap3A_38], %add3A_37 {strides = array<i32>} : memref<64x32xf32, #tpu.memory_space<vmem>>, vector<64x32xf32>,
    } else {
    }
    return
  }
  func.func @transform_0(%arg0: i32) -> (i32, i32, i32) {
    %c0_i32 = arith.constant 0 : i32
    %c0_i32_0 = arith.constant 0 : i32
    %c0_i32_1 = arith.constant 0 : i32
    return %c0_i32, %arg0, %c0_i32_0 : i32, i32, i32
  }
  func.func @transform_1(%arg0: i32) -> (i32, i32) {
    %c0_i32 = arith.constant 0 : i32
    %c0_i32_0 = arith.constant 0 : i32
    return %arg0, %c0_i32 : i32, i32
  }
  func.func @transform_2(%arg0: i32) -> (i32, i32) {
    %c0_i32 = arith.constant 0 : i32
    %c0_i32_0 = arith.constant 0 : i32
    %c0_i32_1 = arith.constant 0 : i32
    return %c0_i32, %c0_i32_0 : i32, i32
  }
  func.func @transform_3(%arg0: i32) -> (i32, i32, i32) {
    %c0_i32 = arith.constant 0 : i32
    %c0_i32_0 = arith.constant 0 : i32
    %c0_i32_1 = arith.constant 0 : i32
    return %arg0, %c0_i32, %c0_i32_0 : i32, i32, i32
  }
  func.func @transform_4(%arg0: i32) -> (i32, i32) {
    %c0_i32 = arith.constant 0 : i32
    %c0_i32_0 = arith.constant 0 : i32
    %c0_i32_1 = arith.constant 0 : i32
    return %c0_i32, %c0_i32_0 : i32, i32
  }
}

</mosaic_0001>

<sc_bundles>
// kernel: kernel.12.cloned.1.call-start
scs
__scs_entry_jumppad:
0x0: {  	(pc) =	sbr.rel $0x88, $3  }
0x1: {  	(tag) =	ssettag $0x0;
	lr =	simm.s32 $0x1  }
0x2: {  	[smem:$0x3F9A] =	sst lr;
	_ =	strace $0xD0000000  }
0x3: {  	_ = 	snop  }
0x4: {  	_ = 	snop  }
0x5: {  	_ = 	snop  }
0x6: {  	_ = 	snop  }
0x7: {  	_ = 	snop  }
__scs_overlays_trampoline_lowered:
0x8: {  	[smem:$0x3FA9] =	sst s0  }
0x9: {  	[smem:$0x3FAA] =	sst s1  }
0xa: {  	[smem:$0x3FAB] =	sst s2  }
0xb: {  	[smem:$0x3FAC] =	sst s3  }
0xc: {  	[smem:$0x3FAD] =	sst s4  }
0xd: {  	[smem:$0x3FAE] =	sst s5  }
0xe: {  	[smem:$0x3FAF] =	sst s6  }
0xf: {  	[smem:$0x3FB0] =	sst s7  }
0x10: {  	[smem:$0x3FB1] =	sst s8  }
0x11: {  	[smem:$0x3FB2] =	sst s9;
	s0 =	simm.s32 @!p0 $0x0  }
0x12: {  	s1 =	sld [smem:$0x3F98];
	s0 =	simm.s32 @p0 $0x1  }
0x13: {  	[smem:$0x3FB3] =	sst s0;
	s0 =	simm.s32 @!p1 $0x0  }
0x14: {  	s2 =	sld [smem:$0x3F97];
	s0 =	simm.s32 @p1 $0x1  }
0x15: {  	[smem:$0x3FB4] =	sst s0;
	s0 =	simm.s32 @!p2 $0x0  }
0x16: {  	s3 =	sld [smem:$0x3FDB];
	s0 =	simm.s32 @p2 $0x1  }
0x17: {  	s4 =	simm.s32 $0x1BF5;
	[smem:$0x3FB6] =	sst s0  }
0x18: {  	s0 =	sld [smem:$0x3F99];
	_ =	swait.ge [sflag:s4], $0x0  }
0x19: {  	s7 =	sld [smem:$0x3F9A]  }
0x1a: {  	s8 =	sadd.s32 $0xFFFFE003, lr  }
0x1b: {  	s9 =	sadd.s32 $0xFFFFFEF7, lr;
	s5 =	simm.s32 $0xFFFFFFFF;
	p2 =	slt.u32 s8, $0xFFFFF086  }
0x1c: {  	p1 =	slt.u32 s9, $0xF7A;
	s5 =	simm.s32 @!p2 $0x0  }
0x1d: {  	s5 =	simm.s32 @p1 $0x1;
	p0 =	seq.s32 s7, s2  }
0x1e: {  	s7 =	smul.u32 @!p0 $0xF7A, s2;
	p2 =	seq.s32 @!p0 s5, $0x0  }
0x1f: {  	s9 =	smul.u32 $0xF7A, s1;
	s8 =	simm.s32 @!p0 $0x1BF5;
	p2 =	por !p2, p0  }
0x20: {  	[sflag:s8] =	ssyncset.s32 @!p0 $0xFFFFF086;
	s6 =	sadd.s32 @!p0 s3, s7;
	s7 =	simm.s32 @!p0 $0x108  }
0x21: {  	s3 =	sadd.s32 s3, s9;
	s6 =	sadd.s32 @!p0 $0x88, s6;
	s7 =	simm.s32 @p2 $0x1082  }
0x22: {  	[simem:s7], [sflag:s8] =	dma.local @!p0 [hbm:s6], $0xF7A  }
0x23: {  	s9 =	sor.u32 $0xD0000000, s2;
	s6 =	simm.s32 $0x108;
	_ =	swait.ge @!p0 [sflag:s8], $0x0  }
0x24: {  	s3 =	sadd.s32 $0x88, s3;
	s6 =	simm.s32 @!p1 $0x1082;
	[sflag:s4] =	ssyncset.s32 $0xFFFFF086  }
0x25: {  	[simem:s6], [sflag:s4] =	dma.local [hbm:s3], $0xF7A  }
0x26: {  	[smem:$0x3F9A] =	sst s1;
	(tag) =	ssettag s2;
	_ =	strace s9  }
0x27: {  	s1 =	sld [smem:$0x3FAA]  }
0x28: {  	s2 =	sld [smem:$0x3FAB]  }
0x29: {  	s4 =	sld [smem:$0x3FAD]  }
0x2a: {  	p0 =	seq.s32 s5, $0x0;
	s5 =	sld [smem:$0x3FAE]  }
0x2b: {  	s6 =	sld [smem:$0x3FAF]  }
0x2c: {  	s7 =	sld [smem:$0x3FB0]  }
0x2d: {  	s3 =	simm.s32 $0x108;
	s8 =	sld [smem:$0x3FB1]  }
0x2e: {  	s3 =	simm.s32 @!p0 $0x1082;
	s9 =	sld [smem:$0x3FB2]  }
0x2f: {  	lr =	sadd.s32 s0, s3;
	s0 =	sld [smem:$0x3FA9]  }
0x30: {  	s3 =	sld [smem:$0x3FAC]  }
0x31: {  	[smem:$0x3FB5] =	sst s10  }
0x32: {  	s10 =	sld [smem:$0x3FB3];
	_ =	sdelay $0x3  }
0x33: {  	p0 =	seq.s32 s10, $0x1;
	s10 =	sld [smem:$0x3FB5];
	_ =	sdelay $0x3  }
0x34: {  	[smem:$0x3FB5] =	sst s10  }
0x35: {  	s10 =	sld [smem:$0x3FB4];
	_ =	sdelay $0x3  }
0x36: {  	p1 =	seq.s32 s10, $0x1;
	s10 =	sld [smem:$0x3FB5];
	_ =	sdelay $0x3  }
0x37: {  	[smem:$0x3FB5] =	sst s10  }
0x38: {  	s10 =	sld [smem:$0x3FB6]  }
0x39: {  	_ = 	snop;
	(pc) =	sbr.ind lr, $3  }
0x3a: {  	_ = 	snop  }
0x3b: {  	_ = 	snop  }
0x3c: {  	p2 =	seq.s32 s10, $0x1;
	s10 =	sld [smem:$0x3FB5]  }
0x3d: {  	_ =	shalt  }
0x3e: {  	_ =	shalt  }
0x3f: {  	_ =	shalt  }
0x40: {  	_ =	shalt  }
0x41: {  	_ =	shalt  }
0x42: {  	_ =	shalt  }
0x43: {  	_ =	shalt  }
0x44: {  	_ =	shalt  }
0x45: {  	_ =	shalt  }
0x46: {  	_ =	shalt  }
0x47: {  	_ =	shalt  }
0x48: {  	_ =	shalt  }
0x49: {  	_ =	shalt  }
0x4a: {  	_ =	shalt  }
0x4b: {  	_ =	shalt  }
0x4c: {  	_ =	shalt  }
0x4d: {  	_ =	shalt  }
0x4e: {  	_ =	shalt  }
0x4f: {  	_ =	shalt  }
0x50: {  	_ =	shalt  }
0x51: {  	_ =	shalt  }
0x52: {  	_ =	shalt  }
0x53: {  	_ =	shalt  }
0x54: {  	_ =	shalt  }
0x55: {  	_ =	shalt  }
0x56: {  	_ =	shalt  }
0x57: {  	_ =	shalt  }
0x58: {  	_ =	shalt  }
0x59: {  	_ =	shalt  }
0x5a: {  	_ =	shalt  }
0x5b: {  	_ =	shalt  }
0x5c: {  	_ =	shalt  }
0x5d: {  	_ =	shalt  }
0x5e: {  	_ =	shalt  }
0x5f: {  	_ =	shalt  }
0x60: {  	_ =	shalt  }
0x61: {  	_ =	shalt  }
0x62: {  	_ =	shalt  }
0x63: {  	_ =	shalt  }
0x64: {  	_ =	shalt  }
0x65: {  	_ =	shalt  }
0x66: {  	_ =	shalt  }
0x67: {  	_ =	shalt  }
0x68: {  	_ =	shalt  }
0x69: {  	_ =	shalt  }
0x6a: {  	_ =	shalt  }
0x6b: {  	_ =	shalt  }
0x6c: {  	_ =	shalt  }
0x6d: {  	_ =	shalt  }
0x6e: {  	_ =	shalt  }
0x6f: {  	_ =	shalt  }
0x70: {  	_ =	shalt  }
0x71: {  	_ =	shalt  }
0x72: {  	_ =	shalt  }
0x73: {  	_ =	shalt  }
0x74: {  	_ =	shalt  }
0x75: {  	_ =	shalt  }
0x76: {  	_ =	shalt  }
0x77: {  	_ =	shalt  }
0x78: {  	_ =	shalt  }
0x79: {  	_ =	shalt  }
0x7a: {  	_ =	shalt  }
0x7b: {  	_ =	shalt  }
0x7c: {  	_ =	shalt  }
0x7d: {  	_ =	shalt  }
0x7e: {  	_ =	shalt  }
0x7f: {  	_ =	shalt  }
0x80: {  	_ =	shalt  }
0x81: {  	_ =	shalt  }
0x82: {  	_ =	shalt  }
0x83: {  	_ =	shalt  }
0x84: {  	_ =	shalt  }
0x85: {  	_ =	shalt  }
0x86: {  	_ =	shalt  }
0x87: {  	_ =	shalt  }
.Lfunc_end0:
.L_simem_size_0:
called_computation.1_lowered:
.L_overlay_start_0:
0x88: {  	s2 =	sld [smem:$0x3FD9]  }
0x89: {  	s3 =	sld [smem:$0x3FFE];
	_ =	sdelay $0x1  }
0x8a: {  	s1 =	srdreg.scid  }
0x8b: {  	s0 =	sand.u32 $0x1, s1  }
0x8c: {  	s16 =	sshll.u32 s0, $0xA;
	s2 =	sadd.s32 s3, s2  }
0x8d: {  	s2 =	sadd.s32 s2, s16  }
0x8e: {  	[smem:$0x3FC1] =	sst s2  }
0x8f: {  	_ = 	snop  }
0x90: {  	(tm) =	ssettm $0x1  }
0x91: {  	s17 =	sld [smem:$0x3FFB];
	_ =	sdelay $0x3  }
0x92: {  	_ =	strace s17  }
0x93: {  	s2 =	sld [smem:$0x3FFC];
	_ =	sdelay $0x3  }
0x94: {  	_ =	strace s2  }
0x95: {  	s2 =	sld [smem:$0x3FFD];
	_ =	sdelay $0x3  }
0x96: {  	_ =	strace s2  }
0x97: {  	_ =	strace $0x8FFFFFFF  }
0x98: {  	s18 =	sld [smem:$0x3FDB];
	_ =	sdelay $0x1  }
0x99: {  	s19 =	simm.s32 $_scs_section_size  }
0x9a: {  	s4 =	simm.s32 $_size__tile_overlayer_lowered;
	s5 =	simm.s32 $_tile_overlayer_lowered  }
0x9b: {  	s22 =	simm.s32 $0x1BFF;
	s21 =	sshll.u32 s5, $0x1;
	s2 =	sadd.s32 s19, s18  }
0x9c: {  	s6 =	simm.s32 $0x0;
	s20 =	sshll.u32 s4, $0x1;
	s4 =	sadd.s32 s21, s2  }
0x9d: {  	[timem:s6], [sflag:s22] =	dma.local [hbm:s4], s20  }
0x9e: {  	_ =	swait.ge [sflag:s22], s20  }
0x9f: {  	s3 =	ssub.s32 $0x0, s20;
	[sflag:s22] =	ssyncset.done $0x0  }
0xa0: {  	[sflag:s22] =	ssyncadd.s32 s3;
	_ =	sdelay $0x1  }
0xa1: {  	s23 =	simm.s32 $0x1B8B  }
0xa2: {  	_ =	swait.ge [sflag:s23], $0x1  }
0xa3: {  	[sflag:s23] =	ssyncset.done $0x0  }
0xa4: {  	s25 =	simm.s32 $0x1B8E;
	s24 =	sld [smem:$0x3FFE];
	[sflag:s23] =	ssyncadd.s32 $0xFFFFFFFF  }
0xa5: {  	s26 =	simm.s32 $execute0_lowered;
	[smem:$0x3FD2] =	sst s25  }
0xa6: {  	s4 =	sshll.u32 s26, $0x1;
	_ =	strace $0x80000049;
	[dreg:$0x1] =	wrdreg $0xFFFFFFFF  }
0xa7: {  	s28 =	simm.s32 $_size_execute0_lowered;
	s2 =	sadd.s32 s2, s4;
	[dreg:$0x0] =	wrdreg $0x0  }
0xa8: {  	s4 =	sshll.u32 s28, $0x1;
	[dreg:$0x2] =	wrdreg s2  }
0xa9: {  	[dreg:$0x3] =	wrdreg s4  }
0xaa: {  	[dreg:$0x4] =	wrdreg $0xC0  }
0xab: {  	_ =	task [dreg:s6], $0x5FFFF  }
0xac: {  	[dreg:$0x1] =	wrdreg $0xFFFFFFFF  }
0xad: {  	[dreg:$0x0] =	wrdreg $0x60  }
0xae: {  	[dreg:$0x2] =	wrdreg s24  }
0xaf: {  	[dreg:$0x3] =	wrdreg $0x16F000  }
0xb0: {  	[dreg:$0x4] =	wrdreg $0x120000  }
0xb1: {  	[dreg:$0x5] =	wrdreg $0x9  }
0xb2: {  	_ =	task.clear_ibuf [dreg:s6], $0x6FFFF;
	_ =	strace $0x90000049  }
0xb3: {  	s29 =	simm.s32 $0x9;
	_ =	strace $0x8000004B  }
0xb4: {  	_ =	swait.ge [sflag:s29], $0x1  }
0xb5: {  	[sflag:s29] =	ssyncadd.s32 $0xFFFFFFFF  }
0xb6: {  	_ =	strace $0x9000004B  }
0xb7: {  	_ =	sfence  }
0xb8: {  	s30 =	sld [smem:$0x0];
	_ =	sdelay $0x2  }
0xb9: {  	s31 =	sshll.u32 s1, $0xD;
	s1 =	sshrl.u32 s1, $0x2  }
0xba: {  	s3 =	sand.u32 $0x4000, s31;
	s1 =	sadd.s32 s1, s30  }
0xbb: {  	s0 =	sor.u32 s3, s0;
	s1 =	sshll.u32 s1, $0x11  }
0xbc: {  	s0 =	sor.u32 s1, s0  }
0xbd: {  	s0 =	sadd.s32 $0x8F2B, s0  }
0xbe: {  	[sflag:s0] =	ssyncadd.remote.s32 $0x1  }
0xbf: {  	_ =	sfence.sel $0xFFFF  }
0xc0: {  	[dreg:$0x0] =	wrdreg $0xFFFFFFFF;
	(pc) =	sbr.abs _section_cstart, $3  }
0xc1: {  	[dreg:$0x1] =	wrdreg $0xFFFFFFFF  }
0xc2: {  	_ =	task.clear_ibuf [dreg:s6], $0x2FFFF;
	_ =	strace $0x9FFFFFFF  }
0xc3: {  	(tm) =	ssettm $0x7FFFFFFF  }
tec
execute0_lowered:
.L_overlay_start_1:
0x0: {  	(tag) =	ssettag $0x1  }
0x1: {  	s0 =	rddreg [dreg:$0x0]  }
0x2: {  	s2 =	rddreg [dreg:$0x1]  }
0x3: {  	s3 =	rddreg [dreg:$0x2];
	s10 =	stileid.u32  }
0x4: {  	s4 =	srdreg.scid;
	s6 =	simm.s32 $0x0;
	s14 =	simm.s32 $0x11  }
0x5: {  	s29 =	simm.s32 $0xC000;
	s31 =	simm.s32 $0xD000;
	s18 =	simm.s32 $0xE000  }
0x6: {  	s30 =	simm.s32 $0xF000;
	s28 =	simm.s32 $0x10000;
	s15 =	simm.s32 $0x3  }
0x7: {  	s16 =	simm.s32 $0x9;
	s19 =	simm.s32 $0xB;
	s20 =	simm.s32 $0x5  }
0x8: {  	s12 =	simm.s32 $0x6;
	s11 =	simm.s32 $0xF;
	s1 =	smul.u32 $0x4F00, s10  }
0x9: {  	s13 =	simm.s32 $0x10;
	s17 =	simm.s32 $0x0;
	s5 =	smul.u32 $0x5000, s10  }
0xa: {  	s4 =	sand.u32 $0x1, s4;
	[smem:$0x7FF] =	sst s6;
	s24 =	sadd.s32 $0x29420, s0  }
0xb: {  	s7 =	smul.u32 $0x4F000, s4;
	_ =	strace $0x8000004A;
	s8 =	ssub.s32 $0x2, s4  }
0xc: {  	p3 =	seq.s32 s4, $0x1;
	[dreg:$0xa] =	wrdreg s24;
	s24 =	simm.s32 $0x80  }
0xd: {  	s21 =	sshrl.u32 s1, $0x3;
	s5 =	sshrl.u32 s5, $0x3;
	s9 =	sshrl.u32 s8, $0x1  }
0xe: {  	s4 =	sadd.s32 s1, s2;
	p1 =	seq.s32 @p3 s10, $0xF;
	p4 =	seq.s32 @!p3 s10, $0xF  }
0xf: {  	s6 =	sadd.s32 s21, s0;
	s7 =	sadd.s32 s1, s7;
	s8 =	ssub.s32 s8, s9  }
0x10: {  	s9 =	sadd.s32 s1, s3;
	s1 =	sadd.s32 $0x4A100, s2;
	[dreg:$0x6] =	wrdreg s4  }
0x11: {  	s5 =	sadd.s32 s5, s0;
	p0 =	por p1, !p3;
	[dreg:$0x9] =	wrdreg s1  }
0x12: {  	p1 =	por !p1, !p3;
	s22 =	sadd.s32 $0x2200, s5;
	[dreg:$0x8] =	wrdreg s9  }
0x13: {  	p2 =	por !p4, p3;
	s5 =	sadd.s32 $0xC200, s5;
	[dreg:$0x4] =	wrdreg s22  }
0x14: {  	p3 =	por p4, p3;
	s23 =	sadd.s32 $0x20000, s6;
	[dreg:$0x5] =	wrdreg s5  }
0x15: {  	s7 =	sshrl.u32 s7, $0x3;
	s6 =	sadd.s32 $0x16200, s6;
	[dreg:$0x7] =	wrdreg s23  }
0x16: {  	s26 =	smax.u32 s8, $0x1;
	s1 =	sshrl.u32 @!p1 s1, $0x3;
	[dreg:$0xc] =	wrdreg s6  }
0x17: {  	s8 =	simm.s32 $0xE;
	s7 =	sadd.s32 s7, s0;
	[dreg:$0xf] =	wrdreg s26  }
0x18: {  	s5 =	sadd.s32 $0x4A100, s3;
	s0 =	sadd.s32 $0x1F620, s0;
	[dreg:$0x10] =	wrdreg s1  }
0x19: {  	s26 =	simm.s32 $0xB000;
	s6 =	simm.s32 $0x2;
	s22 =	simm.s32 $0x7  }
0x1a: {  	s23 =	simm.s32 $0x8;
	[dreg:$0xd] =	wrdreg s0;
	s25 =	sadd.s32 $0x29E00, s7  }
0x1b: {  	s0 =	sshll.u32 @!p0 s10, $0x6;
	[dreg:$0xb] =	wrdreg s5;
	s1 =	sshrl.u32 @!p1 s5, $0x3  }
0x1c: {  	s5 =	simm.s32 $0x1;
	s7 =	simm.s32 $0xA;
	[dreg:$0xe] =	wrdreg s25  }
0x1d: {  	s10 =	simm.s32 $0xC;
	[dreg:$0x11] =	wrdreg s1;
	s0 =	sor.u32 @!p0 $0x1C11, s0  }
0x1e: {  	s25 =	simm.s32 $0xA000;
	[dreg:$0x12] =	wrdreg s0;
	s0 =	sshrl.u32 @!p0 s4, $0x3  }
0x1f: {  	s1 =	simm.s32 $0x4;
	[dreg:$0x13] =	wrdreg s0;
	s0 =	sshrl.u32 @!p0 s9, $0x3  }
0x20: {  	s4 =	simm.s32 $0xD;
	[dreg:$0x14] =	wrdreg s0;
	s0 =	simm.s32 $0x11000  }
.LBB2_1:
0x21: {  	[dreg:$0x15] =	wrdreg s17  }
0x22: {  	s21 =	simm.s32 $0x0;
	s9 =	rddreg [dreg:$0x4]  }
0x23: {  	[tilespmem:s21], [sflag:$0x11] =	stream.linear.gather [hbm4b:s9+s21], $0x5000, $0x38;
	[tilespmem:$0x1BE00] =	vst v63  }
0x24: {  	_ =	swait.ge [sflag:s14], $0x5000  }
0x25: {  	[sflag:s14] =	ssyncset.done $0x0  }
0x26: {  	s17 =	simm.s32 $0x5000;
	s9 =	rddreg [dreg:$0x5];
	[sflag:s14] =	ssyncadd.s32 $0xFFFFB000  }
0x27: {  	[tilespmem:s17], [sflag:$0x11] =	stream.linear.gather [hbm4b:s9+s21], $0x5000, $0x38;
	[tilespmem:$0x1BE00] =	vst v63  }
0x28: {  	_ =	swait.ge [sflag:s14], $0x5000  }
0x29: {  	s9 =	simm.s32 @!p1 $0x1FD1;
	[sflag:s14] =	ssyncset.done $0x0;
	s17 =	rddreg [dreg:$0x10]  }
0x2a: {  	s21 =	simm.s32 @!p1 $0x11;
	[sflag:s14] =	ssyncadd.s32 $0xFFFFB000;
	s14 =	rddreg [dreg:$0xd]  }
0x2b: {  	[spmem:s17], [sflag:s9] =	dma.local @!p1 [hbm:s14], $0x820  }
0x2c: {  	_ =	swait.ge @!p1 [sflag:s21], $0x820  }
0x2d: {  	[sflag:s21] =	ssyncset.done @!p1 $0x0  }
0x2e: {  	s17 =	rddreg [dreg:$0x11];
	[sflag:s21] =	ssyncadd.s32 @!p1 $0xFFFFF7E0  }
0x2f: {  	[spmem:s17], [sflag:s9] =	dma.local @!p1 [hbm:s14], $0x820  }
0x30: {  	_ =	swait.ge @!p1 [sflag:s21], $0x820  }
0x31: {  	s14 =	rddreg [dreg:$0xc]  }
0x32: {  	[sflag:s21] =	ssyncset.done @!p1 $0x0;
	s17 =	rddreg [dreg:$0x12]  }
0x33: {  	s9 =	rddreg [dreg:$0x13];
	[sflag:s21] =	ssyncadd.s32 @!p1 $0xFFFFF7E0  }
0x34: {  	[spmem:s9], [sflag:s17] =	dma.local @!p0 [hbm:s14], $0x9E0  }
0x35: {  	s9 =	simm.s32 @!p0 $0x11  }
0x36: {  	_ =	swait.ge @!p0 [sflag:s9], $0x9E0  }
0x37: {  	[sflag:s9] =	ssyncset.done @!p0 $0x0  }
0x38: {  	s21 =	rddreg [dreg:$0x14];
	[sflag:s9] =	ssyncadd.s32 @!p0 $0xFFFFF620  }
0x39: {  	[spmem:s21], [sflag:s17] =	dma.local @!p0 [hbm:s14], $0x9E0  }
0x3a: {  	_ =	swait.ge @!p0 [sflag:s9], $0x9E0  }
0x3b: {  	[sflag:s9] =	ssyncset.done @!p0 $0x0  }
0x3c: {  	[sflag:s9] =	ssyncadd.s32 @!p0 $0xFFFFF620;
	s9 =	rddreg [dreg:$0x9]  }
0x3d: {  	s21 =	simm.s32 @!p2 $0x1FD1;
	s14 =	rddreg [dreg:$0xa];
	s9 =	sshrl.u32 @!p2 s9, $0x3  }
0x3e: {  	[spmem:s9], [sflag:s21] =	dma.local @!p2 [hbm:s14], $0x820  }
0x3f: {  	s9 =	simm.s32 @!p2 $0x11  }
0x40: {  	_ =	swait.ge @!p2 [sflag:s9], $0x820  }
0x41: {  	[sflag:s9] =	ssyncset.done @!p2 $0x0;
	s17 =	rddreg [dreg:$0xb]  }
0x42: {  	[sflag:s9] =	ssyncadd.s32 @!p2 $0xFFFFF7E0;
	s17 =	sshrl.u32 @!p2 s17, $0x3  }
0x43: {  	[spmem:s17], [sflag:s21] =	dma.local @!p2 [hbm:s14], $0x820  }
0x44: {  	s14 =	stileid.u32;
	_ =	swait.ge @!p2 [sflag:s9], $0x820  }
0x45: {  	s17 =	sshll.u32 @!p3 s14, $0x6;
	s21 =	rddreg [dreg:$0x8]  }
0x46: {  	[sflag:s9] =	ssyncset.done @!p2 $0x0;
	s14 =	sor.u32 @!p3 $0x1C11, s17;
	s17 =	rddreg [dreg:$0x6]  }
0x47: {  	[sflag:s9] =	ssyncadd.s32 @!p2 $0xFFFFF7E0;
	s17 =	sshrl.u32 @!p3 s17, $0x3;
	s9 =	rddreg [dreg:$0x7]  }
0x48: {  	[spmem:s17], [sflag:s14] =	dma.local @!p3 [hbm:s9], $0x9E0  }
0x49: {  	s17 =	simm.s32 @!p3 $0x11  }
0x4a: {  	_ =	swait.ge @!p3 [sflag:s17], $0x9E0  }
0x4b: {  	[sflag:s17] =	ssyncset.done @!p3 $0x0  }
0x4c: {  	s21 =	sshrl.u32 @!p3 s21, $0x3;
	[sflag:s17] =	ssyncadd.s32 @!p3 $0xFFFFF620  }
0x4d: {  	[spmem:s21], [sflag:s14] =	dma.local @!p3 [hbm:s9], $0x9E0  }
0x4e: {  	_ =	swait.ge @!p3 [sflag:s17], $0x9E0  }
0x4f: {  	[sflag:s17] =	ssyncset.done @!p3 $0x0  }
0x50: {  	[sflag:s17] =	ssyncadd.s32 @!p3 $0xFFFFF620  }
0x51: {  	s21 =	simm.s32 $0x0;
	[bflag:$0x0] =	sbarrier.arrive $0xFFFF  }
0x52: {  	[tilespmem:s25], [sflag:$0x1] =	stream.indirect.gather [spmem:s2], $0x20, s21, s24, $0xb8;
	[tilespmem:$0x1BE00] =	vst v63  }
0x53: {  	_ = 	snop  }
0x54: {  	[tilespmem:s26], [sflag:$0x2] =	stream.indirect.gather [spmem:s2], $0x20, s24, s24, $0xb8;
	[tilespmem:$0x1BE00] =	vst v63  }
0x55: {  	s14 =	simm.s32 $0x100  }
0x56: {  	[tilespmem:s29], [sflag:$0x3] =	stream.indirect.gather [spmem:s2], $0x20, s14, s24, $0xb8;
	[tilespmem:$0x1BE00] =	vst v63  }
0x57: {  	s17 =	simm.s32 $0x180  }
0x58: {  	[tilespmem:s31], [sflag:$0x4] =	stream.indirect.gather [spmem:s2], $0x20, s17, s24, $0xb8;
	[tilespmem:$0x1BE00] =	vst v63  }
0x59: {  	s21 =	simm.s32 $0x200  }
0x5a: {  	[tilespmem:s18], [sflag:$0x5] =	stream.indirect.gather [spmem:s2], $0x20, s21, s24, $0xb8;
	[tilespmem:$0x1BE00] =	vst v63  }
0x5b: {  	s14 =	simm.s32 $0x280  }
0x5c: {  	[tilespmem:s30], [sflag:$0x6] =	stream.indirect.gather [spmem:s2], $0x20, s14, s24, $0xb8;
	[tilespmem:$0x1BE00] =	vst v63  }
0x5d: {  	s17 =	simm.s32 $0x300  }
0x5e: {  	[tilespmem:s28], [sflag:$0x7] =	stream.indirect.gather [spmem:s2], $0x20, s17, s24, $0xb8;
	[tilespmem:$0x1BE00] =	vst v63  }
0x5f: {  	s21 =	simm.s32 $0x380  }
0x60: {  	[tilespmem:s0], [sflag:$0x8] =	stream.indirect.gather [spmem:s2], $0x20, s21, s24, $0xb8;
	[tilespmem:$0x1BE00] =	vst v63  }
0x61: {  	_ =	swait.ge [sflag:s5], $0x1000  }
0x62: {  	[sflag:s5] =	ssyncset.done $0x0  }
0x63: {  	[sflag:s5] =	ssyncadd.s32 $0xFFFFF000  }
0x64: {  	_ =	swait.ge [sflag:s6], $0x1000  }
0x65: {  	[sflag:s6] =	ssyncset.done $0x0  }
0x66: {  	[sflag:s6] =	ssyncadd.s32 $0xFFFFF000  }
0x67: {  	_ =	swait.ge [sflag:s15], $0x1000  }
0x68: {  	[sflag:s15] =	ssyncset.done $0x0  }
0x69: {  	[sflag:s15] =	ssyncadd.s32 $0xFFFFF000  }
0x6a: {  	_ =	swait.ge [sflag:s1], $0x1000  }
0x6b: {  	[sflag:s1] =	ssyncset.done $0x0  }
0x6c: {  	s14 =	simm.s32 $0x5000;
	[sflag:s1] =	ssyncadd.s32 $0xFFFFF000  }
0x6d: {  	[spmem:s3] =	stream.indirect.scatter.add.f32 [tilespmem:s25], [sflag:$0x9], $0x20, s14, s24, $0xb8;
	[tilespmem:$0x1BE00] =	vst v63  }
0x6e: {  	s17 =	simm.s32 $0x5080  }
0x6f: {  	[spmem:s3] =	stream.indirect.scatter.add.f32 [tilespmem:s26], [sflag:$0xA], $0x20, s17, s24, $0xb8;
	[tilespmem:$0x1BE00] =	vst v63  }
0x70: {  	s21 =	simm.s32 $0x5100  }
0x71: {  	[spmem:s3] =	stream.indirect.scatter.add.f32 [tilespmem:s29], [sflag:$0xB], $0x20, s21, s24, $0xb8;
	[tilespmem:$0x1BE00] =	vst v63  }
0x72: {  	s14 =	simm.s32 $0x5180  }
0x73: {  	[spmem:s3] =	stream.indirect.scatter.add.f32 [tilespmem:s31], [sflag:$0xC], $0x20, s14, s24, $0xb8;
	[tilespmem:$0x1BE00] =	vst v63  }
0x74: {  	_ =	swait.ge [sflag:s16], $0x1000  }
0x75: {  	[sflag:s16] =	ssyncset.done $0x0  }
0x76: {  	[sflag:s16] =	ssyncadd.s32 $0xFFFFF000  }
0x77: {  	_ =	swait.ge [sflag:s7], $0x1000  }
0x78: {  	[sflag:s7] =	ssyncset.done $0x0  }
0x79: {  	[sflag:s7] =	ssyncadd.s32 $0xFFFFF000  }
0x7a: {  	_ =	swait.ge [sflag:s19], $0x1000  }
0x7b: {  	[sflag:s19] =	ssyncset.done $0x0  }
0x7c: {  	[sflag:s19] =	ssyncadd.s32 $0xFFFFF000  }
0x7d: {  	_ =	swait.ge [sflag:s10], $0x1000  }
0x7e: {  	[sflag:s10] =	ssyncset.done $0x0  }
0x7f: {  	s17 =	simm.s32 $0x400;
	[sflag:s10] =	ssyncadd.s32 $0xFFFFF000  }
0x80: {  	[tilespmem:s25], [sflag:$0x1] =	stream.indirect.gather [spmem:s2], $0x20, s17, s24, $0xb8;
	[tilespmem:$0x1BE00] =	vst v63  }
0x81: {  	s21 =	simm.s32 $0x480  }
0x82: {  	[tilespmem:s26], [sflag:$0x2] =	stream.indirect.gather [spmem:s2], $0x20, s21, s24, $0xb8;
	[tilespmem:$0x1BE00] =	vst v63  }
0x83: {  	s14 =	simm.s32 $0x500  }
0x84: {  	[tilespmem:s29], [sflag:$0x3] =	stream.indirect.gather [spmem:s2], $0x20, s14, s24, $0xb8;
	[tilespmem:$0x1BE00] =	vst v63  }
0x85: {  	s17 =	simm.s32 $0x580  }
0x86: {  	[tilespmem:s31], [sflag:$0x4] =	stream.indirect.gather [spmem:s2], $0x20, s17, s24, $0xb8;
	[tilespmem:$0x1BE00] =	vst v63  }
0x87: {  	_ =	swait.ge [sflag:s20], $0x1000  }
0x88: {  	[sflag:s20] =	ssyncset.done $0x0  }
0x89: {  	[sflag:s20] =	ssyncadd.s32 $0xFFFFF000  }
0x8a: {  	_ =	swait.ge [sflag:s12], $0x1000  }
0x8b: {  	[sflag:s12] =	ssyncset.done $0x0  }
0x8c: {  	[sflag:s12] =	ssyncadd.s32 $0xFFFFF000  }
0x8d: {  	_ =	swait.ge [sflag:s22], $0x1000  }
0x8e: {  	[sflag:s22] =	ssyncset.done $0x0  }
0x8f: {  	[sflag:s22] =	ssyncadd.s32 $0xFFFFF000  }
0x90: {  	_ =	swait.ge [sflag:s23], $0x1000  }
0x91: {  	[sflag:s23] =	ssyncset.done $0x0  }
0x92: {  	s21 =	simm.s32 $0x5200;
	[sflag:s23] =	ssyncadd.s32 $0xFFFFF000  }
0x93: {  	[spmem:s3] =	stream.indirect.scatter.add.f32 [tilespmem:s18], [sflag:$0xD], $0x20, s21, s24, $0xb8;
	[tilespmem:$0x1BE00] =	vst v63  }
0x94: {  	s14 =	simm.s32 $0x5280  }
0x95: {  	[spmem:s3] =	stream.indirect.scatter.add.f32 [tilespmem:s30], [sflag:$0xE], $0x20, s14, s24, $0xb8;
	[tilespmem:$0x1BE00] =	vst v63  }
0x96: {  	s17 =	simm.s32 $0x5300  }
0x97: {  	[spmem:s3] =	stream.indirect.scatter.add.f32 [tilespmem:s28], [sflag:$0xF], $0x20, s17, s24, $0xb8;
	[tilespmem:$0x1BE00] =	vst v63  }
0x98: {  	s21 =	simm.s32 $0x5380  }
0x99: {  	[spmem:s3] =	stream.indirect.scatter.add.f32 [tilespmem:s0], [sflag:$0x10], $0x20, s21, s24, $0xb8;
	[tilespmem:$0x1BE00] =	vst v63  }
0x9a: {  	_ =	swait.ge [sflag:s4], $0x1000  }
0x9b: {  	[sflag:s4] =	ssyncset.done $0x0  }
0x9c: {  	[sflag:s4] =	ssyncadd.s32 $0xFFFFF000  }
0x9d: {  	_ =	swait.ge [sflag:s8], $0x1000  }
0x9e: {  	[sflag:s8] =	ssyncset.done $0x0  }
0x9f: {  	[sflag:s8] =	ssyncadd.s32 $0xFFFFF000  }
0xa0: {  	_ =	swait.ge [sflag:s11], $0x1000  }
0xa1: {  	[sflag:s11] =	ssyncset.done $0x0  }
0xa2: {  	[sflag:s11] =	ssyncadd.s32 $0xFFFFF000  }
0xa3: {  	_ =	swait.ge [sflag:s13], $0x1000  }
0xa4: {  	[sflag:s13] =	ssyncset.done $0x0  }
0xa5: {  	s14 =	simm.s32 $0x600;
	[sflag:s13] =	ssyncadd.s32 $0xFFFFF000  }
0xa6: {  	[tilespmem:s18], [sflag:$0x5] =	stream.indirect.gather [spmem:s2], $0x20, s14, s24, $0xb8;
	[tilespmem:$0x1BE00] =	vst v63  }
0xa7: {  	s17 =	simm.s32 $0x680  }
0xa8: {  	[tilespmem:s30], [sflag:$0x6] =	stream.indirect.gather [spmem:s2], $0x20, s17, s24, $0xb8;
	[tilespmem:$0x1BE00] =	vst v63  }
0xa9: {  	s21 =	simm.s32 $0x700  }
0xaa: {  	[tilespmem:s28], [sflag:$0x7] =	stream.indirect.gather [spmem:s2], $0x20, s21, s24, $0xb8;
	[tilespmem:$0x1BE00] =	vst v63  }
0xab: {  	s9 =	simm.s32 $0x1000;
	s21 =	simm.s32 $0x780  }
.LBB2_2:
0xac: {  	[tilespmem:s0], [sflag:$0x8] =	stream.indirect.gather [spmem:s2], $0x20, s21, s24, $0xb8;
	[tilespmem:$0x1BE00] =	vst v63  }
0xad: {  	s17 =	smov.u32 s9  }
0xae: {  	p4 =	sne.s32 s9, $0x12000;
	s9 =	sadd.s32 $0x1000, s9;
	_ =	swait.ge [sflag:s5], $0x1000  }
0xaf: {  	[sflag:s5] =	ssyncset.done $0x0  }
0xb0: {  	[sflag:s5] =	ssyncadd.s32 $0xFFFFF000  }
0xb1: {  	_ =	swait.ge [sflag:s6], $0x1000  }
0xb2: {  	[sflag:s6] =	ssyncset.done $0x0  }
0xb3: {  	[sflag:s6] =	ssyncadd.s32 $0xFFFFF000  }
0xb4: {  	_ =	swait.ge [sflag:s15], $0x1000  }
0xb5: {  	[sflag:s15] =	ssyncset.done $0x0  }
0xb6: {  	[sflag:s15] =	ssyncadd.s32 $0xFFFFF000  }
0xb7: {  	_ =	swait.ge [sflag:s1], $0x1000  }
0xb8: {  	s21 =	sshra.s32 s17, $0x2;
	[sflag:s1] =	ssyncset.done $0x0  }
0xb9: {  	s17 =	sadd.s32 $0x5000, s21;
	[sflag:s1] =	ssyncadd.s32 $0xFFFFF000  }
0xba: {  	[spmem:s3] =	stream.indirect.scatter.add.f32 [tilespmem:s25], [sflag:$0x9], $0x20, s17, s24, $0xb8;
	[tilespmem:$0x1BE00] =	vst v63  }
0xbb: {  	s17 =	sadd.s32 $0x5080, s21  }
0xbc: {  	[spmem:s3] =	stream.indirect.scatter.add.f32 [tilespmem:s26], [sflag:$0xA], $0x20, s17, s24, $0xb8;
	[tilespmem:$0x1BE00] =	vst v63  }
0xbd: {  	s17 =	sadd.s32 $0x5100, s21  }
0xbe: {  	[spmem:s3] =	stream.indirect.scatter.add.f32 [tilespmem:s29], [sflag:$0xB], $0x20, s17, s24, $0xb8;
	[tilespmem:$0x1BE00] =	vst v63  }
0xbf: {  	s17 =	sadd.s32 $0x5180, s21  }
0xc0: {  	[spmem:s3] =	stream.indirect.scatter.add.f32 [tilespmem:s31], [sflag:$0xC], $0x20, s17, s24, $0xb8;
	[tilespmem:$0x1BE00] =	vst v63  }
0xc1: {  	_ =	swait.ge [sflag:s16], $0x1000  }
0xc2: {  	[sflag:s16] =	ssyncset.done $0x0  }
0xc3: {  	[sflag:s16] =	ssyncadd.s32 $0xFFFFF000  }
0xc4: {  	_ =	swait.ge [sflag:s7], $0x1000  }
0xc5: {  	[sflag:s7] =	ssyncset.done $0x0  }
0xc6: {  	[sflag:s7] =	ssyncadd.s32 $0xFFFFF000  }
0xc7: {  	_ =	swait.ge [sflag:s19], $0x1000  }
0xc8: {  	[sflag:s19] =	ssyncset.done $0x0  }
0xc9: {  	[sflag:s19] =	ssyncadd.s32 $0xFFFFF000  }
0xca: {  	_ =	swait.ge [sflag:s10], $0x1000  }
0xcb: {  	[sflag:s10] =	ssyncset.done $0x0  }
0xcc: {  	s17 =	sadd.s32 $0x400, s21;
	[sflag:s10] =	ssyncadd.s32 $0xFFFFF000  }
0xcd: {  	[tilespmem:s25], [sflag:$0x1] =	stream.indirect.gather [spmem:s2], $0x20, s17, s24, $0xb8;
	[tilespmem:$0x1BE00] =	vst v63  }
0xce: {  	s17 =	sadd.s32 $0x480, s21  }
0xcf: {  	[tilespmem:s26], [sflag:$0x2] =	stream.indirect.gather [spmem:s2], $0x20, s17, s24, $0xb8;
	[tilespmem:$0x1BE00] =	vst v63  }
0xd0: {  	s17 =	sadd.s32 $0x500, s21  }
0xd1: {  	[tilespmem:s29], [sflag:$0x3] =	stream.indirect.gather [spmem:s2], $0x20, s17, s24, $0xb8;
	[tilespmem:$0x1BE00] =	vst v63  }
0xd2: {  	s17 =	sadd.s32 $0x580, s21  }
0xd3: {  	[tilespmem:s31], [sflag:$0x4] =	stream.indirect.gather [spmem:s2], $0x20, s17, s24, $0xb8;
	[tilespmem:$0x1BE00] =	vst v63  }
0xd4: {  	_ =	swait.ge [sflag:s20], $0x1000  }
0xd5: {  	[sflag:s20] =	ssyncset.done $0x0  }
0xd6: {  	[sflag:s20] =	ssyncadd.s32 $0xFFFFF000  }
0xd7: {  	_ =	swait.ge [sflag:s12], $0x1000  }
0xd8: {  	[sflag:s12] =	ssyncset.done $0x0  }
0xd9: {  	[sflag:s12] =	ssyncadd.s32 $0xFFFFF000  }
0xda: {  	_ =	swait.ge [sflag:s22], $0x1000  }
0xdb: {  	[sflag:s22] =	ssyncset.done $0x0  }
0xdc: {  	[sflag:s22] =	ssyncadd.s32 $0xFFFFF000  }
0xdd: {  	_ =	swait.ge [sflag:s23], $0x1000  }
0xde: {  	[sflag:s23] =	ssyncset.done $0x0  }
0xdf: {  	s17 =	sadd.s32 $0x5200, s21;
	[sflag:s23] =	ssyncadd.s32 $0xFFFFF000  }
0xe0: {  	[spmem:s3] =	stream.indirect.scatter.add.f32 [tilespmem:s18], [sflag:$0xD], $0x20, s17, s24, $0xb8;
	[tilespmem:$0x1BE00] =	vst v63  }
0xe1: {  	s17 =	sadd.s32 $0x5280, s21  }
0xe2: {  	[spmem:s3] =	stream.indirect.scatter.add.f32 [tilespmem:s30], [sflag:$0xE], $0x20, s17, s24, $0xb8;
	[tilespmem:$0x1BE00] =	vst v63  }
0xe3: {  	s17 =	sadd.s32 $0x5300, s21  }
0xe4: {  	[spmem:s3] =	stream.indirect.scatter.add.f32 [tilespmem:s28], [sflag:$0xF], $0x20, s17, s24, $0xb8;
	[tilespmem:$0x1BE00] =	vst v63  }
0xe5: {  	s17 =	sadd.s32 $0x5380, s21  }
0xe6: {  	[spmem:s3] =	stream.indirect.scatter.add.f32 [tilespmem:s0], [sflag:$0x10], $0x20, s17, s24, $0xb8;
	[tilespmem:$0x1BE00] =	vst v63  }
0xe7: {  	_ =	swait.ge [sflag:s4], $0x1000  }
0xe8: {  	[sflag:s4] =	ssyncset.done $0x0  }
0xe9: {  	[sflag:s4] =	ssyncadd.s32 $0xFFFFF000  }
0xea: {  	_ =	swait.ge [sflag:s8], $0x1000  }
0xeb: {  	[sflag:s8] =	ssyncset.done $0x0  }
0xec: {  	[sflag:s8] =	ssyncadd.s32 $0xFFFFF000  }
0xed: {  	_ =	swait.ge [sflag:s11], $0x1000  }
0xee: {  	[sflag:s11] =	ssyncset.done $0x0  }
0xef: {  	[sflag:s11] =	ssyncadd.s32 $0xFFFFF000  }
0xf0: {  	_ =	swait.ge [sflag:s13], $0x1000  }
0xf1: {  	[sflag:s13] =	ssyncset.done $0x0  }
0xf2: {  	s17 =	sadd.s32 $0x600, s21;
	[sflag:s13] =	ssyncadd.s32 $0xFFFFF000  }
0xf3: {  	[tilespmem:s18], [sflag:$0x5] =	stream.indirect.gather [spmem:s2], $0x20, s17, s24, $0xb8;
	[tilespmem:$0x1BE00] =	vst v63  }
.Ltmp0:
0xf4: {  	s17 =	sadd.s32 $0x680, s21;
	(pc) =	sbr.rel @p4 .LBB2_2-.Ltmp0, $4  }
0xf5: {  	[tilespmem:s30], [sflag:$0x6] =	stream.indirect.gather [spmem:s2], $0x20, s17, s24, $0xb8;
	[tilespmem:$0x1BE00] =	vst v63  }
0xf6: {  	s17 =	sadd.s32 $0x700, s21  }
0xf7: {  	[tilespmem:s28], [sflag:$0x7] =	stream.indirect.gather [spmem:s2], $0x20, s17, s24, $0xb8;
	[tilespmem:$0x1BE00] =	vst v63  }
0xf8: {  	s21 =	sadd.s32 $0x780, s21  }
0xf9: {  	[tilespmem:s0], [sflag:$0x8] =	stream.indirect.gather [spmem:s2], $0x20, s21, s24, $0xb8;
	[tilespmem:$0x1BE00] =	vst v63  }
0xfa: {  	_ =	swait.ge [sflag:s5], $0x1000  }
0xfb: {  	[sflag:s5] =	ssyncset.done $0x0  }
0xfc: {  	[sflag:s5] =	ssyncadd.s32 $0xFFFFF000  }
0xfd: {  	_ =	swait.ge [sflag:s6], $0x1000  }
0xfe: {  	[sflag:s6] =	ssyncset.done $0x0  }
0xff: {  	[sflag:s6] =	ssyncadd.s32 $0xFFFFF000  }
0x100: {  	_ =	swait.ge [sflag:s15], $0x1000  }
0x101: {  	[sflag:s15] =	ssyncset.done $0x0  }
0x102: {  	[sflag:s15] =	ssyncadd.s32 $0xFFFFF000  }
0x103: {  	_ =	swait.ge [sflag:s1], $0x1000  }
0x104: {  	[sflag:s1] =	ssyncset.done $0x0  }
0x105: {  	s9 =	simm.s32 $0x9C00;
	[sflag:s1] =	ssyncadd.s32 $0xFFFFF000  }
0x106: {  	[spmem:s3] =	stream.indirect.scatter.add.f32 [tilespmem:s25], [sflag:$0x9], $0x20, s9, s24, $0xb8;
	[tilespmem:$0x1BE00] =	vst v63  }
0x107: {  	s14 =	simm.s32 $0x9C80  }
0x108: {  	[spmem:s3] =	stream.indirect.scatter.add.f32 [tilespmem:s26], [sflag:$0xA], $0x20, s14, s24, $0xb8;
	[tilespmem:$0x1BE00] =	vst v63  }
0x109: {  	s17 =	simm.s32 $0x9D00  }
0x10a: {  	[spmem:s3] =	stream.indirect.scatter.add.f32 [tilespmem:s29], [sflag:$0xB], $0x20, s17, s24, $0xb8;
	[tilespmem:$0x1BE00] =	vst v63  }
0x10b: {  	s21 =	simm.s32 $0x9D80  }
0x10c: {  	[spmem:s3] =	stream.indirect.scatter.add.f32 [tilespmem:s31], [sflag:$0xC], $0x20, s21, s24, $0xb8;
	[tilespmem:$0x1BE00] =	vst v63  }
0x10d: {  	_ =	swait.ge [sflag:s16], $0x1000  }
0x10e: {  	[sflag:s16] =	ssyncset.done $0x0  }
0x10f: {  	[sflag:s16] =	ssyncadd.s32 $0xFFFFF000  }
0x110: {  	_ =	swait.ge [sflag:s7], $0x1000  }
0x111: {  	[sflag:s7] =	ssyncset.done $0x0  }
0x112: {  	[sflag:s7] =	ssyncadd.s32 $0xFFFFF000  }
0x113: {  	_ =	swait.ge [sflag:s19], $0x1000  }
0x114: {  	[sflag:s19] =	ssyncset.done $0x0  }
0x115: {  	[sflag:s19] =	ssyncadd.s32 $0xFFFFF000  }
0x116: {  	_ =	swait.ge [sflag:s10], $0x1000  }
0x117: {  	[sflag:s10] =	ssyncset.done $0x0  }
0x118: {  	[sflag:s10] =	ssyncadd.s32 $0xFFFFF000  }
0x119: {  	_ =	swait.ge [sflag:s20], $0x1000  }
0x11a: {  	[sflag:s20] =	ssyncset.done $0x0  }
0x11b: {  	[sflag:s20] =	ssyncadd.s32 $0xFFFFF000  }
0x11c: {  	_ =	swait.ge [sflag:s12], $0x1000  }
0x11d: {  	[sflag:s12] =	ssyncset.done $0x0  }
0x11e: {  	[sflag:s12] =	ssyncadd.s32 $0xFFFFF000  }
0x11f: {  	_ =	swait.ge [sflag:s22], $0x1000  }
0x120: {  	[sflag:s22] =	ssyncset.done $0x0  }
0x121: {  	[sflag:s22] =	ssyncadd.s32 $0xFFFFF000  }
0x122: {  	_ =	swait.ge [sflag:s23], $0x1000  }
0x123: {  	[sflag:s23] =	ssyncset.done $0x0  }
0x124: {  	s14 =	simm.s32 $0x9E00;
	[sflag:s23] =	ssyncadd.s32 $0xFFFFF000  }
0x125: {  	[spmem:s3] =	stream.indirect.scatter.add.f32 [tilespmem:s18], [sflag:$0xD], $0x20, s14, s24, $0xb8;
	[tilespmem:$0x1BE00] =	vst v63  }
0x126: {  	s17 =	simm.s32 $0x9E80  }
0x127: {  	[spmem:s3] =	stream.indirect.scatter.add.f32 [tilespmem:s30], [sflag:$0xE], $0x20, s17, s24, $0xb8;
	[tilespmem:$0x1BE00] =	vst v63  }
0x128: {  	s21 =	simm.s32 $0x9F00  }
0x129: {  	[spmem:s3] =	stream.indirect.scatter.add.f32 [tilespmem:s28], [sflag:$0xF], $0x20, s21, s24, $0xb8;
	[tilespmem:$0x1BE00] =	vst v63  }
0x12a: {  	s14 =	simm.s32 $0x9F80  }
0x12b: {  	[spmem:s3] =	stream.indirect.scatter.add.f32 [tilespmem:s0], [sflag:$0x10], $0x20, s14, s24, $0xb8;
	[tilespmem:$0x1BE00] =	vst v63  }
0x12c: {  	_ =	swait.ge [sflag:s4], $0x1000  }
0x12d: {  	[sflag:s4] =	ssyncset.done $0x0  }
0x12e: {  	[sflag:s4] =	ssyncadd.s32 $0xFFFFF000  }
0x12f: {  	_ =	swait.ge [sflag:s8], $0x1000  }
0x130: {  	[sflag:s8] =	ssyncset.done $0x0  }
0x131: {  	[sflag:s8] =	ssyncadd.s32 $0xFFFFF000  }
0x132: {  	_ =	swait.ge [sflag:s11], $0x1000  }
0x133: {  	[sflag:s11] =	ssyncset.done $0x0  }
0x134: {  	[sflag:s11] =	ssyncadd.s32 $0xFFFFF000  }
0x135: {  	_ =	swait.ge [sflag:s13], $0x1000  }
0x136: {  	[sflag:s13] =	ssyncset.done $0x0  }
0x137: {  	[sflag:s13] =	ssyncadd.s32 $0xFFFFF000  }
0x138: {  	s21 =	stileid.u32;
	[bflag:$0x0] =	sbarrier.arrive $0xFFFF  }
0x139: {  	s17 =	sshll.u32 s21, $0x6;
	s14 =	rddreg [dreg:$0x8]  }
0x13a: {  	s9 =	sor.u32 $0x1C11, s17;
	s17 =	sshrl.u32 s14, $0x3;
	s14 =	rddreg [dreg:$0xe]  }
0x13b: {  	[hbm:s14], [sflag:s9] =	dma.local [spmem:s17], $0x9E0  }
0x13c: {  	s14 =	simm.s32 $0x11  }
0x13d: {  	_ =	swait.ge [sflag:s14], $0x9E0  }
0x13e: {  	s9 =	rddreg [dreg:$0x15]  }
0x13f: {  	s17 =	sadd.s32 $0x1, s9;
	s9 =	rddreg [dreg:$0xf]  }
0x140: {  	p4 =	sne.s32 s17, s9  }
.Ltmp1:
0x141: {  	_ = 	snop;
	(pc) =	sbr.rel @p4 .LBB2_1-.Ltmp1, $3  }
0x142: {  	_ =	sdelay $0x1  }
0x143: {  	[sflag:s14] =	ssyncset.done $0x0  }
0x144: {  	[sflag:s14] =	ssyncadd.s32 $0xFFFFF620  }
0x145: {  	_ =	sfence.sel $0x180000  }
0x146: {  	[bflag:$0x0] =	sbarrier.arrive $0xFFFF  }
0x147: {  	_ =	strace $0x9000004A  }
0x148: {  	[bflag:$0x2] =	sbarrier.arrive $0xFFFF  }
0x149: {  	p0 =	sne.s32 s21, $0x0;
	s0 =	rddreg [dreg:$0x3]  }
0x14a: {  	s0 =	sadd.s32 @!p0 $0x100000, s0  }
0x14b: {  	[sflag:s0] =	ssyncadd.tile.s32 @!p0 $0x1;
	_ =	shalt  }
.Lfunc_end2:
_tile_overlayer_lowered:
.L_overlay_start_2:
0x14c: {  	(tag) =	ssettag $0x2  }
0x14d: {  	s0 =	rddreg [dreg:$0x0];
	s2 =	stileid.u32  }
0x14e: {  	s1 =	rddreg [dreg:$0x1];
	p0 =	sne.s32 s2, $0x0  }
0x14f: {  	s3 =	rddreg [dreg:$0x2];
	[bflag:$0x3] =	sbarrier.arrive $0xFFFF;
	s2 =	simm.s32 @!p0 $0x1C11  }
0x150: {  	[timem:s3], [sflag:s2] =	dma.local @!p0 [hbm:s0], s1  }
0x151: {  	s0 =	simm.s32 @!p0 $0x11  }
0x152: {  	_ =	swait.ge @!p0 [sflag:s0], s1  }
0x153: {  	s1 =	ssub.s32 @!p0 $0x0, s1;
	[sflag:s0] =	ssyncset.done @!p0 $0x0  }
0x154: {  	[sflag:s0] =	ssyncadd.s32 @!p0 s1  }
0x155: {  	[bflag:$0x3] =	sbarrier.arrive $0xFFFF  }
0x156: {  	_ =	shalt  }

// kernel: kernel.15.cloned.1.call-start
scs
__scs_entry_jumppad:
0x0: {  	(pc) =	sbr.rel $0x88, $3  }
0x1: {  	(tag) =	ssettag $0x0;
	lr =	simm.s32 $0x1  }
0x2: {  	[smem:$0x3F9A] =	sst lr;
	_ =	strace $0xD0000000  }
0x3: {  	_ = 	snop  }
0x4: {  	_ = 	snop  }
0x5: {  	_ = 	snop  }
0x6: {  	_ = 	snop  }
0x7: {  	_ = 	snop  }
__scs_overlays_trampoline_lowered:
0x8: {  	[smem:$0x3FA9] =	sst s0  }
0x9: {  	[smem:$0x3FAA] =	sst s1  }
0xa: {  	[smem:$0x3FAB] =	sst s2  }
0xb: {  	[smem:$0x3FAC] =	sst s3  }
0xc: {  	[smem:$0x3FAD] =	sst s4  }
0xd: {  	[smem:$0x3FAE] =	sst s5  }
0xe: {  	[smem:$0x3FAF] =	sst s6  }
0xf: {  	[smem:$0x3FB0] =	sst s7  }
0x10: {  	[smem:$0x3FB1] =	sst s8  }
0x11: {  	[smem:$0x3FB2] =	sst s9;
	s0 =	simm.s32 @!p0 $0x0  }
0x12: {  	s1 =	sld [smem:$0x3F98];
	s0 =	simm.s32 @p0 $0x1  }
0x13: {  	[smem:$0x3FB3] =	sst s0;
	s0 =	simm.s32 @!p1 $0x0  }
0x14: {  	s2 =	sld [smem:$0x3F97];
	s0 =	simm.s32 @p1 $0x1  }
0x15: {  	[smem:$0x3FB4] =	sst s0;
	s0 =	simm.s32 @!p2 $0x0  }
0x16: {  	s3 =	sld [smem:$0x3FDB];
	s0 =	simm.s32 @p2 $0x1  }
0x17: {  	s4 =	simm.s32 $0x1BF5;
	[smem:$0x3FB6] =	sst s0  }
0x18: {  	s0 =	sld [smem:$0x3F99];
	_ =	swait.ge [sflag:s4], $0x0  }
0x19: {  	s7 =	sld [smem:$0x3F9A]  }
0x1a: {  	s8 =	sadd.s32 $0xFFFFE003, lr  }
0x1b: {  	s9 =	sadd.s32 $0xFFFFFEF7, lr;
	s5 =	simm.s32 $0xFFFFFFFF;
	p2 =	slt.u32 s8, $0xFFFFF086  }
0x1c: {  	p1 =	slt.u32 s9, $0xF7A;
	s5 =	simm.s32 @!p2 $0x0  }
0x1d: {  	s5 =	simm.s32 @p1 $0x1;
	p0 =	seq.s32 s7, s2  }
0x1e: {  	s7 =	smul.u32 @!p0 $0xF7A, s2;
	p2 =	seq.s32 @!p0 s5, $0x0  }
0x1f: {  	s9 =	smul.u32 $0xF7A, s1;
	s8 =	simm.s32 @!p0 $0x1BF5;
	p2 =	por !p2, p0  }
0x20: {  	[sflag:s8] =	ssyncset.s32 @!p0 $0xFFFFF086;
	s6 =	sadd.s32 @!p0 s3, s7;
	s7 =	simm.s32 @!p0 $0x108  }
0x21: {  	s3 =	sadd.s32 s3, s9;
	s6 =	sadd.s32 @!p0 $0x88, s6;
	s7 =	simm.s32 @p2 $0x1082  }
0x22: {  	[simem:s7], [sflag:s8] =	dma.local @!p0 [hbm:s6], $0xF7A  }
0x23: {  	s9 =	sor.u32 $0xD0000000, s2;
	s6 =	simm.s32 $0x108;
	_ =	swait.ge @!p0 [sflag:s8], $0x0  }
0x24: {  	s3 =	sadd.s32 $0x88, s3;
	s6 =	simm.s32 @!p1 $0x1082;
	[sflag:s4] =	ssyncset.s32 $0xFFFFF086  }
0x25: {  	[simem:s6], [sflag:s4] =	dma.local [hbm:s3], $0xF7A  }
0x26: {  	[smem:$0x3F9A] =	sst s1;
	(tag) =	ssettag s2;
	_ =	strace s9  }
0x27: {  	s1 =	sld [smem:$0x3FAA]  }
0x28: {  	s2 =	sld [smem:$0x3FAB]  }
0x29: {  	s4 =	sld [smem:$0x3FAD]  }
0x2a: {  	p0 =	seq.s32 s5, $0x0;
	s5 =	sld [smem:$0x3FAE]  }
0x2b: {  	s6 =	sld [smem:$0x3FAF]  }
0x2c: {  	s7 =	sld [smem:$0x3FB0]  }
0x2d: {  	s3 =	simm.s32 $0x108;
	s8 =	sld [smem:$0x3FB1]  }
0x2e: {  	s3 =	simm.s32 @!p0 $0x1082;
	s9 =	sld [smem:$0x3FB2]  }
0x2f: {  	lr =	sadd.s32 s0, s3;
	s0 =	sld [smem:$0x3FA9]  }
0x30: {  	s3 =	sld [smem:$0x3FAC]  }
0x31: {  	[smem:$0x3FB5] =	sst s10  }
0x32: {  	s10 =	sld [smem:$0x3FB3];
	_ =	sdelay $0x3  }
0x33: {  	p0 =	seq.s32 s10, $0x1;
	s10 =	sld [smem:$0x3FB5];
	_ =	sdelay $0x3  }
0x34: {  	[smem:$0x3FB5] =	sst s10  }
0x35: {  	s10 =	sld [smem:$0x3FB4];
	_ =	sdelay $0x3  }
0x36: {  	p1 =	seq.s32 s10, $0x1;
	s10 =	sld [smem:$0x3FB5];
	_ =	sdelay $0x3  }
0x37: {  	[smem:$0x3FB5] =	sst s10  }
0x38: {  	s10 =	sld [smem:$0x3FB6]  }
0x39: {  	_ = 	snop;
	(pc) =	sbr.ind lr, $3  }
0x3a: {  	_ = 	snop  }
0x3b: {  	_ = 	snop  }
0x3c: {  	p2 =	seq.s32 s10, $0x1;
	s10 =	sld [smem:$0x3FB5]  }
0x3d: {  	_ =	shalt  }
0x3e: {  	_ =	shalt  }
0x3f: {  	_ =	shalt  }
0x40: {  	_ =	shalt  }
0x41: {  	_ =	shalt  }
0x42: {  	_ =	shalt  }
0x43: {  	_ =	shalt  }
0x44: {  	_ =	shalt  }
0x45: {  	_ =	shalt  }
0x46: {  	_ =	shalt  }
0x47: {  	_ =	shalt  }
0x48: {  	_ =	shalt  }
0x49: {  	_ =	shalt  }
0x4a: {  	_ =	shalt  }
0x4b: {  	_ =	shalt  }
0x4c: {  	_ =	shalt  }
0x4d: {  	_ =	shalt  }
0x4e: {  	_ =	shalt  }
0x4f: {  	_ =	shalt  }
0x50: {  	_ =	shalt  }
0x51: {  	_ =	shalt  }
0x52: {  	_ =	shalt  }
0x53: {  	_ =	shalt  }
0x54: {  	_ =	shalt  }
0x55: {  	_ =	shalt  }
0x56: {  	_ =	shalt  }
0x57: {  	_ =	shalt  }
0x58: {  	_ =	shalt  }
0x59: {  	_ =	shalt  }
0x5a: {  	_ =	shalt  }
0x5b: {  	_ =	shalt  }
0x5c: {  	_ =	shalt  }
0x5d: {  	_ =	shalt  }
0x5e: {  	_ =	shalt  }
0x5f: {  	_ =	shalt  }
0x60: {  	_ =	shalt  }
0x61: {  	_ =	shalt  }
0x62: {  	_ =	shalt  }
0x63: {  	_ =	shalt  }
0x64: {  	_ =	shalt  }
0x65: {  	_ =	shalt  }
0x66: {  	_ =	shalt  }
0x67: {  	_ =	shalt  }
0x68: {  	_ =	shalt  }
0x69: {  	_ =	shalt  }
0x6a: {  	_ =	shalt  }
0x6b: {  	_ =	shalt  }
0x6c: {  	_ =	shalt  }
0x6d: {  	_ =	shalt  }
0x6e: {  	_ =	shalt  }
0x6f: {  	_ =	shalt  }
0x70: {  	_ =	shalt  }
0x71: {  	_ =	shalt  }
0x72: {  	_ =	shalt  }
0x73: {  	_ =	shalt  }
0x74: {  	_ =	shalt  }
0x75: {  	_ =	shalt  }
0x76: {  	_ =	shalt  }
0x77: {  	_ =	shalt  }
0x78: {  	_ =	shalt  }
0x79: {  	_ =	shalt  }
0x7a: {  	_ =	shalt  }
0x7b: {  	_ =	shalt  }
0x7c: {  	_ =	shalt  }
0x7d: {  	_ =	shalt  }
0x7e: {  	_ =	shalt  }
0x7f: {  	_ =	shalt  }
0x80: {  	_ =	shalt  }
0x81: {  	_ =	shalt  }
0x82: {  	_ =	shalt  }
0x83: {  	_ =	shalt  }
0x84: {  	_ =	shalt  }
0x85: {  	_ =	shalt  }
0x86: {  	_ =	shalt  }
0x87: {  	_ =	shalt  }
.Lfunc_end0:
.L_simem_size_0:
called_computation.2_lowered:
.L_overlay_start_0:
0x88: {  	s2 =	sld [smem:$0x3FD9]  }
0x89: {  	s3 =	sld [smem:$0x3FFE];
	_ =	sdelay $0x1  }
0x8a: {  	s1 =	srdreg.scid  }
0x8b: {  	s0 =	sand.u32 $0x1, s1  }
0x8c: {  	s16 =	sshll.u32 s0, $0xA;
	s2 =	sadd.s32 s3, s2  }
0x8d: {  	s2 =	sadd.s32 s2, s16  }
0x8e: {  	[smem:$0x3FC1] =	sst s2  }
0x8f: {  	_ = 	snop  }
0x90: {  	(tm) =	ssettm $0x1  }
0x91: {  	s17 =	sld [smem:$0x3FFB];
	_ =	sdelay $0x3  }
0x92: {  	_ =	strace s17  }
0x93: {  	s2 =	sld [smem:$0x3FFC];
	_ =	sdelay $0x3  }
0x94: {  	_ =	strace s2  }
0x95: {  	s2 =	sld [smem:$0x3FFD];
	_ =	sdelay $0x3  }
0x96: {  	_ =	strace s2  }
0x97: {  	_ =	strace $0x8FFFFFFF  }
0x98: {  	s18 =	sld [smem:$0x3FDB];
	_ =	sdelay $0x1  }
0x99: {  	s19 =	simm.s32 $_scs_section_size  }
0x9a: {  	s4 =	simm.s32 $_size__tile_overlayer_lowered;
	s5 =	simm.s32 $_tile_overlayer_lowered  }
0x9b: {  	s22 =	simm.s32 $0x1BFF;
	s21 =	sshll.u32 s5, $0x1;
	s2 =	sadd.s32 s19, s18  }
0x9c: {  	s6 =	simm.s32 $0x0;
	s20 =	sshll.u32 s4, $0x1;
	s4 =	sadd.s32 s21, s2  }
0x9d: {  	[timem:s6], [sflag:s22] =	dma.local [hbm:s4], s20  }
0x9e: {  	_ =	swait.ge [sflag:s22], s20  }
0x9f: {  	s3 =	ssub.s32 $0x0, s20;
	[sflag:s22] =	ssyncset.done $0x0  }
0xa0: {  	[sflag:s22] =	ssyncadd.s32 s3;
	_ =	sdelay $0x1  }
0xa1: {  	s23 =	simm.s32 $0x1B8B  }
0xa2: {  	_ =	swait.ge [sflag:s23], $0x1  }
0xa3: {  	[sflag:s23] =	ssyncset.done $0x0  }
0xa4: {  	s25 =	simm.s32 $0x1B8E;
	s24 =	sld [smem:$0x3FFE];
	[sflag:s23] =	ssyncadd.s32 $0xFFFFFFFF  }
0xa5: {  	s26 =	simm.s32 $execute0_lowered;
	[smem:$0x3FD2] =	sst s25  }
0xa6: {  	s4 =	sshll.u32 s26, $0x1;
	_ =	strace $0x8000004C;
	[dreg:$0x1] =	wrdreg $0xFFFFFFFF  }
0xa7: {  	s28 =	simm.s32 $_size_execute0_lowered;
	s2 =	sadd.s32 s2, s4;
	[dreg:$0x0] =	wrdreg $0x0  }
0xa8: {  	s4 =	sshll.u32 s28, $0x1;
	[dreg:$0x2] =	wrdreg s2  }
0xa9: {  	[dreg:$0x3] =	wrdreg s4  }
0xaa: {  	[dreg:$0x4] =	wrdreg $0xC0  }
0xab: {  	_ =	task [dreg:s6], $0x5FFFF  }
0xac: {  	[dreg:$0x1] =	wrdreg $0xFFFFFFFF  }
0xad: {  	[dreg:$0x0] =	wrdreg $0x60  }
0xae: {  	[dreg:$0x2] =	wrdreg s24  }
0xaf: {  	[dreg:$0x3] =	wrdreg $0x11F000  }
0xb0: {  	[dreg:$0x4] =	wrdreg $0xD0000  }
0xb1: {  	[dreg:$0x5] =	wrdreg $0x9  }
0xb2: {  	_ =	task.clear_ibuf [dreg:s6], $0x6FFFF;
	_ =	strace $0x9000004C  }
0xb3: {  	s29 =	simm.s32 $0x9;
	_ =	strace $0x8000004E  }
0xb4: {  	_ =	swait.ge [sflag:s29], $0x1  }
0xb5: {  	[sflag:s29] =	ssyncadd.s32 $0xFFFFFFFF  }
0xb6: {  	_ =	strace $0x9000004E  }
0xb7: {  	_ =	sfence  }
0xb8: {  	s30 =	sld [smem:$0x0];
	_ =	sdelay $0x2  }
0xb9: {  	s31 =	sshll.u32 s1, $0xD;
	s1 =	sshrl.u32 s1, $0x2  }
0xba: {  	s3 =	sand.u32 $0x4000, s31;
	s1 =	sadd.s32 s1, s30  }
0xbb: {  	s0 =	sor.u32 s3, s0;
	s1 =	sshll.u32 s1, $0x11  }
0xbc: {  	s0 =	sor.u32 s1, s0  }
0xbd: {  	s0 =	sadd.s32 $0x8F2B, s0  }
0xbe: {  	[sflag:s0] =	ssyncadd.remote.s32 $0x1  }
0xbf: {  	_ =	sfence.sel $0xFFFF  }
0xc0: {  	[dreg:$0x0] =	wrdreg $0xFFFFFFFF;
	(pc) =	sbr.abs _section_cstart, $3  }
0xc1: {  	[dreg:$0x1] =	wrdreg $0xFFFFFFFF  }
0xc2: {  	_ =	task.clear_ibuf [dreg:s6], $0x2FFFF;
	_ =	strace $0x9FFFFFFF  }
0xc3: {  	(tm) =	ssettm $0x7FFFFFFF  }
tec
execute0_lowered:
.L_overlay_start_1:
0x0: {  	(tag) =	ssettag $0x1  }
0x1: {  	s0 =	srdreg.scid;
	s4 =	rddreg [dreg:$0x0]  }
0x2: {  	s10 =	stileid.u32;
	s2 =	rddreg [dreg:$0x1]  }
0x3: {  	s3 =	rddreg [dreg:$0x2];
	s7 =	simm.s32 $0x0;
	s18 =	simm.s32 $0x11  }
0x4: {  	s29 =	simm.s32 $0x9000;
	s31 =	simm.s32 $0xA000;
	s14 =	simm.s32 $0xC000  }
0x5: {  	s13 =	simm.s32 $0x1;
	s28 =	simm.s32 $0x9;
	s30 =	simm.s32 $0xB  }
0x6: {  	s11 =	simm.s32 $0x0;
	s0 =	sand.u32 $0x1, s0;
	s5 =	smul.u32 $0x4F00, s10  }
0x7: {  	[smem:$0x7FF] =	sst s7;
	s21 =	sadd.s32 $0x4A100, s2;
	s22 =	sadd.s32 $0x4A100, s3  }
0x8: {  	p1 =	sne.s32 s10, $0xF;
	s24 =	sshll.u32 s10, $0x6;
	s1 =	sshll.u32 s0, $0x4  }
0x9: {  	s6 =	smul.u32 $0x4F000, s0;
	_ =	strace $0x8000004D;
	s8 =	ssub.s32 $0x2, s0  }
0xa: {  	p0 =	seq.s32 s0, $0x1;
	s25 =	sor.u32 $0x1C11, s24;
	s24 =	simm.s32 $0x4  }
0xb: {  	s1 =	sor.u32 s10, s1;
	s15 =	sshrl.u32 s5, $0x3;
	s9 =	sshrl.u32 s8, $0x1  }
0xc: {  	s17 =	sadd.s32 s5, s2;
	s20 =	sadd.s32 s5, s3;
	[dreg:$0xd] =	wrdreg s25  }
0xd: {  	s25 =	simm.s32 $0x6;
	s10 =	simm.s32 $0x10;
	s1 =	smul.u32 $0x2800, s1  }
0xe: {  	s6 =	sadd.s32 s5, s6;
	s7 =	sadd.s32 s15, s4;
	s8 =	ssub.s32 s8, s9  }
0xf: {  	s5 =	sshrl.u32 s21, $0x3;
	s0 =	sshrl.u32 s20, $0x3;
	s20 =	simm.s32 $0x5000  }
0x10: {  	s21 =	simm.s32 $0x6000;
	s26 =	sshrl.u32 s17, $0x3;
	s9 =	simm.s32 $0x2  }
0x11: {  	s15 =	simm.s32 $0xA;
	s6 =	sshrl.u32 s6, $0x3;
	[dreg:$0xb] =	wrdreg s5  }
0x12: {  	s19 =	sadd.s32 $0x16200, s7;
	s7 =	sadd.s32 $0x20000, s7;
	[dreg:$0xe] =	wrdreg s0  }
0x13: {  	s23 =	smax.u32 s8, $0x1;
	[dreg:$0xf] =	wrdreg s26;
	s26 =	simm.s32 $0x8000  }
0x14: {  	s0 =	simm.s32 $0xB000;
	s8 =	simm.s32 $0x8;
	[dreg:$0x6] =	wrdreg s19  }
0x15: {  	s1 =	sshrl.u32 s1, $0x3;
	s6 =	sadd.s32 s6, s4;
	[dreg:$0x8] =	wrdreg s7  }
0x16: {  	[dreg:$0xa] =	wrdreg s23;
	s1 =	sadd.s32 s1, s4;
	s4 =	sadd.s32 $0x1F620, s4  }
0x17: {  	s5 =	simm.s32 $0xE;
	s6 =	sadd.s32 $0x29E00, s6;
	[dreg:$0x7] =	wrdreg s4  }
0x18: {  	s19 =	simm.s32 $0x80;
	s16 =	sadd.s32 $0x2200, s1;
	[dreg:$0x9] =	wrdreg s6  }
0x19: {  	s23 =	simm.s32 $0x7000;
	s1 =	sadd.s32 $0xC200, s1;
	[dreg:$0x4] =	wrdreg s16  }
0x1a: {  	s7 =	simm.s32 $0x7;
	s4 =	sshrl.u32 s22, $0x3;
	[dreg:$0x5] =	wrdreg s1  }
0x1b: {  	s22 =	simm.s32 $0x3;
	s6 =	simm.s32 $0xF;
	[dreg:$0xc] =	wrdreg s4  }
0x1c: {  	s1 =	simm.s32 $0xC;
	s16 =	simm.s32 $0x5;
	s4 =	simm.s32 $0xD  }
.LBB2_1:
0x1d: {  	[dreg:$0x10] =	wrdreg s11  }
0x1e: {  	s12 =	simm.s32 $0x0;
	s17 =	rddreg [dreg:$0x4]  }
0x1f: {  	[tilespmem:s12], [sflag:$0x11] =	stream.linear.gather [hbm4b:s17+s12], $0x2800, $0x38;
	[tilespmem:$0x16E00] =	vst v63  }
0x20: {  	_ =	swait.ge [sflag:s18], $0x2800  }
0x21: {  	s11 =	simm.s32 $0x2800;
	[sflag:s18] =	ssyncset.done $0x0  }
.Ltmp0:
0x22: {  	s17 =	rddreg [dreg:$0x5];
	[sflag:s18] =	ssyncadd.s32 $0xFFFFD800;
	(pc) =	sbr.rel @p1 .LBB2_4-.Ltmp0, $4  }
0x23: {  	[tilespmem:s11], [sflag:$0x11] =	stream.linear.gather [hbm4b:s17+s12], $0x2800, $0x38;
	[tilespmem:$0x16E00] =	vst v63  }
0x24: {  	_ =	swait.ge [sflag:s18], $0x2800  }
0x25: {  	[sflag:s18] =	ssyncset.done $0x0  }
0x26: {  	[sflag:s18] =	ssyncadd.s32 $0xFFFFD800  }
0x27: {  	s12 =	rddreg [dreg:$0x7]  }
.Ltmp1:
0x28: {  	s11 =	simm.s32 $0x1FD1;
	s17 =	rddreg [dreg:$0xb];
	(pc) =	sbr.rel @p0 .LBB2_6-.Ltmp1, $4  }
0x29: {  	[spmem:s17], [sflag:s11] =	dma.local [hbm:s12], $0x820  }
0x2a: {  	_ =	swait.ge [sflag:s18], $0x820  }
0x2b: {  	[sflag:s18] =	ssyncset.done $0x0  }
0x2c: {  	[sflag:s18] =	ssyncadd.s32 $0xFFFFF7E0  }
0x2d: {  	s12 =	rddreg [dreg:$0x7]  }
.Ltmp2:
0x2e: {  	s11 =	simm.s32 $0x1FD1;
	s17 =	rddreg [dreg:$0xc];
	(pc) =	sbr.rel .LBB2_7-.Ltmp2, $4  }
0x2f: {  	[spmem:s17], [sflag:s11] =	dma.local [hbm:s12], $0x820  }
0x30: {  	_ =	swait.ge [sflag:s18], $0x820  }
0x31: {  	[sflag:s18] =	ssyncset.done $0x0  }
0x32: {  	[sflag:s18] =	ssyncadd.s32 $0xFFFFF7E0  }
.LBB2_4:
0x33: {  	s12 =	rddreg [dreg:$0x6]  }
0x34: {  	s11 =	rddreg [dreg:$0xd]  }
.Ltmp3:
0x35: {  	s17 =	rddreg [dreg:$0xf];
	(pc) =	sbr.rel @!p0 .LBB2_5-.Ltmp3, $4  }
0x36: {  	[spmem:s17], [sflag:s11] =	dma.local [hbm:s12], $0x9E0  }
0x37: {  	_ =	swait.ge [sflag:s18], $0x9E0  }
0x38: {  	[sflag:s18] =	ssyncset.done $0x0  }
0x39: {  	[sflag:s18] =	ssyncadd.s32 $0xFFFFF620  }
.LBB2_6:
0x3a: {  	s12 =	rddreg [dreg:$0x8]  }
0x3b: {  	s11 =	rddreg [dreg:$0xd]  }
.Ltmp4:
0x3c: {  	s17 =	rddreg [dreg:$0xe];
	(pc) =	sbr.rel .LBB2_7-.Ltmp4, $4  }
0x3d: {  	[spmem:s17], [sflag:s11] =	dma.local [hbm:s12], $0x9E0  }
0x3e: {  	_ =	swait.ge [sflag:s18], $0x9E0  }
0x3f: {  	[sflag:s18] =	ssyncset.done $0x0  }
0x40: {  	[sflag:s18] =	ssyncadd.s32 $0xFFFFF620  }
.LBB2_5:
0x41: {  	s12 =	rddreg [dreg:$0x6]  }
0x42: {  	s11 =	rddreg [dreg:$0xd]  }
0x43: {  	s17 =	rddreg [dreg:$0xe]  }
0x44: {  	[spmem:s17], [sflag:s11] =	dma.local [hbm:s12], $0x9E0  }
0x45: {  	_ =	swait.ge [sflag:s18], $0x9E0  }
0x46: {  	[sflag:s18] =	ssyncset.done $0x0  }
0x47: {  	[sflag:s18] =	ssyncadd.s32 $0xFFFFF620  }
.LBB2_7:
0x48: {  	[bflag:$0x0] =	sbarrier.arrive $0xFFFF;
	s17 =	simm.s32 $0x0  }
0x49: {  	[tilespmem:s20], [sflag:$0x1] =	stream.indirect.gather [spmem:s2], $0x20, s17, s19, $0xb8;
	[tilespmem:$0x16E00] =	vst v63  }
0x4a: {  	_ = 	snop  }
0x4b: {  	[tilespmem:s21], [sflag:$0x2] =	stream.indirect.gather [spmem:s2], $0x20, s19, s19, $0xb8;
	[tilespmem:$0x16E00] =	vst v63  }
0x4c: {  	s11 =	simm.s32 $0x100  }
0x4d: {  	[tilespmem:s23], [sflag:$0x3] =	stream.indirect.gather [spmem:s2], $0x20, s11, s19, $0xb8;
	[tilespmem:$0x16E00] =	vst v63  }
0x4e: {  	s17 =	simm.s32 $0x180  }
0x4f: {  	[tilespmem:s26], [sflag:$0x4] =	stream.indirect.gather [spmem:s2], $0x20, s17, s19, $0xb8;
	[tilespmem:$0x16E00] =	vst v63  }
0x50: {  	s18 =	simm.s32 $0x200  }
0x51: {  	[tilespmem:s29], [sflag:$0x5] =	stream.indirect.gather [spmem:s2], $0x20, s18, s19, $0xb8;
	[tilespmem:$0x16E00] =	vst v63  }
0x52: {  	s12 =	simm.s32 $0x280  }
0x53: {  	[tilespmem:s31], [sflag:$0x6] =	stream.indirect.gather [spmem:s2], $0x20, s12, s19, $0xb8;
	[tilespmem:$0x16E00] =	vst v63  }
0x54: {  	s17 =	simm.s32 $0x300  }
0x55: {  	[tilespmem:s0], [sflag:$0x7] =	stream.indirect.gather [spmem:s2], $0x20, s17, s19, $0xb8;
	[tilespmem:$0x16E00] =	vst v63  }
0x56: {  	s18 =	simm.s32 $0x380  }
0x57: {  	[tilespmem:s14], [sflag:$0x8] =	stream.indirect.gather [spmem:s2], $0x20, s18, s19, $0xb8;
	[tilespmem:$0x16E00] =	vst v63  }
0x58: {  	_ =	swait.ge [sflag:s13], $0x1000  }
0x59: {  	[sflag:s13] =	ssyncset.done $0x0  }
0x5a: {  	[sflag:s13] =	ssyncadd.s32 $0xFFFFF000  }
0x5b: {  	_ =	swait.ge [sflag:s9], $0x1000  }
0x5c: {  	[sflag:s9] =	ssyncset.done $0x0  }
0x5d: {  	[sflag:s9] =	ssyncadd.s32 $0xFFFFF000  }
0x5e: {  	_ =	swait.ge [sflag:s22], $0x1000  }
0x5f: {  	[sflag:s22] =	ssyncset.done $0x0  }
0x60: {  	[sflag:s22] =	ssyncadd.s32 $0xFFFFF000  }
0x61: {  	_ =	swait.ge [sflag:s24], $0x1000  }
0x62: {  	[sflag:s24] =	ssyncset.done $0x0  }
0x63: {  	s11 =	simm.s32 $0x2800;
	[sflag:s24] =	ssyncadd.s32 $0xFFFFF000  }
0x64: {  	[spmem:s3] =	stream.indirect.scatter.add.f32 [tilespmem:s20], [sflag:$0x9], $0x20, s11, s19, $0xb8;
	[tilespmem:$0x16E00] =	vst v63  }
0x65: {  	s12 =	simm.s32 $0x2880  }
0x66: {  	[spmem:s3] =	stream.indirect.scatter.add.f32 [tilespmem:s21], [sflag:$0xA], $0x20, s12, s19, $0xb8;
	[tilespmem:$0x16E00] =	vst v63  }
0x67: {  	s18 =	simm.s32 $0x2900  }
0x68: {  	[spmem:s3] =	stream.indirect.scatter.add.f32 [tilespmem:s23], [sflag:$0xB], $0x20, s18, s19, $0xb8;
	[tilespmem:$0x16E00] =	vst v63  }
0x69: {  	s11 =	simm.s32 $0x2980  }
0x6a: {  	[spmem:s3] =	stream.indirect.scatter.add.f32 [tilespmem:s26], [sflag:$0xC], $0x20, s11, s19, $0xb8;
	[tilespmem:$0x16E00] =	vst v63  }
0x6b: {  	_ =	swait.ge [sflag:s28], $0x1000  }
0x6c: {  	[sflag:s28] =	ssyncset.done $0x0  }
0x6d: {  	[sflag:s28] =	ssyncadd.s32 $0xFFFFF000  }
0x6e: {  	_ =	swait.ge [sflag:s15], $0x1000  }
0x6f: {  	[sflag:s15] =	ssyncset.done $0x0  }
0x70: {  	[sflag:s15] =	ssyncadd.s32 $0xFFFFF000  }
0x71: {  	_ =	swait.ge [sflag:s30], $0x1000  }
0x72: {  	[sflag:s30] =	ssyncset.done $0x0  }
0x73: {  	[sflag:s30] =	ssyncadd.s32 $0xFFFFF000  }
0x74: {  	_ =	swait.ge [sflag:s1], $0x1000  }
0x75: {  	[sflag:s1] =	ssyncset.done $0x0  }
0x76: {  	s12 =	simm.s32 $0x400;
	[sflag:s1] =	ssyncadd.s32 $0xFFFFF000  }
0x77: {  	[tilespmem:s20], [sflag:$0x1] =	stream.indirect.gather [spmem:s2], $0x20, s12, s19, $0xb8;
	[tilespmem:$0x16E00] =	vst v63  }
0x78: {  	s18 =	simm.s32 $0x480  }
0x79: {  	[tilespmem:s21], [sflag:$0x2] =	stream.indirect.gather [spmem:s2], $0x20, s18, s19, $0xb8;
	[tilespmem:$0x16E00] =	vst v63  }
0x7a: {  	s11 =	simm.s32 $0x500  }
0x7b: {  	[tilespmem:s23], [sflag:$0x3] =	stream.indirect.gather [spmem:s2], $0x20, s11, s19, $0xb8;
	[tilespmem:$0x16E00] =	vst v63  }
0x7c: {  	s12 =	simm.s32 $0x580  }
0x7d: {  	[tilespmem:s26], [sflag:$0x4] =	stream.indirect.gather [spmem:s2], $0x20, s12, s19, $0xb8;
	[tilespmem:$0x16E00] =	vst v63  }
0x7e: {  	_ =	swait.ge [sflag:s16], $0x1000  }
0x7f: {  	[sflag:s16] =	ssyncset.done $0x0  }
0x80: {  	[sflag:s16] =	ssyncadd.s32 $0xFFFFF000  }
0x81: {  	_ =	swait.ge [sflag:s25], $0x1000  }
0x82: {  	[sflag:s25] =	ssyncset.done $0x0  }
0x83: {  	[sflag:s25] =	ssyncadd.s32 $0xFFFFF000  }
0x84: {  	_ =	swait.ge [sflag:s7], $0x1000  }
0x85: {  	[sflag:s7] =	ssyncset.done $0x0  }
0x86: {  	[sflag:s7] =	ssyncadd.s32 $0xFFFFF000  }
0x87: {  	_ =	swait.ge [sflag:s8], $0x1000  }
0x88: {  	[sflag:s8] =	ssyncset.done $0x0  }
0x89: {  	s18 =	simm.s32 $0x2A00;
	[sflag:s8] =	ssyncadd.s32 $0xFFFFF000  }
0x8a: {  	[spmem:s3] =	stream.indirect.scatter.add.f32 [tilespmem:s29], [sflag:$0xD], $0x20, s18, s19, $0xb8;
	[tilespmem:$0x16E00] =	vst v63  }
0x8b: {  	s11 =	simm.s32 $0x2A80  }
0x8c: {  	[spmem:s3] =	stream.indirect.scatter.add.f32 [tilespmem:s31], [sflag:$0xE], $0x20, s11, s19, $0xb8;
	[tilespmem:$0x16E00] =	vst v63  }
0x8d: {  	s12 =	simm.s32 $0x2B00  }
0x8e: {  	[spmem:s3] =	stream.indirect.scatter.add.f32 [tilespmem:s0], [sflag:$0xF], $0x20, s12, s19, $0xb8;
	[tilespmem:$0x16E00] =	vst v63  }
0x8f: {  	s18 =	simm.s32 $0x2B80  }
0x90: {  	[spmem:s3] =	stream.indirect.scatter.add.f32 [tilespmem:s14], [sflag:$0x10], $0x20, s18, s19, $0xb8;
	[tilespmem:$0x16E00] =	vst v63  }
0x91: {  	_ =	swait.ge [sflag:s4], $0x1000  }
0x92: {  	[sflag:s4] =	ssyncset.done $0x0  }
0x93: {  	[sflag:s4] =	ssyncadd.s32 $0xFFFFF000  }
0x94: {  	_ =	swait.ge [sflag:s5], $0x1000  }
0x95: {  	[sflag:s5] =	ssyncset.done $0x0  }
0x96: {  	[sflag:s5] =	ssyncadd.s32 $0xFFFFF000  }
0x97: {  	_ =	swait.ge [sflag:s6], $0x1000  }
0x98: {  	[sflag:s6] =	ssyncset.done $0x0  }
0x99: {  	[sflag:s6] =	ssyncadd.s32 $0xFFFFF000  }
0x9a: {  	_ =	swait.ge [sflag:s10], $0x1000  }
0x9b: {  	[sflag:s10] =	ssyncset.done $0x0  }
0x9c: {  	s11 =	simm.s32 $0x600;
	[sflag:s10] =	ssyncadd.s32 $0xFFFFF000  }
0x9d: {  	[tilespmem:s29], [sflag:$0x5] =	stream.indirect.gather [spmem:s2], $0x20, s11, s19, $0xb8;
	[tilespmem:$0x16E00] =	vst v63  }
0x9e: {  	s12 =	simm.s32 $0x680  }
0x9f: {  	[tilespmem:s31], [sflag:$0x6] =	stream.indirect.gather [spmem:s2], $0x20, s12, s19, $0xb8;
	[tilespmem:$0x16E00] =	vst v63  }
0xa0: {  	s18 =	simm.s32 $0x700  }
0xa1: {  	[tilespmem:s0], [sflag:$0x7] =	stream.indirect.gather [spmem:s2], $0x20, s18, s19, $0xb8;
	[tilespmem:$0x16E00] =	vst v63  }
0xa2: {  	s17 =	simm.s32 $0x780;
	s18 =	simm.s32 $0x1000  }
.LBB2_8:
0xa3: {  	[tilespmem:s14], [sflag:$0x8] =	stream.indirect.gather [spmem:s2], $0x20, s17, s19, $0xb8;
	[tilespmem:$0x16E00] =	vst v63  }
0xa4: {  	s17 =	smov.u32 s18  }
0xa5: {  	p2 =	sne.s32 s18, $0x8000;
	s18 =	sadd.s32 $0x1000, s18;
	_ =	swait.ge [sflag:s13], $0x1000  }
0xa6: {  	[sflag:s13] =	ssyncset.done $0x0  }
0xa7: {  	[sflag:s13] =	ssyncadd.s32 $0xFFFFF000  }
0xa8: {  	_ =	swait.ge [sflag:s9], $0x1000  }
0xa9: {  	[sflag:s9] =	ssyncset.done $0x0  }
0xaa: {  	[sflag:s9] =	ssyncadd.s32 $0xFFFFF000  }
0xab: {  	_ =	swait.ge [sflag:s22], $0x1000  }
0xac: {  	[sflag:s22] =	ssyncset.done $0x0  }
0xad: {  	[sflag:s22] =	ssyncadd.s32 $0xFFFFF000  }
0xae: {  	_ =	swait.ge [sflag:s24], $0x1000  }
0xaf: {  	s17 =	sshra.s32 s17, $0x2;
	[sflag:s24] =	ssyncset.done $0x0  }
0xb0: {  	s12 =	sadd.s32 $0x2800, s17;
	[sflag:s24] =	ssyncadd.s32 $0xFFFFF000  }
0xb1: {  	[spmem:s3] =	stream.indirect.scatter.add.f32 [tilespmem:s20], [sflag:$0x9], $0x20, s12, s19, $0xb8;
	[tilespmem:$0x16E00] =	vst v63  }
0xb2: {  	s12 =	sadd.s32 $0x2880, s17  }
0xb3: {  	[spmem:s3] =	stream.indirect.scatter.add.f32 [tilespmem:s21], [sflag:$0xA], $0x20, s12, s19, $0xb8;
	[tilespmem:$0x16E00] =	vst v63  }
0xb4: {  	s12 =	sadd.s32 $0x2900, s17  }
0xb5: {  	[spmem:s3] =	stream.indirect.scatter.add.f32 [tilespmem:s23], [sflag:$0xB], $0x20, s12, s19, $0xb8;
	[tilespmem:$0x16E00] =	vst v63  }
0xb6: {  	s12 =	sadd.s32 $0x2980, s17  }
0xb7: {  	[spmem:s3] =	stream.indirect.scatter.add.f32 [tilespmem:s26], [sflag:$0xC], $0x20, s12, s19, $0xb8;
	[tilespmem:$0x16E00] =	vst v63  }
0xb8: {  	_ =	swait.ge [sflag:s28], $0x1000  }
0xb9: {  	[sflag:s28] =	ssyncset.done $0x0  }
0xba: {  	[sflag:s28] =	ssyncadd.s32 $0xFFFFF000  }
0xbb: {  	_ =	swait.ge [sflag:s15], $0x1000  }
0xbc: {  	[sflag:s15] =	ssyncset.done $0x0  }
0xbd: {  	[sflag:s15] =	ssyncadd.s32 $0xFFFFF000  }
0xbe: {  	_ =	swait.ge [sflag:s30], $0x1000  }
0xbf: {  	[sflag:s30] =	ssyncset.done $0x0  }
0xc0: {  	[sflag:s30] =	ssyncadd.s32 $0xFFFFF000  }
0xc1: {  	_ =	swait.ge [sflag:s1], $0x1000  }
0xc2: {  	[sflag:s1] =	ssyncset.done $0x0  }
0xc3: {  	s12 =	sadd.s32 $0x400, s17;
	[sflag:s1] =	ssyncadd.s32 $0xFFFFF000  }
0xc4: {  	[tilespmem:s20], [sflag:$0x1] =	stream.indirect.gather [spmem:s2], $0x20, s12, s19, $0xb8;
	[tilespmem:$0x16E00] =	vst v63  }
0xc5: {  	s12 =	sadd.s32 $0x480, s17  }
0xc6: {  	[tilespmem:s21], [sflag:$0x2] =	stream.indirect.gather [spmem:s2], $0x20, s12, s19, $0xb8;
	[tilespmem:$0x16E00] =	vst v63  }
0xc7: {  	s12 =	sadd.s32 $0x500, s17  }
0xc8: {  	[tilespmem:s23], [sflag:$0x3] =	stream.indirect.gather [spmem:s2], $0x20, s12, s19, $0xb8;
	[tilespmem:$0x16E00] =	vst v63  }
0xc9: {  	s12 =	sadd.s32 $0x580, s17  }
0xca: {  	[tilespmem:s26], [sflag:$0x4] =	stream.indirect.gather [spmem:s2], $0x20, s12, s19, $0xb8;
	[tilespmem:$0x16E00] =	vst v63  }
0xcb: {  	_ =	swait.ge [sflag:s16], $0x1000  }
0xcc: {  	[sflag:s16] =	ssyncset.done $0x0  }
0xcd: {  	[sflag:s16] =	ssyncadd.s32 $0xFFFFF000  }
0xce: {  	_ =	swait.ge [sflag:s25], $0x1000  }
0xcf: {  	[sflag:s25] =	ssyncset.done $0x0  }
0xd0: {  	[sflag:s25] =	ssyncadd.s32 $0xFFFFF000  }
0xd1: {  	_ =	swait.ge [sflag:s7], $0x1000  }
0xd2: {  	[sflag:s7] =	ssyncset.done $0x0  }
0xd3: {  	[sflag:s7] =	ssyncadd.s32 $0xFFFFF000  }
0xd4: {  	_ =	swait.ge [sflag:s8], $0x1000  }
0xd5: {  	[sflag:s8] =	ssyncset.done $0x0  }
0xd6: {  	s12 =	sadd.s32 $0x2A00, s17;
	[sflag:s8] =	ssyncadd.s32 $0xFFFFF000  }
0xd7: {  	[spmem:s3] =	stream.indirect.scatter.add.f32 [tilespmem:s29], [sflag:$0xD], $0x20, s12, s19, $0xb8;
	[tilespmem:$0x16E00] =	vst v63  }
0xd8: {  	s12 =	sadd.s32 $0x2A80, s17  }
0xd9: {  	[spmem:s3] =	stream.indirect.scatter.add.f32 [tilespmem:s31], [sflag:$0xE], $0x20, s12, s19, $0xb8;
	[tilespmem:$0x16E00] =	vst v63  }
0xda: {  	s12 =	sadd.s32 $0x2B00, s17  }
0xdb: {  	[spmem:s3] =	stream.indirect.scatter.add.f32 [tilespmem:s0], [sflag:$0xF], $0x20, s12, s19, $0xb8;
	[tilespmem:$0x16E00] =	vst v63  }
0xdc: {  	s12 =	sadd.s32 $0x2B80, s17  }
0xdd: {  	[spmem:s3] =	stream.indirect.scatter.add.f32 [tilespmem:s14], [sflag:$0x10], $0x20, s12, s19, $0xb8;
	[tilespmem:$0x16E00] =	vst v63  }
0xde: {  	_ =	swait.ge [sflag:s4], $0x1000  }
0xdf: {  	[sflag:s4] =	ssyncset.done $0x0  }
0xe0: {  	[sflag:s4] =	ssyncadd.s32 $0xFFFFF000  }
0xe1: {  	_ =	swait.ge [sflag:s5], $0x1000  }
0xe2: {  	[sflag:s5] =	ssyncset.done $0x0  }
0xe3: {  	[sflag:s5] =	ssyncadd.s32 $0xFFFFF000  }
0xe4: {  	_ =	swait.ge [sflag:s6], $0x1000  }
0xe5: {  	[sflag:s6] =	ssyncset.done $0x0  }
0xe6: {  	[sflag:s6] =	ssyncadd.s32 $0xFFFFF000  }
0xe7: {  	_ =	swait.ge [sflag:s10], $0x1000  }
0xe8: {  	[sflag:s10] =	ssyncset.done $0x0  }
0xe9: {  	s12 =	sadd.s32 $0x600, s17;
	[sflag:s10] =	ssyncadd.s32 $0xFFFFF000  }
0xea: {  	[tilespmem:s29], [sflag:$0x5] =	stream.indirect.gather [spmem:s2], $0x20, s12, s19, $0xb8;
	[tilespmem:$0x16E00] =	vst v63  }
.Ltmp5:
0xeb: {  	s12 =	sadd.s32 $0x680, s17;
	(pc) =	sbr.rel @p2 .LBB2_8-.Ltmp5, $4  }
0xec: {  	[tilespmem:s31], [sflag:$0x6] =	stream.indirect.gather [spmem:s2], $0x20, s12, s19, $0xb8;
	[tilespmem:$0x16E00] =	vst v63  }
0xed: {  	s12 =	sadd.s32 $0x700, s17  }
0xee: {  	[tilespmem:s0], [sflag:$0x7] =	stream.indirect.gather [spmem:s2], $0x20, s12, s19, $0xb8;
	[tilespmem:$0x16E00] =	vst v63  }
0xef: {  	s17 =	sadd.s32 $0x780, s17  }
0xf0: {  	[tilespmem:s14], [sflag:$0x8] =	stream.indirect.gather [spmem:s2], $0x20, s17, s19, $0xb8;
	[tilespmem:$0x16E00] =	vst v63  }
0xf1: {  	_ =	swait.ge [sflag:s13], $0x1000  }
0xf2: {  	[sflag:s13] =	ssyncset.done $0x0  }
0xf3: {  	[sflag:s13] =	ssyncadd.s32 $0xFFFFF000  }
0xf4: {  	_ =	swait.ge [sflag:s9], $0x1000  }
0xf5: {  	[sflag:s9] =	ssyncset.done $0x0  }
0xf6: {  	[sflag:s9] =	ssyncadd.s32 $0xFFFFF000  }
0xf7: {  	_ =	swait.ge [sflag:s22], $0x1000  }
0xf8: {  	[sflag:s22] =	ssyncset.done $0x0  }
0xf9: {  	[sflag:s22] =	ssyncadd.s32 $0xFFFFF000  }
0xfa: {  	_ =	swait.ge [sflag:s24], $0x1000  }
0xfb: {  	[sflag:s24] =	ssyncset.done $0x0  }
0xfc: {  	s11 =	simm.s32 $0x4C00;
	[sflag:s24] =	ssyncadd.s32 $0xFFFFF000  }
0xfd: {  	[spmem:s3] =	stream.indirect.scatter.add.f32 [tilespmem:s20], [sflag:$0x9], $0x20, s11, s19, $0xb8;
	[tilespmem:$0x16E00] =	vst v63  }
0xfe: {  	s12 =	simm.s32 $0x4C80  }
0xff: {  	[spmem:s3] =	stream.indirect.scatter.add.f32 [tilespmem:s21], [sflag:$0xA], $0x20, s12, s19, $0xb8;
	[tilespmem:$0x16E00] =	vst v63  }
0x100: {  	s17 =	simm.s32 $0x4D00  }
0x101: {  	[spmem:s3] =	stream.indirect.scatter.add.f32 [tilespmem:s23], [sflag:$0xB], $0x20, s17, s19, $0xb8;
	[tilespmem:$0x16E00] =	vst v63  }
0x102: {  	s18 =	simm.s32 $0x4D80  }
0x103: {  	[spmem:s3] =	stream.indirect.scatter.add.f32 [tilespmem:s26], [sflag:$0xC], $0x20, s18, s19, $0xb8;
	[tilespmem:$0x16E00] =	vst v63  }
0x104: {  	_ =	swait.ge [sflag:s28], $0x1000  }
0x105: {  	[sflag:s28] =	ssyncset.done $0x0  }
0x106: {  	[sflag:s28] =	ssyncadd.s32 $0xFFFFF000  }
0x107: {  	_ =	swait.ge [sflag:s15], $0x1000  }
0x108: {  	[sflag:s15] =	ssyncset.done $0x0  }
0x109: {  	[sflag:s15] =	ssyncadd.s32 $0xFFFFF000  }
0x10a: {  	_ =	swait.ge [sflag:s30], $0x1000  }
0x10b: {  	[sflag:s30] =	ssyncset.done $0x0  }
0x10c: {  	[sflag:s30] =	ssyncadd.s32 $0xFFFFF000  }
0x10d: {  	_ =	swait.ge [sflag:s1], $0x1000  }
0x10e: {  	[sflag:s1] =	ssyncset.done $0x0  }
0x10f: {  	[sflag:s1] =	ssyncadd.s32 $0xFFFFF000  }
0x110: {  	_ =	swait.ge [sflag:s16], $0x1000  }
0x111: {  	[sflag:s16] =	ssyncset.done $0x0  }
0x112: {  	[sflag:s16] =	ssyncadd.s32 $0xFFFFF000  }
0x113: {  	_ =	swait.ge [sflag:s25], $0x1000  }
0x114: {  	[sflag:s25] =	ssyncset.done $0x0  }
0x115: {  	[sflag:s25] =	ssyncadd.s32 $0xFFFFF000  }
0x116: {  	_ =	swait.ge [sflag:s7], $0x1000  }
0x117: {  	[sflag:s7] =	ssyncset.done $0x0  }
0x118: {  	[sflag:s7] =	ssyncadd.s32 $0xFFFFF000  }
0x119: {  	_ =	swait.ge [sflag:s8], $0x1000  }
0x11a: {  	[sflag:s8] =	ssyncset.done $0x0  }
0x11b: {  	s12 =	simm.s32 $0x4E00;
	[sflag:s8] =	ssyncadd.s32 $0xFFFFF000  }
0x11c: {  	[spmem:s3] =	stream.indirect.scatter.add.f32 [tilespmem:s29], [sflag:$0xD], $0x20, s12, s19, $0xb8;
	[tilespmem:$0x16E00] =	vst v63  }
0x11d: {  	s17 =	simm.s32 $0x4E80  }
0x11e: {  	[spmem:s3] =	stream.indirect.scatter.add.f32 [tilespmem:s31], [sflag:$0xE], $0x20, s17, s19, $0xb8;
	[tilespmem:$0x16E00] =	vst v63  }
0x11f: {  	s18 =	simm.s32 $0x4F00  }
0x120: {  	[spmem:s3] =	stream.indirect.scatter.add.f32 [tilespmem:s0], [sflag:$0xF], $0x20, s18, s19, $0xb8;
	[tilespmem:$0x16E00] =	vst v63  }
0x121: {  	s12 =	simm.s32 $0x4F80  }
0x122: {  	[spmem:s3] =	stream.indirect.scatter.add.f32 [tilespmem:s14], [sflag:$0x10], $0x20, s12, s19, $0xb8;
	[tilespmem:$0x16E00] =	vst v63  }
0x123: {  	_ =	swait.ge [sflag:s4], $0x1000  }
0x124: {  	[sflag:s4] =	ssyncset.done $0x0  }
0x125: {  	[sflag:s4] =	ssyncadd.s32 $0xFFFFF000  }
0x126: {  	_ =	swait.ge [sflag:s5], $0x1000  }
0x127: {  	[sflag:s5] =	ssyncset.done $0x0  }
0x128: {  	[sflag:s5] =	ssyncadd.s32 $0xFFFFF000  }
0x129: {  	_ =	swait.ge [sflag:s6], $0x1000  }
0x12a: {  	[sflag:s6] =	ssyncset.done $0x0  }
0x12b: {  	[sflag:s6] =	ssyncadd.s32 $0xFFFFF000  }
0x12c: {  	_ =	swait.ge [sflag:s10], $0x1000  }
0x12d: {  	[sflag:s10] =	ssyncset.done $0x0  }
0x12e: {  	[sflag:s10] =	ssyncadd.s32 $0xFFFFF000  }
0x12f: {  	[bflag:$0x0] =	sbarrier.arrive $0xFFFF  }
0x130: {  	s12 =	rddreg [dreg:$0x9]  }
0x131: {  	s17 =	rddreg [dreg:$0xd]  }
0x132: {  	s18 =	rddreg [dreg:$0xe]  }
0x133: {  	[hbm:s12], [sflag:s17] =	dma.local [spmem:s18], $0x9E0  }
0x134: {  	s18 =	simm.s32 $0x11  }
0x135: {  	_ =	swait.ge [sflag:s18], $0x9E0  }
0x136: {  	s12 =	rddreg [dreg:$0x10]  }
0x137: {  	s17 =	rddreg [dreg:$0xa];
	s11 =	sadd.s32 $0x1, s12  }
0x138: {  	p2 =	sne.s32 s11, s17  }
.Ltmp6:
0x139: {  	_ = 	snop;
	(pc) =	sbr.rel @p2 .LBB2_1-.Ltmp6, $3  }
0x13a: {  	_ =	sdelay $0x1  }
0x13b: {  	[sflag:s18] =	ssyncset.done $0x0  }
0x13c: {  	[sflag:s18] =	ssyncadd.s32 $0xFFFFF620  }
0x13d: {  	_ =	sfence.sel $0x180000  }
0x13e: {  	[bflag:$0x0] =	sbarrier.arrive $0xFFFF  }
0x13f: {  	_ =	strace $0x9000004D  }
0x140: {  	s0 =	stileid.u32;
	[bflag:$0x2] =	sbarrier.arrive $0xFFFF  }
0x141: {  	p0 =	sne.s32 s0, $0x0;
	s0 =	rddreg [dreg:$0x3]  }
0x142: {  	s0 =	sadd.s32 @!p0 $0x100000, s0  }
0x143: {  	[sflag:s0] =	ssyncadd.tile.s32 @!p0 $0x1;
	_ =	shalt  }
.Lfunc_end2:
_tile_overlayer_lowered:
.L_overlay_start_2:
0x144: {  	(tag) =	ssettag $0x2  }
0x145: {  	s0 =	rddreg [dreg:$0x0];
	s2 =	stileid.u32  }
0x146: {  	s1 =	rddreg [dreg:$0x1];
	p0 =	sne.s32 s2, $0x0  }
0x147: {  	s3 =	rddreg [dreg:$0x2];
	[bflag:$0x3] =	sbarrier.arrive $0xFFFF;
	s2 =	simm.s32 @!p0 $0x1C11  }
0x148: {  	[timem:s3], [sflag:s2] =	dma.local @!p0 [hbm:s0], s1  }
0x149: {  	s0 =	simm.s32 @!p0 $0x11  }
0x14a: {  	_ =	swait.ge @!p0 [sflag:s0], s1  }
0x14b: {  	s1 =	ssub.s32 @!p0 $0x0, s1;
	[sflag:s0] =	ssyncset.done @!p0 $0x0  }
0x14c: {  	[sflag:s0] =	ssyncadd.s32 @!p0 s1  }
0x14d: {  	[bflag:$0x3] =	sbarrier.arrive $0xFFFF  }
0x14e: {  	_ =	shalt  }

// kernel: kernel.9.cloned.1.call-start
scs
__scs_entry_jumppad:
0x0: {  	(pc) =	sbr.rel $0x88, $3  }
0x1: {  	(tag) =	ssettag $0x0;
	lr =	simm.s32 $0x1  }
0x2: {  	[smem:$0x3F9A] =	sst lr;
	_ =	strace $0xD0000000  }
0x3: {  	_ = 	snop  }
0x4: {  	_ = 	snop  }
0x5: {  	_ = 	snop  }
0x6: {  	_ = 	snop  }
0x7: {  	_ = 	snop  }
__scs_overlays_trampoline_lowered:
0x8: {  	[smem:$0x3FA9] =	sst s0  }
0x9: {  	[smem:$0x3FAA] =	sst s1  }
0xa: {  	[smem:$0x3FAB] =	sst s2  }
0xb: {  	[smem:$0x3FAC] =	sst s3  }
0xc: {  	[smem:$0x3FAD] =	sst s4  }
0xd: {  	[smem:$0x3FAE] =	sst s5  }
0xe: {  	[smem:$0x3FAF] =	sst s6  }
0xf: {  	[smem:$0x3FB0] =	sst s7  }
0x10: {  	[smem:$0x3FB1] =	sst s8  }
0x11: {  	[smem:$0x3FB2] =	sst s9;
	s0 =	simm.s32 @!p0 $0x0  }
0x12: {  	s1 =	sld [smem:$0x3F98];
	s0 =	simm.s32 @p0 $0x1  }
0x13: {  	[smem:$0x3FB3] =	sst s0;
	s0 =	simm.s32 @!p1 $0x0  }
0x14: {  	s2 =	sld [smem:$0x3F97];
	s0 =	simm.s32 @p1 $0x1  }
0x15: {  	[smem:$0x3FB4] =	sst s0;
	s0 =	simm.s32 @!p2 $0x0  }
0x16: {  	s3 =	sld [smem:$0x3FDB];
	s0 =	simm.s32 @p2 $0x1  }
0x17: {  	s4 =	simm.s32 $0x1BF5;
	[smem:$0x3FB6] =	sst s0  }
0x18: {  	s0 =	sld [smem:$0x3F99];
	_ =	swait.ge [sflag:s4], $0x0  }
0x19: {  	s7 =	sld [smem:$0x3F9A]  }
0x1a: {  	s8 =	sadd.s32 $0xFFFFE003, lr  }
0x1b: {  	s9 =	sadd.s32 $0xFFFFFEF7, lr;
	s5 =	simm.s32 $0xFFFFFFFF;
	p2 =	slt.u32 s8, $0xFFFFF086  }
0x1c: {  	p1 =	slt.u32 s9, $0xF7A;
	s5 =	simm.s32 @!p2 $0x0  }
0x1d: {  	s5 =	simm.s32 @p1 $0x1;
	p0 =	seq.s32 s7, s2  }
0x1e: {  	s7 =	smul.u32 @!p0 $0xF7A, s2;
	p2 =	seq.s32 @!p0 s5, $0x0  }
0x1f: {  	s9 =	smul.u32 $0xF7A, s1;
	s8 =	simm.s32 @!p0 $0x1BF5;
	p2 =	por !p2, p0  }
0x20: {  	[sflag:s8] =	ssyncset.s32 @!p0 $0xFFFFF086;
	s6 =	sadd.s32 @!p0 s3, s7;
	s7 =	simm.s32 @!p0 $0x108  }
0x21: {  	s3 =	sadd.s32 s3, s9;
	s6 =	sadd.s32 @!p0 $0x88, s6;
	s7 =	simm.s32 @p2 $0x1082  }
0x22: {  	[simem:s7], [sflag:s8] =	dma.local @!p0 [hbm:s6], $0xF7A  }
0x23: {  	s9 =	sor.u32 $0xD0000000, s2;
	s6 =	simm.s32 $0x108;
	_ =	swait.ge @!p0 [sflag:s8], $0x0  }
0x24: {  	s3 =	sadd.s32 $0x88, s3;
	s6 =	simm.s32 @!p1 $0x1082;
	[sflag:s4] =	ssyncset.s32 $0xFFFFF086  }
0x25: {  	[simem:s6], [sflag:s4] =	dma.local [hbm:s3], $0xF7A  }
0x26: {  	[smem:$0x3F9A] =	sst s1;
	(tag) =	ssettag s2;
	_ =	strace s9  }
0x27: {  	s1 =	sld [smem:$0x3FAA]  }
0x28: {  	s2 =	sld [smem:$0x3FAB]  }
0x29: {  	s4 =	sld [smem:$0x3FAD]  }
0x2a: {  	p0 =	seq.s32 s5, $0x0;
	s5 =	sld [smem:$0x3FAE]  }
0x2b: {  	s6 =	sld [smem:$0x3FAF]  }
0x2c: {  	s7 =	sld [smem:$0x3FB0]  }
0x2d: {  	s3 =	simm.s32 $0x108;
	s8 =	sld [smem:$0x3FB1]  }
0x2e: {  	s3 =	simm.s32 @!p0 $0x1082;
	s9 =	sld [smem:$0x3FB2]  }
0x2f: {  	lr =	sadd.s32 s0, s3;
	s0 =	sld [smem:$0x3FA9]  }
0x30: {  	s3 =	sld [smem:$0x3FAC]  }
0x31: {  	[smem:$0x3FB5] =	sst s10  }
0x32: {  	s10 =	sld [smem:$0x3FB3];
	_ =	sdelay $0x3  }
0x33: {  	p0 =	seq.s32 s10, $0x1;
	s10 =	sld [smem:$0x3FB5];
	_ =	sdelay $0x3  }
0x34: {  	[smem:$0x3FB5] =	sst s10  }
0x35: {  	s10 =	sld [smem:$0x3FB4];
	_ =	sdelay $0x3  }
0x36: {  	p1 =	seq.s32 s10, $0x1;
	s10 =	sld [smem:$0x3FB5];
	_ =	sdelay $0x3  }
0x37: {  	[smem:$0x3FB5] =	sst s10  }
0x38: {  	s10 =	sld [smem:$0x3FB6]  }
0x39: {  	_ = 	snop;
	(pc) =	sbr.ind lr, $3  }
0x3a: {  	_ = 	snop  }
0x3b: {  	_ = 	snop  }
0x3c: {  	p2 =	seq.s32 s10, $0x1;
	s10 =	sld [smem:$0x3FB5]  }
0x3d: {  	_ =	shalt  }
0x3e: {  	_ =	shalt  }
0x3f: {  	_ =	shalt  }
0x40: {  	_ =	shalt  }
0x41: {  	_ =	shalt  }
0x42: {  	_ =	shalt  }
0x43: {  	_ =	shalt  }
0x44: {  	_ =	shalt  }
0x45: {  	_ =	shalt  }
0x46: {  	_ =	shalt  }
0x47: {  	_ =	shalt  }
0x48: {  	_ =	shalt  }
0x49: {  	_ =	shalt  }
0x4a: {  	_ =	shalt  }
0x4b: {  	_ =	shalt  }
0x4c: {  	_ =	shalt  }
0x4d: {  	_ =	shalt  }
0x4e: {  	_ =	shalt  }
0x4f: {  	_ =	shalt  }
0x50: {  	_ =	shalt  }
0x51: {  	_ =	shalt  }
0x52: {  	_ =	shalt  }
0x53: {  	_ =	shalt  }
0x54: {  	_ =	shalt  }
0x55: {  	_ =	shalt  }
0x56: {  	_ =	shalt  }
0x57: {  	_ =	shalt  }
0x58: {  	_ =	shalt  }
0x59: {  	_ =	shalt  }
0x5a: {  	_ =	shalt  }
0x5b: {  	_ =	shalt  }
0x5c: {  	_ =	shalt  }
0x5d: {  	_ =	shalt  }
0x5e: {  	_ =	shalt  }
0x5f: {  	_ =	shalt  }
0x60: {  	_ =	shalt  }
0x61: {  	_ =	shalt  }
0x62: {  	_ =	shalt  }
0x63: {  	_ =	shalt  }
0x64: {  	_ =	shalt  }
0x65: {  	_ =	shalt  }
0x66: {  	_ =	shalt  }
0x67: {  	_ =	shalt  }
0x68: {  	_ =	shalt  }
0x69: {  	_ =	shalt  }
0x6a: {  	_ =	shalt  }
0x6b: {  	_ =	shalt  }
0x6c: {  	_ =	shalt  }
0x6d: {  	_ =	shalt  }
0x6e: {  	_ =	shalt  }
0x6f: {  	_ =	shalt  }
0x70: {  	_ =	shalt  }
0x71: {  	_ =	shalt  }
0x72: {  	_ =	shalt  }
0x73: {  	_ =	shalt  }
0x74: {  	_ =	shalt  }
0x75: {  	_ =	shalt  }
0x76: {  	_ =	shalt  }
0x77: {  	_ =	shalt  }
0x78: {  	_ =	shalt  }
0x79: {  	_ =	shalt  }
0x7a: {  	_ =	shalt  }
0x7b: {  	_ =	shalt  }
0x7c: {  	_ =	shalt  }
0x7d: {  	_ =	shalt  }
0x7e: {  	_ =	shalt  }
0x7f: {  	_ =	shalt  }
0x80: {  	_ =	shalt  }
0x81: {  	_ =	shalt  }
0x82: {  	_ =	shalt  }
0x83: {  	_ =	shalt  }
0x84: {  	_ =	shalt  }
0x85: {  	_ =	shalt  }
0x86: {  	_ =	shalt  }
0x87: {  	_ =	shalt  }
.Lfunc_end0:
.L_simem_size_0:
called_computation_lowered:
.L_overlay_start_0:
0x88: {  	s2 =	sld [smem:$0x3FD9]  }
0x89: {  	s3 =	sld [smem:$0x3FFE];
	_ =	sdelay $0x1  }
0x8a: {  	s1 =	srdreg.scid  }
0x8b: {  	s0 =	sand.u32 $0x1, s1  }
0x8c: {  	s17 =	sshll.u32 s0, $0xA;
	s2 =	sadd.s32 s3, s2  }
0x8d: {  	s2 =	sadd.s32 s2, s17  }
0x8e: {  	[smem:$0x3FC1] =	sst s2  }
0x8f: {  	_ = 	snop  }
0x90: {  	s2 =	sld [smem:$0x3FD0];
	(tm) =	ssettm $0x1  }
0x91: {  	s18 =	sld [smem:$0x3FFB];
	_ =	sdelay $0x3  }
0x92: {  	_ =	strace s18  }
0x93: {  	s3 =	sld [smem:$0x3FFC];
	_ =	sdelay $0x3  }
0x94: {  	_ =	strace s3  }
0x95: {  	s3 =	sld [smem:$0x3FFD];
	_ =	sdelay $0x3  }
0x96: {  	_ =	strace s3  }
0x97: {  	_ =	strace $0x8FFFFFFF  }
0x98: {  	s19 =	sld [smem:$0x3FDB];
	_ =	sdelay $0x1  }
0x99: {  	s4 =	simm.s32 $_scs_section_size  }
0x9a: {  	s5 =	simm.s32 $_size__tile_overlayer_lowered;
	s6 =	simm.s32 $_tile_overlayer_lowered  }
0x9b: {  	s22 =	simm.s32 $0x1BFF;
	s21 =	sshll.u32 s6, $0x1;
	s3 =	sadd.s32 s4, s19  }
0x9c: {  	s7 =	simm.s32 $0x0;
	s20 =	sshll.u32 s5, $0x1;
	s5 =	sadd.s32 s21, s3  }
0x9d: {  	[timem:s7], [sflag:s22] =	dma.local [hbm:s5], s20  }
0x9e: {  	_ =	swait.ge [sflag:s22], s20  }
0x9f: {  	s4 =	ssub.s32 $0x0, s20;
	[sflag:s22] =	ssyncset.done $0x0  }
0xa0: {  	[sflag:s22] =	ssyncadd.s32 s4;
	_ =	sdelay $0x1  }
0xa1: {  	s23 =	simm.s32 $0x1B8B  }
0xa2: {  	_ =	swait.ge [sflag:s23], $0x1  }
0xa3: {  	[sflag:s23] =	ssyncset.done $0x0  }
0xa4: {  	s25 =	simm.s32 $0x1B8E;
	s24 =	sld [smem:$0x3FFE];
	[sflag:s23] =	ssyncadd.s32 $0xFFFFFFFF  }
0xa5: {  	s26 =	simm.s32 $execute0_lowered;
	[smem:$0x3FD2] =	sst s25  }
0xa6: {  	s5 =	sshll.u32 s26, $0x1;
	_ =	strace $0x80000046;
	[dreg:$0x1] =	wrdreg $0xFFFFFFFF  }
0xa7: {  	s28 =	simm.s32 $_size_execute0_lowered;
	s3 =	sadd.s32 s3, s5;
	[dreg:$0x0] =	wrdreg $0x0  }
0xa8: {  	s5 =	sshll.u32 s28, $0x1;
	[dreg:$0x2] =	wrdreg s3  }
0xa9: {  	[dreg:$0x3] =	wrdreg s5  }
0xaa: {  	[dreg:$0x4] =	wrdreg $0xC0  }
0xab: {  	_ =	task [dreg:s7], $0x5FFFF  }
0xac: {  	[dreg:$0x1] =	wrdreg $0xFFFFFFFF  }
0xad: {  	[dreg:$0x0] =	wrdreg $0x60  }
0xae: {  	[dreg:$0x2] =	wrdreg s24  }
0xaf: {  	[dreg:$0x3] =	wrdreg s2  }
0xb0: {  	[dreg:$0x4] =	wrdreg $0x30000  }
0xb1: {  	[dreg:$0x5] =	wrdreg $0x9  }
0xb2: {  	_ =	task.clear_ibuf [dreg:s7], $0x6FFFF;
	_ =	strace $0x90000046  }
0xb3: {  	s29 =	simm.s32 $0x9;
	_ =	strace $0x80000048  }
0xb4: {  	_ =	swait.ge [sflag:s29], $0x1  }
0xb5: {  	[sflag:s29] =	ssyncadd.s32 $0xFFFFFFFF  }
0xb6: {  	_ =	strace $0x90000048  }
0xb7: {  	_ =	sfence  }
0xb8: {  	s30 =	sld [smem:$0x0];
	_ =	sdelay $0x2  }
0xb9: {  	s31 =	sshll.u32 s1, $0xD;
	s1 =	sshrl.u32 s1, $0x2  }
0xba: {  	s3 =	sand.u32 $0x4000, s31;
	s1 =	sadd.s32 s1, s30  }
0xbb: {  	s0 =	sor.u32 s3, s0;
	s1 =	sshll.u32 s1, $0x11  }
0xbc: {  	s0 =	sor.u32 s1, s0  }
0xbd: {  	s0 =	sadd.s32 $0x8F2B, s0  }
0xbe: {  	[sflag:s0] =	ssyncadd.remote.s32 $0x1  }
0xbf: {  	_ =	sfence.sel $0xFFFF  }
0xc0: {  	[dreg:$0x0] =	wrdreg $0xFFFFFFFF;
	(pc) =	sbr.abs _section_cstart, $3  }
0xc1: {  	[dreg:$0x1] =	wrdreg $0xFFFFFFFF  }
0xc2: {  	_ =	task.clear_ibuf [dreg:s7], $0x2FFFF;
	_ =	strace $0x9FFFFFFF  }
0xc3: {  	(tm) =	ssettm $0x7FFFFFFF  }
tec
execute0_lowered:
.L_overlay_start_1:
0x0: {  	(tag) =	ssettag $0x1  }
0x1: {  	s7 =	rddreg [dreg:$0x0]  }
0x2: {  	s2 =	rddreg [dreg:$0x1]  }
0x3: {  	s3 =	rddreg [dreg:$0x2]  }
0x4: {  	s0 =	rddreg [dreg:$0x3];
	s1 =	stileid.u32  }
0x5: {  	s5 =	srdreg.scid;
	s4 =	simm.s32 $0x0;
	s13 =	simm.s32 $0x80  }
0x6: {  	s14 =	simm.s32 $0x100;
	s15 =	simm.s32 $0x180;
	s16 =	simm.s32 $0x200  }
0x7: {  	s17 =	simm.s32 $0x280;
	s18 =	simm.s32 $0x300;
	s19 =	simm.s32 $0x380  }
0x8: {  	s20 =	simm.s32 $0x1;
	s21 =	simm.s32 $0x0;
	s6 =	smul.u32 $0x2780, s1  }
0x9: {  	s5 =	sand.u32 $0x1, s5;
	[smem:$0x7FF] =	sst s4;
	s31 =	sshll.u32 s1, $0x6  }
0xa: {  	s8 =	smul.u32 $0x27800, s5;
	_ =	strace $0x80000047;
	s10 =	sshll.u32 s5, $0x4  }
0xb: {  	s5 =	ssub.s32 $0x2, s5;
	s9 =	sshrl.u32 s6, $0x3;
	s10 =	sor.u32 s1, s10  }
0xc: {  	s11 =	sshrl.u32 s5, $0x1;
	s12 =	sadd.s32 s6, s3;
	s8 =	sadd.s32 s6, s8  }
0xd: {  	s10 =	smul.u32 $0x2800, s10;
	s9 =	sadd.s32 s9, s7;
	s11 =	ssub.s32 s5, s11  }
0xe: {  	s6 =	sor.u32 $0x1C02, s31;
	s8 =	sshrl.u32 s8, $0x3;
	s5 =	sadd.s32 $0x16200, s9  }
0xf: {  	s9 =	smax.u32 s11, $0x1;
	s8 =	sadd.s32 s8, s7;
	s10 =	sshrl.u32 s10, $0x3  }
0x10: {  	s11 =	simm.s32 $0x2;
	s7 =	sadd.s32 s7, s10;
	s8 =	sadd.s32 $0x1B200, s8  }
0x11: {  	s10 =	sshrl.u32 s12, $0x3;
	s12 =	simm.s32 $0x2800;
	s7 =	sadd.s32 $0xC200, s7  }
.LBB2_1:
0x12: {  	[spmem:s10], [sflag:s6] =	dma.local [hbm:s5], $0x4F0  }
0x13: {  	_ =	swait.ge [sflag:s11], $0x4F0  }
0x14: {  	[sflag:s11] =	ssyncset.done $0x0  }
0x15: {  	[sflag:s11] =	ssyncadd.s32 $0xFFFFFB10  }
0x16: {  	[tilespmem:s12], [sflag:$0x2] =	stream.linear.gather [hbm4b:s2+s4], $0x800, $0x38;
	[tilespmem:$0x5780] =	vst v63  }
0x17: {  	_ =	swait.ge [sflag:s11], $0x800  }
0x18: {  	[sflag:s11] =	ssyncset.done $0x0  }
0x19: {  	[sflag:s11] =	ssyncadd.s32 $0xFFFFF800  }
0x1a: {  	[tilespmem:s4], [sflag:$0x2] =	stream.linear.gather [hbm4b:s7+s4], $0x2800, $0x38;
	[tilespmem:$0x5780] =	vst v63  }
0x1b: {  	_ =	swait.ge [sflag:s11], $0x2800  }
0x1c: {  	[sflag:s11] =	ssyncset.done $0x0  }
0x1d: {  	[sflag:s11] =	ssyncadd.s32 $0xFFFFD800  }
0x1e: {  	[bflag:$0x0] =	sbarrier.arrive $0xFFFF  }
0x1f: {  	[spmem:s3] =	stream.indirect.scatter.add.f32 [tilespmem:s12], [sflag:$0x1], $0x10, s4, s13, $0xb8;
	[tilespmem:$0x5780] =	vst v63  }
0x20: {  	_ = 	snop  }
0x21: {  	[spmem:s3] =	stream.indirect.scatter.add.f32 [tilespmem:s12], [sflag:$0x1], $0x10, s13, s13, $0xb8;
	[tilespmem:$0x5780] =	vst v63  }
0x22: {  	_ = 	snop  }
0x23: {  	[spmem:s3] =	stream.indirect.scatter.add.f32 [tilespmem:s12], [sflag:$0x1], $0x10, s14, s13, $0xb8;
	[tilespmem:$0x5780] =	vst v63  }
0x24: {  	_ = 	snop  }
0x25: {  	[spmem:s3] =	stream.indirect.scatter.add.f32 [tilespmem:s12], [sflag:$0x1], $0x10, s15, s13, $0xb8;
	[tilespmem:$0x5780] =	vst v63  }
0x26: {  	_ = 	snop  }
0x27: {  	[spmem:s3] =	stream.indirect.scatter.add.f32 [tilespmem:s12], [sflag:$0x1], $0x10, s16, s13, $0xb8;
	[tilespmem:$0x5780] =	vst v63  }
0x28: {  	_ = 	snop  }
0x29: {  	[spmem:s3] =	stream.indirect.scatter.add.f32 [tilespmem:s12], [sflag:$0x1], $0x10, s17, s13, $0xb8;
	[tilespmem:$0x5780] =	vst v63  }
0x2a: {  	_ = 	snop  }
0x2b: {  	[spmem:s3] =	stream.indirect.scatter.add.f32 [tilespmem:s12], [sflag:$0x1], $0x10, s18, s13, $0xb8;
	[tilespmem:$0x5780] =	vst v63  }
0x2c: {  	_ = 	snop  }
0x2d: {  	[spmem:s3] =	stream.indirect.scatter.add.f32 [tilespmem:s12], [sflag:$0x1], $0x10, s19, s13, $0xb8;
	[tilespmem:$0x5780] =	vst v63  }
0x2e: {  	s22 =	simm.s32 $0x400  }
0x2f: {  	[spmem:s3] =	stream.indirect.scatter.add.f32 [tilespmem:s12], [sflag:$0x1], $0x10, s22, s13, $0xb8;
	[tilespmem:$0x5780] =	vst v63  }
0x30: {  	s24 =	simm.s32 $0x480  }
0x31: {  	[spmem:s3] =	stream.indirect.scatter.add.f32 [tilespmem:s12], [sflag:$0x1], $0x10, s24, s13, $0xb8;
	[tilespmem:$0x5780] =	vst v63  }
0x32: {  	s25 =	simm.s32 $0x500  }
0x33: {  	[spmem:s3] =	stream.indirect.scatter.add.f32 [tilespmem:s12], [sflag:$0x1], $0x10, s25, s13, $0xb8;
	[tilespmem:$0x5780] =	vst v63  }
0x34: {  	s26 =	simm.s32 $0x580  }
0x35: {  	[spmem:s3] =	stream.indirect.scatter.add.f32 [tilespmem:s12], [sflag:$0x1], $0x10, s26, s13, $0xb8;
	[tilespmem:$0x5780] =	vst v63  }
0x36: {  	s28 =	simm.s32 $0x600  }
0x37: {  	[spmem:s3] =	stream.indirect.scatter.add.f32 [tilespmem:s12], [sflag:$0x1], $0x10, s28, s13, $0xb8;
	[tilespmem:$0x5780] =	vst v63  }
0x38: {  	s29 =	simm.s32 $0x680  }
0x39: {  	[spmem:s3] =	stream.indirect.scatter.add.f32 [tilespmem:s12], [sflag:$0x1], $0x10, s29, s13, $0xb8;
	[tilespmem:$0x5780] =	vst v63  }
0x3a: {  	s30 =	simm.s32 $0x700  }
0x3b: {  	[spmem:s3] =	stream.indirect.scatter.add.f32 [tilespmem:s12], [sflag:$0x1], $0x10, s30, s13, $0xb8;
	[tilespmem:$0x5780] =	vst v63  }
0x3c: {  	s31 =	simm.s32 $0x780  }
0x3d: {  	[spmem:s3] =	stream.indirect.scatter.add.f32 [tilespmem:s12], [sflag:$0x1], $0x10, s31, s13, $0xb8;
	[tilespmem:$0x5780] =	vst v63  }
0x3e: {  	_ =	swait.ge [sflag:s20], $0x800  }
0x3f: {  	[sflag:s20] =	ssyncset.done $0x0  }
0x40: {  	[sflag:s20] =	ssyncadd.s32 $0xFFFFF800  }
0x41: {  	_ =	swait.ge [sflag:s20], $0x800  }
0x42: {  	[sflag:s20] =	ssyncset.done $0x0  }
0x43: {  	[sflag:s20] =	ssyncadd.s32 $0xFFFFF800  }
0x44: {  	_ =	swait.ge [sflag:s20], $0x800  }
0x45: {  	[sflag:s20] =	ssyncset.done $0x0  }
0x46: {  	[sflag:s20] =	ssyncadd.s32 $0xFFFFF800  }
0x47: {  	_ =	swait.ge [sflag:s20], $0x800  }
0x48: {  	[sflag:s20] =	ssyncset.done $0x0  }
0x49: {  	[sflag:s20] =	ssyncadd.s32 $0xFFFFF800  }
0x4a: {  	_ =	swait.ge [sflag:s20], $0x800  }
0x4b: {  	[sflag:s20] =	ssyncset.done $0x0  }
0x4c: {  	[sflag:s20] =	ssyncadd.s32 $0xFFFFF800  }
0x4d: {  	_ =	swait.ge [sflag:s20], $0x800  }
0x4e: {  	[sflag:s20] =	ssyncset.done $0x0  }
0x4f: {  	[sflag:s20] =	ssyncadd.s32 $0xFFFFF800  }
0x50: {  	_ =	swait.ge [sflag:s20], $0x800  }
0x51: {  	[sflag:s20] =	ssyncset.done $0x0  }
0x52: {  	[sflag:s20] =	ssyncadd.s32 $0xFFFFF800  }
0x53: {  	_ =	swait.ge [sflag:s20], $0x800  }
0x54: {  	s24 =	simm.s32 $0x400;
	s25 =	simm.s32 $0x2000;
	[sflag:s20] =	ssyncset.done $0x0  }
.LBB2_2:
0x55: {  	s26 =	sadd.s32 $0x400, s24  }
0x56: {  	[sflag:s20] =	ssyncadd.s32 $0xFFFFF800;
	s23 =	smov.u32 s25;
	s22 =	sadd.s32 $0x1000, s25  }
0x57: {  	[spmem:s3] =	stream.indirect.scatter.add.f32 [tilespmem:s12], [sflag:$0x1], $0x10, s26, s13, $0xb8;
	[tilespmem:$0x5780] =	vst v63  }
0x58: {  	p0 =	sne.s32 s25, $0x8000;
	s25 =	sadd.s32 $0x480, s24  }
0x59: {  	[spmem:s3] =	stream.indirect.scatter.add.f32 [tilespmem:s12], [sflag:$0x1], $0x10, s25, s13, $0xb8;
	[tilespmem:$0x5780] =	vst v63  }
0x5a: {  	s25 =	sadd.s32 $0x500, s24  }
0x5b: {  	[spmem:s3] =	stream.indirect.scatter.add.f32 [tilespmem:s12], [sflag:$0x1], $0x10, s25, s13, $0xb8;
	[tilespmem:$0x5780] =	vst v63  }
0x5c: {  	s25 =	sadd.s32 $0x580, s24  }
0x5d: {  	[spmem:s3] =	stream.indirect.scatter.add.f32 [tilespmem:s12], [sflag:$0x1], $0x10, s25, s13, $0xb8;
	[tilespmem:$0x5780] =	vst v63  }
0x5e: {  	s25 =	sadd.s32 $0x600, s24  }
0x5f: {  	[spmem:s3] =	stream.indirect.scatter.add.f32 [tilespmem:s12], [sflag:$0x1], $0x10, s25, s13, $0xb8;
	[tilespmem:$0x5780] =	vst v63  }
0x60: {  	s25 =	sadd.s32 $0x680, s24  }
0x61: {  	[spmem:s3] =	stream.indirect.scatter.add.f32 [tilespmem:s12], [sflag:$0x1], $0x10, s25, s13, $0xb8;
	[tilespmem:$0x5780] =	vst v63  }
0x62: {  	s25 =	sadd.s32 $0x700, s24  }
0x63: {  	[spmem:s3] =	stream.indirect.scatter.add.f32 [tilespmem:s12], [sflag:$0x1], $0x10, s25, s13, $0xb8;
	[tilespmem:$0x5780] =	vst v63  }
0x64: {  	s24 =	sadd.s32 $0x780, s24  }
0x65: {  	[spmem:s3] =	stream.indirect.scatter.add.f32 [tilespmem:s12], [sflag:$0x1], $0x10, s24, s13, $0xb8;
	[tilespmem:$0x5780] =	vst v63  }
0x66: {  	_ =	swait.ge [sflag:s20], $0x800  }
0x67: {  	[sflag:s20] =	ssyncset.done $0x0  }
0x68: {  	[sflag:s20] =	ssyncadd.s32 $0xFFFFF800  }
0x69: {  	_ =	swait.ge [sflag:s20], $0x800  }
0x6a: {  	[sflag:s20] =	ssyncset.done $0x0  }
0x6b: {  	[sflag:s20] =	ssyncadd.s32 $0xFFFFF800  }
0x6c: {  	_ =	swait.ge [sflag:s20], $0x800  }
0x6d: {  	[sflag:s20] =	ssyncset.done $0x0  }
0x6e: {  	[sflag:s20] =	ssyncadd.s32 $0xFFFFF800  }
0x6f: {  	_ =	swait.ge [sflag:s20], $0x800  }
0x70: {  	[sflag:s20] =	ssyncset.done $0x0  }
0x71: {  	[sflag:s20] =	ssyncadd.s32 $0xFFFFF800  }
0x72: {  	_ =	swait.ge [sflag:s20], $0x800  }
0x73: {  	[sflag:s20] =	ssyncset.done $0x0  }
0x74: {  	[sflag:s20] =	ssyncadd.s32 $0xFFFFF800  }
0x75: {  	_ =	swait.ge [sflag:s20], $0x800  }
0x76: {  	[sflag:s20] =	ssyncset.done $0x0  }
0x77: {  	[sflag:s20] =	ssyncadd.s32 $0xFFFFF800  }
.Ltmp0:
0x78: {  	_ =	swait.ge [sflag:s20], $0x800;
	(pc) =	sbr.rel @p0 .LBB2_2-.Ltmp0, $4  }
0x79: {  	[sflag:s20] =	ssyncset.done $0x0  }
0x7a: {  	[sflag:s20] =	ssyncadd.s32 $0xFFFFF800  }
0x7b: {  	_ =	swait.ge [sflag:s20], $0x800  }
0x7c: {  	s25 =	smov.u32 s22;
	s24 =	sshra.s32 s23, $0x2;
	[sflag:s20] =	ssyncset.done $0x0  }
0x7d: {  	s22 =	sadd.s32 $0x400, s24;
	[sflag:s20] =	ssyncadd.s32 $0xFFFFF800  }
0x7e: {  	[spmem:s3] =	stream.indirect.scatter.add.f32 [tilespmem:s12], [sflag:$0x1], $0x10, s22, s13, $0xb8;
	[tilespmem:$0x5780] =	vst v63  }
0x7f: {  	s23 =	sadd.s32 $0x480, s24  }
0x80: {  	[spmem:s3] =	stream.indirect.scatter.add.f32 [tilespmem:s12], [sflag:$0x1], $0x10, s23, s13, $0xb8;
	[tilespmem:$0x5780] =	vst v63  }
0x81: {  	s25 =	sadd.s32 $0x500, s24  }
0x82: {  	[spmem:s3] =	stream.indirect.scatter.add.f32 [tilespmem:s12], [sflag:$0x1], $0x10, s25, s13, $0xb8;
	[tilespmem:$0x5780] =	vst v63  }
0x83: {  	s26 =	sadd.s32 $0x580, s24  }
0x84: {  	[spmem:s3] =	stream.indirect.scatter.add.f32 [tilespmem:s12], [sflag:$0x1], $0x10, s26, s13, $0xb8;
	[tilespmem:$0x5780] =	vst v63  }
0x85: {  	s28 =	sadd.s32 $0x600, s24  }
0x86: {  	[spmem:s3] =	stream.indirect.scatter.add.f32 [tilespmem:s12], [sflag:$0x1], $0x10, s28, s13, $0xb8;
	[tilespmem:$0x5780] =	vst v63  }
0x87: {  	s29 =	sadd.s32 $0x680, s24  }
0x88: {  	[spmem:s3] =	stream.indirect.scatter.add.f32 [tilespmem:s12], [sflag:$0x1], $0x10, s29, s13, $0xb8;
	[tilespmem:$0x5780] =	vst v63  }
0x89: {  	s30 =	sadd.s32 $0x700, s24  }
0x8a: {  	[spmem:s3] =	stream.indirect.scatter.add.f32 [tilespmem:s12], [sflag:$0x1], $0x10, s30, s13, $0xb8;
	[tilespmem:$0x5780] =	vst v63  }
0x8b: {  	s31 =	sadd.s32 $0x780, s24  }
0x8c: {  	[spmem:s3] =	stream.indirect.scatter.add.f32 [tilespmem:s12], [sflag:$0x1], $0x10, s31, s13, $0xb8;
	[tilespmem:$0x5780] =	vst v63  }
0x8d: {  	_ =	swait.ge [sflag:s20], $0x800  }
0x8e: {  	[sflag:s20] =	ssyncset.done $0x0  }
0x8f: {  	[sflag:s20] =	ssyncadd.s32 $0xFFFFF800  }
0x90: {  	_ =	swait.ge [sflag:s20], $0x800  }
0x91: {  	[sflag:s20] =	ssyncset.done $0x0  }
0x92: {  	[sflag:s20] =	ssyncadd.s32 $0xFFFFF800  }
0x93: {  	_ =	swait.ge [sflag:s20], $0x800  }
0x94: {  	[sflag:s20] =	ssyncset.done $0x0  }
0x95: {  	[sflag:s20] =	ssyncadd.s32 $0xFFFFF800  }
0x96: {  	_ =	swait.ge [sflag:s20], $0x800  }
0x97: {  	[sflag:s20] =	ssyncset.done $0x0  }
0x98: {  	[sflag:s20] =	ssyncadd.s32 $0xFFFFF800  }
0x99: {  	_ =	swait.ge [sflag:s20], $0x800  }
0x9a: {  	[sflag:s20] =	ssyncset.done $0x0  }
0x9b: {  	[sflag:s20] =	ssyncadd.s32 $0xFFFFF800  }
0x9c: {  	_ =	swait.ge [sflag:s20], $0x800  }
0x9d: {  	[sflag:s20] =	ssyncset.done $0x0  }
0x9e: {  	[sflag:s20] =	ssyncadd.s32 $0xFFFFF800  }
0x9f: {  	_ =	swait.ge [sflag:s20], $0x800  }
0xa0: {  	[sflag:s20] =	ssyncset.done $0x0  }
0xa1: {  	[sflag:s20] =	ssyncadd.s32 $0xFFFFF800  }
0xa2: {  	_ =	swait.ge [sflag:s20], $0x800  }
0xa3: {  	[sflag:s20] =	ssyncset.done $0x0  }
0xa4: {  	[sflag:s20] =	ssyncadd.s32 $0xFFFFF800  }
0xa5: {  	_ =	swait.ge [sflag:s20], $0x800  }
0xa6: {  	[sflag:s20] =	ssyncset.done $0x0  }
0xa7: {  	[sflag:s20] =	ssyncadd.s32 $0xFFFFF800  }
0xa8: {  	_ =	swait.ge [sflag:s20], $0x800  }
0xa9: {  	[sflag:s20] =	ssyncset.done $0x0  }
0xaa: {  	[sflag:s20] =	ssyncadd.s32 $0xFFFFF800  }
0xab: {  	_ =	swait.ge [sflag:s20], $0x800  }
0xac: {  	[sflag:s20] =	ssyncset.done $0x0  }
0xad: {  	[sflag:s20] =	ssyncadd.s32 $0xFFFFF800  }
0xae: {  	_ =	swait.ge [sflag:s20], $0x800  }
0xaf: {  	[sflag:s20] =	ssyncset.done $0x0  }
0xb0: {  	[sflag:s20] =	ssyncadd.s32 $0xFFFFF800  }
0xb1: {  	_ =	swait.ge [sflag:s20], $0x800  }
0xb2: {  	[sflag:s20] =	ssyncset.done $0x0  }
0xb3: {  	[sflag:s20] =	ssyncadd.s32 $0xFFFFF800  }
0xb4: {  	_ =	swait.ge [sflag:s20], $0x800  }
0xb5: {  	[sflag:s20] =	ssyncset.done $0x0  }
0xb6: {  	[sflag:s20] =	ssyncadd.s32 $0xFFFFF800  }
0xb7: {  	_ =	swait.ge [sflag:s20], $0x800  }
0xb8: {  	[sflag:s20] =	ssyncset.done $0x0  }
0xb9: {  	[sflag:s20] =	ssyncadd.s32 $0xFFFFF800  }
0xba: {  	_ =	swait.ge [sflag:s20], $0x800  }
0xbb: {  	s21 =	sadd.s32 $0x1, s21;
	[sflag:s20] =	ssyncset.done $0x0  }
0xbc: {  	p0 =	sne.s32 s21, s9;
	[sflag:s20] =	ssyncadd.s32 $0xFFFFF800  }
.Ltmp1:
0xbd: {  	[bflag:$0x0] =	sbarrier.arrive $0xFFFF;
	(pc) =	sbr.rel @p0 .LBB2_1-.Ltmp1, $4  }
0xbe: {  	[hbm:s8], [sflag:s6] =	dma.local [spmem:s10], $0x4F0  }
0xbf: {  	_ =	swait.ge [sflag:s11], $0x4F0  }
0xc0: {  	[sflag:s11] =	ssyncset.done $0x0  }
0xc1: {  	[sflag:s11] =	ssyncadd.s32 $0xFFFFFB10  }
0xc2: {  	_ =	sfence.sel $0x180000  }
0xc3: {  	[bflag:$0x0] =	sbarrier.arrive $0xFFFF  }
0xc4: {  	p0 =	sne.s32 s1, $0x0;
	_ =	strace $0x90000047  }
0xc5: {  	s0 =	sadd.s32 @!p0 $0x100000, s0;
	[bflag:$0x2] =	sbarrier.arrive $0xFFFF  }
0xc6: {  	[sflag:s0] =	ssyncadd.tile.s32 @!p0 $0x1;
	_ =	shalt  }
.Lfunc_end2:
_tile_overlayer_lowered:
.L_overlay_start_2:
0xc7: {  	(tag) =	ssettag $0x2  }
0xc8: {  	s0 =	rddreg [dreg:$0x0];
	s2 =	stileid.u32  }
0xc9: {  	s1 =	rddreg [dreg:$0x1];
	p0 =	sne.s32 s2, $0x0  }
0xca: {  	s3 =	rddreg [dreg:$0x2];
	[bflag:$0x3] =	sbarrier.arrive $0xFFFF;
	s2 =	simm.s32 @!p0 $0x1C02  }
0xcb: {  	[timem:s3], [sflag:s2] =	dma.local @!p0 [hbm:s0], s1  }
0xcc: {  	s0 =	simm.s32 @!p0 $0x2  }
0xcd: {  	_ =	swait.ge @!p0 [sflag:s0], s1  }
0xce: {  	s1 =	ssub.s32 @!p0 $0x0, s1;
	[sflag:s0] =	ssyncset.done @!p0 $0x0  }
0xcf: {  	[sflag:s0] =	ssyncadd.s32 @!p0 s1  }
0xd0: {  	[bflag:$0x3] =	sbarrier.arrive $0xFFFF  }
0xd1: {  	_ =	shalt  }

</sc_bundles>
